<compile_context>
chip_gen: v7x
topology: tpu7x:2x2x1
jax: 0.10.2.dev20260603
libtpu: 0.0.44.dev20260713+nightly
codegen_flags: <defaults>
</compile_context>

<pallas_src>
import functools

import jax
import jax.numpy as jnp
from jax import lax
from jax.experimental import pallas as pl
from jax.experimental.pallas import tpu as pltpu
from jax.experimental.pallas import tpu_sc as plsc

N = 50000
D = 64
DH = 32
E = 800000
NC = 2
NS = 16
CH = 256
SUB = 128
NSUB = CH // SUB
STEPS = -(-E // (CH * NS))
EP = STEPS * CH * NS
NPAD = N + 8
RB = 128
NFULL = N // RB
NREM = N - NFULL * RB
ZFULL = NPAD // RB
ZREM = NPAD - ZFULL * RB
NOUT = 50176


def _sc_aggregate(hpad, tpad, entcat, sheadp, srel16):
    mesh = plsc.VectorSubcoreMesh(
        core_axis_name="c", subcore_axis_name="s", num_cores=NC, num_subcores=NS
    )

    dbl = lambda t: [t, t]
    @functools.partial(
        pl.kernel,
        out_type=(jax.ShapeDtypeStruct((NOUT, DH), jnp.float32),
                  jax.ShapeDtypeStruct((NOUT, DH), jnp.float32)),
        mesh=mesh,
        compiler_params=pltpu.CompilerParams(use_tc_tiling_on_sc=False),
        scratch_types=[
            pltpu.VMEM_SHARED((NPAD, DH), jnp.float32),
            *dbl(pltpu.VMEM((NSUB, SUB), jnp.int32)),
            *dbl(pltpu.VMEM((CH,), jnp.int32)),
            *dbl(pltpu.VMEM((CH,), jnp.int32)),
            *dbl(pltpu.VMEM((CH,), jnp.float32)),
            *dbl(pltpu.VMEM((CH, DH), jnp.float32)),
            pltpu.VMEM((16,), jnp.float32),
            *[pltpu.SemaphoreType.DMA] * 6,
        ],
    )
    def body(hpad_h, tpad_h, ent_h, shead_h, srel_h, out0_h, out1_h,
             acc, hidx0, hidx1, tidx0, tidx1, typ0, typ1, sh0, sh1,
             rows0, rows1, srl_v,
             semA0, semA1, semB0, semB1, semC0, semC1):
        rows = rows0
        c = lax.axis_index("c")
        s = lax.axis_index("s")
        zero16 = jnp.zeros((16,), jnp.float32)

        def zrow(i, _):
            rows[i, pl.ds(0, 16)] = zero16
            rows[i, pl.ds(16, 16)] = zero16
            return 0
        lax.fori_loop(0, RB, zrow, 0, unroll=4)

        ztrips = jnp.where(s < ZFULL % NS, ZFULL // NS + 1, ZFULL // NS)

        def zacc(i, _):
            blk = i * NS + s
            pltpu.sync_copy(rows.at[pl.ds(0, RB)],
                            acc.at[pl.ds(blk * RB, RB)])
            return 0
        lax.fori_loop(0, ztrips, zacc, 0)

        @pl.when(s == ZFULL % NS)
        def _():
            pltpu.sync_copy(rows.at[pl.ds(0, ZREM)],
                            acc.at[pl.ds(ZFULL * RB, ZREM)])

        pltpu.sync_copy(srel_h, srl_v)
        srl = srl_v[pl.ds(0, 16)]
        srel0 = srl[0]
        srel1 = srl[1]

        plsc.subcore_barrier()

        cN = c * N

        def fire_lin(off, hidxb, tidxb, sem):
            ds = []
            for j in range(NSUB):
                ds.append(pltpu.async_copy(
                    hpad_h.at[pl.ds(off + SUB * j, SUB)], hidxb.at[j], sem))
            ds.append(pltpu.async_copy(tpad_h.at[pl.ds(off, CH)], tidxb, sem))
            return ds

        def adj(tidxb, typb):
            def toff(i, _):
                p = tidxb[pl.ds(16 * i, 16)]
                typb[pl.ds(16 * i, 16)] = p >> 30
                tidxb[pl.ds(16 * i, 16)] = (p & 0x3FFFFFFF) + cN
                return 0
            lax.fori_loop(0, CH // 16, toff, 0, unroll=4)

        def fire_gath(hidxb, tidxb, shb, rowsb, sem):
            ds = []
            for j in range(NSUB):
                ds.append(pltpu.async_copy(
                    shead_h.at[hidxb.at[j]], shb.at[pl.ds(SUB * j, SUB)], sem))
                ds.append(pltpu.async_copy(
                    ent_h.at[tidxb.at[pl.ds(SUB * j, SUB)]],
                    rowsb.at[pl.ds(SUB * j, SUB)], sem))
            return ds

        def compute(shb, typb, rowsb):
            def attg(i, _):
                x = shb[pl.ds(16 * i, 16)]
                t16 = typb[pl.ds(16 * i, 16)]
                r = jnp.where(t16 == 0, srel0, srel1)
                a = 1.0 / (1.0 + jnp.exp(-(x + r)))
                shb[pl.ds(16 * i, 16)] = a
                return 0
            lax.fori_loop(0, CH // 16, attg, 0, unroll=2)

            def scale(g, _):
                a16 = shb[pl.ds(16 * g, 16)]
                for j in range(16):
                    i = 16 * g + j
                    a = a16[j]
                    rowsb[i, pl.ds(0, 16)] = rowsb[i, pl.ds(0, 16)] * a
                    rowsb[i, pl.ds(16, 16)] = rowsb[i, pl.ds(16, 16)] * a
                return 0
            lax.fori_loop(0, CH // 16, scale, 0)

        def fire_scat(rowsb, hidxb, sem):
            return [pltpu.async_copy(rowsb.at[pl.ds(SUB * j, SUB)],
                                     acc.at[hidxb.at[j]], sem, add=True)
                    for j in range(NSUB)]

        def step(m, _):
            offa = ((2 * m) * NS + s) * CH
            offb = ((2 * m + 1) * NS + s) * CH
            dla = fire_lin(offa, hidx0, tidx0, semA0)
            dlb = fire_lin(offb, hidx1, tidx1, semA1)
            for d in dla:
                d.wait()
            adj(tidx0, typ0)
            dga = fire_gath(hidx0, tidx0, sh0, rows0, semB0)
            for d in dlb:
                d.wait()
            adj(tidx1, typ1)
            dgb = fire_gath(hidx1, tidx1, sh1, rows1, semB1)
            for d in dga:
                d.wait()
            compute(sh0, typ0, rows0)
            dsa = fire_scat(rows0, hidx0, semC0)
            for d in dgb:
                d.wait()
            compute(sh1, typ1, rows1)
            dsb = fire_scat(rows1, hidx1, semC1)
            for d in dsa:
                d.wait()
            for d in dsb:
                d.wait()
            return 0

        lax.fori_loop(0, STEPS // 2, step, 0)

        plsc.subcore_barrier()

        wtrips = jnp.where(s < NFULL % NS, NFULL // NS + 1, NFULL // NS)

        def wrout(out_h):
            def wout(i, _):
                blk = i * NS + s
                pltpu.sync_copy(acc.at[pl.ds(blk * RB, RB)],
                                out_h.at[pl.ds(blk * RB, RB)])
                return 0
            lax.fori_loop(0, wtrips, wout, 0)

            @pl.when(s == NFULL % NS)
            def _():
                pltpu.sync_copy(acc.at[pl.ds(NFULL * RB, NREM)],
                                out_h.at[pl.ds(NFULL * RB, NREM)])

        @pl.when(c == 0)
        def _():
            wrout(out0_h)

        @pl.when(c == 1)
        def _():
            wrout(out1_h)

    return body(hpad, tpad, entcat, sheadp, srel16)


def _shead_body(ent_ref, rel_ref, wh1_ref, wr_ref, ab_ref, o1_ref, o2_ref):
    wh1 = wh1_ref[...]
    dn = (((1,), (1,)), ((), ()))
    for r in range(56):
        o1_ref[pl.ds(r, 1), :] = lax.dot_general(
            wh1, ent_ref[pl.ds(128 * r, 128), :], dn,
            preferred_element_type=jnp.float32)
    o2_ref[...] = jnp.dot(rel_ref[...], wr_ref[...],
                          preferred_element_type=jnp.float32) + ab_ref[...]


def _shead(entity_pad, relation_emb, wh1, wr, ab):
    return pl.pallas_call(
        _shead_body,
        grid=(7,),
        in_specs=[
            pl.BlockSpec((NOUT // 7, D), lambda i: (i, 0)),
            pl.BlockSpec((2, D), lambda i: (0, 0)),
            pl.BlockSpec((1, D), lambda i: (0, 0)),
            pl.BlockSpec((D, 1), lambda i: (0, 0)),
            pl.BlockSpec((1, 1), lambda i: (0, 0)),
        ],
        out_specs=(pl.BlockSpec((56, 128), lambda i: (i, 0)),
                   pl.BlockSpec((2, 1), lambda i: (0, 0))),
        out_shape=(jax.ShapeDtypeStruct((NOUT // 128, 128), jnp.float32),
                   jax.ShapeDtypeStruct((2, 1), jnp.float32)),
    )(entity_pad, relation_emb, wh1, wr, ab)


def _final_body(a0_ref, a1_ref, m0_ref, m1_ref, b_ref, o_ref):
    acc = jnp.dot(a0_ref[...], m0_ref[...], preferred_element_type=jnp.float32)
    acc = acc + jnp.dot(a1_ref[...], m1_ref[...],
                        preferred_element_type=jnp.float32)
    o_ref[...] = jnp.tanh(acc + b_ref[...])


def _final(a0r, a1r, M0, M1, b4):
    return pl.pallas_call(
        _final_body,
        grid=(14,),
        in_specs=[
            pl.BlockSpec((896, 4 * DH), lambda i: (i, 0)),
            pl.BlockSpec((896, 4 * DH), lambda i: (i, 0)),
            pl.BlockSpec((4 * DH, 4 * D), lambda i: (0, 0)),
            pl.BlockSpec((4 * DH, 4 * D), lambda i: (0, 0)),
            pl.BlockSpec((1, 4 * D), lambda i: (0, 0)),
        ],
        out_specs=pl.BlockSpec((896, 4 * D), lambda i: (i, 0)),
        out_shape=jax.ShapeDtypeStruct((NOUT // 4, 4 * D), jnp.float32),
    )(a0r, a1r, M0, M1, b4)


def kernel(edge_index, edge_type, entity_emb, relation_emb, attn_w, attn_b,
           W_w, W_b):
    pad = EP - E
    i32 = jnp.int32
    hpad = jnp.concatenate([edge_index[0], jnp.full((pad,), N, i32)])
    tpack = edge_index[1] | (edge_type << 30)
    tpad = jnp.concatenate([tpack, jnp.zeros((pad,), i32)])
    entcat = jnp.concatenate([entity_emb[:, :DH], entity_emb[:, DH:]], axis=0)
    entity_pad = jnp.concatenate(
        [entity_emb, jnp.zeros((NOUT - N, D), jnp.float32)])
    shead2, srel2 = _shead(entity_pad, relation_emb,
                           attn_w[0, :D].reshape(1, D),
                           attn_w[0, D:].reshape(D, 1),
                           attn_b.reshape(1, 1))
    sheadp = shead2.reshape(NOUT)
    srel16 = jnp.concatenate([srel2[:, 0], jnp.zeros((14,), jnp.float32)])
    a0, a1 = _sc_aggregate(hpad, tpad, entcat, sheadp, srel16)
    from jax.scipy.linalg import block_diag
    M0 = block_diag(*([W_w[:, :DH].T] * 4))
    M1 = block_diag(*([W_w[:, DH:].T] * 4))
    b4 = jnp.tile(W_b, 4).reshape(1, 4 * D)
    out4 = _final(a0.reshape(NOUT // 4, 4 * DH), a1.reshape(NOUT // 4, 4 * DH),
                  M0, M1, b4)
    return out4[:N // 4].reshape(N, D)

# --- scband reference (transcript-rebuilt; emitter-appended) ---
"""Pipeline reference for scband-kgat-7816840479342 (READ-ONLY COPY).

The authoritative reference and input builder live on the scoring server;
editing this copy changes nothing except your own understanding.
"""

import jax, jax.numpy as jnp
import numpy as np

N_ENT = 50000
N_REL = 2
D = 64
E = 800000


def setup_inputs(seed: int = 0) -> dict:
    key = jax.random.key(seed)
    ks = jax.random.split(key, 8)
    edge_index = jax.random.randint(ks[0], (2, E), 0, N_ENT, dtype=jnp.int32)
    edge_type = jax.random.randint(ks[1], (E,), 0, N_REL, dtype=jnp.int32)
    entity_emb = jax.random.normal(ks[2], (N_ENT, D), dtype=jnp.float32)
    relation_emb = jax.random.normal(ks[3], (N_REL, D), dtype=jnp.float32)
    # attention: Linear(2*D, 1)
    attn_w = jax.random.normal(ks[4], (1, 2 * D), dtype=jnp.float32) * (1.0 / np.sqrt(2 * D))
    attn_b = jnp.zeros((1,), dtype=jnp.float32)
    # W: Linear(D, D)
    W_w = jax.random.normal(ks[5], (D, D), dtype=jnp.float32) * (1.0 / np.sqrt(D))
    W_b = jnp.zeros((D,), dtype=jnp.float32)
    return {
        "edge_index": edge_index,
        "edge_type": edge_type,
        "entity_emb": entity_emb,
        "relation_emb": relation_emb,
        "attn_w": attn_w,
        "attn_b": attn_b,
        "W_w": W_w,
        "W_b": W_b,
    }


def reference(edge_index, edge_type, entity_emb, relation_emb, attn_w, attn_b, W_w, W_b):
    head = jnp.take(entity_emb, edge_index[0], axis=0)            # [E, D] gather
    tail = jnp.take(entity_emb, edge_index[1], axis=0)            # [E, D] gather
    rel = jnp.take(relation_emb, edge_type, axis=0)               # [E, D] gather
    head_rel = jnp.concatenate([head, rel], axis=-1)              # [E, 2D]
    att_scores = jax.nn.sigmoid(head_rel @ attn_w.T + attn_b)     # [E, 1]
    neighbor_emb = att_scores * tail                              # [E, D]
    # torch loop `aggr_emb[head_idx] += neighbor_emb[i]` == scatter-add by head index
    aggr_emb = jnp.zeros((entity_emb.shape[0], entity_emb.shape[1]), dtype=entity_emb.dtype)
    aggr_emb = aggr_emb.at[edge_index[0]].add(neighbor_emb)       # [N, D] scatter-add
    entity_out = jnp.tanh(aggr_emb @ W_w.T + W_b)                 # [N, D]
    return entity_out

if __name__ == "__main__":
    import jax
    _d = setup_inputs()
    print(jax.jit(kernel)(*tuple(_d.values())))

</pallas_src>

<mosaic_0001>
#map = affine_map<(d0, d1) -> (0)>
#map1 = affine_map<(d0, d1) -> (0, 0)>
module attributes {stable_mosaic.version = 14 : i64} {
  func.func @body(%arg0: i32, %arg1: i32, %arg2: memref<802816xi32, #tpu.memory_space<hbm>>, %arg3: memref<802816xi32, #tpu.memory_space<hbm>>, %arg4: memref<100000x32xf32, #tpu.memory_space<hbm>>, %arg5: memref<50176xf32, #tpu.memory_space<hbm>>, %arg6: memref<16xf32, #tpu.memory_space<hbm>>, %arg7: memref<50176x32xf32, #tpu.memory_space<hbm>>, %arg8: memref<50176x32xf32, #tpu.memory_space<hbm>>, %arg9: memref<50008x32xf32, #tpu.memory_space<vmem_shared>>, %arg10: memref<2x128xi32, #tpu.memory_space<vmem>>, %arg11: memref<2x128xi32, #tpu.memory_space<vmem>>, %arg12: memref<256xi32, #tpu.memory_space<vmem>>, %arg13: memref<256xi32, #tpu.memory_space<vmem>>, %arg14: memref<256xi32, #tpu.memory_space<vmem>>, %arg15: memref<256xi32, #tpu.memory_space<vmem>>, %arg16: memref<256xf32, #tpu.memory_space<vmem>>, %arg17: memref<256xf32, #tpu.memory_space<vmem>>, %arg18: memref<256x32xf32, #tpu.memory_space<vmem>>, %arg19: memref<256x32xf32, #tpu.memory_space<vmem>>, %arg20: memref<16xf32, #tpu.memory_space<vmem>>, %arg21: memref<!tpu.dma_semaphore, #tpu.memory_space<semaphore_mem>>, %arg22: memref<!tpu.dma_semaphore, #tpu.memory_space<semaphore_mem>>, %arg23: memref<!tpu.dma_semaphore, #tpu.memory_space<semaphore_mem>>, %arg24: memref<!tpu.dma_semaphore, #tpu.memory_space<semaphore_mem>>, %arg25: memref<!tpu.dma_semaphore, #tpu.memory_space<semaphore_mem>>, %arg26: memref<!tpu.dma_semaphore, #tpu.memory_space<semaphore_mem>>) attributes {dimension_semantics = [#tpu.dimension_semantics<core_parallel>, #tpu.dimension_semantics<subcore_parallel>], iteration_bounds = array<i64: 2, 16>, scalar_prefetch = 0 : i64, scratch_operands = 18 : i64, tpu.core_type = #tpu.core_type<sc_vector_subcore>, window_params = [{transform_indices = #map}, {transform_indices = #map}, {transform_indices = #map1}, {transform_indices = #map}, {transform_indices = #map}, {transform_indices = #map1}, {transform_indices = #map1}]} {
    %broadcast_in_dim3A = arith.constant 0.000000e+00 : f32
    %broadcast_in_dim3A_0 = vector.broadcast %broadcast_in_dim3A : f32 to vector<16xf32>
    %scan3A = arith.constant 0 : i32
    %scan3A_1 = arith.constant 0 : i32
    %scan3A_2 = arith.constant 128 : i32
    %scan3A_3 = arith.addi %scan3A_1, %scan3A_2 : i32
    %scan3A_4 = arith.constant 4 : i32
    %scan3A_5 = scf.for %scan3A_50 = %scan3A_1 to %scan3A_3 step %scan3A_4 iter_args(%scan3A_51 = %scan3A) -> (i32)  : i32 {
      %swap3A = arith.index_cast %scan3A_50 : i32 to index
      %swap3A_52 = arith.constant 0 : index
      %swap3A_53 = tpu.vector_load %arg18[%swap3A, %swap3A_52] {strides = array<i32>} : memref<256x32xf32, #tpu.memory_space<vmem>>, vector<1x16xf32>,
      %swap3A_54 = vector.shape_cast %swap3A_53 : vector<1x16xf32> to vector<16xf32>
      %swap3A_55 = vector.shape_cast %broadcast_in_dim3A_0 : vector<16xf32> to vector<1x16xf32>
      tpu.vector_store %arg18[%swap3A, %swap3A_52], %swap3A_55 {strides = array<i32>} : memref<256x32xf32, #tpu.memory_space<vmem>>, vector<1x16xf32>,
      %swap3A_56 = arith.index_cast %scan3A_50 : i32 to index
      %swap3A_57 = arith.constant 16 : index
      %swap3A_58 = tpu.vector_load %arg18[%swap3A_56, %swap3A_57] {strides = array<i32>} : memref<256x32xf32, #tpu.memory_space<vmem>>, vector<1x16xf32>,
      %swap3A_59 = vector.shape_cast %swap3A_58 : vector<1x16xf32> to vector<16xf32>
      %swap3A_60 = vector.shape_cast %broadcast_in_dim3A_0 : vector<16xf32> to vector<1x16xf32>
      tpu.vector_store %arg18[%swap3A_56, %swap3A_57], %swap3A_60 {strides = array<i32>} : memref<256x32xf32, #tpu.memory_space<vmem>>, vector<1x16xf32>,
      %scan3A_61 = arith.constant 0 : i32
      %scan3A_62 = arith.constant 1 : i32
      %scan3A_63 = arith.addi %scan3A_50, %scan3A_62 : i32
      %swap3A_64 = arith.index_cast %scan3A_63 : i32 to index
      %swap3A_65 = arith.constant 0 : index
      %swap3A_66 = tpu.vector_load %arg18[%swap3A_64, %swap3A_65] {strides = array<i32>} : memref<256x32xf32, #tpu.memory_space<vmem>>, vector<1x16xf32>,
      %swap3A_67 = vector.shape_cast %swap3A_66 : vector<1x16xf32> to vector<16xf32>
      %swap3A_68 = vector.shape_cast %broadcast_in_dim3A_0 : vector<16xf32> to vector<1x16xf32>
      tpu.vector_store %arg18[%swap3A_64, %swap3A_65], %swap3A_68 {strides = array<i32>} : memref<256x32xf32, #tpu.memory_space<vmem>>, vector<1x16xf32>,
      %swap3A_69 = arith.index_cast %scan3A_63 : i32 to index
      %swap3A_70 = arith.constant 16 : index
      %swap3A_71 = tpu.vector_load %arg18[%swap3A_69, %swap3A_70] {strides = array<i32>} : memref<256x32xf32, #tpu.memory_space<vmem>>, vector<1x16xf32>,
      %swap3A_72 = vector.shape_cast %swap3A_71 : vector<1x16xf32> to vector<16xf32>
      %swap3A_73 = vector.shape_cast %broadcast_in_dim3A_0 : vector<16xf32> to vector<1x16xf32>
      tpu.vector_store %arg18[%swap3A_69, %swap3A_70], %swap3A_73 {strides = array<i32>} : memref<256x32xf32, #tpu.memory_space<vmem>>, vector<1x16xf32>,
      %scan3A_74 = arith.constant 0 : i32
      %scan3A_75 = arith.constant 2 : i32
      %scan3A_76 = arith.addi %scan3A_50, %scan3A_75 : i32
      %swap3A_77 = arith.index_cast %scan3A_76 : i32 to index
      %swap3A_78 = arith.constant 0 : index
      %swap3A_79 = tpu.vector_load %arg18[%swap3A_77, %swap3A_78] {strides = array<i32>} : memref<256x32xf32, #tpu.memory_space<vmem>>, vector<1x16xf32>,
      %swap3A_80 = vector.shape_cast %swap3A_79 : vector<1x16xf32> to vector<16xf32>
      %swap3A_81 = vector.shape_cast %broadcast_in_dim3A_0 : vector<16xf32> to vector<1x16xf32>
      tpu.vector_store %arg18[%swap3A_77, %swap3A_78], %swap3A_81 {strides = array<i32>} : memref<256x32xf32, #tpu.memory_space<vmem>>, vector<1x16xf32>,
      %swap3A_82 = arith.index_cast %scan3A_76 : i32 to index
      %swap3A_83 = arith.constant 16 : index
      %swap3A_84 = tpu.vector_load %arg18[%swap3A_82, %swap3A_83] {strides = array<i32>} : memref<256x32xf32, #tpu.memory_space<vmem>>, vector<1x16xf32>,
      %swap3A_85 = vector.shape_cast %swap3A_84 : vector<1x16xf32> to vector<16xf32>
      %swap3A_86 = vector.shape_cast %broadcast_in_dim3A_0 : vector<16xf32> to vector<1x16xf32>
      tpu.vector_store %arg18[%swap3A_82, %swap3A_83], %swap3A_86 {strides = array<i32>} : memref<256x32xf32, #tpu.memory_space<vmem>>, vector<1x16xf32>,
      %scan3A_87 = arith.constant 0 : i32
      %scan3A_88 = arith.constant 3 : i32
      %scan3A_89 = arith.addi %scan3A_50, %scan3A_88 : i32
      %swap3A_90 = arith.index_cast %scan3A_89 : i32 to index
      %swap3A_91 = arith.constant 0 : index
      %swap3A_92 = tpu.vector_load %arg18[%swap3A_90, %swap3A_91] {strides = array<i32>} : memref<256x32xf32, #tpu.memory_space<vmem>>, vector<1x16xf32>,
      %swap3A_93 = vector.shape_cast %swap3A_92 : vector<1x16xf32> to vector<16xf32>
      %swap3A_94 = vector.shape_cast %broadcast_in_dim3A_0 : vector<16xf32> to vector<1x16xf32>
      tpu.vector_store %arg18[%swap3A_90, %swap3A_91], %swap3A_94 {strides = array<i32>} : memref<256x32xf32, #tpu.memory_space<vmem>>, vector<1x16xf32>,
      %swap3A_95 = arith.index_cast %scan3A_89 : i32 to index
      %swap3A_96 = arith.constant 16 : index
      %swap3A_97 = tpu.vector_load %arg18[%swap3A_95, %swap3A_96] {strides = array<i32>} : memref<256x32xf32, #tpu.memory_space<vmem>>, vector<1x16xf32>,
      %swap3A_98 = vector.shape_cast %swap3A_97 : vector<1x16xf32> to vector<16xf32>
      %swap3A_99 = vector.shape_cast %broadcast_in_dim3A_0 : vector<16xf32> to vector<1x16xf32>
      tpu.vector_store %arg18[%swap3A_95, %swap3A_96], %swap3A_99 {strides = array<i32>} : memref<256x32xf32, #tpu.memory_space<vmem>>, vector<1x16xf32>,
      %scan3A_100 = arith.constant 0 : i32
      scf.yield %scan3A_100 : i32
    }
    %scan3A_6 = arith.constant 128 : i32
    %lt3A = arith.constant 6 : i32
    %lt3A_7 = arith.cmpi slt, %arg1, %lt3A : i32
    %jit3A = arith.constant 25 : i32
    %jit3A_8 = arith.constant 24 : i32
    %select_n3A = arith.select %lt3A_7, %jit3A, %jit3A_8 : i32
    %while3A = arith.constant 0 : i32
    %while3A_9 = arith.constant 0 : i32
    %while3A_10 = arith.subi %select_n3A, %while3A : i32
    %while3A_11 = arith.addi %while3A, %while3A_10 : i32
    %while3A_12 = arith.constant 1 : i32
    %while3A_13 = arith.divsi %while3A_10, %while3A_12 : i32
    %while3A_14 = arith.muli %while3A_13, %while3A_12 : i32
    %while3A_15 = arith.addi %while3A, %while3A_14 : i32
    %while3A_16 = arith.constant 1 : i32
    %while3A_17 = scf.for %while3A_50 = %while3A to %while3A_15 step %while3A_16 iter_args(%while3A_51 = %while3A_9) -> (i32)  : i32 {
      %mul3A_52 = arith.constant 16 : i32
      %mul3A_53 = arith.muli %while3A_50, %mul3A_52 : i32
      %add3A = arith.addi %mul3A_53, %arg1 : i32
      %mul3A_54 = arith.constant 128 : i32
      %mul3A_55 = arith.muli %add3A, %mul3A_54 : i32
      "tpu.region"() ({
        %run_scoped3A = tpu.sem_alloc : memref<!tpu.dma_semaphore, #tpu.memory_space<semaphore_mem>>
        %dma_start3A = arith.constant 0 : i32
        %dma_start3A_57 = arith.constant 0 : i32
        %dma_start3A_58 = tpu.memref_slice %arg18[%dma_start3A, %dma_start3A_57] : memref<256x32xf32, #tpu.memory_space<vmem>> -> memref<128x32xf32, #tpu.memory_space<vmem>>
        %dma_start3A_59 = arith.constant 0 : i32
        %dma_start3A_60 = tpu.memref_slice %arg9[%mul3A_55, %dma_start3A_59] : memref<50008x32xf32, #tpu.memory_space<vmem_shared>> -> memref<128x32xf32, #tpu.memory_space<vmem_shared>>
        %dma_start3A_61 = arith.constant 0 : i32
        %dma_start3A_62 = tpu.memref_slice %arg9[%mul3A_55, %dma_start3A_61] : memref<50008x32xf32, #tpu.memory_space<vmem_shared>> -> memref<128x32xf32, #tpu.memory_space<vmem_shared>>
        %dma_start3A_63 = arith.constant 0 : i32
        %dma_start3A_64 = arith.constant 0 : i32
        %dma_start3A_65 = tpu.memref_slice %arg18[%dma_start3A_63, %dma_start3A_64] : memref<256x32xf32, #tpu.memory_space<vmem>> -> memref<128x32xf32, #tpu.memory_space<vmem>>
        tpu.enqueue_dma source(%dma_start3A_65 : memref<128x32xf32, #tpu.memory_space<vmem>>) target(%dma_start3A_62 : memref<128x32xf32, #tpu.memory_space<vmem_shared>>) target_semaphore(%run_scoped3A : memref<!tpu.dma_semaphore, #tpu.memory_space<semaphore_mem>>)
        %dma_wait3A = arith.constant 0 : i32
        %dma_wait3A_66 = arith.constant 0 : i32
        %dma_wait3A_67 = tpu.memref_slice %arg18[%dma_wait3A, %dma_wait3A_66] : memref<256x32xf32, #tpu.memory_space<vmem>> -> memref<128x32xf32, #tpu.memory_space<vmem>>
        %dma_wait3A_68 = arith.constant 0 : i32
        %dma_wait3A_69 = tpu.memref_slice %arg9[%mul3A_55, %dma_wait3A_68] : memref<50008x32xf32, #tpu.memory_space<vmem_shared>> -> memref<128x32xf32, #tpu.memory_space<vmem_shared>>
        %dma_wait3A_70 = arith.constant 0 : i32
        %dma_wait3A_71 = tpu.memref_slice %arg9[%mul3A_55, %dma_wait3A_70] : memref<50008x32xf32, #tpu.memory_space<vmem_shared>> -> memref<128x32xf32, #tpu.memory_space<vmem_shared>>
        %dma_wait3A_72 = arith.constant 0 : i32
        %dma_wait3A_73 = arith.constant 0 : i32
        %dma_wait3A_74 = tpu.memref_slice %arg18[%dma_wait3A_72, %dma_wait3A_73] : memref<256x32xf32, #tpu.memory_space<vmem>> -> memref<128x32xf32, #tpu.memory_space<vmem>>
        tpu.wait_dma2 semaphore(%run_scoped3A : memref<!tpu.dma_semaphore, #tpu.memory_space<semaphore_mem>>) src(%dma_wait3A_74 : memref<128x32xf32, #tpu.memory_space<vmem>>) dst(%dma_wait3A_71 : memref<128x32xf32, #tpu.memory_space<vmem_shared>>)
        tpu.yield
      }) : () -> ()
      %while3A_56 = arith.constant 0 : i32
      scf.yield %while3A_56 : i32
    }
    %while3A_18 = arith.constant 1 : i32
    %while3A_19 = scf.for %while3A_50 = %while3A_15 to %while3A_11 step %while3A_18 iter_args(%while3A_51 = %while3A_17) -> (i32)  : i32 {
      %mul3A_52 = arith.constant 16 : i32
      %mul3A_53 = arith.muli %while3A_50, %mul3A_52 : i32
      %add3A = arith.addi %mul3A_53, %arg1 : i32
      %mul3A_54 = arith.constant 128 : i32
      %mul3A_55 = arith.muli %add3A, %mul3A_54 : i32
      "tpu.region"() ({
        %run_scoped3A = tpu.sem_alloc : memref<!tpu.dma_semaphore, #tpu.memory_space<semaphore_mem>>
        %dma_start3A = arith.constant 0 : i32
        %dma_start3A_57 = arith.constant 0 : i32
        %dma_start3A_58 = tpu.memref_slice %arg18[%dma_start3A, %dma_start3A_57] : memref<256x32xf32, #tpu.memory_space<vmem>> -> memref<128x32xf32, #tpu.memory_space<vmem>>
        %dma_start3A_59 = arith.constant 0 : i32
        %dma_start3A_60 = tpu.memref_slice %arg9[%mul3A_55, %dma_start3A_59] : memref<50008x32xf32, #tpu.memory_space<vmem_shared>> -> memref<128x32xf32, #tpu.memory_space<vmem_shared>>
        %dma_start3A_61 = arith.constant 0 : i32
        %dma_start3A_62 = tpu.memref_slice %arg9[%mul3A_55, %dma_start3A_61] : memref<50008x32xf32, #tpu.memory_space<vmem_shared>> -> memref<128x32xf32, #tpu.memory_space<vmem_shared>>
        %dma_start3A_63 = arith.constant 0 : i32
        %dma_start3A_64 = arith.constant 0 : i32
        %dma_start3A_65 = tpu.memref_slice %arg18[%dma_start3A_63, %dma_start3A_64] : memref<256x32xf32, #tpu.memory_space<vmem>> -> memref<128x32xf32, #tpu.memory_space<vmem>>
        tpu.enqueue_dma source(%dma_start3A_65 : memref<128x32xf32, #tpu.memory_space<vmem>>) target(%dma_start3A_62 : memref<128x32xf32, #tpu.memory_space<vmem_shared>>) target_semaphore(%run_scoped3A : memref<!tpu.dma_semaphore, #tpu.memory_space<semaphore_mem>>)
        %dma_wait3A = arith.constant 0 : i32
        %dma_wait3A_66 = arith.constant 0 : i32
        %dma_wait3A_67 = tpu.memref_slice %arg18[%dma_wait3A, %dma_wait3A_66] : memref<256x32xf32, #tpu.memory_space<vmem>> -> memref<128x32xf32, #tpu.memory_space<vmem>>
        %dma_wait3A_68 = arith.constant 0 : i32
        %dma_wait3A_69 = tpu.memref_slice %arg9[%mul3A_55, %dma_wait3A_68] : memref<50008x32xf32, #tpu.memory_space<vmem_shared>> -> memref<128x32xf32, #tpu.memory_space<vmem_shared>>
        %dma_wait3A_70 = arith.constant 0 : i32
        %dma_wait3A_71 = tpu.memref_slice %arg9[%mul3A_55, %dma_wait3A_70] : memref<50008x32xf32, #tpu.memory_space<vmem_shared>> -> memref<128x32xf32, #tpu.memory_space<vmem_shared>>
        %dma_wait3A_72 = arith.constant 0 : i32
        %dma_wait3A_73 = arith.constant 0 : i32
        %dma_wait3A_74 = tpu.memref_slice %arg18[%dma_wait3A_72, %dma_wait3A_73] : memref<256x32xf32, #tpu.memory_space<vmem>> -> memref<128x32xf32, #tpu.memory_space<vmem>>
        tpu.wait_dma2 semaphore(%run_scoped3A : memref<!tpu.dma_semaphore, #tpu.memory_space<semaphore_mem>>) src(%dma_wait3A_74 : memref<128x32xf32, #tpu.memory_space<vmem>>) dst(%dma_wait3A_71 : memref<128x32xf32, #tpu.memory_space<vmem_shared>>)
        tpu.yield
      }) : () -> ()
      %while3A_56 = arith.constant 0 : i32
      scf.yield %while3A_56 : i32
    }
    %eq3A = arith.constant 6 : i32
    %eq3A_20 = arith.cmpi eq, %arg1, %eq3A : i32
    %convert_element_type3A = arith.extui %eq3A_20 : i1 to i32
    %cond3A = arith.constant 0 : i32
    %cond3A_21 = arith.cmpi ne, %convert_element_type3A, %cond3A : i32
    scf.if %cond3A_21 {
      "tpu.region"() ({
        %run_scoped3A = tpu.sem_alloc : memref<!tpu.dma_semaphore, #tpu.memory_space<semaphore_mem>>
        %dma_start3A = arith.constant 0 : i32
        %dma_start3A_50 = arith.constant 0 : i32
        %dma_start3A_51 = tpu.memref_slice %arg18[%dma_start3A, %dma_start3A_50] : memref<256x32xf32, #tpu.memory_space<vmem>> -> memref<88x32xf32, #tpu.memory_space<vmem>>
        %dma_start3A_52 = arith.constant 49920 : i32
        %dma_start3A_53 = arith.constant 0 : i32
        %dma_start3A_54 = tpu.memref_slice %arg9[%dma_start3A_52, %dma_start3A_53] : memref<50008x32xf32, #tpu.memory_space<vmem_shared>> -> memref<88x32xf32, #tpu.memory_space<vmem_shared>>
        %dma_start3A_55 = arith.constant 49920 : i32
        %dma_start3A_56 = arith.constant 0 : i32
        %dma_start3A_57 = tpu.memref_slice %arg9[%dma_start3A_55, %dma_start3A_56] : memref<50008x32xf32, #tpu.memory_space<vmem_shared>> -> memref<88x32xf32, #tpu.memory_space<vmem_shared>>
        %dma_start3A_58 = arith.constant 0 : i32
        %dma_start3A_59 = arith.constant 0 : i32
        %dma_start3A_60 = tpu.memref_slice %arg18[%dma_start3A_58, %dma_start3A_59] : memref<256x32xf32, #tpu.memory_space<vmem>> -> memref<88x32xf32, #tpu.memory_space<vmem>>
        tpu.enqueue_dma source(%dma_start3A_60 : memref<88x32xf32, #tpu.memory_space<vmem>>) target(%dma_start3A_57 : memref<88x32xf32, #tpu.memory_space<vmem_shared>>) target_semaphore(%run_scoped3A : memref<!tpu.dma_semaphore, #tpu.memory_space<semaphore_mem>>)
        %dma_wait3A = arith.constant 0 : i32
        %dma_wait3A_61 = arith.constant 0 : i32
        %dma_wait3A_62 = tpu.memref_slice %arg18[%dma_wait3A, %dma_wait3A_61] : memref<256x32xf32, #tpu.memory_space<vmem>> -> memref<88x32xf32, #tpu.memory_space<vmem>>
        %dma_wait3A_63 = arith.constant 49920 : i32
        %dma_wait3A_64 = arith.constant 0 : i32
        %dma_wait3A_65 = tpu.memref_slice %arg9[%dma_wait3A_63, %dma_wait3A_64] : memref<50008x32xf32, #tpu.memory_space<vmem_shared>> -> memref<88x32xf32, #tpu.memory_space<vmem_shared>>
        %dma_wait3A_66 = arith.constant 49920 : i32
        %dma_wait3A_67 = arith.constant 0 : i32
        %dma_wait3A_68 = tpu.memref_slice %arg9[%dma_wait3A_66, %dma_wait3A_67] : memref<50008x32xf32, #tpu.memory_space<vmem_shared>> -> memref<88x32xf32, #tpu.memory_space<vmem_shared>>
        %dma_wait3A_69 = arith.constant 0 : i32
        %dma_wait3A_70 = arith.constant 0 : i32
        %dma_wait3A_71 = tpu.memref_slice %arg18[%dma_wait3A_69, %dma_wait3A_70] : memref<256x32xf32, #tpu.memory_space<vmem>> -> memref<88x32xf32, #tpu.memory_space<vmem>>
        tpu.wait_dma2 semaphore(%run_scoped3A : memref<!tpu.dma_semaphore, #tpu.memory_space<semaphore_mem>>) src(%dma_wait3A_71 : memref<88x32xf32, #tpu.memory_space<vmem>>) dst(%dma_wait3A_68 : memref<88x32xf32, #tpu.memory_space<vmem_shared>>)
        tpu.yield
      }) : () -> ()
    } else {
    }
    "tpu.region"() ({
      %run_scoped3A = tpu.sem_alloc : memref<!tpu.dma_semaphore, #tpu.memory_space<semaphore_mem>>
      tpu.enqueue_dma source(%arg6 : memref<16xf32, #tpu.memory_space<hbm>>) target(%arg20 : memref<16xf32, #tpu.memory_space<vmem>>) target_semaphore(%run_scoped3A : memref<!tpu.dma_semaphore, #tpu.memory_space<semaphore_mem>>)
      tpu.wait_dma2 semaphore(%run_scoped3A : memref<!tpu.dma_semaphore, #tpu.memory_space<semaphore_mem>>) src(%arg6 : memref<16xf32, #tpu.memory_space<hbm>>) dst(%arg20 : memref<16xf32, #tpu.memory_space<vmem>>)
      tpu.yield
    }) : () -> ()
    %get3A = arith.constant 0 : index
    %get3A_22 = tpu.vector_load %arg20[%get3A] {strides = array<i32>} : memref<16xf32, #tpu.memory_space<vmem>>, vector<16xf32>,
    %get3A_23 = vector.shape_cast %get3A_22 : vector<16xf32> to vector<16xf32>
    %slice3A = vector.extract_strided_slice %get3A_23 {offsets = [0], sizes = [1], strides = [1]} : vector<16xf32> to vector<1xf32>
    %squeeze3A = vector.extract %slice3A[0] : f32 from vector<1xf32>
    %slice3A_24 = vector.extract_strided_slice %get3A_23 {offsets = [1], sizes = [1], strides = [1]} : vector<16xf32> to vector<1xf32>
    %squeeze3A_25 = vector.extract %slice3A_24[0] : f32 from vector<1xf32>
    %barrier3A = arith.constant 0 : index
    tpu.barrier barrier_id(%barrier3A)
    %mul3A = arith.constant 50000 : i32
    %mul3A_26 = arith.muli %arg0, %mul3A : i32
    %scan3A_27 = arith.constant 0 : i32
    %scan3A_28 = arith.constant 0 : i32
    %scan3A_29 = arith.constant 98 : i32
    %scan3A_30 = arith.addi %scan3A_28, %scan3A_29 : i32
    %scan3A_31 = arith.constant 1 : i32
    %scan3A_32 = scf.for %scan3A_50 = %scan3A_28 to %scan3A_30 step %scan3A_31 iter_args(%scan3A_51 = %scan3A_27) -> (i32)  : i32 {
      %mul3A_52 = arith.constant 2 : i32
      %mul3A_53 = arith.muli %mul3A_52, %scan3A_50 : i32
      %mul3A_54 = arith.constant 16 : i32
      %mul3A_55 = arith.muli %mul3A_53, %mul3A_54 : i32
      %add3A = arith.addi %mul3A_55, %arg1 : i32
      %mul3A_56 = arith.constant 256 : i32
      %mul3A_57 = arith.muli %add3A, %mul3A_56 : i32
      %mul3A_58 = arith.constant 2 : i32
      %mul3A_59 = arith.muli %mul3A_58, %scan3A_50 : i32
      %add3A_60 = arith.constant 1 : i32
      %add3A_61 = arith.addi %mul3A_59, %add3A_60 : i32
      %mul3A_62 = arith.constant 16 : i32
      %mul3A_63 = arith.muli %add3A_61, %mul3A_62 : i32
      %add3A_64 = arith.addi %mul3A_63, %arg1 : i32
      %mul3A_65 = arith.constant 256 : i32
      %mul3A_66 = arith.muli %add3A_64, %mul3A_65 : i32
      %add3A_67 = arith.constant 0 : i32
      %add3A_68 = arith.addi %mul3A_57, %add3A_67 : i32
      %dma_start3A = arith.constant 0 : i32
      %dma_start3A_69 = arith.constant 0 : i32
      %dma_start3A_70 = tpu.memref_slice %arg10[%dma_start3A, %dma_start3A_69] : memref<2x128xi32, #tpu.memory_space<vmem>> -> memref<1x128xi32, #tpu.memory_space<vmem>>
      %dma_start3A_71 = tpu.memref_squeeze %dma_start3A_70 : memref<1x128xi32, #tpu.memory_space<vmem>> -> memref<128xi32, #tpu.memory_space<vmem>>
      %dma_start3A_72 = tpu.memref_slice %arg2[%add3A_68] : memref<802816xi32, #tpu.memory_space<hbm>> -> memref<128xi32, #tpu.memory_space<hbm>>
      %dma_start3A_73 = arith.constant 0 : i32
      %dma_start3A_74 = tpu.memref_slice %arg10[%dma_start3A, %dma_start3A_73] : memref<2x128xi32, #tpu.memory_space<vmem>> -> memref<1x128xi32, #tpu.memory_space<vmem>>
      %dma_start3A_75 = tpu.memref_squeeze %dma_start3A_74 : memref<1x128xi32, #tpu.memory_space<vmem>> -> memref<128xi32, #tpu.memory_space<vmem>>
      %dma_start3A_76 = tpu.memref_slice %arg2[%add3A_68] : memref<802816xi32, #tpu.memory_space<hbm>> -> memref<128xi32, #tpu.memory_space<hbm>>
      tpu.enqueue_dma source(%dma_start3A_76 : memref<128xi32, #tpu.memory_space<hbm>>) target(%dma_start3A_75 : memref<128xi32, #tpu.memory_space<vmem>>) target_semaphore(%arg21 : memref<!tpu.dma_semaphore, #tpu.memory_space<semaphore_mem>>)
      %add3A_77 = arith.constant 128 : i32
      %add3A_78 = arith.addi %mul3A_57, %add3A_77 : i32
      %dma_start3A_79 = arith.constant 1 : i32
      %dma_start3A_80 = arith.constant 0 : i32
      %dma_start3A_81 = tpu.memref_slice %arg10[%dma_start3A_79, %dma_start3A_80] : memref<2x128xi32, #tpu.memory_space<vmem>> -> memref<1x128xi32, #tpu.memory_space<vmem>>
      %dma_start3A_82 = tpu.memref_squeeze %dma_start3A_81 : memref<1x128xi32, #tpu.memory_space<vmem>> -> memref<128xi32, #tpu.memory_space<vmem>>
      %dma_start3A_83 = tpu.memref_slice %arg2[%add3A_78] : memref<802816xi32, #tpu.memory_space<hbm>> -> memref<128xi32, #tpu.memory_space<hbm>>
      %dma_start3A_84 = arith.constant 0 : i32
      %dma_start3A_85 = tpu.memref_slice %arg10[%dma_start3A_79, %dma_start3A_84] : memref<2x128xi32, #tpu.memory_space<vmem>> -> memref<1x128xi32, #tpu.memory_space<vmem>>
      %dma_start3A_86 = tpu.memref_squeeze %dma_start3A_85 : memref<1x128xi32, #tpu.memory_space<vmem>> -> memref<128xi32, #tpu.memory_space<vmem>>
      %dma_start3A_87 = tpu.memref_slice %arg2[%add3A_78] : memref<802816xi32, #tpu.memory_space<hbm>> -> memref<128xi32, #tpu.memory_space<hbm>>
      tpu.enqueue_dma source(%dma_start3A_87 : memref<128xi32, #tpu.memory_space<hbm>>) target(%dma_start3A_86 : memref<128xi32, #tpu.memory_space<vmem>>) target_semaphore(%arg21 : memref<!tpu.dma_semaphore, #tpu.memory_space<semaphore_mem>>)
      %dma_start3A_88 = tpu.memref_slice %arg3[%mul3A_57] : memref<802816xi32, #tpu.memory_space<hbm>> -> memref<256xi32, #tpu.memory_space<hbm>>
      %dma_start3A_89 = tpu.memref_slice %arg3[%mul3A_57] : memref<802816xi32, #tpu.memory_space<hbm>> -> memref<256xi32, #tpu.memory_space<hbm>>
      tpu.enqueue_dma source(%dma_start3A_89 : memref<256xi32, #tpu.memory_space<hbm>>) target(%arg12 : memref<256xi32, #tpu.memory_space<vmem>>) target_semaphore(%arg21 : memref<!tpu.dma_semaphore, #tpu.memory_space<semaphore_mem>>)
      %add3A_90 = arith.constant 0 : i32
      %add3A_91 = arith.addi %mul3A_66, %add3A_90 : i32
      %dma_start3A_92 = arith.constant 0 : i32
      %dma_start3A_93 = arith.constant 0 : i32
      %dma_start3A_94 = tpu.memref_slice %arg11[%dma_start3A_92, %dma_start3A_93] : memref<2x128xi32, #tpu.memory_space<vmem>> -> memref<1x128xi32, #tpu.memory_space<vmem>>
      %dma_start3A_95 = tpu.memref_squeeze %dma_start3A_94 : memref<1x128xi32, #tpu.memory_space<vmem>> -> memref<128xi32, #tpu.memory_space<vmem>>
      %dma_start3A_96 = tpu.memref_slice %arg2[%add3A_91] : memref<802816xi32, #tpu.memory_space<hbm>> -> memref<128xi32, #tpu.memory_space<hbm>>
      %dma_start3A_97 = arith.constant 0 : i32
      %dma_start3A_98 = tpu.memref_slice %arg11[%dma_start3A_92, %dma_start3A_97] : memref<2x128xi32, #tpu.memory_space<vmem>> -> memref<1x128xi32, #tpu.memory_space<vmem>>
      %dma_start3A_99 = tpu.memref_squeeze %dma_start3A_98 : memref<1x128xi32, #tpu.memory_space<vmem>> -> memref<128xi32, #tpu.memory_space<vmem>>
      %dma_start3A_100 = tpu.memref_slice %arg2[%add3A_91] : memref<802816xi32, #tpu.memory_space<hbm>> -> memref<128xi32, #tpu.memory_space<hbm>>
      tpu.enqueue_dma source(%dma_start3A_100 : memref<128xi32, #tpu.memory_space<hbm>>) target(%dma_start3A_99 : memref<128xi32, #tpu.memory_space<vmem>>) target_semaphore(%arg22 : memref<!tpu.dma_semaphore, #tpu.memory_space<semaphore_mem>>)
      %add3A_101 = arith.constant 128 : i32
      %add3A_102 = arith.addi %mul3A_66, %add3A_101 : i32
      %dma_start3A_103 = arith.constant 1 : i32
      %dma_start3A_104 = arith.constant 0 : i32
      %dma_start3A_105 = tpu.memref_slice %arg11[%dma_start3A_103, %dma_start3A_104] : memref<2x128xi32, #tpu.memory_space<vmem>> -> memref<1x128xi32, #tpu.memory_space<vmem>>
      %dma_start3A_106 = tpu.memref_squeeze %dma_start3A_105 : memref<1x128xi32, #tpu.memory_space<vmem>> -> memref<128xi32, #tpu.memory_space<vmem>>
      %dma_start3A_107 = tpu.memref_slice %arg2[%add3A_102] : memref<802816xi32, #tpu.memory_space<hbm>> -> memref<128xi32, #tpu.memory_space<hbm>>
      %dma_start3A_108 = arith.constant 0 : i32
      %dma_start3A_109 = tpu.memref_slice %arg11[%dma_start3A_103, %dma_start3A_108] : memref<2x128xi32, #tpu.memory_space<vmem>> -> memref<1x128xi32, #tpu.memory_space<vmem>>
      %dma_start3A_110 = tpu.memref_squeeze %dma_start3A_109 : memref<1x128xi32, #tpu.memory_space<vmem>> -> memref<128xi32, #tpu.memory_space<vmem>>
      %dma_start3A_111 = tpu.memref_slice %arg2[%add3A_102] : memref<802816xi32, #tpu.memory_space<hbm>> -> memref<128xi32, #tpu.memory_space<hbm>>
      tpu.enqueue_dma source(%dma_start3A_111 : memref<128xi32, #tpu.memory_space<hbm>>) target(%dma_start3A_110 : memref<128xi32, #tpu.memory_space<vmem>>) target_semaphore(%arg22 : memref<!tpu.dma_semaphore, #tpu.memory_space<semaphore_mem>>)
      %dma_start3A_112 = tpu.memref_slice %arg3[%mul3A_66] : memref<802816xi32, #tpu.memory_space<hbm>> -> memref<256xi32, #tpu.memory_space<hbm>>
      %dma_start3A_113 = tpu.memref_slice %arg3[%mul3A_66] : memref<802816xi32, #tpu.memory_space<hbm>> -> memref<256xi32, #tpu.memory_space<hbm>>
      tpu.enqueue_dma source(%dma_start3A_113 : memref<256xi32, #tpu.memory_space<hbm>>) target(%arg13 : memref<256xi32, #tpu.memory_space<vmem>>) target_semaphore(%arg22 : memref<!tpu.dma_semaphore, #tpu.memory_space<semaphore_mem>>)
      %dma_wait3A = arith.constant 0 : i32
      %dma_wait3A_114 = arith.constant 0 : i32
      %dma_wait3A_115 = tpu.memref_slice %arg10[%dma_wait3A, %dma_wait3A_114] : memref<2x128xi32, #tpu.memory_space<vmem>> -> memref<1x128xi32, #tpu.memory_space<vmem>>
      %dma_wait3A_116 = tpu.memref_squeeze %dma_wait3A_115 : memref<1x128xi32, #tpu.memory_space<vmem>> -> memref<128xi32, #tpu.memory_space<vmem>>
      %dma_wait3A_117 = tpu.memref_slice %arg2[%add3A_68] : memref<802816xi32, #tpu.memory_space<hbm>> -> memref<128xi32, #tpu.memory_space<hbm>>
      %dma_wait3A_118 = arith.constant 0 : i32
      %dma_wait3A_119 = tpu.memref_slice %arg10[%dma_wait3A, %dma_wait3A_118] : memref<2x128xi32, #tpu.memory_space<vmem>> -> memref<1x128xi32, #tpu.memory_space<vmem>>
      %dma_wait3A_120 = tpu.memref_squeeze %dma_wait3A_119 : memref<1x128xi32, #tpu.memory_space<vmem>> -> memref<128xi32, #tpu.memory_space<vmem>>
      %dma_wait3A_121 = tpu.memref_slice %arg2[%add3A_68] : memref<802816xi32, #tpu.memory_space<hbm>> -> memref<128xi32, #tpu.memory_space<hbm>>
      tpu.wait_dma2 semaphore(%arg21 : memref<!tpu.dma_semaphore, #tpu.memory_space<semaphore_mem>>) src(%dma_wait3A_121 : memref<128xi32, #tpu.memory_space<hbm>>) dst(%dma_wait3A_120 : memref<128xi32, #tpu.memory_space<vmem>>)
      %dma_wait3A_122 = arith.constant 1 : i32
      %dma_wait3A_123 = arith.constant 0 : i32
      %dma_wait3A_124 = tpu.memref_slice %arg10[%dma_wait3A_122, %dma_wait3A_123] : memref<2x128xi32, #tpu.memory_space<vmem>> -> memref<1x128xi32, #tpu.memory_space<vmem>>
      %dma_wait3A_125 = tpu.memref_squeeze %dma_wait3A_124 : memref<1x128xi32, #tpu.memory_space<vmem>> -> memref<128xi32, #tpu.memory_space<vmem>>
      %dma_wait3A_126 = tpu.memref_slice %arg2[%add3A_78] : memref<802816xi32, #tpu.memory_space<hbm>> -> memref<128xi32, #tpu.memory_space<hbm>>
      %dma_wait3A_127 = arith.constant 0 : i32
      %dma_wait3A_128 = tpu.memref_slice %arg10[%dma_wait3A_122, %dma_wait3A_127] : memref<2x128xi32, #tpu.memory_space<vmem>> -> memref<1x128xi32, #tpu.memory_space<vmem>>
      %dma_wait3A_129 = tpu.memref_squeeze %dma_wait3A_128 : memref<1x128xi32, #tpu.memory_space<vmem>> -> memref<128xi32, #tpu.memory_space<vmem>>
      %dma_wait3A_130 = tpu.memref_slice %arg2[%add3A_78] : memref<802816xi32, #tpu.memory_space<hbm>> -> memref<128xi32, #tpu.memory_space<hbm>>
      tpu.wait_dma2 semaphore(%arg21 : memref<!tpu.dma_semaphore, #tpu.memory_space<semaphore_mem>>) src(%dma_wait3A_130 : memref<128xi32, #tpu.memory_space<hbm>>) dst(%dma_wait3A_129 : memref<128xi32, #tpu.memory_space<vmem>>)
      %dma_wait3A_131 = tpu.memref_slice %arg3[%mul3A_57] : memref<802816xi32, #tpu.memory_space<hbm>> -> memref<256xi32, #tpu.memory_space<hbm>>
      %dma_wait3A_132 = tpu.memref_slice %arg3[%mul3A_57] : memref<802816xi32, #tpu.memory_space<hbm>> -> memref<256xi32, #tpu.memory_space<hbm>>
      tpu.wait_dma2 semaphore(%arg21 : memref<!tpu.dma_semaphore, #tpu.memory_space<semaphore_mem>>) src(%dma_wait3A_132 : memref<256xi32, #tpu.memory_space<hbm>>) dst(%arg12 : memref<256xi32, #tpu.memory_space<vmem>>)
      %scan3A_133 = arith.constant 0 : i32
      %scan3A_134 = arith.constant 0 : i32
      %scan3A_135 = arith.constant 16 : i32
      %scan3A_136 = arith.addi %scan3A_134, %scan3A_135 : i32
      %scan3A_137 = arith.constant 4 : i32
      %scan3A_138 = scf.for %scan3A_404 = %scan3A_134 to %scan3A_136 step %scan3A_137 iter_args(%scan3A_405 = %scan3A_133) -> (i32)  : i32 {
        %mul3A_406 = arith.constant 16 : i32
        %mul3A_407 = arith.muli %mul3A_406, %scan3A_404 : i32
        %get3A_408 = arith.index_cast %mul3A_407 : i32 to index
        %get3A_409 = tpu.vector_load %arg12[%get3A_408] {strides = array<i32>} : memref<256xi32, #tpu.memory_space<vmem>>, vector<16xi32>,
        %get3A_410 = vector.shape_cast %get3A_409 : vector<16xi32> to vector<16xi32>
        %shift_right_arithmetic3A = arith.constant 30 : i32
        %shift_right_arithmetic3A_411 = vector.broadcast %shift_right_arithmetic3A : i32 to vector<16xi32>
        %shift_right_arithmetic3A_412 = arith.shrsi %get3A_410, %shift_right_arithmetic3A_411 : vector<16xi32>
        %mul3A_413 = arith.constant 16 : i32
        %mul3A_414 = arith.muli %mul3A_413, %scan3A_404 : i32
        %swap3A = arith.index_cast %mul3A_414 : i32 to index
        %swap3A_415 = tpu.vector_load %arg14[%swap3A] {strides = array<i32>} : memref<256xi32, #tpu.memory_space<vmem>>, vector<16xi32>,
        %swap3A_416 = vector.shape_cast %swap3A_415 : vector<16xi32> to vector<16xi32>
        %swap3A_417 = vector.shape_cast %shift_right_arithmetic3A_412 : vector<16xi32> to vector<16xi32>
        tpu.vector_store %arg14[%swap3A], %swap3A_417 {strides = array<i32>} : memref<256xi32, #tpu.memory_space<vmem>>, vector<16xi32>,
        %and3A = arith.constant 1073741823 : i32
        %and3A_418 = vector.broadcast %and3A : i32 to vector<16xi32>
        %and3A_419 = arith.andi %get3A_410, %and3A_418 : vector<16xi32>
        %add3A_420 = vector.broadcast %mul3A_26 : i32 to vector<16xi32>
        %add3A_421 = arith.addi %and3A_419, %add3A_420 : vector<16xi32>
        %mul3A_422 = arith.constant 16 : i32
        %mul3A_423 = arith.muli %mul3A_422, %scan3A_404 : i32
        %swap3A_424 = arith.index_cast %mul3A_423 : i32 to index
        %swap3A_425 = tpu.vector_load %arg12[%swap3A_424] {strides = array<i32>} : memref<256xi32, #tpu.memory_space<vmem>>, vector<16xi32>,
        %swap3A_426 = vector.shape_cast %swap3A_425 : vector<16xi32> to vector<16xi32>
        %swap3A_427 = vector.shape_cast %add3A_421 : vector<16xi32> to vector<16xi32>
        tpu.vector_store %arg12[%swap3A_424], %swap3A_427 {strides = array<i32>} : memref<256xi32, #tpu.memory_space<vmem>>, vector<16xi32>,
        %scan3A_428 = arith.constant 0 : i32
        %scan3A_429 = arith.constant 1 : i32
        %scan3A_430 = arith.addi %scan3A_404, %scan3A_429 : i32
        %mul3A_431 = arith.constant 16 : i32
        %mul3A_432 = arith.muli %mul3A_431, %scan3A_430 : i32
        %get3A_433 = arith.index_cast %mul3A_432 : i32 to index
        %get3A_434 = tpu.vector_load %arg12[%get3A_433] {strides = array<i32>} : memref<256xi32, #tpu.memory_space<vmem>>, vector<16xi32>,
        %get3A_435 = vector.shape_cast %get3A_434 : vector<16xi32> to vector<16xi32>
        %shift_right_arithmetic3A_436 = arith.constant 30 : i32
        %shift_right_arithmetic3A_437 = vector.broadcast %shift_right_arithmetic3A_436 : i32 to vector<16xi32>
        %shift_right_arithmetic3A_438 = arith.shrsi %get3A_435, %shift_right_arithmetic3A_437 : vector<16xi32>
        %mul3A_439 = arith.constant 16 : i32
        %mul3A_440 = arith.muli %mul3A_439, %scan3A_430 : i32
        %swap3A_441 = arith.index_cast %mul3A_440 : i32 to index
        %swap3A_442 = tpu.vector_load %arg14[%swap3A_441] {strides = array<i32>} : memref<256xi32, #tpu.memory_space<vmem>>, vector<16xi32>,
        %swap3A_443 = vector.shape_cast %swap3A_442 : vector<16xi32> to vector<16xi32>
        %swap3A_444 = vector.shape_cast %shift_right_arithmetic3A_438 : vector<16xi32> to vector<16xi32>
        tpu.vector_store %arg14[%swap3A_441], %swap3A_444 {strides = array<i32>} : memref<256xi32, #tpu.memory_space<vmem>>, vector<16xi32>,
        %and3A_445 = arith.constant 1073741823 : i32
        %and3A_446 = vector.broadcast %and3A_445 : i32 to vector<16xi32>
        %and3A_447 = arith.andi %get3A_435, %and3A_446 : vector<16xi32>
        %add3A_448 = vector.broadcast %mul3A_26 : i32 to vector<16xi32>
        %add3A_449 = arith.addi %and3A_447, %add3A_448 : vector<16xi32>
        %mul3A_450 = arith.constant 16 : i32
        %mul3A_451 = arith.muli %mul3A_450, %scan3A_430 : i32
        %swap3A_452 = arith.index_cast %mul3A_451 : i32 to index
        %swap3A_453 = tpu.vector_load %arg12[%swap3A_452] {strides = array<i32>} : memref<256xi32, #tpu.memory_space<vmem>>, vector<16xi32>,
        %swap3A_454 = vector.shape_cast %swap3A_453 : vector<16xi32> to vector<16xi32>
        %swap3A_455 = vector.shape_cast %add3A_449 : vector<16xi32> to vector<16xi32>
        tpu.vector_store %arg12[%swap3A_452], %swap3A_455 {strides = array<i32>} : memref<256xi32, #tpu.memory_space<vmem>>, vector<16xi32>,
        %scan3A_456 = arith.constant 0 : i32
        %scan3A_457 = arith.constant 2 : i32
        %scan3A_458 = arith.addi %scan3A_404, %scan3A_457 : i32
        %mul3A_459 = arith.constant 16 : i32
        %mul3A_460 = arith.muli %mul3A_459, %scan3A_458 : i32
        %get3A_461 = arith.index_cast %mul3A_460 : i32 to index
        %get3A_462 = tpu.vector_load %arg12[%get3A_461] {strides = array<i32>} : memref<256xi32, #tpu.memory_space<vmem>>, vector<16xi32>,
        %get3A_463 = vector.shape_cast %get3A_462 : vector<16xi32> to vector<16xi32>
        %shift_right_arithmetic3A_464 = arith.constant 30 : i32
        %shift_right_arithmetic3A_465 = vector.broadcast %shift_right_arithmetic3A_464 : i32 to vector<16xi32>
        %shift_right_arithmetic3A_466 = arith.shrsi %get3A_463, %shift_right_arithmetic3A_465 : vector<16xi32>
        %mul3A_467 = arith.constant 16 : i32
        %mul3A_468 = arith.muli %mul3A_467, %scan3A_458 : i32
        %swap3A_469 = arith.index_cast %mul3A_468 : i32 to index
        %swap3A_470 = tpu.vector_load %arg14[%swap3A_469] {strides = array<i32>} : memref<256xi32, #tpu.memory_space<vmem>>, vector<16xi32>,
        %swap3A_471 = vector.shape_cast %swap3A_470 : vector<16xi32> to vector<16xi32>
        %swap3A_472 = vector.shape_cast %shift_right_arithmetic3A_466 : vector<16xi32> to vector<16xi32>
        tpu.vector_store %arg14[%swap3A_469], %swap3A_472 {strides = array<i32>} : memref<256xi32, #tpu.memory_space<vmem>>, vector<16xi32>,
        %and3A_473 = arith.constant 1073741823 : i32
        %and3A_474 = vector.broadcast %and3A_473 : i32 to vector<16xi32>
        %and3A_475 = arith.andi %get3A_463, %and3A_474 : vector<16xi32>
        %add3A_476 = vector.broadcast %mul3A_26 : i32 to vector<16xi32>
        %add3A_477 = arith.addi %and3A_475, %add3A_476 : vector<16xi32>
        %mul3A_478 = arith.constant 16 : i32
        %mul3A_479 = arith.muli %mul3A_478, %scan3A_458 : i32
        %swap3A_480 = arith.index_cast %mul3A_479 : i32 to index
        %swap3A_481 = tpu.vector_load %arg12[%swap3A_480] {strides = array<i32>} : memref<256xi32, #tpu.memory_space<vmem>>, vector<16xi32>,
        %swap3A_482 = vector.shape_cast %swap3A_481 : vector<16xi32> to vector<16xi32>
        %swap3A_483 = vector.shape_cast %add3A_477 : vector<16xi32> to vector<16xi32>
        tpu.vector_store %arg12[%swap3A_480], %swap3A_483 {strides = array<i32>} : memref<256xi32, #tpu.memory_space<vmem>>, vector<16xi32>,
        %scan3A_484 = arith.constant 0 : i32
        %scan3A_485 = arith.constant 3 : i32
        %scan3A_486 = arith.addi %scan3A_404, %scan3A_485 : i32
        %mul3A_487 = arith.constant 16 : i32
        %mul3A_488 = arith.muli %mul3A_487, %scan3A_486 : i32
        %get3A_489 = arith.index_cast %mul3A_488 : i32 to index
        %get3A_490 = tpu.vector_load %arg12[%get3A_489] {strides = array<i32>} : memref<256xi32, #tpu.memory_space<vmem>>, vector<16xi32>,
        %get3A_491 = vector.shape_cast %get3A_490 : vector<16xi32> to vector<16xi32>
        %shift_right_arithmetic3A_492 = arith.constant 30 : i32
        %shift_right_arithmetic3A_493 = vector.broadcast %shift_right_arithmetic3A_492 : i32 to vector<16xi32>
        %shift_right_arithmetic3A_494 = arith.shrsi %get3A_491, %shift_right_arithmetic3A_493 : vector<16xi32>
        %mul3A_495 = arith.constant 16 : i32
        %mul3A_496 = arith.muli %mul3A_495, %scan3A_486 : i32
        %swap3A_497 = arith.index_cast %mul3A_496 : i32 to index
        %swap3A_498 = tpu.vector_load %arg14[%swap3A_497] {strides = array<i32>} : memref<256xi32, #tpu.memory_space<vmem>>, vector<16xi32>,
        %swap3A_499 = vector.shape_cast %swap3A_498 : vector<16xi32> to vector<16xi32>
        %swap3A_500 = vector.shape_cast %shift_right_arithmetic3A_494 : vector<16xi32> to vector<16xi32>
        tpu.vector_store %arg14[%swap3A_497], %swap3A_500 {strides = array<i32>} : memref<256xi32, #tpu.memory_space<vmem>>, vector<16xi32>,
        %and3A_501 = arith.constant 1073741823 : i32
        %and3A_502 = vector.broadcast %and3A_501 : i32 to vector<16xi32>
        %and3A_503 = arith.andi %get3A_491, %and3A_502 : vector<16xi32>
        %add3A_504 = vector.broadcast %mul3A_26 : i32 to vector<16xi32>
        %add3A_505 = arith.addi %and3A_503, %add3A_504 : vector<16xi32>
        %mul3A_506 = arith.constant 16 : i32
        %mul3A_507 = arith.muli %mul3A_506, %scan3A_486 : i32
        %swap3A_508 = arith.index_cast %mul3A_507 : i32 to index
        %swap3A_509 = tpu.vector_load %arg12[%swap3A_508] {strides = array<i32>} : memref<256xi32, #tpu.memory_space<vmem>>, vector<16xi32>,
        %swap3A_510 = vector.shape_cast %swap3A_509 : vector<16xi32> to vector<16xi32>
        %swap3A_511 = vector.shape_cast %add3A_505 : vector<16xi32> to vector<16xi32>
        tpu.vector_store %arg12[%swap3A_508], %swap3A_511 {strides = array<i32>} : memref<256xi32, #tpu.memory_space<vmem>>, vector<16xi32>,
        %scan3A_512 = arith.constant 0 : i32
        scf.yield %scan3A_512 : i32
      }
      %scan3A_139 = arith.constant 16 : i32
      %dma_start3A_140 = arith.constant 0 : i32
      %dma_start3A_141 = arith.constant 0 : i32
      %dma_start3A_142 = tpu.memref_slice %arg16[%dma_start3A_141] : memref<256xf32, #tpu.memory_space<vmem>> -> memref<128xf32, #tpu.memory_space<vmem>>
      %dma_start3A_143 = arith.constant 0 : i32
      %dma_start3A_144 = tpu.memref_slice %arg10[%dma_start3A_140, %dma_start3A_143] : memref<2x128xi32, #tpu.memory_space<vmem>> -> memref<1x128xi32, #tpu.memory_space<vmem>>
      %dma_start3A_145 = tpu.memref_squeeze %dma_start3A_144 : memref<1x128xi32, #tpu.memory_space<vmem>> -> memref<128xi32, #tpu.memory_space<vmem>>
      %dma_start3A_146 = arith.constant 0 : i32
      %dma_start3A_147 = tpu.memref_slice %arg5[%dma_start3A_146] : memref<50176xf32, #tpu.memory_space<hbm>> -> memref<50176xf32, #tpu.memory_space<hbm>>
      tpu.enqueue_indirect_dma source(%dma_start3A_147 : memref<50176xf32, #tpu.memory_space<hbm>>) target(%dma_start3A_142 : memref<128xf32, #tpu.memory_space<vmem>>) offsets(%dma_start3A_145 : memref<128xi32, #tpu.memory_space<vmem>>) semaphore(%arg23 : memref<!tpu.dma_semaphore, #tpu.memory_space<semaphore_mem>>)
      %dma_start3A_148 = arith.constant 0 : i32
      %dma_start3A_149 = arith.constant 0 : i32
      %dma_start3A_150 = tpu.memref_slice %arg18[%dma_start3A_148, %dma_start3A_149] : memref<256x32xf32, #tpu.memory_space<vmem>> -> memref<128x32xf32, #tpu.memory_space<vmem>>
      %dma_start3A_151 = arith.constant 0 : i32
      %dma_start3A_152 = tpu.memref_slice %arg12[%dma_start3A_151] : memref<256xi32, #tpu.memory_space<vmem>> -> memref<128xi32, #tpu.memory_space<vmem>>
      %dma_start3A_153 = arith.constant 0 : i32
      %dma_start3A_154 = arith.constant 0 : i32
      %dma_start3A_155 = tpu.memref_slice %arg4[%dma_start3A_153, %dma_start3A_154] : memref<100000x32xf32, #tpu.memory_space<hbm>> -> memref<100000x32xf32, #tpu.memory_space<hbm>>
      tpu.enqueue_indirect_dma source(%dma_start3A_155 : memref<100000x32xf32, #tpu.memory_space<hbm>>) target(%dma_start3A_150 : memref<128x32xf32, #tpu.memory_space<vmem>>) offsets(%dma_start3A_152 : memref<128xi32, #tpu.memory_space<vmem>>) semaphore(%arg23 : memref<!tpu.dma_semaphore, #tpu.memory_space<semaphore_mem>>)
      %dma_start3A_156 = arith.constant 1 : i32
      %dma_start3A_157 = arith.constant 128 : i32
      %dma_start3A_158 = tpu.memref_slice %arg16[%dma_start3A_157] : memref<256xf32, #tpu.memory_space<vmem>> -> memref<128xf32, #tpu.memory_space<vmem>>
      %dma_start3A_159 = arith.constant 0 : i32
      %dma_start3A_160 = tpu.memref_slice %arg10[%dma_start3A_156, %dma_start3A_159] : memref<2x128xi32, #tpu.memory_space<vmem>> -> memref<1x128xi32, #tpu.memory_space<vmem>>
      %dma_start3A_161 = tpu.memref_squeeze %dma_start3A_160 : memref<1x128xi32, #tpu.memory_space<vmem>> -> memref<128xi32, #tpu.memory_space<vmem>>
      %dma_start3A_162 = arith.constant 0 : i32
      %dma_start3A_163 = tpu.memref_slice %arg5[%dma_start3A_162] : memref<50176xf32, #tpu.memory_space<hbm>> -> memref<50176xf32, #tpu.memory_space<hbm>>
      tpu.enqueue_indirect_dma source(%dma_start3A_163 : memref<50176xf32, #tpu.memory_space<hbm>>) target(%dma_start3A_158 : memref<128xf32, #tpu.memory_space<vmem>>) offsets(%dma_start3A_161 : memref<128xi32, #tpu.memory_space<vmem>>) semaphore(%arg23 : memref<!tpu.dma_semaphore, #tpu.memory_space<semaphore_mem>>)
      %dma_start3A_164 = arith.constant 128 : i32
      %dma_start3A_165 = arith.constant 0 : i32
      %dma_start3A_166 = tpu.memref_slice %arg18[%dma_start3A_164, %dma_start3A_165] : memref<256x32xf32, #tpu.memory_space<vmem>> -> memref<128x32xf32, #tpu.memory_space<vmem>>
      %dma_start3A_167 = arith.constant 128 : i32
      %dma_start3A_168 = tpu.memref_slice %arg12[%dma_start3A_167] : memref<256xi32, #tpu.memory_space<vmem>> -> memref<128xi32, #tpu.memory_space<vmem>>
      %dma_start3A_169 = arith.constant 0 : i32
      %dma_start3A_170 = arith.constant 0 : i32
      %dma_start3A_171 = tpu.memref_slice %arg4[%dma_start3A_169, %dma_start3A_170] : memref<100000x32xf32, #tpu.memory_space<hbm>> -> memref<100000x32xf32, #tpu.memory_space<hbm>>
      tpu.enqueue_indirect_dma source(%dma_start3A_171 : memref<100000x32xf32, #tpu.memory_space<hbm>>) target(%dma_start3A_166 : memref<128x32xf32, #tpu.memory_space<vmem>>) offsets(%dma_start3A_168 : memref<128xi32, #tpu.memory_space<vmem>>) semaphore(%arg23 : memref<!tpu.dma_semaphore, #tpu.memory_space<semaphore_mem>>)
      %dma_wait3A_172 = arith.constant 0 : i32
      %dma_wait3A_173 = arith.constant 0 : i32
      %dma_wait3A_174 = tpu.memref_slice %arg11[%dma_wait3A_172, %dma_wait3A_173] : memref<2x128xi32, #tpu.memory_space<vmem>> -> memref<1x128xi32, #tpu.memory_space<vmem>>
      %dma_wait3A_175 = tpu.memref_squeeze %dma_wait3A_174 : memref<1x128xi32, #tpu.memory_space<vmem>> -> memref<128xi32, #tpu.memory_space<vmem>>
      %dma_wait3A_176 = tpu.memref_slice %arg2[%add3A_91] : memref<802816xi32, #tpu.memory_space<hbm>> -> memref<128xi32, #tpu.memory_space<hbm>>
      %dma_wait3A_177 = arith.constant 0 : i32
      %dma_wait3A_178 = tpu.memref_slice %arg11[%dma_wait3A_172, %dma_wait3A_177] : memref<2x128xi32, #tpu.memory_space<vmem>> -> memref<1x128xi32, #tpu.memory_space<vmem>>
      %dma_wait3A_179 = tpu.memref_squeeze %dma_wait3A_178 : memref<1x128xi32, #tpu.memory_space<vmem>> -> memref<128xi32, #tpu.memory_space<vmem>>
      %dma_wait3A_180 = tpu.memref_slice %arg2[%add3A_91] : memref<802816xi32, #tpu.memory_space<hbm>> -> memref<128xi32, #tpu.memory_space<hbm>>
      tpu.wait_dma2 semaphore(%arg22 : memref<!tpu.dma_semaphore, #tpu.memory_space<semaphore_mem>>) src(%dma_wait3A_180 : memref<128xi32, #tpu.memory_space<hbm>>) dst(%dma_wait3A_179 : memref<128xi32, #tpu.memory_space<vmem>>)
      %dma_wait3A_181 = arith.constant 1 : i32
      %dma_wait3A_182 = arith.constant 0 : i32
      %dma_wait3A_183 = tpu.memref_slice %arg11[%dma_wait3A_181, %dma_wait3A_182] : memref<2x128xi32, #tpu.memory_space<vmem>> -> memref<1x128xi32, #tpu.memory_space<vmem>>
      %dma_wait3A_184 = tpu.memref_squeeze %dma_wait3A_183 : memref<1x128xi32, #tpu.memory_space<vmem>> -> memref<128xi32, #tpu.memory_space<vmem>>
      %dma_wait3A_185 = tpu.memref_slice %arg2[%add3A_102] : memref<802816xi32, #tpu.memory_space<hbm>> -> memref<128xi32, #tpu.memory_space<hbm>>
      %dma_wait3A_186 = arith.constant 0 : i32
      %dma_wait3A_187 = tpu.memref_slice %arg11[%dma_wait3A_181, %dma_wait3A_186] : memref<2x128xi32, #tpu.memory_space<vmem>> -> memref<1x128xi32, #tpu.memory_space<vmem>>
      %dma_wait3A_188 = tpu.memref_squeeze %dma_wait3A_187 : memref<1x128xi32, #tpu.memory_space<vmem>> -> memref<128xi32, #tpu.memory_space<vmem>>
      %dma_wait3A_189 = tpu.memref_slice %arg2[%add3A_102] : memref<802816xi32, #tpu.memory_space<hbm>> -> memref<128xi32, #tpu.memory_space<hbm>>
      tpu.wait_dma2 semaphore(%arg22 : memref<!tpu.dma_semaphore, #tpu.memory_space<semaphore_mem>>) src(%dma_wait3A_189 : memref<128xi32, #tpu.memory_space<hbm>>) dst(%dma_wait3A_188 : memref<128xi32, #tpu.memory_space<vmem>>)
      %dma_wait3A_190 = tpu.memref_slice %arg3[%mul3A_66] : memref<802816xi32, #tpu.memory_space<hbm>> -> memref<256xi32, #tpu.memory_space<hbm>>
      %dma_wait3A_191 = tpu.memref_slice %arg3[%mul3A_66] : memref<802816xi32, #tpu.memory_space<hbm>> -> memref<256xi32, #tpu.memory_space<hbm>>
      tpu.wait_dma2 semaphore(%arg22 : memref<!tpu.dma_semaphore, #tpu.memory_space<semaphore_mem>>) src(%dma_wait3A_191 : memref<256xi32, #tpu.memory_space<hbm>>) dst(%arg13 : memref<256xi32, #tpu.memory_space<vmem>>)
      %scan3A_192 = arith.constant 0 : i32
      %scan3A_193 = arith.constant 0 : i32
      %scan3A_194 = arith.constant 16 : i32
      %scan3A_195 = arith.addi %scan3A_193, %scan3A_194 : i32
      %scan3A_196 = arith.constant 4 : i32
      %scan3A_197 = scf.for %scan3A_404 = %scan3A_193 to %scan3A_195 step %scan3A_196 iter_args(%scan3A_405 = %scan3A_192) -> (i32)  : i32 {
        %mul3A_406 = arith.constant 16 : i32
        %mul3A_407 = arith.muli %mul3A_406, %scan3A_404 : i32
        %get3A_408 = arith.index_cast %mul3A_407 : i32 to index
        %get3A_409 = tpu.vector_load %arg13[%get3A_408] {strides = array<i32>} : memref<256xi32, #tpu.memory_space<vmem>>, vector<16xi32>,
        %get3A_410 = vector.shape_cast %get3A_409 : vector<16xi32> to vector<16xi32>
        %shift_right_arithmetic3A = arith.constant 30 : i32
        %shift_right_arithmetic3A_411 = vector.broadcast %shift_right_arithmetic3A : i32 to vector<16xi32>
        %shift_right_arithmetic3A_412 = arith.shrsi %get3A_410, %shift_right_arithmetic3A_411 : vector<16xi32>
        %mul3A_413 = arith.constant 16 : i32
        %mul3A_414 = arith.muli %mul3A_413, %scan3A_404 : i32
        %swap3A = arith.index_cast %mul3A_414 : i32 to index
        %swap3A_415 = tpu.vector_load %arg15[%swap3A] {strides = array<i32>} : memref<256xi32, #tpu.memory_space<vmem>>, vector<16xi32>,
        %swap3A_416 = vector.shape_cast %swap3A_415 : vector<16xi32> to vector<16xi32>
        %swap3A_417 = vector.shape_cast %shift_right_arithmetic3A_412 : vector<16xi32> to vector<16xi32>
        tpu.vector_store %arg15[%swap3A], %swap3A_417 {strides = array<i32>} : memref<256xi32, #tpu.memory_space<vmem>>, vector<16xi32>,
        %and3A = arith.constant 1073741823 : i32
        %and3A_418 = vector.broadcast %and3A : i32 to vector<16xi32>
        %and3A_419 = arith.andi %get3A_410, %and3A_418 : vector<16xi32>
        %add3A_420 = vector.broadcast %mul3A_26 : i32 to vector<16xi32>
        %add3A_421 = arith.addi %and3A_419, %add3A_420 : vector<16xi32>
        %mul3A_422 = arith.constant 16 : i32
        %mul3A_423 = arith.muli %mul3A_422, %scan3A_404 : i32
        %swap3A_424 = arith.index_cast %mul3A_423 : i32 to index
        %swap3A_425 = tpu.vector_load %arg13[%swap3A_424] {strides = array<i32>} : memref<256xi32, #tpu.memory_space<vmem>>, vector<16xi32>,
        %swap3A_426 = vector.shape_cast %swap3A_425 : vector<16xi32> to vector<16xi32>
        %swap3A_427 = vector.shape_cast %add3A_421 : vector<16xi32> to vector<16xi32>
        tpu.vector_store %arg13[%swap3A_424], %swap3A_427 {strides = array<i32>} : memref<256xi32, #tpu.memory_space<vmem>>, vector<16xi32>,
        %scan3A_428 = arith.constant 0 : i32
        %scan3A_429 = arith.constant 1 : i32
        %scan3A_430 = arith.addi %scan3A_404, %scan3A_429 : i32
        %mul3A_431 = arith.constant 16 : i32
        %mul3A_432 = arith.muli %mul3A_431, %scan3A_430 : i32
        %get3A_433 = arith.index_cast %mul3A_432 : i32 to index
        %get3A_434 = tpu.vector_load %arg13[%get3A_433] {strides = array<i32>} : memref<256xi32, #tpu.memory_space<vmem>>, vector<16xi32>,
        %get3A_435 = vector.shape_cast %get3A_434 : vector<16xi32> to vector<16xi32>
        %shift_right_arithmetic3A_436 = arith.constant 30 : i32
        %shift_right_arithmetic3A_437 = vector.broadcast %shift_right_arithmetic3A_436 : i32 to vector<16xi32>
        %shift_right_arithmetic3A_438 = arith.shrsi %get3A_435, %shift_right_arithmetic3A_437 : vector<16xi32>
        %mul3A_439 = arith.constant 16 : i32
        %mul3A_440 = arith.muli %mul3A_439, %scan3A_430 : i32
        %swap3A_441 = arith.index_cast %mul3A_440 : i32 to index
        %swap3A_442 = tpu.vector_load %arg15[%swap3A_441] {strides = array<i32>} : memref<256xi32, #tpu.memory_space<vmem>>, vector<16xi32>,
        %swap3A_443 = vector.shape_cast %swap3A_442 : vector<16xi32> to vector<16xi32>
        %swap3A_444 = vector.shape_cast %shift_right_arithmetic3A_438 : vector<16xi32> to vector<16xi32>
        tpu.vector_store %arg15[%swap3A_441], %swap3A_444 {strides = array<i32>} : memref<256xi32, #tpu.memory_space<vmem>>, vector<16xi32>,
        %and3A_445 = arith.constant 1073741823 : i32
        %and3A_446 = vector.broadcast %and3A_445 : i32 to vector<16xi32>
        %and3A_447 = arith.andi %get3A_435, %and3A_446 : vector<16xi32>
        %add3A_448 = vector.broadcast %mul3A_26 : i32 to vector<16xi32>
        %add3A_449 = arith.addi %and3A_447, %add3A_448 : vector<16xi32>
        %mul3A_450 = arith.constant 16 : i32
        %mul3A_451 = arith.muli %mul3A_450, %scan3A_430 : i32
        %swap3A_452 = arith.index_cast %mul3A_451 : i32 to index
        %swap3A_453 = tpu.vector_load %arg13[%swap3A_452] {strides = array<i32>} : memref<256xi32, #tpu.memory_space<vmem>>, vector<16xi32>,
        %swap3A_454 = vector.shape_cast %swap3A_453 : vector<16xi32> to vector<16xi32>
        %swap3A_455 = vector.shape_cast %add3A_449 : vector<16xi32> to vector<16xi32>
        tpu.vector_store %arg13[%swap3A_452], %swap3A_455 {strides = array<i32>} : memref<256xi32, #tpu.memory_space<vmem>>, vector<16xi32>,
        %scan3A_456 = arith.constant 0 : i32
        %scan3A_457 = arith.constant 2 : i32
        %scan3A_458 = arith.addi %scan3A_404, %scan3A_457 : i32
        %mul3A_459 = arith.constant 16 : i32
        %mul3A_460 = arith.muli %mul3A_459, %scan3A_458 : i32
        %get3A_461 = arith.index_cast %mul3A_460 : i32 to index
        %get3A_462 = tpu.vector_load %arg13[%get3A_461] {strides = array<i32>} : memref<256xi32, #tpu.memory_space<vmem>>, vector<16xi32>,
        %get3A_463 = vector.shape_cast %get3A_462 : vector<16xi32> to vector<16xi32>
        %shift_right_arithmetic3A_464 = arith.constant 30 : i32
        %shift_right_arithmetic3A_465 = vector.broadcast %shift_right_arithmetic3A_464 : i32 to vector<16xi32>
        %shift_right_arithmetic3A_466 = arith.shrsi %get3A_463, %shift_right_arithmetic3A_465 : vector<16xi32>
        %mul3A_467 = arith.constant 16 : i32
        %mul3A_468 = arith.muli %mul3A_467, %scan3A_458 : i32
        %swap3A_469 = arith.index_cast %mul3A_468 : i32 to index
        %swap3A_470 = tpu.vector_load %arg15[%swap3A_469] {strides = array<i32>} : memref<256xi32, #tpu.memory_space<vmem>>, vector<16xi32>,
        %swap3A_471 = vector.shape_cast %swap3A_470 : vector<16xi32> to vector<16xi32>
        %swap3A_472 = vector.shape_cast %shift_right_arithmetic3A_466 : vector<16xi32> to vector<16xi32>
        tpu.vector_store %arg15[%swap3A_469], %swap3A_472 {strides = array<i32>} : memref<256xi32, #tpu.memory_space<vmem>>, vector<16xi32>,
        %and3A_473 = arith.constant 1073741823 : i32
        %and3A_474 = vector.broadcast %and3A_473 : i32 to vector<16xi32>
        %and3A_475 = arith.andi %get3A_463, %and3A_474 : vector<16xi32>
        %add3A_476 = vector.broadcast %mul3A_26 : i32 to vector<16xi32>
        %add3A_477 = arith.addi %and3A_475, %add3A_476 : vector<16xi32>
        %mul3A_478 = arith.constant 16 : i32
        %mul3A_479 = arith.muli %mul3A_478, %scan3A_458 : i32
        %swap3A_480 = arith.index_cast %mul3A_479 : i32 to index
        %swap3A_481 = tpu.vector_load %arg13[%swap3A_480] {strides = array<i32>} : memref<256xi32, #tpu.memory_space<vmem>>, vector<16xi32>,
        %swap3A_482 = vector.shape_cast %swap3A_481 : vector<16xi32> to vector<16xi32>
        %swap3A_483 = vector.shape_cast %add3A_477 : vector<16xi32> to vector<16xi32>
        tpu.vector_store %arg13[%swap3A_480], %swap3A_483 {strides = array<i32>} : memref<256xi32, #tpu.memory_space<vmem>>, vector<16xi32>,
        %scan3A_484 = arith.constant 0 : i32
        %scan3A_485 = arith.constant 3 : i32
        %scan3A_486 = arith.addi %scan3A_404, %scan3A_485 : i32
        %mul3A_487 = arith.constant 16 : i32
        %mul3A_488 = arith.muli %mul3A_487, %scan3A_486 : i32
        %get3A_489 = arith.index_cast %mul3A_488 : i32 to index
        %get3A_490 = tpu.vector_load %arg13[%get3A_489] {strides = array<i32>} : memref<256xi32, #tpu.memory_space<vmem>>, vector<16xi32>,
        %get3A_491 = vector.shape_cast %get3A_490 : vector<16xi32> to vector<16xi32>
        %shift_right_arithmetic3A_492 = arith.constant 30 : i32
        %shift_right_arithmetic3A_493 = vector.broadcast %shift_right_arithmetic3A_492 : i32 to vector<16xi32>
        %shift_right_arithmetic3A_494 = arith.shrsi %get3A_491, %shift_right_arithmetic3A_493 : vector<16xi32>
        %mul3A_495 = arith.constant 16 : i32
        %mul3A_496 = arith.muli %mul3A_495, %scan3A_486 : i32
        %swap3A_497 = arith.index_cast %mul3A_496 : i32 to index
        %swap3A_498 = tpu.vector_load %arg15[%swap3A_497] {strides = array<i32>} : memref<256xi32, #tpu.memory_space<vmem>>, vector<16xi32>,
        %swap3A_499 = vector.shape_cast %swap3A_498 : vector<16xi32> to vector<16xi32>
        %swap3A_500 = vector.shape_cast %shift_right_arithmetic3A_494 : vector<16xi32> to vector<16xi32>
        tpu.vector_store %arg15[%swap3A_497], %swap3A_500 {strides = array<i32>} : memref<256xi32, #tpu.memory_space<vmem>>, vector<16xi32>,
        %and3A_501 = arith.constant 1073741823 : i32
        %and3A_502 = vector.broadcast %and3A_501 : i32 to vector<16xi32>
        %and3A_503 = arith.andi %get3A_491, %and3A_502 : vector<16xi32>
        %add3A_504 = vector.broadcast %mul3A_26 : i32 to vector<16xi32>
        %add3A_505 = arith.addi %and3A_503, %add3A_504 : vector<16xi32>
        %mul3A_506 = arith.constant 16 : i32
        %mul3A_507 = arith.muli %mul3A_506, %scan3A_486 : i32
        %swap3A_508 = arith.index_cast %mul3A_507 : i32 to index
        %swap3A_509 = tpu.vector_load %arg13[%swap3A_508] {strides = array<i32>} : memref<256xi32, #tpu.memory_space<vmem>>, vector<16xi32>,
        %swap3A_510 = vector.shape_cast %swap3A_509 : vector<16xi32> to vector<16xi32>
        %swap3A_511 = vector.shape_cast %add3A_505 : vector<16xi32> to vector<16xi32>
        tpu.vector_store %arg13[%swap3A_508], %swap3A_511 {strides = array<i32>} : memref<256xi32, #tpu.memory_space<vmem>>, vector<16xi32>,
        %scan3A_512 = arith.constant 0 : i32
        scf.yield %scan3A_512 : i32
      }
      %scan3A_198 = arith.constant 16 : i32
      %dma_start3A_199 = arith.constant 0 : i32
      %dma_start3A_200 = arith.constant 0 : i32
      %dma_start3A_201 = tpu.memref_slice %arg17[%dma_start3A_200] : memref<256xf32, #tpu.memory_space<vmem>> -> memref<128xf32, #tpu.memory_space<vmem>>
      %dma_start3A_202 = arith.constant 0 : i32
      %dma_start3A_203 = tpu.memref_slice %arg11[%dma_start3A_199, %dma_start3A_202] : memref<2x128xi32, #tpu.memory_space<vmem>> -> memref<1x128xi32, #tpu.memory_space<vmem>>
      %dma_start3A_204 = tpu.memref_squeeze %dma_start3A_203 : memref<1x128xi32, #tpu.memory_space<vmem>> -> memref<128xi32, #tpu.memory_space<vmem>>
      %dma_start3A_205 = arith.constant 0 : i32
      %dma_start3A_206 = tpu.memref_slice %arg5[%dma_start3A_205] : memref<50176xf32, #tpu.memory_space<hbm>> -> memref<50176xf32, #tpu.memory_space<hbm>>
      tpu.enqueue_indirect_dma source(%dma_start3A_206 : memref<50176xf32, #tpu.memory_space<hbm>>) target(%dma_start3A_201 : memref<128xf32, #tpu.memory_space<vmem>>) offsets(%dma_start3A_204 : memref<128xi32, #tpu.memory_space<vmem>>) semaphore(%arg24 : memref<!tpu.dma_semaphore, #tpu.memory_space<semaphore_mem>>)
      %dma_start3A_207 = arith.constant 0 : i32
      %dma_start3A_208 = arith.constant 0 : i32
      %dma_start3A_209 = tpu.memref_slice %arg19[%dma_start3A_207, %dma_start3A_208] : memref<256x32xf32, #tpu.memory_space<vmem>> -> memref<128x32xf32, #tpu.memory_space<vmem>>
      %dma_start3A_210 = arith.constant 0 : i32
      %dma_start3A_211 = tpu.memref_slice %arg13[%dma_start3A_210] : memref<256xi32, #tpu.memory_space<vmem>> -> memref<128xi32, #tpu.memory_space<vmem>>
      %dma_start3A_212 = arith.constant 0 : i32
      %dma_start3A_213 = arith.constant 0 : i32
      %dma_start3A_214 = tpu.memref_slice %arg4[%dma_start3A_212, %dma_start3A_213] : memref<100000x32xf32, #tpu.memory_space<hbm>> -> memref<100000x32xf32, #tpu.memory_space<hbm>>
      tpu.enqueue_indirect_dma source(%dma_start3A_214 : memref<100000x32xf32, #tpu.memory_space<hbm>>) target(%dma_start3A_209 : memref<128x32xf32, #tpu.memory_space<vmem>>) offsets(%dma_start3A_211 : memref<128xi32, #tpu.memory_space<vmem>>) semaphore(%arg24 : memref<!tpu.dma_semaphore, #tpu.memory_space<semaphore_mem>>)
      %dma_start3A_215 = arith.constant 1 : i32
      %dma_start3A_216 = arith.constant 128 : i32
      %dma_start3A_217 = tpu.memref_slice %arg17[%dma_start3A_216] : memref<256xf32, #tpu.memory_space<vmem>> -> memref<128xf32, #tpu.memory_space<vmem>>
      %dma_start3A_218 = arith.constant 0 : i32
      %dma_start3A_219 = tpu.memref_slice %arg11[%dma_start3A_215, %dma_start3A_218] : memref<2x128xi32, #tpu.memory_space<vmem>> -> memref<1x128xi32, #tpu.memory_space<vmem>>
      %dma_start3A_220 = tpu.memref_squeeze %dma_start3A_219 : memref<1x128xi32, #tpu.memory_space<vmem>> -> memref<128xi32, #tpu.memory_space<vmem>>
      %dma_start3A_221 = arith.constant 0 : i32
      %dma_start3A_222 = tpu.memref_slice %arg5[%dma_start3A_221] : memref<50176xf32, #tpu.memory_space<hbm>> -> memref<50176xf32, #tpu.memory_space<hbm>>
      tpu.enqueue_indirect_dma source(%dma_start3A_222 : memref<50176xf32, #tpu.memory_space<hbm>>) target(%dma_start3A_217 : memref<128xf32, #tpu.memory_space<vmem>>) offsets(%dma_start3A_220 : memref<128xi32, #tpu.memory_space<vmem>>) semaphore(%arg24 : memref<!tpu.dma_semaphore, #tpu.memory_space<semaphore_mem>>)
      %dma_start3A_223 = arith.constant 128 : i32
      %dma_start3A_224 = arith.constant 0 : i32
      %dma_start3A_225 = tpu.memref_slice %arg19[%dma_start3A_223, %dma_start3A_224] : memref<256x32xf32, #tpu.memory_space<vmem>> -> memref<128x32xf32, #tpu.memory_space<vmem>>
      %dma_start3A_226 = arith.constant 128 : i32
      %dma_start3A_227 = tpu.memref_slice %arg13[%dma_start3A_226] : memref<256xi32, #tpu.memory_space<vmem>> -> memref<128xi32, #tpu.memory_space<vmem>>
      %dma_start3A_228 = arith.constant 0 : i32
      %dma_start3A_229 = arith.constant 0 : i32
      %dma_start3A_230 = tpu.memref_slice %arg4[%dma_start3A_228, %dma_start3A_229] : memref<100000x32xf32, #tpu.memory_space<hbm>> -> memref<100000x32xf32, #tpu.memory_space<hbm>>
      tpu.enqueue_indirect_dma source(%dma_start3A_230 : memref<100000x32xf32, #tpu.memory_space<hbm>>) target(%dma_start3A_225 : memref<128x32xf32, #tpu.memory_space<vmem>>) offsets(%dma_start3A_227 : memref<128xi32, #tpu.memory_space<vmem>>) semaphore(%arg24 : memref<!tpu.dma_semaphore, #tpu.memory_space<semaphore_mem>>)
      %dma_wait3A_231 = arith.constant 0 : i32
      %dma_wait3A_232 = arith.constant 0 : i32
      %dma_wait3A_233 = tpu.memref_slice %arg16[%dma_wait3A_232] : memref<256xf32, #tpu.memory_space<vmem>> -> memref<128xf32, #tpu.memory_space<vmem>>
      %dma_wait3A_234 = arith.constant 0 : i32
      %dma_wait3A_235 = tpu.memref_slice %arg10[%dma_wait3A_231, %dma_wait3A_234] : memref<2x128xi32, #tpu.memory_space<vmem>> -> memref<1x128xi32, #tpu.memory_space<vmem>>
      %dma_wait3A_236 = tpu.memref_squeeze %dma_wait3A_235 : memref<1x128xi32, #tpu.memory_space<vmem>> -> memref<128xi32, #tpu.memory_space<vmem>>
      %dma_wait3A_237 = arith.constant 0 : i32
      %dma_wait3A_238 = tpu.memref_slice %arg5[%dma_wait3A_237] : memref<50176xf32, #tpu.memory_space<hbm>> -> memref<50176xf32, #tpu.memory_space<hbm>>
      tpu.wait_indirect_dma semaphore(%arg23 : memref<!tpu.dma_semaphore, #tpu.memory_space<semaphore_mem>>) src(%dma_wait3A_238 : memref<50176xf32, #tpu.memory_space<hbm>>) dst(%dma_wait3A_233 : memref<128xf32, #tpu.memory_space<vmem>>)
      %dma_wait3A_239 = arith.constant 0 : i32
      %dma_wait3A_240 = arith.constant 0 : i32
      %dma_wait3A_241 = tpu.memref_slice %arg18[%dma_wait3A_239, %dma_wait3A_240] : memref<256x32xf32, #tpu.memory_space<vmem>> -> memref<128x32xf32, #tpu.memory_space<vmem>>
      %dma_wait3A_242 = arith.constant 0 : i32
      %dma_wait3A_243 = tpu.memref_slice %arg12[%dma_wait3A_242] : memref<256xi32, #tpu.memory_space<vmem>> -> memref<128xi32, #tpu.memory_space<vmem>>
      %dma_wait3A_244 = arith.constant 0 : i32
      %dma_wait3A_245 = arith.constant 0 : i32
      %dma_wait3A_246 = tpu.memref_slice %arg4[%dma_wait3A_244, %dma_wait3A_245] : memref<100000x32xf32, #tpu.memory_space<hbm>> -> memref<100000x32xf32, #tpu.memory_space<hbm>>
      tpu.wait_indirect_dma semaphore(%arg23 : memref<!tpu.dma_semaphore, #tpu.memory_space<semaphore_mem>>) src(%dma_wait3A_246 : memref<100000x32xf32, #tpu.memory_space<hbm>>) dst(%dma_wait3A_241 : memref<128x32xf32, #tpu.memory_space<vmem>>)
      %dma_wait3A_247 = arith.constant 1 : i32
      %dma_wait3A_248 = arith.constant 128 : i32
      %dma_wait3A_249 = tpu.memref_slice %arg16[%dma_wait3A_248] : memref<256xf32, #tpu.memory_space<vmem>> -> memref<128xf32, #tpu.memory_space<vmem>>
      %dma_wait3A_250 = arith.constant 0 : i32
      %dma_wait3A_251 = tpu.memref_slice %arg10[%dma_wait3A_247, %dma_wait3A_250] : memref<2x128xi32, #tpu.memory_space<vmem>> -> memref<1x128xi32, #tpu.memory_space<vmem>>
      %dma_wait3A_252 = tpu.memref_squeeze %dma_wait3A_251 : memref<1x128xi32, #tpu.memory_space<vmem>> -> memref<128xi32, #tpu.memory_space<vmem>>
      %dma_wait3A_253 = arith.constant 0 : i32
      %dma_wait3A_254 = tpu.memref_slice %arg5[%dma_wait3A_253] : memref<50176xf32, #tpu.memory_space<hbm>> -> memref<50176xf32, #tpu.memory_space<hbm>>
      tpu.wait_indirect_dma semaphore(%arg23 : memref<!tpu.dma_semaphore, #tpu.memory_space<semaphore_mem>>) src(%dma_wait3A_254 : memref<50176xf32, #tpu.memory_space<hbm>>) dst(%dma_wait3A_249 : memref<128xf32, #tpu.memory_space<vmem>>)
      %dma_wait3A_255 = arith.constant 128 : i32
      %dma_wait3A_256 = arith.constant 0 : i32
      %dma_wait3A_257 = tpu.memref_slice %arg18[%dma_wait3A_255, %dma_wait3A_256] : memref<256x32xf32, #tpu.memory_space<vmem>> -> memref<128x32xf32, #tpu.memory_space<vmem>>
      %dma_wait3A_258 = arith.constant 128 : i32
      %dma_wait3A_259 = tpu.memref_slice %arg12[%dma_wait3A_258] : memref<256xi32, #tpu.memory_space<vmem>> -> memref<128xi32, #tpu.memory_space<vmem>>
      %dma_wait3A_260 = arith.constant 0 : i32
      %dma_wait3A_261 = arith.constant 0 : i32
      %dma_wait3A_262 = tpu.memref_slice %arg4[%dma_wait3A_260, %dma_wait3A_261] : memref<100000x32xf32, #tpu.memory_space<hbm>> -> memref<100000x32xf32, #tpu.memory_space<hbm>>
      tpu.wait_indirect_dma semaphore(%arg23 : memref<!tpu.dma_semaphore, #tpu.memory_space<semaphore_mem>>) src(%dma_wait3A_262 : memref<100000x32xf32, #tpu.memory_space<hbm>>) dst(%dma_wait3A_257 : memref<128x32xf32, #tpu.memory_space<vmem>>)
      %scan3A_263 = arith.constant 0 : i32
      %scan3A_264 = arith.constant 0 : i32
      %scan3A_265 = arith.constant 16 : i32
      %scan3A_266 = arith.addi %scan3A_264, %scan3A_265 : i32
      %scan3A_267 = arith.constant 2 : i32
      %scan3A_268 = scf.for %scan3A_404 = %scan3A_264 to %scan3A_266 step %scan3A_267 iter_args(%scan3A_405 = %scan3A_263) -> (i32)  : i32 {
        %mul3A_406 = arith.constant 16 : i32
        %mul3A_407 = arith.muli %mul3A_406, %scan3A_404 : i32
        %get3A_408 = arith.index_cast %mul3A_407 : i32 to index
        %get3A_409 = tpu.vector_load %arg16[%get3A_408] {strides = array<i32>} : memref<256xf32, #tpu.memory_space<vmem>>, vector<16xf32>,
        %get3A_410 = vector.shape_cast %get3A_409 : vector<16xf32> to vector<16xf32>
        %mul3A_411 = arith.constant 16 : i32
        %mul3A_412 = arith.muli %mul3A_411, %scan3A_404 : i32
        %get3A_413 = arith.index_cast %mul3A_412 : i32 to index
        %get3A_414 = tpu.vector_load %arg14[%get3A_413] {strides = array<i32>} : memref<256xi32, #tpu.memory_space<vmem>>, vector<16xi32>,
        %get3A_415 = vector.shape_cast %get3A_414 : vector<16xi32> to vector<16xi32>
        %eq3A_416 = arith.constant 0 : i32
        %eq3A_417 = vector.broadcast %eq3A_416 : i32 to vector<16xi32>
        %eq3A_418 = arith.cmpi eq, %get3A_415, %eq3A_417 : vector<16xi32>
        %broadcast_in_dim3A_419 = vector.broadcast %squeeze3A : f32 to vector<16xf32>
        %broadcast_in_dim3A_420 = vector.broadcast %squeeze3A_25 : f32 to vector<16xf32>
        %select_n3A_421 = arith.select %eq3A_418, %broadcast_in_dim3A_419, %broadcast_in_dim3A_420 : vector<16xi1>, vector<16xf32>
        %add3A_422 = arith.addf %get3A_410, %select_n3A_421 : vector<16xf32>
        %neg3A = arith.constant 0.000000e+00 : f32
        %neg3A_423 = vector.broadcast %neg3A : f32 to vector<16xf32>
        %neg3A_424 = arith.subf %neg3A_423, %add3A_422 : vector<16xf32>
        %exp3A = math.exp %neg3A_424 : vector<16xf32>
        %add3A_425 = arith.constant 1.000000e+00 : f32
        %add3A_426 = vector.broadcast %add3A_425 : f32 to vector<16xf32>
        %add3A_427 = arith.addf %add3A_426, %exp3A : vector<16xf32>
        %div3A = arith.constant 1.000000e+00 : f32
        %div3A_428 = vector.broadcast %div3A : f32 to vector<16xf32>
        %div3A_429 = arith.divf %div3A_428, %add3A_427 : vector<16xf32>
        %mul3A_430 = arith.constant 16 : i32
        %mul3A_431 = arith.muli %mul3A_430, %scan3A_404 : i32
        %swap3A = arith.index_cast %mul3A_431 : i32 to index
        %swap3A_432 = tpu.vector_load %arg16[%swap3A] {strides = array<i32>} : memref<256xf32, #tpu.memory_space<vmem>>, vector<16xf32>,
        %swap3A_433 = vector.shape_cast %swap3A_432 : vector<16xf32> to vector<16xf32>
        %swap3A_434 = vector.shape_cast %div3A_429 : vector<16xf32> to vector<16xf32>
        tpu.vector_store %arg16[%swap3A], %swap3A_434 {strides = array<i32>} : memref<256xf32, #tpu.memory_space<vmem>>, vector<16xf32>,
        %scan3A_435 = arith.constant 0 : i32
        %scan3A_436 = arith.constant 1 : i32
        %scan3A_437 = arith.addi %scan3A_404, %scan3A_436 : i32
        %mul3A_438 = arith.constant 16 : i32
        %mul3A_439 = arith.muli %mul3A_438, %scan3A_437 : i32
        %get3A_440 = arith.index_cast %mul3A_439 : i32 to index
        %get3A_441 = tpu.vector_load %arg16[%get3A_440] {strides = array<i32>} : memref<256xf32, #tpu.memory_space<vmem>>, vector<16xf32>,
        %get3A_442 = vector.shape_cast %get3A_441 : vector<16xf32> to vector<16xf32>
        %mul3A_443 = arith.constant 16 : i32
        %mul3A_444 = arith.muli %mul3A_443, %scan3A_437 : i32
        %get3A_445 = arith.index_cast %mul3A_444 : i32 to index
        %get3A_446 = tpu.vector_load %arg14[%get3A_445] {strides = array<i32>} : memref<256xi32, #tpu.memory_space<vmem>>, vector<16xi32>,
        %get3A_447 = vector.shape_cast %get3A_446 : vector<16xi32> to vector<16xi32>
        %eq3A_448 = arith.constant 0 : i32
        %eq3A_449 = vector.broadcast %eq3A_448 : i32 to vector<16xi32>
        %eq3A_450 = arith.cmpi eq, %get3A_447, %eq3A_449 : vector<16xi32>
        %broadcast_in_dim3A_451 = vector.broadcast %squeeze3A : f32 to vector<16xf32>
        %broadcast_in_dim3A_452 = vector.broadcast %squeeze3A_25 : f32 to vector<16xf32>
        %select_n3A_453 = arith.select %eq3A_450, %broadcast_in_dim3A_451, %broadcast_in_dim3A_452 : vector<16xi1>, vector<16xf32>
        %add3A_454 = arith.addf %get3A_442, %select_n3A_453 : vector<16xf32>
        %neg3A_455 = arith.constant 0.000000e+00 : f32
        %neg3A_456 = vector.broadcast %neg3A_455 : f32 to vector<16xf32>
        %neg3A_457 = arith.subf %neg3A_456, %add3A_454 : vector<16xf32>
        %exp3A_458 = math.exp %neg3A_457 : vector<16xf32>
        %add3A_459 = arith.constant 1.000000e+00 : f32
        %add3A_460 = vector.broadcast %add3A_459 : f32 to vector<16xf32>
        %add3A_461 = arith.addf %add3A_460, %exp3A_458 : vector<16xf32>
        %div3A_462 = arith.constant 1.000000e+00 : f32
        %div3A_463 = vector.broadcast %div3A_462 : f32 to vector<16xf32>
        %div3A_464 = arith.divf %div3A_463, %add3A_461 : vector<16xf32>
        %mul3A_465 = arith.constant 16 : i32
        %mul3A_466 = arith.muli %mul3A_465, %scan3A_437 : i32
        %swap3A_467 = arith.index_cast %mul3A_466 : i32 to index
        %swap3A_468 = tpu.vector_load %arg16[%swap3A_467] {strides = array<i32>} : memref<256xf32, #tpu.memory_space<vmem>>, vector<16xf32>,
        %swap3A_469 = vector.shape_cast %swap3A_468 : vector<16xf32> to vector<16xf32>
        %swap3A_470 = vector.shape_cast %div3A_464 : vector<16xf32> to vector<16xf32>
        tpu.vector_store %arg16[%swap3A_467], %swap3A_470 {strides = array<i32>} : memref<256xf32, #tpu.memory_space<vmem>>, vector<16xf32>,
        %scan3A_471 = arith.constant 0 : i32
        scf.yield %scan3A_471 : i32
      }
      %scan3A_269 = arith.constant 16 : i32
      %scan3A_270 = arith.constant 0 : i32
      %scan3A_271 = arith.constant 0 : i32
      %scan3A_272 = arith.constant 16 : i32
      %scan3A_273 = arith.addi %scan3A_271, %scan3A_272 : i32
      %scan3A_274 = arith.constant 1 : i32
      %scan3A_275 = scf.for %scan3A_404 = %scan3A_271 to %scan3A_273 step %scan3A_274 iter_args(%scan3A_405 = %scan3A_270) -> (i32)  : i32 {
        %mul3A_406 = arith.constant 16 : i32
        %mul3A_407 = arith.muli %mul3A_406, %scan3A_404 : i32
        %get3A_408 = arith.index_cast %mul3A_407 : i32 to index
        %get3A_409 = tpu.vector_load %arg16[%get3A_408] {strides = array<i32>} : memref<256xf32, #tpu.memory_space<vmem>>, vector<16xf32>,
        %get3A_410 = vector.shape_cast %get3A_409 : vector<16xf32> to vector<16xf32>
        %mul3A_411 = arith.constant 16 : i32
        %mul3A_412 = arith.muli %mul3A_411, %scan3A_404 : i32
        %add3A_413 = arith.constant 0 : i32
        %add3A_414 = arith.addi %mul3A_412, %add3A_413 : i32
        %slice3A_415 = vector.extract_strided_slice %get3A_410 {offsets = [0], sizes = [1], strides = [1]} : vector<16xf32> to vector<1xf32>
        %squeeze3A_416 = vector.extract %slice3A_415[0] : f32 from vector<1xf32>
        %get3A_417 = arith.index_cast %add3A_414 : i32 to index
        %get3A_418 = arith.constant 0 : index
        %get3A_419 = tpu.vector_load %arg18[%get3A_417, %get3A_418] {strides = array<i32>} : memref<256x32xf32, #tpu.memory_space<vmem>>, vector<1x16xf32>,
        %get3A_420 = vector.shape_cast %get3A_419 : vector<1x16xf32> to vector<16xf32>
        %mul3A_421 = vector.broadcast %squeeze3A_416 : f32 to vector<16xf32>
        %mul3A_422 = arith.mulf %get3A_420, %mul3A_421 : vector<16xf32>
        %swap3A = arith.index_cast %add3A_414 : i32 to index
        %swap3A_423 = arith.constant 0 : index
        %swap3A_424 = tpu.vector_load %arg18[%swap3A, %swap3A_423] {strides = array<i32>} : memref<256x32xf32, #tpu.memory_space<vmem>>, vector<1x16xf32>,
        %swap3A_425 = vector.shape_cast %swap3A_424 : vector<1x16xf32> to vector<16xf32>
        %swap3A_426 = vector.shape_cast %mul3A_422 : vector<16xf32> to vector<1x16xf32>
        tpu.vector_store %arg18[%swap3A, %swap3A_423], %swap3A_426 {strides = array<i32>} : memref<256x32xf32, #tpu.memory_space<vmem>>, vector<1x16xf32>,
        %get3A_427 = arith.index_cast %add3A_414 : i32 to index
        %get3A_428 = arith.constant 16 : index
        %get3A_429 = tpu.vector_load %arg18[%get3A_427, %get3A_428] {strides = array<i32>} : memref<256x32xf32, #tpu.memory_space<vmem>>, vector<1x16xf32>,
        %get3A_430 = vector.shape_cast %get3A_429 : vector<1x16xf32> to vector<16xf32>
        %mul3A_431 = vector.broadcast %squeeze3A_416 : f32 to vector<16xf32>
        %mul3A_432 = arith.mulf %get3A_430, %mul3A_431 : vector<16xf32>
        %swap3A_433 = arith.index_cast %add3A_414 : i32 to index
        %swap3A_434 = arith.constant 16 : index
        %swap3A_435 = tpu.vector_load %arg18[%swap3A_433, %swap3A_434] {strides = array<i32>} : memref<256x32xf32, #tpu.memory_space<vmem>>, vector<1x16xf32>,
        %swap3A_436 = vector.shape_cast %swap3A_435 : vector<1x16xf32> to vector<16xf32>
        %swap3A_437 = vector.shape_cast %mul3A_432 : vector<16xf32> to vector<1x16xf32>
        tpu.vector_store %arg18[%swap3A_433, %swap3A_434], %swap3A_437 {strides = array<i32>} : memref<256x32xf32, #tpu.memory_space<vmem>>, vector<1x16xf32>,
        %mul3A_438 = arith.constant 16 : i32
        %mul3A_439 = arith.muli %mul3A_438, %scan3A_404 : i32
        %add3A_440 = arith.constant 1 : i32
        %add3A_441 = arith.addi %mul3A_439, %add3A_440 : i32
        %slice3A_442 = vector.extract_strided_slice %get3A_410 {offsets = [1], sizes = [1], strides = [1]} : vector<16xf32> to vector<1xf32>
        %squeeze3A_443 = vector.extract %slice3A_442[0] : f32 from vector<1xf32>
        %get3A_444 = arith.index_cast %add3A_441 : i32 to index
        %get3A_445 = arith.constant 0 : index
        %get3A_446 = tpu.vector_load %arg18[%get3A_444, %get3A_445] {strides = array<i32>} : memref<256x32xf32, #tpu.memory_space<vmem>>, vector<1x16xf32>,
        %get3A_447 = vector.shape_cast %get3A_446 : vector<1x16xf32> to vector<16xf32>
        %mul3A_448 = vector.broadcast %squeeze3A_443 : f32 to vector<16xf32>
        %mul3A_449 = arith.mulf %get3A_447, %mul3A_448 : vector<16xf32>
        %swap3A_450 = arith.index_cast %add3A_441 : i32 to index
        %swap3A_451 = arith.constant 0 : index
        %swap3A_452 = tpu.vector_load %arg18[%swap3A_450, %swap3A_451] {strides = array<i32>} : memref<256x32xf32, #tpu.memory_space<vmem>>, vector<1x16xf32>,
        %swap3A_453 = vector.shape_cast %swap3A_452 : vector<1x16xf32> to vector<16xf32>
        %swap3A_454 = vector.shape_cast %mul3A_449 : vector<16xf32> to vector<1x16xf32>
        tpu.vector_store %arg18[%swap3A_450, %swap3A_451], %swap3A_454 {strides = array<i32>} : memref<256x32xf32, #tpu.memory_space<vmem>>, vector<1x16xf32>,
        %get3A_455 = arith.index_cast %add3A_441 : i32 to index
        %get3A_456 = arith.constant 16 : index
        %get3A_457 = tpu.vector_load %arg18[%get3A_455, %get3A_456] {strides = array<i32>} : memref<256x32xf32, #tpu.memory_space<vmem>>, vector<1x16xf32>,
        %get3A_458 = vector.shape_cast %get3A_457 : vector<1x16xf32> to vector<16xf32>
        %mul3A_459 = vector.broadcast %squeeze3A_443 : f32 to vector<16xf32>
        %mul3A_460 = arith.mulf %get3A_458, %mul3A_459 : vector<16xf32>
        %swap3A_461 = arith.index_cast %add3A_441 : i32 to index
        %swap3A_462 = arith.constant 16 : index
        %swap3A_463 = tpu.vector_load %arg18[%swap3A_461, %swap3A_462] {strides = array<i32>} : memref<256x32xf32, #tpu.memory_space<vmem>>, vector<1x16xf32>,
        %swap3A_464 = vector.shape_cast %swap3A_463 : vector<1x16xf32> to vector<16xf32>
        %swap3A_465 = vector.shape_cast %mul3A_460 : vector<16xf32> to vector<1x16xf32>
        tpu.vector_store %arg18[%swap3A_461, %swap3A_462], %swap3A_465 {strides = array<i32>} : memref<256x32xf32, #tpu.memory_space<vmem>>, vector<1x16xf32>,
        %mul3A_466 = arith.constant 16 : i32
        %mul3A_467 = arith.muli %mul3A_466, %scan3A_404 : i32
        %add3A_468 = arith.constant 2 : i32
        %add3A_469 = arith.addi %mul3A_467, %add3A_468 : i32
        %slice3A_470 = vector.extract_strided_slice %get3A_410 {offsets = [2], sizes = [1], strides = [1]} : vector<16xf32> to vector<1xf32>
        %squeeze3A_471 = vector.extract %slice3A_470[0] : f32 from vector<1xf32>
        %get3A_472 = arith.index_cast %add3A_469 : i32 to index
        %get3A_473 = arith.constant 0 : index
        %get3A_474 = tpu.vector_load %arg18[%get3A_472, %get3A_473] {strides = array<i32>} : memref<256x32xf32, #tpu.memory_space<vmem>>, vector<1x16xf32>,
        %get3A_475 = vector.shape_cast %get3A_474 : vector<1x16xf32> to vector<16xf32>
        %mul3A_476 = vector.broadcast %squeeze3A_471 : f32 to vector<16xf32>
        %mul3A_477 = arith.mulf %get3A_475, %mul3A_476 : vector<16xf32>
        %swap3A_478 = arith.index_cast %add3A_469 : i32 to index
        %swap3A_479 = arith.constant 0 : index
        %swap3A_480 = tpu.vector_load %arg18[%swap3A_478, %swap3A_479] {strides = array<i32>} : memref<256x32xf32, #tpu.memory_space<vmem>>, vector<1x16xf32>,
        %swap3A_481 = vector.shape_cast %swap3A_480 : vector<1x16xf32> to vector<16xf32>
        %swap3A_482 = vector.shape_cast %mul3A_477 : vector<16xf32> to vector<1x16xf32>
        tpu.vector_store %arg18[%swap3A_478, %swap3A_479], %swap3A_482 {strides = array<i32>} : memref<256x32xf32, #tpu.memory_space<vmem>>, vector<1x16xf32>,
        %get3A_483 = arith.index_cast %add3A_469 : i32 to index
        %get3A_484 = arith.constant 16 : index
        %get3A_485 = tpu.vector_load %arg18[%get3A_483, %get3A_484] {strides = array<i32>} : memref<256x32xf32, #tpu.memory_space<vmem>>, vector<1x16xf32>,
        %get3A_486 = vector.shape_cast %get3A_485 : vector<1x16xf32> to vector<16xf32>
        %mul3A_487 = vector.broadcast %squeeze3A_471 : f32 to vector<16xf32>
        %mul3A_488 = arith.mulf %get3A_486, %mul3A_487 : vector<16xf32>
        %swap3A_489 = arith.index_cast %add3A_469 : i32 to index
        %swap3A_490 = arith.constant 16 : index
        %swap3A_491 = tpu.vector_load %arg18[%swap3A_489, %swap3A_490] {strides = array<i32>} : memref<256x32xf32, #tpu.memory_space<vmem>>, vector<1x16xf32>,
        %swap3A_492 = vector.shape_cast %swap3A_491 : vector<1x16xf32> to vector<16xf32>
        %swap3A_493 = vector.shape_cast %mul3A_488 : vector<16xf32> to vector<1x16xf32>
        tpu.vector_store %arg18[%swap3A_489, %swap3A_490], %swap3A_493 {strides = array<i32>} : memref<256x32xf32, #tpu.memory_space<vmem>>, vector<1x16xf32>,
        %mul3A_494 = arith.constant 16 : i32
        %mul3A_495 = arith.muli %mul3A_494, %scan3A_404 : i32
        %add3A_496 = arith.constant 3 : i32
        %add3A_497 = arith.addi %mul3A_495, %add3A_496 : i32
        %slice3A_498 = vector.extract_strided_slice %get3A_410 {offsets = [3], sizes = [1], strides = [1]} : vector<16xf32> to vector<1xf32>
        %squeeze3A_499 = vector.extract %slice3A_498[0] : f32 from vector<1xf32>
        %get3A_500 = arith.index_cast %add3A_497 : i32 to index
        %get3A_501 = arith.constant 0 : index
        %get3A_502 = tpu.vector_load %arg18[%get3A_500, %get3A_501] {strides = array<i32>} : memref<256x32xf32, #tpu.memory_space<vmem>>, vector<1x16xf32>,
        %get3A_503 = vector.shape_cast %get3A_502 : vector<1x16xf32> to vector<16xf32>
        %mul3A_504 = vector.broadcast %squeeze3A_499 : f32 to vector<16xf32>
        %mul3A_505 = arith.mulf %get3A_503, %mul3A_504 : vector<16xf32>
        %swap3A_506 = arith.index_cast %add3A_497 : i32 to index
        %swap3A_507 = arith.constant 0 : index
        %swap3A_508 = tpu.vector_load %arg18[%swap3A_506, %swap3A_507] {strides = array<i32>} : memref<256x32xf32, #tpu.memory_space<vmem>>, vector<1x16xf32>,
        %swap3A_509 = vector.shape_cast %swap3A_508 : vector<1x16xf32> to vector<16xf32>
        %swap3A_510 = vector.shape_cast %mul3A_505 : vector<16xf32> to vector<1x16xf32>
        tpu.vector_store %arg18[%swap3A_506, %swap3A_507], %swap3A_510 {strides = array<i32>} : memref<256x32xf32, #tpu.memory_space<vmem>>, vector<1x16xf32>,
        %get3A_511 = arith.index_cast %add3A_497 : i32 to index
        %get3A_512 = arith.constant 16 : index
        %get3A_513 = tpu.vector_load %arg18[%get3A_511, %get3A_512] {strides = array<i32>} : memref<256x32xf32, #tpu.memory_space<vmem>>, vector<1x16xf32>,
        %get3A_514 = vector.shape_cast %get3A_513 : vector<1x16xf32> to vector<16xf32>
        %mul3A_515 = vector.broadcast %squeeze3A_499 : f32 to vector<16xf32>
        %mul3A_516 = arith.mulf %get3A_514, %mul3A_515 : vector<16xf32>
        %swap3A_517 = arith.index_cast %add3A_497 : i32 to index
        %swap3A_518 = arith.constant 16 : index
        %swap3A_519 = tpu.vector_load %arg18[%swap3A_517, %swap3A_518] {strides = array<i32>} : memref<256x32xf32, #tpu.memory_space<vmem>>, vector<1x16xf32>,
        %swap3A_520 = vector.shape_cast %swap3A_519 : vector<1x16xf32> to vector<16xf32>
        %swap3A_521 = vector.shape_cast %mul3A_516 : vector<16xf32> to vector<1x16xf32>
        tpu.vector_store %arg18[%swap3A_517, %swap3A_518], %swap3A_521 {strides = array<i32>} : memref<256x32xf32, #tpu.memory_space<vmem>>, vector<1x16xf32>,
        %mul3A_522 = arith.constant 16 : i32
        %mul3A_523 = arith.muli %mul3A_522, %scan3A_404 : i32
        %add3A_524 = arith.constant 4 : i32
        %add3A_525 = arith.addi %mul3A_523, %add3A_524 : i32
        %slice3A_526 = vector.extract_strided_slice %get3A_410 {offsets = [4], sizes = [1], strides = [1]} : vector<16xf32> to vector<1xf32>
        %squeeze3A_527 = vector.extract %slice3A_526[0] : f32 from vector<1xf32>
        %get3A_528 = arith.index_cast %add3A_525 : i32 to index
        %get3A_529 = arith.constant 0 : index
        %get3A_530 = tpu.vector_load %arg18[%get3A_528, %get3A_529] {strides = array<i32>} : memref<256x32xf32, #tpu.memory_space<vmem>>, vector<1x16xf32>,
        %get3A_531 = vector.shape_cast %get3A_530 : vector<1x16xf32> to vector<16xf32>
        %mul3A_532 = vector.broadcast %squeeze3A_527 : f32 to vector<16xf32>
        %mul3A_533 = arith.mulf %get3A_531, %mul3A_532 : vector<16xf32>
        %swap3A_534 = arith.index_cast %add3A_525 : i32 to index
        %swap3A_535 = arith.constant 0 : index
        %swap3A_536 = tpu.vector_load %arg18[%swap3A_534, %swap3A_535] {strides = array<i32>} : memref<256x32xf32, #tpu.memory_space<vmem>>, vector<1x16xf32>,
        %swap3A_537 = vector.shape_cast %swap3A_536 : vector<1x16xf32> to vector<16xf32>
        %swap3A_538 = vector.shape_cast %mul3A_533 : vector<16xf32> to vector<1x16xf32>
        tpu.vector_store %arg18[%swap3A_534, %swap3A_535], %swap3A_538 {strides = array<i32>} : memref<256x32xf32, #tpu.memory_space<vmem>>, vector<1x16xf32>,
        %get3A_539 = arith.index_cast %add3A_525 : i32 to index
        %get3A_540 = arith.constant 16 : index
        %get3A_541 = tpu.vector_load %arg18[%get3A_539, %get3A_540] {strides = array<i32>} : memref<256x32xf32, #tpu.memory_space<vmem>>, vector<1x16xf32>,
        %get3A_542 = vector.shape_cast %get3A_541 : vector<1x16xf32> to vector<16xf32>
        %mul3A_543 = vector.broadcast %squeeze3A_527 : f32 to vector<16xf32>
        %mul3A_544 = arith.mulf %get3A_542, %mul3A_543 : vector<16xf32>
        %swap3A_545 = arith.index_cast %add3A_525 : i32 to index
        %swap3A_546 = arith.constant 16 : index
        %swap3A_547 = tpu.vector_load %arg18[%swap3A_545, %swap3A_546] {strides = array<i32>} : memref<256x32xf32, #tpu.memory_space<vmem>>, vector<1x16xf32>,
        %swap3A_548 = vector.shape_cast %swap3A_547 : vector<1x16xf32> to vector<16xf32>
        %swap3A_549 = vector.shape_cast %mul3A_544 : vector<16xf32> to vector<1x16xf32>
        tpu.vector_store %arg18[%swap3A_545, %swap3A_546], %swap3A_549 {strides = array<i32>} : memref<256x32xf32, #tpu.memory_space<vmem>>, vector<1x16xf32>,
        %mul3A_550 = arith.constant 16 : i32
        %mul3A_551 = arith.muli %mul3A_550, %scan3A_404 : i32
        %add3A_552 = arith.constant 5 : i32
        %add3A_553 = arith.addi %mul3A_551, %add3A_552 : i32
        %slice3A_554 = vector.extract_strided_slice %get3A_410 {offsets = [5], sizes = [1], strides = [1]} : vector<16xf32> to vector<1xf32>
        %squeeze3A_555 = vector.extract %slice3A_554[0] : f32 from vector<1xf32>
        %get3A_556 = arith.index_cast %add3A_553 : i32 to index
        %get3A_557 = arith.constant 0 : index
        %get3A_558 = tpu.vector_load %arg18[%get3A_556, %get3A_557] {strides = array<i32>} : memref<256x32xf32, #tpu.memory_space<vmem>>, vector<1x16xf32>,
        %get3A_559 = vector.shape_cast %get3A_558 : vector<1x16xf32> to vector<16xf32>
        %mul3A_560 = vector.broadcast %squeeze3A_555 : f32 to vector<16xf32>
        %mul3A_561 = arith.mulf %get3A_559, %mul3A_560 : vector<16xf32>
        %swap3A_562 = arith.index_cast %add3A_553 : i32 to index
        %swap3A_563 = arith.constant 0 : index
        %swap3A_564 = tpu.vector_load %arg18[%swap3A_562, %swap3A_563] {strides = array<i32>} : memref<256x32xf32, #tpu.memory_space<vmem>>, vector<1x16xf32>,
        %swap3A_565 = vector.shape_cast %swap3A_564 : vector<1x16xf32> to vector<16xf32>
        %swap3A_566 = vector.shape_cast %mul3A_561 : vector<16xf32> to vector<1x16xf32>
        tpu.vector_store %arg18[%swap3A_562, %swap3A_563], %swap3A_566 {strides = array<i32>} : memref<256x32xf32, #tpu.memory_space<vmem>>, vector<1x16xf32>,
        %get3A_567 = arith.index_cast %add3A_553 : i32 to index
        %get3A_568 = arith.constant 16 : index
        %get3A_569 = tpu.vector_load %arg18[%get3A_567, %get3A_568] {strides = array<i32>} : memref<256x32xf32, #tpu.memory_space<vmem>>, vector<1x16xf32>,
        %get3A_570 = vector.shape_cast %get3A_569 : vector<1x16xf32> to vector<16xf32>
        %mul3A_571 = vector.broadcast %squeeze3A_555 : f32 to vector<16xf32>
        %mul3A_572 = arith.mulf %get3A_570, %mul3A_571 : vector<16xf32>
        %swap3A_573 = arith.index_cast %add3A_553 : i32 to index
        %swap3A_574 = arith.constant 16 : index
        %swap3A_575 = tpu.vector_load %arg18[%swap3A_573, %swap3A_574] {strides = array<i32>} : memref<256x32xf32, #tpu.memory_space<vmem>>, vector<1x16xf32>,
        %swap3A_576 = vector.shape_cast %swap3A_575 : vector<1x16xf32> to vector<16xf32>
        %swap3A_577 = vector.shape_cast %mul3A_572 : vector<16xf32> to vector<1x16xf32>
        tpu.vector_store %arg18[%swap3A_573, %swap3A_574], %swap3A_577 {strides = array<i32>} : memref<256x32xf32, #tpu.memory_space<vmem>>, vector<1x16xf32>,
        %mul3A_578 = arith.constant 16 : i32
        %mul3A_579 = arith.muli %mul3A_578, %scan3A_404 : i32
        %add3A_580 = arith.constant 6 : i32
        %add3A_581 = arith.addi %mul3A_579, %add3A_580 : i32
        %slice3A_582 = vector.extract_strided_slice %get3A_410 {offsets = [6], sizes = [1], strides = [1]} : vector<16xf32> to vector<1xf32>
        %squeeze3A_583 = vector.extract %slice3A_582[0] : f32 from vector<1xf32>
        %get3A_584 = arith.index_cast %add3A_581 : i32 to index
        %get3A_585 = arith.constant 0 : index
        %get3A_586 = tpu.vector_load %arg18[%get3A_584, %get3A_585] {strides = array<i32>} : memref<256x32xf32, #tpu.memory_space<vmem>>, vector<1x16xf32>,
        %get3A_587 = vector.shape_cast %get3A_586 : vector<1x16xf32> to vector<16xf32>
        %mul3A_588 = vector.broadcast %squeeze3A_583 : f32 to vector<16xf32>
        %mul3A_589 = arith.mulf %get3A_587, %mul3A_588 : vector<16xf32>
        %swap3A_590 = arith.index_cast %add3A_581 : i32 to index
        %swap3A_591 = arith.constant 0 : index
        %swap3A_592 = tpu.vector_load %arg18[%swap3A_590, %swap3A_591] {strides = array<i32>} : memref<256x32xf32, #tpu.memory_space<vmem>>, vector<1x16xf32>,
        %swap3A_593 = vector.shape_cast %swap3A_592 : vector<1x16xf32> to vector<16xf32>
        %swap3A_594 = vector.shape_cast %mul3A_589 : vector<16xf32> to vector<1x16xf32>
        tpu.vector_store %arg18[%swap3A_590, %swap3A_591], %swap3A_594 {strides = array<i32>} : memref<256x32xf32, #tpu.memory_space<vmem>>, vector<1x16xf32>,
        %get3A_595 = arith.index_cast %add3A_581 : i32 to index
        %get3A_596 = arith.constant 16 : index
        %get3A_597 = tpu.vector_load %arg18[%get3A_595, %get3A_596] {strides = array<i32>} : memref<256x32xf32, #tpu.memory_space<vmem>>, vector<1x16xf32>,
        %get3A_598 = vector.shape_cast %get3A_597 : vector<1x16xf32> to vector<16xf32>
        %mul3A_599 = vector.broadcast %squeeze3A_583 : f32 to vector<16xf32>
        %mul3A_600 = arith.mulf %get3A_598, %mul3A_599 : vector<16xf32>
        %swap3A_601 = arith.index_cast %add3A_581 : i32 to index
        %swap3A_602 = arith.constant 16 : index
        %swap3A_603 = tpu.vector_load %arg18[%swap3A_601, %swap3A_602] {strides = array<i32>} : memref<256x32xf32, #tpu.memory_space<vmem>>, vector<1x16xf32>,
        %swap3A_604 = vector.shape_cast %swap3A_603 : vector<1x16xf32> to vector<16xf32>
        %swap3A_605 = vector.shape_cast %mul3A_600 : vector<16xf32> to vector<1x16xf32>
        tpu.vector_store %arg18[%swap3A_601, %swap3A_602], %swap3A_605 {strides = array<i32>} : memref<256x32xf32, #tpu.memory_space<vmem>>, vector<1x16xf32>,
        %mul3A_606 = arith.constant 16 : i32
        %mul3A_607 = arith.muli %mul3A_606, %scan3A_404 : i32
        %add3A_608 = arith.constant 7 : i32
        %add3A_609 = arith.addi %mul3A_607, %add3A_608 : i32
        %slice3A_610 = vector.extract_strided_slice %get3A_410 {offsets = [7], sizes = [1], strides = [1]} : vector<16xf32> to vector<1xf32>
        %squeeze3A_611 = vector.extract %slice3A_610[0] : f32 from vector<1xf32>
        %get3A_612 = arith.index_cast %add3A_609 : i32 to index
        %get3A_613 = arith.constant 0 : index
        %get3A_614 = tpu.vector_load %arg18[%get3A_612, %get3A_613] {strides = array<i32>} : memref<256x32xf32, #tpu.memory_space<vmem>>, vector<1x16xf32>,
        %get3A_615 = vector.shape_cast %get3A_614 : vector<1x16xf32> to vector<16xf32>
        %mul3A_616 = vector.broadcast %squeeze3A_611 : f32 to vector<16xf32>
        %mul3A_617 = arith.mulf %get3A_615, %mul3A_616 : vector<16xf32>
        %swap3A_618 = arith.index_cast %add3A_609 : i32 to index
        %swap3A_619 = arith.constant 0 : index
        %swap3A_620 = tpu.vector_load %arg18[%swap3A_618, %swap3A_619] {strides = array<i32>} : memref<256x32xf32, #tpu.memory_space<vmem>>, vector<1x16xf32>,
        %swap3A_621 = vector.shape_cast %swap3A_620 : vector<1x16xf32> to vector<16xf32>
        %swap3A_622 = vector.shape_cast %mul3A_617 : vector<16xf32> to vector<1x16xf32>
        tpu.vector_store %arg18[%swap3A_618, %swap3A_619], %swap3A_622 {strides = array<i32>} : memref<256x32xf32, #tpu.memory_space<vmem>>, vector<1x16xf32>,
        %get3A_623 = arith.index_cast %add3A_609 : i32 to index
        %get3A_624 = arith.constant 16 : index
        %get3A_625 = tpu.vector_load %arg18[%get3A_623, %get3A_624] {strides = array<i32>} : memref<256x32xf32, #tpu.memory_space<vmem>>, vector<1x16xf32>,
        %get3A_626 = vector.shape_cast %get3A_625 : vector<1x16xf32> to vector<16xf32>
        %mul3A_627 = vector.broadcast %squeeze3A_611 : f32 to vector<16xf32>
        %mul3A_628 = arith.mulf %get3A_626, %mul3A_627 : vector<16xf32>
        %swap3A_629 = arith.index_cast %add3A_609 : i32 to index
        %swap3A_630 = arith.constant 16 : index
        %swap3A_631 = tpu.vector_load %arg18[%swap3A_629, %swap3A_630] {strides = array<i32>} : memref<256x32xf32, #tpu.memory_space<vmem>>, vector<1x16xf32>,
        %swap3A_632 = vector.shape_cast %swap3A_631 : vector<1x16xf32> to vector<16xf32>
        %swap3A_633 = vector.shape_cast %mul3A_628 : vector<16xf32> to vector<1x16xf32>
        tpu.vector_store %arg18[%swap3A_629, %swap3A_630], %swap3A_633 {strides = array<i32>} : memref<256x32xf32, #tpu.memory_space<vmem>>, vector<1x16xf32>,
        %mul3A_634 = arith.constant 16 : i32
        %mul3A_635 = arith.muli %mul3A_634, %scan3A_404 : i32
        %add3A_636 = arith.constant 8 : i32
        %add3A_637 = arith.addi %mul3A_635, %add3A_636 : i32
        %slice3A_638 = vector.extract_strided_slice %get3A_410 {offsets = [8], sizes = [1], strides = [1]} : vector<16xf32> to vector<1xf32>
        %squeeze3A_639 = vector.extract %slice3A_638[0] : f32 from vector<1xf32>
        %get3A_640 = arith.index_cast %add3A_637 : i32 to index
        %get3A_641 = arith.constant 0 : index
        %get3A_642 = tpu.vector_load %arg18[%get3A_640, %get3A_641] {strides = array<i32>} : memref<256x32xf32, #tpu.memory_space<vmem>>, vector<1x16xf32>,
        %get3A_643 = vector.shape_cast %get3A_642 : vector<1x16xf32> to vector<16xf32>
        %mul3A_644 = vector.broadcast %squeeze3A_639 : f32 to vector<16xf32>
        %mul3A_645 = arith.mulf %get3A_643, %mul3A_644 : vector<16xf32>
        %swap3A_646 = arith.index_cast %add3A_637 : i32 to index
        %swap3A_647 = arith.constant 0 : index
        %swap3A_648 = tpu.vector_load %arg18[%swap3A_646, %swap3A_647] {strides = array<i32>} : memref<256x32xf32, #tpu.memory_space<vmem>>, vector<1x16xf32>,
        %swap3A_649 = vector.shape_cast %swap3A_648 : vector<1x16xf32> to vector<16xf32>
        %swap3A_650 = vector.shape_cast %mul3A_645 : vector<16xf32> to vector<1x16xf32>
        tpu.vector_store %arg18[%swap3A_646, %swap3A_647], %swap3A_650 {strides = array<i32>} : memref<256x32xf32, #tpu.memory_space<vmem>>, vector<1x16xf32>,
        %get3A_651 = arith.index_cast %add3A_637 : i32 to index
        %get3A_652 = arith.constant 16 : index
        %get3A_653 = tpu.vector_load %arg18[%get3A_651, %get3A_652] {strides = array<i32>} : memref<256x32xf32, #tpu.memory_space<vmem>>, vector<1x16xf32>,
        %get3A_654 = vector.shape_cast %get3A_653 : vector<1x16xf32> to vector<16xf32>
        %mul3A_655 = vector.broadcast %squeeze3A_639 : f32 to vector<16xf32>
        %mul3A_656 = arith.mulf %get3A_654, %mul3A_655 : vector<16xf32>
        %swap3A_657 = arith.index_cast %add3A_637 : i32 to index
        %swap3A_658 = arith.constant 16 : index
        %swap3A_659 = tpu.vector_load %arg18[%swap3A_657, %swap3A_658] {strides = array<i32>} : memref<256x32xf32, #tpu.memory_space<vmem>>, vector<1x16xf32>,
        %swap3A_660 = vector.shape_cast %swap3A_659 : vector<1x16xf32> to vector<16xf32>
        %swap3A_661 = vector.shape_cast %mul3A_656 : vector<16xf32> to vector<1x16xf32>
        tpu.vector_store %arg18[%swap3A_657, %swap3A_658], %swap3A_661 {strides = array<i32>} : memref<256x32xf32, #tpu.memory_space<vmem>>, vector<1x16xf32>,
        %mul3A_662 = arith.constant 16 : i32
        %mul3A_663 = arith.muli %mul3A_662, %scan3A_404 : i32
        %add3A_664 = arith.constant 9 : i32
        %add3A_665 = arith.addi %mul3A_663, %add3A_664 : i32
        %slice3A_666 = vector.extract_strided_slice %get3A_410 {offsets = [9], sizes = [1], strides = [1]} : vector<16xf32> to vector<1xf32>
        %squeeze3A_667 = vector.extract %slice3A_666[0] : f32 from vector<1xf32>
        %get3A_668 = arith.index_cast %add3A_665 : i32 to index
        %get3A_669 = arith.constant 0 : index
        %get3A_670 = tpu.vector_load %arg18[%get3A_668, %get3A_669] {strides = array<i32>} : memref<256x32xf32, #tpu.memory_space<vmem>>, vector<1x16xf32>,
        %get3A_671 = vector.shape_cast %get3A_670 : vector<1x16xf32> to vector<16xf32>
        %mul3A_672 = vector.broadcast %squeeze3A_667 : f32 to vector<16xf32>
        %mul3A_673 = arith.mulf %get3A_671, %mul3A_672 : vector<16xf32>
        %swap3A_674 = arith.index_cast %add3A_665 : i32 to index
        %swap3A_675 = arith.constant 0 : index
        %swap3A_676 = tpu.vector_load %arg18[%swap3A_674, %swap3A_675] {strides = array<i32>} : memref<256x32xf32, #tpu.memory_space<vmem>>, vector<1x16xf32>,
        %swap3A_677 = vector.shape_cast %swap3A_676 : vector<1x16xf32> to vector<16xf32>
        %swap3A_678 = vector.shape_cast %mul3A_673 : vector<16xf32> to vector<1x16xf32>
        tpu.vector_store %arg18[%swap3A_674, %swap3A_675], %swap3A_678 {strides = array<i32>} : memref<256x32xf32, #tpu.memory_space<vmem>>, vector<1x16xf32>,
        %get3A_679 = arith.index_cast %add3A_665 : i32 to index
        %get3A_680 = arith.constant 16 : index
        %get3A_681 = tpu.vector_load %arg18[%get3A_679, %get3A_680] {strides = array<i32>} : memref<256x32xf32, #tpu.memory_space<vmem>>, vector<1x16xf32>,
        %get3A_682 = vector.shape_cast %get3A_681 : vector<1x16xf32> to vector<16xf32>
        %mul3A_683 = vector.broadcast %squeeze3A_667 : f32 to vector<16xf32>
        %mul3A_684 = arith.mulf %get3A_682, %mul3A_683 : vector<16xf32>
        %swap3A_685 = arith.index_cast %add3A_665 : i32 to index
        %swap3A_686 = arith.constant 16 : index
        %swap3A_687 = tpu.vector_load %arg18[%swap3A_685, %swap3A_686] {strides = array<i32>} : memref<256x32xf32, #tpu.memory_space<vmem>>, vector<1x16xf32>,
        %swap3A_688 = vector.shape_cast %swap3A_687 : vector<1x16xf32> to vector<16xf32>
        %swap3A_689 = vector.shape_cast %mul3A_684 : vector<16xf32> to vector<1x16xf32>
        tpu.vector_store %arg18[%swap3A_685, %swap3A_686], %swap3A_689 {strides = array<i32>} : memref<256x32xf32, #tpu.memory_space<vmem>>, vector<1x16xf32>,
        %mul3A_690 = arith.constant 16 : i32
        %mul3A_691 = arith.muli %mul3A_690, %scan3A_404 : i32
        %add3A_692 = arith.constant 10 : i32
        %add3A_693 = arith.addi %mul3A_691, %add3A_692 : i32
        %slice3A_694 = vector.extract_strided_slice %get3A_410 {offsets = [10], sizes = [1], strides = [1]} : vector<16xf32> to vector<1xf32>
        %squeeze3A_695 = vector.extract %slice3A_694[0] : f32 from vector<1xf32>
        %get3A_696 = arith.index_cast %add3A_693 : i32 to index
        %get3A_697 = arith.constant 0 : index
        %get3A_698 = tpu.vector_load %arg18[%get3A_696, %get3A_697] {strides = array<i32>} : memref<256x32xf32, #tpu.memory_space<vmem>>, vector<1x16xf32>,
        %get3A_699 = vector.shape_cast %get3A_698 : vector<1x16xf32> to vector<16xf32>
        %mul3A_700 = vector.broadcast %squeeze3A_695 : f32 to vector<16xf32>
        %mul3A_701 = arith.mulf %get3A_699, %mul3A_700 : vector<16xf32>
        %swap3A_702 = arith.index_cast %add3A_693 : i32 to index
        %swap3A_703 = arith.constant 0 : index
        %swap3A_704 = tpu.vector_load %arg18[%swap3A_702, %swap3A_703] {strides = array<i32>} : memref<256x32xf32, #tpu.memory_space<vmem>>, vector<1x16xf32>,
        %swap3A_705 = vector.shape_cast %swap3A_704 : vector<1x16xf32> to vector<16xf32>
        %swap3A_706 = vector.shape_cast %mul3A_701 : vector<16xf32> to vector<1x16xf32>
        tpu.vector_store %arg18[%swap3A_702, %swap3A_703], %swap3A_706 {strides = array<i32>} : memref<256x32xf32, #tpu.memory_space<vmem>>, vector<1x16xf32>,
        %get3A_707 = arith.index_cast %add3A_693 : i32 to index
        %get3A_708 = arith.constant 16 : index
        %get3A_709 = tpu.vector_load %arg18[%get3A_707, %get3A_708] {strides = array<i32>} : memref<256x32xf32, #tpu.memory_space<vmem>>, vector<1x16xf32>,
        %get3A_710 = vector.shape_cast %get3A_709 : vector<1x16xf32> to vector<16xf32>
        %mul3A_711 = vector.broadcast %squeeze3A_695 : f32 to vector<16xf32>
        %mul3A_712 = arith.mulf %get3A_710, %mul3A_711 : vector<16xf32>
        %swap3A_713 = arith.index_cast %add3A_693 : i32 to index
        %swap3A_714 = arith.constant 16 : index
        %swap3A_715 = tpu.vector_load %arg18[%swap3A_713, %swap3A_714] {strides = array<i32>} : memref<256x32xf32, #tpu.memory_space<vmem>>, vector<1x16xf32>,
        %swap3A_716 = vector.shape_cast %swap3A_715 : vector<1x16xf32> to vector<16xf32>
        %swap3A_717 = vector.shape_cast %mul3A_712 : vector<16xf32> to vector<1x16xf32>
        tpu.vector_store %arg18[%swap3A_713, %swap3A_714], %swap3A_717 {strides = array<i32>} : memref<256x32xf32, #tpu.memory_space<vmem>>, vector<1x16xf32>,
        %mul3A_718 = arith.constant 16 : i32
        %mul3A_719 = arith.muli %mul3A_718, %scan3A_404 : i32
        %add3A_720 = arith.constant 11 : i32
        %add3A_721 = arith.addi %mul3A_719, %add3A_720 : i32
        %slice3A_722 = vector.extract_strided_slice %get3A_410 {offsets = [11], sizes = [1], strides = [1]} : vector<16xf32> to vector<1xf32>
        %squeeze3A_723 = vector.extract %slice3A_722[0] : f32 from vector<1xf32>
        %get3A_724 = arith.index_cast %add3A_721 : i32 to index
        %get3A_725 = arith.constant 0 : index
        %get3A_726 = tpu.vector_load %arg18[%get3A_724, %get3A_725] {strides = array<i32>} : memref<256x32xf32, #tpu.memory_space<vmem>>, vector<1x16xf32>,
        %get3A_727 = vector.shape_cast %get3A_726 : vector<1x16xf32> to vector<16xf32>
        %mul3A_728 = vector.broadcast %squeeze3A_723 : f32 to vector<16xf32>
        %mul3A_729 = arith.mulf %get3A_727, %mul3A_728 : vector<16xf32>
        %swap3A_730 = arith.index_cast %add3A_721 : i32 to index
        %swap3A_731 = arith.constant 0 : index
        %swap3A_732 = tpu.vector_load %arg18[%swap3A_730, %swap3A_731] {strides = array<i32>} : memref<256x32xf32, #tpu.memory_space<vmem>>, vector<1x16xf32>,
        %swap3A_733 = vector.shape_cast %swap3A_732 : vector<1x16xf32> to vector<16xf32>
        %swap3A_734 = vector.shape_cast %mul3A_729 : vector<16xf32> to vector<1x16xf32>
        tpu.vector_store %arg18[%swap3A_730, %swap3A_731], %swap3A_734 {strides = array<i32>} : memref<256x32xf32, #tpu.memory_space<vmem>>, vector<1x16xf32>,
        %get3A_735 = arith.index_cast %add3A_721 : i32 to index
        %get3A_736 = arith.constant 16 : index
        %get3A_737 = tpu.vector_load %arg18[%get3A_735, %get3A_736] {strides = array<i32>} : memref<256x32xf32, #tpu.memory_space<vmem>>, vector<1x16xf32>,
        %get3A_738 = vector.shape_cast %get3A_737 : vector<1x16xf32> to vector<16xf32>
        %mul3A_739 = vector.broadcast %squeeze3A_723 : f32 to vector<16xf32>
        %mul3A_740 = arith.mulf %get3A_738, %mul3A_739 : vector<16xf32>
        %swap3A_741 = arith.index_cast %add3A_721 : i32 to index
        %swap3A_742 = arith.constant 16 : index
        %swap3A_743 = tpu.vector_load %arg18[%swap3A_741, %swap3A_742] {strides = array<i32>} : memref<256x32xf32, #tpu.memory_space<vmem>>, vector<1x16xf32>,
        %swap3A_744 = vector.shape_cast %swap3A_743 : vector<1x16xf32> to vector<16xf32>
        %swap3A_745 = vector.shape_cast %mul3A_740 : vector<16xf32> to vector<1x16xf32>
        tpu.vector_store %arg18[%swap3A_741, %swap3A_742], %swap3A_745 {strides = array<i32>} : memref<256x32xf32, #tpu.memory_space<vmem>>, vector<1x16xf32>,
        %mul3A_746 = arith.constant 16 : i32
        %mul3A_747 = arith.muli %mul3A_746, %scan3A_404 : i32
        %add3A_748 = arith.constant 12 : i32
        %add3A_749 = arith.addi %mul3A_747, %add3A_748 : i32
        %slice3A_750 = vector.extract_strided_slice %get3A_410 {offsets = [12], sizes = [1], strides = [1]} : vector<16xf32> to vector<1xf32>
        %squeeze3A_751 = vector.extract %slice3A_750[0] : f32 from vector<1xf32>
        %get3A_752 = arith.index_cast %add3A_749 : i32 to index
        %get3A_753 = arith.constant 0 : index
        %get3A_754 = tpu.vector_load %arg18[%get3A_752, %get3A_753] {strides = array<i32>} : memref<256x32xf32, #tpu.memory_space<vmem>>, vector<1x16xf32>,
        %get3A_755 = vector.shape_cast %get3A_754 : vector<1x16xf32> to vector<16xf32>
        %mul3A_756 = vector.broadcast %squeeze3A_751 : f32 to vector<16xf32>
        %mul3A_757 = arith.mulf %get3A_755, %mul3A_756 : vector<16xf32>
        %swap3A_758 = arith.index_cast %add3A_749 : i32 to index
        %swap3A_759 = arith.constant 0 : index
        %swap3A_760 = tpu.vector_load %arg18[%swap3A_758, %swap3A_759] {strides = array<i32>} : memref<256x32xf32, #tpu.memory_space<vmem>>, vector<1x16xf32>,
        %swap3A_761 = vector.shape_cast %swap3A_760 : vector<1x16xf32> to vector<16xf32>
        %swap3A_762 = vector.shape_cast %mul3A_757 : vector<16xf32> to vector<1x16xf32>
        tpu.vector_store %arg18[%swap3A_758, %swap3A_759], %swap3A_762 {strides = array<i32>} : memref<256x32xf32, #tpu.memory_space<vmem>>, vector<1x16xf32>,
        %get3A_763 = arith.index_cast %add3A_749 : i32 to index
        %get3A_764 = arith.constant 16 : index
        %get3A_765 = tpu.vector_load %arg18[%get3A_763, %get3A_764] {strides = array<i32>} : memref<256x32xf32, #tpu.memory_space<vmem>>, vector<1x16xf32>,
        %get3A_766 = vector.shape_cast %get3A_765 : vector<1x16xf32> to vector<16xf32>
        %mul3A_767 = vector.broadcast %squeeze3A_751 : f32 to vector<16xf32>
        %mul3A_768 = arith.mulf %get3A_766, %mul3A_767 : vector<16xf32>
        %swap3A_769 = arith.index_cast %add3A_749 : i32 to index
        %swap3A_770 = arith.constant 16 : index
        %swap3A_771 = tpu.vector_load %arg18[%swap3A_769, %swap3A_770] {strides = array<i32>} : memref<256x32xf32, #tpu.memory_space<vmem>>, vector<1x16xf32>,
        %swap3A_772 = vector.shape_cast %swap3A_771 : vector<1x16xf32> to vector<16xf32>
        %swap3A_773 = vector.shape_cast %mul3A_768 : vector<16xf32> to vector<1x16xf32>
        tpu.vector_store %arg18[%swap3A_769, %swap3A_770], %swap3A_773 {strides = array<i32>} : memref<256x32xf32, #tpu.memory_space<vmem>>, vector<1x16xf32>,
        %mul3A_774 = arith.constant 16 : i32
        %mul3A_775 = arith.muli %mul3A_774, %scan3A_404 : i32
        %add3A_776 = arith.constant 13 : i32
        %add3A_777 = arith.addi %mul3A_775, %add3A_776 : i32
        %slice3A_778 = vector.extract_strided_slice %get3A_410 {offsets = [13], sizes = [1], strides = [1]} : vector<16xf32> to vector<1xf32>
        %squeeze3A_779 = vector.extract %slice3A_778[0] : f32 from vector<1xf32>
        %get3A_780 = arith.index_cast %add3A_777 : i32 to index
        %get3A_781 = arith.constant 0 : index
        %get3A_782 = tpu.vector_load %arg18[%get3A_780, %get3A_781] {strides = array<i32>} : memref<256x32xf32, #tpu.memory_space<vmem>>, vector<1x16xf32>,
        %get3A_783 = vector.shape_cast %get3A_782 : vector<1x16xf32> to vector<16xf32>
        %mul3A_784 = vector.broadcast %squeeze3A_779 : f32 to vector<16xf32>
        %mul3A_785 = arith.mulf %get3A_783, %mul3A_784 : vector<16xf32>
        %swap3A_786 = arith.index_cast %add3A_777 : i32 to index
        %swap3A_787 = arith.constant 0 : index
        %swap3A_788 = tpu.vector_load %arg18[%swap3A_786, %swap3A_787] {strides = array<i32>} : memref<256x32xf32, #tpu.memory_space<vmem>>, vector<1x16xf32>,
        %swap3A_789 = vector.shape_cast %swap3A_788 : vector<1x16xf32> to vector<16xf32>
        %swap3A_790 = vector.shape_cast %mul3A_785 : vector<16xf32> to vector<1x16xf32>
        tpu.vector_store %arg18[%swap3A_786, %swap3A_787], %swap3A_790 {strides = array<i32>} : memref<256x32xf32, #tpu.memory_space<vmem>>, vector<1x16xf32>,
        %get3A_791 = arith.index_cast %add3A_777 : i32 to index
        %get3A_792 = arith.constant 16 : index
        %get3A_793 = tpu.vector_load %arg18[%get3A_791, %get3A_792] {strides = array<i32>} : memref<256x32xf32, #tpu.memory_space<vmem>>, vector<1x16xf32>,
        %get3A_794 = vector.shape_cast %get3A_793 : vector<1x16xf32> to vector<16xf32>
        %mul3A_795 = vector.broadcast %squeeze3A_779 : f32 to vector<16xf32>
        %mul3A_796 = arith.mulf %get3A_794, %mul3A_795 : vector<16xf32>
        %swap3A_797 = arith.index_cast %add3A_777 : i32 to index
        %swap3A_798 = arith.constant 16 : index
        %swap3A_799 = tpu.vector_load %arg18[%swap3A_797, %swap3A_798] {strides = array<i32>} : memref<256x32xf32, #tpu.memory_space<vmem>>, vector<1x16xf32>,
        %swap3A_800 = vector.shape_cast %swap3A_799 : vector<1x16xf32> to vector<16xf32>
        %swap3A_801 = vector.shape_cast %mul3A_796 : vector<16xf32> to vector<1x16xf32>
        tpu.vector_store %arg18[%swap3A_797, %swap3A_798], %swap3A_801 {strides = array<i32>} : memref<256x32xf32, #tpu.memory_space<vmem>>, vector<1x16xf32>,
        %mul3A_802 = arith.constant 16 : i32
        %mul3A_803 = arith.muli %mul3A_802, %scan3A_404 : i32
        %add3A_804 = arith.constant 14 : i32
        %add3A_805 = arith.addi %mul3A_803, %add3A_804 : i32
        %slice3A_806 = vector.extract_strided_slice %get3A_410 {offsets = [14], sizes = [1], strides = [1]} : vector<16xf32> to vector<1xf32>
        %squeeze3A_807 = vector.extract %slice3A_806[0] : f32 from vector<1xf32>
        %get3A_808 = arith.index_cast %add3A_805 : i32 to index
        %get3A_809 = arith.constant 0 : index
        %get3A_810 = tpu.vector_load %arg18[%get3A_808, %get3A_809] {strides = array<i32>} : memref<256x32xf32, #tpu.memory_space<vmem>>, vector<1x16xf32>,
        %get3A_811 = vector.shape_cast %get3A_810 : vector<1x16xf32> to vector<16xf32>
        %mul3A_812 = vector.broadcast %squeeze3A_807 : f32 to vector<16xf32>
        %mul3A_813 = arith.mulf %get3A_811, %mul3A_812 : vector<16xf32>
        %swap3A_814 = arith.index_cast %add3A_805 : i32 to index
        %swap3A_815 = arith.constant 0 : index
        %swap3A_816 = tpu.vector_load %arg18[%swap3A_814, %swap3A_815] {strides = array<i32>} : memref<256x32xf32, #tpu.memory_space<vmem>>, vector<1x16xf32>,
        %swap3A_817 = vector.shape_cast %swap3A_816 : vector<1x16xf32> to vector<16xf32>
        %swap3A_818 = vector.shape_cast %mul3A_813 : vector<16xf32> to vector<1x16xf32>
        tpu.vector_store %arg18[%swap3A_814, %swap3A_815], %swap3A_818 {strides = array<i32>} : memref<256x32xf32, #tpu.memory_space<vmem>>, vector<1x16xf32>,
        %get3A_819 = arith.index_cast %add3A_805 : i32 to index
        %get3A_820 = arith.constant 16 : index
        %get3A_821 = tpu.vector_load %arg18[%get3A_819, %get3A_820] {strides = array<i32>} : memref<256x32xf32, #tpu.memory_space<vmem>>, vector<1x16xf32>,
        %get3A_822 = vector.shape_cast %get3A_821 : vector<1x16xf32> to vector<16xf32>
        %mul3A_823 = vector.broadcast %squeeze3A_807 : f32 to vector<16xf32>
        %mul3A_824 = arith.mulf %get3A_822, %mul3A_823 : vector<16xf32>
        %swap3A_825 = arith.index_cast %add3A_805 : i32 to index
        %swap3A_826 = arith.constant 16 : index
        %swap3A_827 = tpu.vector_load %arg18[%swap3A_825, %swap3A_826] {strides = array<i32>} : memref<256x32xf32, #tpu.memory_space<vmem>>, vector<1x16xf32>,
        %swap3A_828 = vector.shape_cast %swap3A_827 : vector<1x16xf32> to vector<16xf32>
        %swap3A_829 = vector.shape_cast %mul3A_824 : vector<16xf32> to vector<1x16xf32>
        tpu.vector_store %arg18[%swap3A_825, %swap3A_826], %swap3A_829 {strides = array<i32>} : memref<256x32xf32, #tpu.memory_space<vmem>>, vector<1x16xf32>,
        %mul3A_830 = arith.constant 16 : i32
        %mul3A_831 = arith.muli %mul3A_830, %scan3A_404 : i32
        %add3A_832 = arith.constant 15 : i32
        %add3A_833 = arith.addi %mul3A_831, %add3A_832 : i32
        %slice3A_834 = vector.extract_strided_slice %get3A_410 {offsets = [15], sizes = [1], strides = [1]} : vector<16xf32> to vector<1xf32>
        %squeeze3A_835 = vector.extract %slice3A_834[0] : f32 from vector<1xf32>
        %get3A_836 = arith.index_cast %add3A_833 : i32 to index
        %get3A_837 = arith.constant 0 : index
        %get3A_838 = tpu.vector_load %arg18[%get3A_836, %get3A_837] {strides = array<i32>} : memref<256x32xf32, #tpu.memory_space<vmem>>, vector<1x16xf32>,
        %get3A_839 = vector.shape_cast %get3A_838 : vector<1x16xf32> to vector<16xf32>
        %mul3A_840 = vector.broadcast %squeeze3A_835 : f32 to vector<16xf32>
        %mul3A_841 = arith.mulf %get3A_839, %mul3A_840 : vector<16xf32>
        %swap3A_842 = arith.index_cast %add3A_833 : i32 to index
        %swap3A_843 = arith.constant 0 : index
        %swap3A_844 = tpu.vector_load %arg18[%swap3A_842, %swap3A_843] {strides = array<i32>} : memref<256x32xf32, #tpu.memory_space<vmem>>, vector<1x16xf32>,
        %swap3A_845 = vector.shape_cast %swap3A_844 : vector<1x16xf32> to vector<16xf32>
        %swap3A_846 = vector.shape_cast %mul3A_841 : vector<16xf32> to vector<1x16xf32>
        tpu.vector_store %arg18[%swap3A_842, %swap3A_843], %swap3A_846 {strides = array<i32>} : memref<256x32xf32, #tpu.memory_space<vmem>>, vector<1x16xf32>,
        %get3A_847 = arith.index_cast %add3A_833 : i32 to index
        %get3A_848 = arith.constant 16 : index
        %get3A_849 = tpu.vector_load %arg18[%get3A_847, %get3A_848] {strides = array<i32>} : memref<256x32xf32, #tpu.memory_space<vmem>>, vector<1x16xf32>,
        %get3A_850 = vector.shape_cast %get3A_849 : vector<1x16xf32> to vector<16xf32>
        %mul3A_851 = vector.broadcast %squeeze3A_835 : f32 to vector<16xf32>
        %mul3A_852 = arith.mulf %get3A_850, %mul3A_851 : vector<16xf32>
        %swap3A_853 = arith.index_cast %add3A_833 : i32 to index
        %swap3A_854 = arith.constant 16 : index
        %swap3A_855 = tpu.vector_load %arg18[%swap3A_853, %swap3A_854] {strides = array<i32>} : memref<256x32xf32, #tpu.memory_space<vmem>>, vector<1x16xf32>,
        %swap3A_856 = vector.shape_cast %swap3A_855 : vector<1x16xf32> to vector<16xf32>
        %swap3A_857 = vector.shape_cast %mul3A_852 : vector<16xf32> to vector<1x16xf32>
        tpu.vector_store %arg18[%swap3A_853, %swap3A_854], %swap3A_857 {strides = array<i32>} : memref<256x32xf32, #tpu.memory_space<vmem>>, vector<1x16xf32>,
        %scan3A_858 = arith.constant 0 : i32
        scf.yield %scan3A_858 : i32
      }
      %scan3A_276 = arith.constant 16 : i32
      %dma_start3A_277 = arith.constant 0 : i32
      %dma_start3A_278 = arith.constant 0 : i32
      %dma_start3A_279 = arith.constant 0 : i32
      %dma_start3A_280 = tpu.memref_slice %arg18[%dma_start3A_278, %dma_start3A_279] : memref<256x32xf32, #tpu.memory_space<vmem>> -> memref<128x32xf32, #tpu.memory_space<vmem>>
      %dma_start3A_281 = arith.constant 0 : i32
      %dma_start3A_282 = tpu.memref_slice %arg10[%dma_start3A_277, %dma_start3A_281] : memref<2x128xi32, #tpu.memory_space<vmem>> -> memref<1x128xi32, #tpu.memory_space<vmem>>
      %dma_start3A_283 = tpu.memref_squeeze %dma_start3A_282 : memref<1x128xi32, #tpu.memory_space<vmem>> -> memref<128xi32, #tpu.memory_space<vmem>>
      %dma_start3A_284 = arith.constant 0 : i32
      %dma_start3A_285 = arith.constant 0 : i32
      %dma_start3A_286 = tpu.memref_slice %arg9[%dma_start3A_284, %dma_start3A_285] : memref<50008x32xf32, #tpu.memory_space<vmem_shared>> -> memref<50008x32xf32, #tpu.memory_space<vmem_shared>>
      tpu.enqueue_indirect_dma source(%dma_start3A_280 : memref<128x32xf32, #tpu.memory_space<vmem>>) target(%dma_start3A_286 : memref<50008x32xf32, #tpu.memory_space<vmem_shared>>) offsets(%dma_start3A_283 : memref<128xi32, #tpu.memory_space<vmem>>) semaphore(%arg25 : memref<!tpu.dma_semaphore, #tpu.memory_space<semaphore_mem>>) {add = true}
      %dma_start3A_287 = arith.constant 1 : i32
      %dma_start3A_288 = arith.constant 128 : i32
      %dma_start3A_289 = arith.constant 0 : i32
      %dma_start3A_290 = tpu.memref_slice %arg18[%dma_start3A_288, %dma_start3A_289] : memref<256x32xf32, #tpu.memory_space<vmem>> -> memref<128x32xf32, #tpu.memory_space<vmem>>
      %dma_start3A_291 = arith.constant 0 : i32
      %dma_start3A_292 = tpu.memref_slice %arg10[%dma_start3A_287, %dma_start3A_291] : memref<2x128xi32, #tpu.memory_space<vmem>> -> memref<1x128xi32, #tpu.memory_space<vmem>>
      %dma_start3A_293 = tpu.memref_squeeze %dma_start3A_292 : memref<1x128xi32, #tpu.memory_space<vmem>> -> memref<128xi32, #tpu.memory_space<vmem>>
      %dma_start3A_294 = arith.constant 0 : i32
      %dma_start3A_295 = arith.constant 0 : i32
      %dma_start3A_296 = tpu.memref_slice %arg9[%dma_start3A_294, %dma_start3A_295] : memref<50008x32xf32, #tpu.memory_space<vmem_shared>> -> memref<50008x32xf32, #tpu.memory_space<vmem_shared>>
      tpu.enqueue_indirect_dma source(%dma_start3A_290 : memref<128x32xf32, #tpu.memory_space<vmem>>) target(%dma_start3A_296 : memref<50008x32xf32, #tpu.memory_space<vmem_shared>>) offsets(%dma_start3A_293 : memref<128xi32, #tpu.memory_space<vmem>>) semaphore(%arg25 : memref<!tpu.dma_semaphore, #tpu.memory_space<semaphore_mem>>) {add = true}
      %dma_wait3A_297 = arith.constant 0 : i32
      %dma_wait3A_298 = arith.constant 0 : i32
      %dma_wait3A_299 = tpu.memref_slice %arg17[%dma_wait3A_298] : memref<256xf32, #tpu.memory_space<vmem>> -> memref<128xf32, #tpu.memory_space<vmem>>
      %dma_wait3A_300 = arith.constant 0 : i32
      %dma_wait3A_301 = tpu.memref_slice %arg11[%dma_wait3A_297, %dma_wait3A_300] : memref<2x128xi32, #tpu.memory_space<vmem>> -> memref<1x128xi32, #tpu.memory_space<vmem>>
      %dma_wait3A_302 = tpu.memref_squeeze %dma_wait3A_301 : memref<1x128xi32, #tpu.memory_space<vmem>> -> memref<128xi32, #tpu.memory_space<vmem>>
      %dma_wait3A_303 = arith.constant 0 : i32
      %dma_wait3A_304 = tpu.memref_slice %arg5[%dma_wait3A_303] : memref<50176xf32, #tpu.memory_space<hbm>> -> memref<50176xf32, #tpu.memory_space<hbm>>
      tpu.wait_indirect_dma semaphore(%arg24 : memref<!tpu.dma_semaphore, #tpu.memory_space<semaphore_mem>>) src(%dma_wait3A_304 : memref<50176xf32, #tpu.memory_space<hbm>>) dst(%dma_wait3A_299 : memref<128xf32, #tpu.memory_space<vmem>>)
      %dma_wait3A_305 = arith.constant 0 : i32
      %dma_wait3A_306 = arith.constant 0 : i32
      %dma_wait3A_307 = tpu.memref_slice %arg19[%dma_wait3A_305, %dma_wait3A_306] : memref<256x32xf32, #tpu.memory_space<vmem>> -> memref<128x32xf32, #tpu.memory_space<vmem>>
      %dma_wait3A_308 = arith.constant 0 : i32
      %dma_wait3A_309 = tpu.memref_slice %arg13[%dma_wait3A_308] : memref<256xi32, #tpu.memory_space<vmem>> -> memref<128xi32, #tpu.memory_space<vmem>>
      %dma_wait3A_310 = arith.constant 0 : i32
      %dma_wait3A_311 = arith.constant 0 : i32
      %dma_wait3A_312 = tpu.memref_slice %arg4[%dma_wait3A_310, %dma_wait3A_311] : memref<100000x32xf32, #tpu.memory_space<hbm>> -> memref<100000x32xf32, #tpu.memory_space<hbm>>
      tpu.wait_indirect_dma semaphore(%arg24 : memref<!tpu.dma_semaphore, #tpu.memory_space<semaphore_mem>>) src(%dma_wait3A_312 : memref<100000x32xf32, #tpu.memory_space<hbm>>) dst(%dma_wait3A_307 : memref<128x32xf32, #tpu.memory_space<vmem>>)
      %dma_wait3A_313 = arith.constant 1 : i32
      %dma_wait3A_314 = arith.constant 128 : i32
      %dma_wait3A_315 = tpu.memref_slice %arg17[%dma_wait3A_314] : memref<256xf32, #tpu.memory_space<vmem>> -> memref<128xf32, #tpu.memory_space<vmem>>
      %dma_wait3A_316 = arith.constant 0 : i32
      %dma_wait3A_317 = tpu.memref_slice %arg11[%dma_wait3A_313, %dma_wait3A_316] : memref<2x128xi32, #tpu.memory_space<vmem>> -> memref<1x128xi32, #tpu.memory_space<vmem>>
      %dma_wait3A_318 = tpu.memref_squeeze %dma_wait3A_317 : memref<1x128xi32, #tpu.memory_space<vmem>> -> memref<128xi32, #tpu.memory_space<vmem>>
      %dma_wait3A_319 = arith.constant 0 : i32
      %dma_wait3A_320 = tpu.memref_slice %arg5[%dma_wait3A_319] : memref<50176xf32, #tpu.memory_space<hbm>> -> memref<50176xf32, #tpu.memory_space<hbm>>
      tpu.wait_indirect_dma semaphore(%arg24 : memref<!tpu.dma_semaphore, #tpu.memory_space<semaphore_mem>>) src(%dma_wait3A_320 : memref<50176xf32, #tpu.memory_space<hbm>>) dst(%dma_wait3A_315 : memref<128xf32, #tpu.memory_space<vmem>>)
      %dma_wait3A_321 = arith.constant 128 : i32
      %dma_wait3A_322 = arith.constant 0 : i32
      %dma_wait3A_323 = tpu.memref_slice %arg19[%dma_wait3A_321, %dma_wait3A_322] : memref<256x32xf32, #tpu.memory_space<vmem>> -> memref<128x32xf32, #tpu.memory_space<vmem>>
      %dma_wait3A_324 = arith.constant 128 : i32
      %dma_wait3A_325 = tpu.memref_slice %arg13[%dma_wait3A_324] : memref<256xi32, #tpu.memory_space<vmem>> -> memref<128xi32, #tpu.memory_space<vmem>>
      %dma_wait3A_326 = arith.constant 0 : i32
      %dma_wait3A_327 = arith.constant 0 : i32
      %dma_wait3A_328 = tpu.memref_slice %arg4[%dma_wait3A_326, %dma_wait3A_327] : memref<100000x32xf32, #tpu.memory_space<hbm>> -> memref<100000x32xf32, #tpu.memory_space<hbm>>
      tpu.wait_indirect_dma semaphore(%arg24 : memref<!tpu.dma_semaphore, #tpu.memory_space<semaphore_mem>>) src(%dma_wait3A_328 : memref<100000x32xf32, #tpu.memory_space<hbm>>) dst(%dma_wait3A_323 : memref<128x32xf32, #tpu.memory_space<vmem>>)
      %scan3A_329 = arith.constant 0 : i32
      %scan3A_330 = arith.constant 0 : i32
      %scan3A_331 = arith.constant 16 : i32
      %scan3A_332 = arith.addi %scan3A_330, %scan3A_331 : i32
      %scan3A_333 = arith.constant 2 : i32
      %scan3A_334 = scf.for %scan3A_404 = %scan3A_330 to %scan3A_332 step %scan3A_333 iter_args(%scan3A_405 = %scan3A_329) -> (i32)  : i32 {
        %mul3A_406 = arith.constant 16 : i32
        %mul3A_407 = arith.muli %mul3A_406, %scan3A_404 : i32
        %get3A_408 = arith.index_cast %mul3A_407 : i32 to index
        %get3A_409 = tpu.vector_load %arg17[%get3A_408] {strides = array<i32>} : memref<256xf32, #tpu.memory_space<vmem>>, vector<16xf32>,
        %get3A_410 = vector.shape_cast %get3A_409 : vector<16xf32> to vector<16xf32>
        %mul3A_411 = arith.constant 16 : i32
        %mul3A_412 = arith.muli %mul3A_411, %scan3A_404 : i32
        %get3A_413 = arith.index_cast %mul3A_412 : i32 to index
        %get3A_414 = tpu.vector_load %arg15[%get3A_413] {strides = array<i32>} : memref<256xi32, #tpu.memory_space<vmem>>, vector<16xi32>,
        %get3A_415 = vector.shape_cast %get3A_414 : vector<16xi32> to vector<16xi32>
        %eq3A_416 = arith.constant 0 : i32
        %eq3A_417 = vector.broadcast %eq3A_416 : i32 to vector<16xi32>
        %eq3A_418 = arith.cmpi eq, %get3A_415, %eq3A_417 : vector<16xi32>
        %broadcast_in_dim3A_419 = vector.broadcast %squeeze3A : f32 to vector<16xf32>
        %broadcast_in_dim3A_420 = vector.broadcast %squeeze3A_25 : f32 to vector<16xf32>
        %select_n3A_421 = arith.select %eq3A_418, %broadcast_in_dim3A_419, %broadcast_in_dim3A_420 : vector<16xi1>, vector<16xf32>
        %add3A_422 = arith.addf %get3A_410, %select_n3A_421 : vector<16xf32>
        %neg3A = arith.constant 0.000000e+00 : f32
        %neg3A_423 = vector.broadcast %neg3A : f32 to vector<16xf32>
        %neg3A_424 = arith.subf %neg3A_423, %add3A_422 : vector<16xf32>
        %exp3A = math.exp %neg3A_424 : vector<16xf32>
        %add3A_425 = arith.constant 1.000000e+00 : f32
        %add3A_426 = vector.broadcast %add3A_425 : f32 to vector<16xf32>
        %add3A_427 = arith.addf %add3A_426, %exp3A : vector<16xf32>
        %div3A = arith.constant 1.000000e+00 : f32
        %div3A_428 = vector.broadcast %div3A : f32 to vector<16xf32>
        %div3A_429 = arith.divf %div3A_428, %add3A_427 : vector<16xf32>
        %mul3A_430 = arith.constant 16 : i32
        %mul3A_431 = arith.muli %mul3A_430, %scan3A_404 : i32
        %swap3A = arith.index_cast %mul3A_431 : i32 to index
        %swap3A_432 = tpu.vector_load %arg17[%swap3A] {strides = array<i32>} : memref<256xf32, #tpu.memory_space<vmem>>, vector<16xf32>,
        %swap3A_433 = vector.shape_cast %swap3A_432 : vector<16xf32> to vector<16xf32>
        %swap3A_434 = vector.shape_cast %div3A_429 : vector<16xf32> to vector<16xf32>
        tpu.vector_store %arg17[%swap3A], %swap3A_434 {strides = array<i32>} : memref<256xf32, #tpu.memory_space<vmem>>, vector<16xf32>,
        %scan3A_435 = arith.constant 0 : i32
        %scan3A_436 = arith.constant 1 : i32
        %scan3A_437 = arith.addi %scan3A_404, %scan3A_436 : i32
        %mul3A_438 = arith.constant 16 : i32
        %mul3A_439 = arith.muli %mul3A_438, %scan3A_437 : i32
        %get3A_440 = arith.index_cast %mul3A_439 : i32 to index
        %get3A_441 = tpu.vector_load %arg17[%get3A_440] {strides = array<i32>} : memref<256xf32, #tpu.memory_space<vmem>>, vector<16xf32>,
        %get3A_442 = vector.shape_cast %get3A_441 : vector<16xf32> to vector<16xf32>
        %mul3A_443 = arith.constant 16 : i32
        %mul3A_444 = arith.muli %mul3A_443, %scan3A_437 : i32
        %get3A_445 = arith.index_cast %mul3A_444 : i32 to index
        %get3A_446 = tpu.vector_load %arg15[%get3A_445] {strides = array<i32>} : memref<256xi32, #tpu.memory_space<vmem>>, vector<16xi32>,
        %get3A_447 = vector.shape_cast %get3A_446 : vector<16xi32> to vector<16xi32>
        %eq3A_448 = arith.constant 0 : i32
        %eq3A_449 = vector.broadcast %eq3A_448 : i32 to vector<16xi32>
        %eq3A_450 = arith.cmpi eq, %get3A_447, %eq3A_449 : vector<16xi32>
        %broadcast_in_dim3A_451 = vector.broadcast %squeeze3A : f32 to vector<16xf32>
        %broadcast_in_dim3A_452 = vector.broadcast %squeeze3A_25 : f32 to vector<16xf32>
        %select_n3A_453 = arith.select %eq3A_450, %broadcast_in_dim3A_451, %broadcast_in_dim3A_452 : vector<16xi1>, vector<16xf32>
        %add3A_454 = arith.addf %get3A_442, %select_n3A_453 : vector<16xf32>
        %neg3A_455 = arith.constant 0.000000e+00 : f32
        %neg3A_456 = vector.broadcast %neg3A_455 : f32 to vector<16xf32>
        %neg3A_457 = arith.subf %neg3A_456, %add3A_454 : vector<16xf32>
        %exp3A_458 = math.exp %neg3A_457 : vector<16xf32>
        %add3A_459 = arith.constant 1.000000e+00 : f32
        %add3A_460 = vector.broadcast %add3A_459 : f32 to vector<16xf32>
        %add3A_461 = arith.addf %add3A_460, %exp3A_458 : vector<16xf32>
        %div3A_462 = arith.constant 1.000000e+00 : f32
        %div3A_463 = vector.broadcast %div3A_462 : f32 to vector<16xf32>
        %div3A_464 = arith.divf %div3A_463, %add3A_461 : vector<16xf32>
        %mul3A_465 = arith.constant 16 : i32
        %mul3A_466 = arith.muli %mul3A_465, %scan3A_437 : i32
        %swap3A_467 = arith.index_cast %mul3A_466 : i32 to index
        %swap3A_468 = tpu.vector_load %arg17[%swap3A_467] {strides = array<i32>} : memref<256xf32, #tpu.memory_space<vmem>>, vector<16xf32>,
        %swap3A_469 = vector.shape_cast %swap3A_468 : vector<16xf32> to vector<16xf32>
        %swap3A_470 = vector.shape_cast %div3A_464 : vector<16xf32> to vector<16xf32>
        tpu.vector_store %arg17[%swap3A_467], %swap3A_470 {strides = array<i32>} : memref<256xf32, #tpu.memory_space<vmem>>, vector<16xf32>,
        %scan3A_471 = arith.constant 0 : i32
        scf.yield %scan3A_471 : i32
      }
      %scan3A_335 = arith.constant 16 : i32
      %scan3A_336 = arith.constant 0 : i32
      %scan3A_337 = arith.constant 0 : i32
      %scan3A_338 = arith.constant 16 : i32
      %scan3A_339 = arith.addi %scan3A_337, %scan3A_338 : i32
      %scan3A_340 = arith.constant 1 : i32
      %scan3A_341 = scf.for %scan3A_404 = %scan3A_337 to %scan3A_339 step %scan3A_340 iter_args(%scan3A_405 = %scan3A_336) -> (i32)  : i32 {
        %mul3A_406 = arith.constant 16 : i32
        %mul3A_407 = arith.muli %mul3A_406, %scan3A_404 : i32
        %get3A_408 = arith.index_cast %mul3A_407 : i32 to index
        %get3A_409 = tpu.vector_load %arg17[%get3A_408] {strides = array<i32>} : memref<256xf32, #tpu.memory_space<vmem>>, vector<16xf32>,
        %get3A_410 = vector.shape_cast %get3A_409 : vector<16xf32> to vector<16xf32>
        %mul3A_411 = arith.constant 16 : i32
        %mul3A_412 = arith.muli %mul3A_411, %scan3A_404 : i32
        %add3A_413 = arith.constant 0 : i32
        %add3A_414 = arith.addi %mul3A_412, %add3A_413 : i32
        %slice3A_415 = vector.extract_strided_slice %get3A_410 {offsets = [0], sizes = [1], strides = [1]} : vector<16xf32> to vector<1xf32>
        %squeeze3A_416 = vector.extract %slice3A_415[0] : f32 from vector<1xf32>
        %get3A_417 = arith.index_cast %add3A_414 : i32 to index
        %get3A_418 = arith.constant 0 : index
        %get3A_419 = tpu.vector_load %arg19[%get3A_417, %get3A_418] {strides = array<i32>} : memref<256x32xf32, #tpu.memory_space<vmem>>, vector<1x16xf32>,
        %get3A_420 = vector.shape_cast %get3A_419 : vector<1x16xf32> to vector<16xf32>
        %mul3A_421 = vector.broadcast %squeeze3A_416 : f32 to vector<16xf32>
        %mul3A_422 = arith.mulf %get3A_420, %mul3A_421 : vector<16xf32>
        %swap3A = arith.index_cast %add3A_414 : i32 to index
        %swap3A_423 = arith.constant 0 : index
        %swap3A_424 = tpu.vector_load %arg19[%swap3A, %swap3A_423] {strides = array<i32>} : memref<256x32xf32, #tpu.memory_space<vmem>>, vector<1x16xf32>,
        %swap3A_425 = vector.shape_cast %swap3A_424 : vector<1x16xf32> to vector<16xf32>
        %swap3A_426 = vector.shape_cast %mul3A_422 : vector<16xf32> to vector<1x16xf32>
        tpu.vector_store %arg19[%swap3A, %swap3A_423], %swap3A_426 {strides = array<i32>} : memref<256x32xf32, #tpu.memory_space<vmem>>, vector<1x16xf32>,
        %get3A_427 = arith.index_cast %add3A_414 : i32 to index
        %get3A_428 = arith.constant 16 : index
        %get3A_429 = tpu.vector_load %arg19[%get3A_427, %get3A_428] {strides = array<i32>} : memref<256x32xf32, #tpu.memory_space<vmem>>, vector<1x16xf32>,
        %get3A_430 = vector.shape_cast %get3A_429 : vector<1x16xf32> to vector<16xf32>
        %mul3A_431 = vector.broadcast %squeeze3A_416 : f32 to vector<16xf32>
        %mul3A_432 = arith.mulf %get3A_430, %mul3A_431 : vector<16xf32>
        %swap3A_433 = arith.index_cast %add3A_414 : i32 to index
        %swap3A_434 = arith.constant 16 : index
        %swap3A_435 = tpu.vector_load %arg19[%swap3A_433, %swap3A_434] {strides = array<i32>} : memref<256x32xf32, #tpu.memory_space<vmem>>, vector<1x16xf32>,
        %swap3A_436 = vector.shape_cast %swap3A_435 : vector<1x16xf32> to vector<16xf32>
        %swap3A_437 = vector.shape_cast %mul3A_432 : vector<16xf32> to vector<1x16xf32>
        tpu.vector_store %arg19[%swap3A_433, %swap3A_434], %swap3A_437 {strides = array<i32>} : memref<256x32xf32, #tpu.memory_space<vmem>>, vector<1x16xf32>,
        %mul3A_438 = arith.constant 16 : i32
        %mul3A_439 = arith.muli %mul3A_438, %scan3A_404 : i32
        %add3A_440 = arith.constant 1 : i32
        %add3A_441 = arith.addi %mul3A_439, %add3A_440 : i32
        %slice3A_442 = vector.extract_strided_slice %get3A_410 {offsets = [1], sizes = [1], strides = [1]} : vector<16xf32> to vector<1xf32>
        %squeeze3A_443 = vector.extract %slice3A_442[0] : f32 from vector<1xf32>
        %get3A_444 = arith.index_cast %add3A_441 : i32 to index
        %get3A_445 = arith.constant 0 : index
        %get3A_446 = tpu.vector_load %arg19[%get3A_444, %get3A_445] {strides = array<i32>} : memref<256x32xf32, #tpu.memory_space<vmem>>, vector<1x16xf32>,
        %get3A_447 = vector.shape_cast %get3A_446 : vector<1x16xf32> to vector<16xf32>
        %mul3A_448 = vector.broadcast %squeeze3A_443 : f32 to vector<16xf32>
        %mul3A_449 = arith.mulf %get3A_447, %mul3A_448 : vector<16xf32>
        %swap3A_450 = arith.index_cast %add3A_441 : i32 to index
        %swap3A_451 = arith.constant 0 : index
        %swap3A_452 = tpu.vector_load %arg19[%swap3A_450, %swap3A_451] {strides = array<i32>} : memref<256x32xf32, #tpu.memory_space<vmem>>, vector<1x16xf32>,
        %swap3A_453 = vector.shape_cast %swap3A_452 : vector<1x16xf32> to vector<16xf32>
        %swap3A_454 = vector.shape_cast %mul3A_449 : vector<16xf32> to vector<1x16xf32>
        tpu.vector_store %arg19[%swap3A_450, %swap3A_451], %swap3A_454 {strides = array<i32>} : memref<256x32xf32, #tpu.memory_space<vmem>>, vector<1x16xf32>,
        %get3A_455 = arith.index_cast %add3A_441 : i32 to index
        %get3A_456 = arith.constant 16 : index
        %get3A_457 = tpu.vector_load %arg19[%get3A_455, %get3A_456] {strides = array<i32>} : memref<256x32xf32, #tpu.memory_space<vmem>>, vector<1x16xf32>,
        %get3A_458 = vector.shape_cast %get3A_457 : vector<1x16xf32> to vector<16xf32>
        %mul3A_459 = vector.broadcast %squeeze3A_443 : f32 to vector<16xf32>
        %mul3A_460 = arith.mulf %get3A_458, %mul3A_459 : vector<16xf32>
        %swap3A_461 = arith.index_cast %add3A_441 : i32 to index
        %swap3A_462 = arith.constant 16 : index
        %swap3A_463 = tpu.vector_load %arg19[%swap3A_461, %swap3A_462] {strides = array<i32>} : memref<256x32xf32, #tpu.memory_space<vmem>>, vector<1x16xf32>,
        %swap3A_464 = vector.shape_cast %swap3A_463 : vector<1x16xf32> to vector<16xf32>
        %swap3A_465 = vector.shape_cast %mul3A_460 : vector<16xf32> to vector<1x16xf32>
        tpu.vector_store %arg19[%swap3A_461, %swap3A_462], %swap3A_465 {strides = array<i32>} : memref<256x32xf32, #tpu.memory_space<vmem>>, vector<1x16xf32>,
        %mul3A_466 = arith.constant 16 : i32
        %mul3A_467 = arith.muli %mul3A_466, %scan3A_404 : i32
        %add3A_468 = arith.constant 2 : i32
        %add3A_469 = arith.addi %mul3A_467, %add3A_468 : i32
        %slice3A_470 = vector.extract_strided_slice %get3A_410 {offsets = [2], sizes = [1], strides = [1]} : vector<16xf32> to vector<1xf32>
        %squeeze3A_471 = vector.extract %slice3A_470[0] : f32 from vector<1xf32>
        %get3A_472 = arith.index_cast %add3A_469 : i32 to index
        %get3A_473 = arith.constant 0 : index
        %get3A_474 = tpu.vector_load %arg19[%get3A_472, %get3A_473] {strides = array<i32>} : memref<256x32xf32, #tpu.memory_space<vmem>>, vector<1x16xf32>,
        %get3A_475 = vector.shape_cast %get3A_474 : vector<1x16xf32> to vector<16xf32>
        %mul3A_476 = vector.broadcast %squeeze3A_471 : f32 to vector<16xf32>
        %mul3A_477 = arith.mulf %get3A_475, %mul3A_476 : vector<16xf32>
        %swap3A_478 = arith.index_cast %add3A_469 : i32 to index
        %swap3A_479 = arith.constant 0 : index
        %swap3A_480 = tpu.vector_load %arg19[%swap3A_478, %swap3A_479] {strides = array<i32>} : memref<256x32xf32, #tpu.memory_space<vmem>>, vector<1x16xf32>,
        %swap3A_481 = vector.shape_cast %swap3A_480 : vector<1x16xf32> to vector<16xf32>
        %swap3A_482 = vector.shape_cast %mul3A_477 : vector<16xf32> to vector<1x16xf32>
        tpu.vector_store %arg19[%swap3A_478, %swap3A_479], %swap3A_482 {strides = array<i32>} : memref<256x32xf32, #tpu.memory_space<vmem>>, vector<1x16xf32>,
        %get3A_483 = arith.index_cast %add3A_469 : i32 to index
        %get3A_484 = arith.constant 16 : index
        %get3A_485 = tpu.vector_load %arg19[%get3A_483, %get3A_484] {strides = array<i32>} : memref<256x32xf32, #tpu.memory_space<vmem>>, vector<1x16xf32>,
        %get3A_486 = vector.shape_cast %get3A_485 : vector<1x16xf32> to vector<16xf32>
        %mul3A_487 = vector.broadcast %squeeze3A_471 : f32 to vector<16xf32>
        %mul3A_488 = arith.mulf %get3A_486, %mul3A_487 : vector<16xf32>
        %swap3A_489 = arith.index_cast %add3A_469 : i32 to index
        %swap3A_490 = arith.constant 16 : index
        %swap3A_491 = tpu.vector_load %arg19[%swap3A_489, %swap3A_490] {strides = array<i32>} : memref<256x32xf32, #tpu.memory_space<vmem>>, vector<1x16xf32>,
        %swap3A_492 = vector.shape_cast %swap3A_491 : vector<1x16xf32> to vector<16xf32>
        %swap3A_493 = vector.shape_cast %mul3A_488 : vector<16xf32> to vector<1x16xf32>
        tpu.vector_store %arg19[%swap3A_489, %swap3A_490], %swap3A_493 {strides = array<i32>} : memref<256x32xf32, #tpu.memory_space<vmem>>, vector<1x16xf32>,
        %mul3A_494 = arith.constant 16 : i32
        %mul3A_495 = arith.muli %mul3A_494, %scan3A_404 : i32
        %add3A_496 = arith.constant 3 : i32
        %add3A_497 = arith.addi %mul3A_495, %add3A_496 : i32
        %slice3A_498 = vector.extract_strided_slice %get3A_410 {offsets = [3], sizes = [1], strides = [1]} : vector<16xf32> to vector<1xf32>
        %squeeze3A_499 = vector.extract %slice3A_498[0] : f32 from vector<1xf32>
        %get3A_500 = arith.index_cast %add3A_497 : i32 to index
        %get3A_501 = arith.constant 0 : index
        %get3A_502 = tpu.vector_load %arg19[%get3A_500, %get3A_501] {strides = array<i32>} : memref<256x32xf32, #tpu.memory_space<vmem>>, vector<1x16xf32>,
        %get3A_503 = vector.shape_cast %get3A_502 : vector<1x16xf32> to vector<16xf32>
        %mul3A_504 = vector.broadcast %squeeze3A_499 : f32 to vector<16xf32>
        %mul3A_505 = arith.mulf %get3A_503, %mul3A_504 : vector<16xf32>
        %swap3A_506 = arith.index_cast %add3A_497 : i32 to index
        %swap3A_507 = arith.constant 0 : index
        %swap3A_508 = tpu.vector_load %arg19[%swap3A_506, %swap3A_507] {strides = array<i32>} : memref<256x32xf32, #tpu.memory_space<vmem>>, vector<1x16xf32>,
        %swap3A_509 = vector.shape_cast %swap3A_508 : vector<1x16xf32> to vector<16xf32>
        %swap3A_510 = vector.shape_cast %mul3A_505 : vector<16xf32> to vector<1x16xf32>
        tpu.vector_store %arg19[%swap3A_506, %swap3A_507], %swap3A_510 {strides = array<i32>} : memref<256x32xf32, #tpu.memory_space<vmem>>, vector<1x16xf32>,
        %get3A_511 = arith.index_cast %add3A_497 : i32 to index
        %get3A_512 = arith.constant 16 : index
        %get3A_513 = tpu.vector_load %arg19[%get3A_511, %get3A_512] {strides = array<i32>} : memref<256x32xf32, #tpu.memory_space<vmem>>, vector<1x16xf32>,
        %get3A_514 = vector.shape_cast %get3A_513 : vector<1x16xf32> to vector<16xf32>
        %mul3A_515 = vector.broadcast %squeeze3A_499 : f32 to vector<16xf32>
        %mul3A_516 = arith.mulf %get3A_514, %mul3A_515 : vector<16xf32>
        %swap3A_517 = arith.index_cast %add3A_497 : i32 to index
        %swap3A_518 = arith.constant 16 : index
        %swap3A_519 = tpu.vector_load %arg19[%swap3A_517, %swap3A_518] {strides = array<i32>} : memref<256x32xf32, #tpu.memory_space<vmem>>, vector<1x16xf32>,
        %swap3A_520 = vector.shape_cast %swap3A_519 : vector<1x16xf32> to vector<16xf32>
        %swap3A_521 = vector.shape_cast %mul3A_516 : vector<16xf32> to vector<1x16xf32>
        tpu.vector_store %arg19[%swap3A_517, %swap3A_518], %swap3A_521 {strides = array<i32>} : memref<256x32xf32, #tpu.memory_space<vmem>>, vector<1x16xf32>,
        %mul3A_522 = arith.constant 16 : i32
        %mul3A_523 = arith.muli %mul3A_522, %scan3A_404 : i32
        %add3A_524 = arith.constant 4 : i32
        %add3A_525 = arith.addi %mul3A_523, %add3A_524 : i32
        %slice3A_526 = vector.extract_strided_slice %get3A_410 {offsets = [4], sizes = [1], strides = [1]} : vector<16xf32> to vector<1xf32>
        %squeeze3A_527 = vector.extract %slice3A_526[0] : f32 from vector<1xf32>
        %get3A_528 = arith.index_cast %add3A_525 : i32 to index
        %get3A_529 = arith.constant 0 : index
        %get3A_530 = tpu.vector_load %arg19[%get3A_528, %get3A_529] {strides = array<i32>} : memref<256x32xf32, #tpu.memory_space<vmem>>, vector<1x16xf32>,
        %get3A_531 = vector.shape_cast %get3A_530 : vector<1x16xf32> to vector<16xf32>
        %mul3A_532 = vector.broadcast %squeeze3A_527 : f32 to vector<16xf32>
        %mul3A_533 = arith.mulf %get3A_531, %mul3A_532 : vector<16xf32>
        %swap3A_534 = arith.index_cast %add3A_525 : i32 to index
        %swap3A_535 = arith.constant 0 : index
        %swap3A_536 = tpu.vector_load %arg19[%swap3A_534, %swap3A_535] {strides = array<i32>} : memref<256x32xf32, #tpu.memory_space<vmem>>, vector<1x16xf32>,
        %swap3A_537 = vector.shape_cast %swap3A_536 : vector<1x16xf32> to vector<16xf32>
        %swap3A_538 = vector.shape_cast %mul3A_533 : vector<16xf32> to vector<1x16xf32>
        tpu.vector_store %arg19[%swap3A_534, %swap3A_535], %swap3A_538 {strides = array<i32>} : memref<256x32xf32, #tpu.memory_space<vmem>>, vector<1x16xf32>,
        %get3A_539 = arith.index_cast %add3A_525 : i32 to index
        %get3A_540 = arith.constant 16 : index
        %get3A_541 = tpu.vector_load %arg19[%get3A_539, %get3A_540] {strides = array<i32>} : memref<256x32xf32, #tpu.memory_space<vmem>>, vector<1x16xf32>,
        %get3A_542 = vector.shape_cast %get3A_541 : vector<1x16xf32> to vector<16xf32>
        %mul3A_543 = vector.broadcast %squeeze3A_527 : f32 to vector<16xf32>
        %mul3A_544 = arith.mulf %get3A_542, %mul3A_543 : vector<16xf32>
        %swap3A_545 = arith.index_cast %add3A_525 : i32 to index
        %swap3A_546 = arith.constant 16 : index
        %swap3A_547 = tpu.vector_load %arg19[%swap3A_545, %swap3A_546] {strides = array<i32>} : memref<256x32xf32, #tpu.memory_space<vmem>>, vector<1x16xf32>,
        %swap3A_548 = vector.shape_cast %swap3A_547 : vector<1x16xf32> to vector<16xf32>
        %swap3A_549 = vector.shape_cast %mul3A_544 : vector<16xf32> to vector<1x16xf32>
        tpu.vector_store %arg19[%swap3A_545, %swap3A_546], %swap3A_549 {strides = array<i32>} : memref<256x32xf32, #tpu.memory_space<vmem>>, vector<1x16xf32>,
        %mul3A_550 = arith.constant 16 : i32
        %mul3A_551 = arith.muli %mul3A_550, %scan3A_404 : i32
        %add3A_552 = arith.constant 5 : i32
        %add3A_553 = arith.addi %mul3A_551, %add3A_552 : i32
        %slice3A_554 = vector.extract_strided_slice %get3A_410 {offsets = [5], sizes = [1], strides = [1]} : vector<16xf32> to vector<1xf32>
        %squeeze3A_555 = vector.extract %slice3A_554[0] : f32 from vector<1xf32>
        %get3A_556 = arith.index_cast %add3A_553 : i32 to index
        %get3A_557 = arith.constant 0 : index
        %get3A_558 = tpu.vector_load %arg19[%get3A_556, %get3A_557] {strides = array<i32>} : memref<256x32xf32, #tpu.memory_space<vmem>>, vector<1x16xf32>,
        %get3A_559 = vector.shape_cast %get3A_558 : vector<1x16xf32> to vector<16xf32>
        %mul3A_560 = vector.broadcast %squeeze3A_555 : f32 to vector<16xf32>
        %mul3A_561 = arith.mulf %get3A_559, %mul3A_560 : vector<16xf32>
        %swap3A_562 = arith.index_cast %add3A_553 : i32 to index
        %swap3A_563 = arith.constant 0 : index
        %swap3A_564 = tpu.vector_load %arg19[%swap3A_562, %swap3A_563] {strides = array<i32>} : memref<256x32xf32, #tpu.memory_space<vmem>>, vector<1x16xf32>,
        %swap3A_565 = vector.shape_cast %swap3A_564 : vector<1x16xf32> to vector<16xf32>
        %swap3A_566 = vector.shape_cast %mul3A_561 : vector<16xf32> to vector<1x16xf32>
        tpu.vector_store %arg19[%swap3A_562, %swap3A_563], %swap3A_566 {strides = array<i32>} : memref<256x32xf32, #tpu.memory_space<vmem>>, vector<1x16xf32>,
        %get3A_567 = arith.index_cast %add3A_553 : i32 to index
        %get3A_568 = arith.constant 16 : index
        %get3A_569 = tpu.vector_load %arg19[%get3A_567, %get3A_568] {strides = array<i32>} : memref<256x32xf32, #tpu.memory_space<vmem>>, vector<1x16xf32>,
        %get3A_570 = vector.shape_cast %get3A_569 : vector<1x16xf32> to vector<16xf32>
        %mul3A_571 = vector.broadcast %squeeze3A_555 : f32 to vector<16xf32>
        %mul3A_572 = arith.mulf %get3A_570, %mul3A_571 : vector<16xf32>
        %swap3A_573 = arith.index_cast %add3A_553 : i32 to index
        %swap3A_574 = arith.constant 16 : index
        %swap3A_575 = tpu.vector_load %arg19[%swap3A_573, %swap3A_574] {strides = array<i32>} : memref<256x32xf32, #tpu.memory_space<vmem>>, vector<1x16xf32>,
        %swap3A_576 = vector.shape_cast %swap3A_575 : vector<1x16xf32> to vector<16xf32>
        %swap3A_577 = vector.shape_cast %mul3A_572 : vector<16xf32> to vector<1x16xf32>
        tpu.vector_store %arg19[%swap3A_573, %swap3A_574], %swap3A_577 {strides = array<i32>} : memref<256x32xf32, #tpu.memory_space<vmem>>, vector<1x16xf32>,
        %mul3A_578 = arith.constant 16 : i32
        %mul3A_579 = arith.muli %mul3A_578, %scan3A_404 : i32
        %add3A_580 = arith.constant 6 : i32
        %add3A_581 = arith.addi %mul3A_579, %add3A_580 : i32
        %slice3A_582 = vector.extract_strided_slice %get3A_410 {offsets = [6], sizes = [1], strides = [1]} : vector<16xf32> to vector<1xf32>
        %squeeze3A_583 = vector.extract %slice3A_582[0] : f32 from vector<1xf32>
        %get3A_584 = arith.index_cast %add3A_581 : i32 to index
        %get3A_585 = arith.constant 0 : index
        %get3A_586 = tpu.vector_load %arg19[%get3A_584, %get3A_585] {strides = array<i32>} : memref<256x32xf32, #tpu.memory_space<vmem>>, vector<1x16xf32>,
        %get3A_587 = vector.shape_cast %get3A_586 : vector<1x16xf32> to vector<16xf32>
        %mul3A_588 = vector.broadcast %squeeze3A_583 : f32 to vector<16xf32>
        %mul3A_589 = arith.mulf %get3A_587, %mul3A_588 : vector<16xf32>
        %swap3A_590 = arith.index_cast %add3A_581 : i32 to index
        %swap3A_591 = arith.constant 0 : index
        %swap3A_592 = tpu.vector_load %arg19[%swap3A_590, %swap3A_591] {strides = array<i32>} : memref<256x32xf32, #tpu.memory_space<vmem>>, vector<1x16xf32>,
        %swap3A_593 = vector.shape_cast %swap3A_592 : vector<1x16xf32> to vector<16xf32>
        %swap3A_594 = vector.shape_cast %mul3A_589 : vector<16xf32> to vector<1x16xf32>
        tpu.vector_store %arg19[%swap3A_590, %swap3A_591], %swap3A_594 {strides = array<i32>} : memref<256x32xf32, #tpu.memory_space<vmem>>, vector<1x16xf32>,
        %get3A_595 = arith.index_cast %add3A_581 : i32 to index
        %get3A_596 = arith.constant 16 : index
        %get3A_597 = tpu.vector_load %arg19[%get3A_595, %get3A_596] {strides = array<i32>} : memref<256x32xf32, #tpu.memory_space<vmem>>, vector<1x16xf32>,
        %get3A_598 = vector.shape_cast %get3A_597 : vector<1x16xf32> to vector<16xf32>
        %mul3A_599 = vector.broadcast %squeeze3A_583 : f32 to vector<16xf32>
        %mul3A_600 = arith.mulf %get3A_598, %mul3A_599 : vector<16xf32>
        %swap3A_601 = arith.index_cast %add3A_581 : i32 to index
        %swap3A_602 = arith.constant 16 : index
        %swap3A_603 = tpu.vector_load %arg19[%swap3A_601, %swap3A_602] {strides = array<i32>} : memref<256x32xf32, #tpu.memory_space<vmem>>, vector<1x16xf32>,
        %swap3A_604 = vector.shape_cast %swap3A_603 : vector<1x16xf32> to vector<16xf32>
        %swap3A_605 = vector.shape_cast %mul3A_600 : vector<16xf32> to vector<1x16xf32>
        tpu.vector_store %arg19[%swap3A_601, %swap3A_602], %swap3A_605 {strides = array<i32>} : memref<256x32xf32, #tpu.memory_space<vmem>>, vector<1x16xf32>,
        %mul3A_606 = arith.constant 16 : i32
        %mul3A_607 = arith.muli %mul3A_606, %scan3A_404 : i32
        %add3A_608 = arith.constant 7 : i32
        %add3A_609 = arith.addi %mul3A_607, %add3A_608 : i32
        %slice3A_610 = vector.extract_strided_slice %get3A_410 {offsets = [7], sizes = [1], strides = [1]} : vector<16xf32> to vector<1xf32>
        %squeeze3A_611 = vector.extract %slice3A_610[0] : f32 from vector<1xf32>
        %get3A_612 = arith.index_cast %add3A_609 : i32 to index
        %get3A_613 = arith.constant 0 : index
        %get3A_614 = tpu.vector_load %arg19[%get3A_612, %get3A_613] {strides = array<i32>} : memref<256x32xf32, #tpu.memory_space<vmem>>, vector<1x16xf32>,
        %get3A_615 = vector.shape_cast %get3A_614 : vector<1x16xf32> to vector<16xf32>
        %mul3A_616 = vector.broadcast %squeeze3A_611 : f32 to vector<16xf32>
        %mul3A_617 = arith.mulf %get3A_615, %mul3A_616 : vector<16xf32>
        %swap3A_618 = arith.index_cast %add3A_609 : i32 to index
        %swap3A_619 = arith.constant 0 : index
        %swap3A_620 = tpu.vector_load %arg19[%swap3A_618, %swap3A_619] {strides = array<i32>} : memref<256x32xf32, #tpu.memory_space<vmem>>, vector<1x16xf32>,
        %swap3A_621 = vector.shape_cast %swap3A_620 : vector<1x16xf32> to vector<16xf32>
        %swap3A_622 = vector.shape_cast %mul3A_617 : vector<16xf32> to vector<1x16xf32>
        tpu.vector_store %arg19[%swap3A_618, %swap3A_619], %swap3A_622 {strides = array<i32>} : memref<256x32xf32, #tpu.memory_space<vmem>>, vector<1x16xf32>,
        %get3A_623 = arith.index_cast %add3A_609 : i32 to index
        %get3A_624 = arith.constant 16 : index
        %get3A_625 = tpu.vector_load %arg19[%get3A_623, %get3A_624] {strides = array<i32>} : memref<256x32xf32, #tpu.memory_space<vmem>>, vector<1x16xf32>,
        %get3A_626 = vector.shape_cast %get3A_625 : vector<1x16xf32> to vector<16xf32>
        %mul3A_627 = vector.broadcast %squeeze3A_611 : f32 to vector<16xf32>
        %mul3A_628 = arith.mulf %get3A_626, %mul3A_627 : vector<16xf32>
        %swap3A_629 = arith.index_cast %add3A_609 : i32 to index
        %swap3A_630 = arith.constant 16 : index
        %swap3A_631 = tpu.vector_load %arg19[%swap3A_629, %swap3A_630] {strides = array<i32>} : memref<256x32xf32, #tpu.memory_space<vmem>>, vector<1x16xf32>,
        %swap3A_632 = vector.shape_cast %swap3A_631 : vector<1x16xf32> to vector<16xf32>
        %swap3A_633 = vector.shape_cast %mul3A_628 : vector<16xf32> to vector<1x16xf32>
        tpu.vector_store %arg19[%swap3A_629, %swap3A_630], %swap3A_633 {strides = array<i32>} : memref<256x32xf32, #tpu.memory_space<vmem>>, vector<1x16xf32>,
        %mul3A_634 = arith.constant 16 : i32
        %mul3A_635 = arith.muli %mul3A_634, %scan3A_404 : i32
        %add3A_636 = arith.constant 8 : i32
        %add3A_637 = arith.addi %mul3A_635, %add3A_636 : i32
        %slice3A_638 = vector.extract_strided_slice %get3A_410 {offsets = [8], sizes = [1], strides = [1]} : vector<16xf32> to vector<1xf32>
        %squeeze3A_639 = vector.extract %slice3A_638[0] : f32 from vector<1xf32>
        %get3A_640 = arith.index_cast %add3A_637 : i32 to index
        %get3A_641 = arith.constant 0 : index
        %get3A_642 = tpu.vector_load %arg19[%get3A_640, %get3A_641] {strides = array<i32>} : memref<256x32xf32, #tpu.memory_space<vmem>>, vector<1x16xf32>,
        %get3A_643 = vector.shape_cast %get3A_642 : vector<1x16xf32> to vector<16xf32>
        %mul3A_644 = vector.broadcast %squeeze3A_639 : f32 to vector<16xf32>
        %mul3A_645 = arith.mulf %get3A_643, %mul3A_644 : vector<16xf32>
        %swap3A_646 = arith.index_cast %add3A_637 : i32 to index
        %swap3A_647 = arith.constant 0 : index
        %swap3A_648 = tpu.vector_load %arg19[%swap3A_646, %swap3A_647] {strides = array<i32>} : memref<256x32xf32, #tpu.memory_space<vmem>>, vector<1x16xf32>,
        %swap3A_649 = vector.shape_cast %swap3A_648 : vector<1x16xf32> to vector<16xf32>
        %swap3A_650 = vector.shape_cast %mul3A_645 : vector<16xf32> to vector<1x16xf32>
        tpu.vector_store %arg19[%swap3A_646, %swap3A_647], %swap3A_650 {strides = array<i32>} : memref<256x32xf32, #tpu.memory_space<vmem>>, vector<1x16xf32>,
        %get3A_651 = arith.index_cast %add3A_637 : i32 to index
        %get3A_652 = arith.constant 16 : index
        %get3A_653 = tpu.vector_load %arg19[%get3A_651, %get3A_652] {strides = array<i32>} : memref<256x32xf32, #tpu.memory_space<vmem>>, vector<1x16xf32>,
        %get3A_654 = vector.shape_cast %get3A_653 : vector<1x16xf32> to vector<16xf32>
        %mul3A_655 = vector.broadcast %squeeze3A_639 : f32 to vector<16xf32>
        %mul3A_656 = arith.mulf %get3A_654, %mul3A_655 : vector<16xf32>
        %swap3A_657 = arith.index_cast %add3A_637 : i32 to index
        %swap3A_658 = arith.constant 16 : index
        %swap3A_659 = tpu.vector_load %arg19[%swap3A_657, %swap3A_658] {strides = array<i32>} : memref<256x32xf32, #tpu.memory_space<vmem>>, vector<1x16xf32>,
        %swap3A_660 = vector.shape_cast %swap3A_659 : vector<1x16xf32> to vector<16xf32>
        %swap3A_661 = vector.shape_cast %mul3A_656 : vector<16xf32> to vector<1x16xf32>
        tpu.vector_store %arg19[%swap3A_657, %swap3A_658], %swap3A_661 {strides = array<i32>} : memref<256x32xf32, #tpu.memory_space<vmem>>, vector<1x16xf32>,
        %mul3A_662 = arith.constant 16 : i32
        %mul3A_663 = arith.muli %mul3A_662, %scan3A_404 : i32
        %add3A_664 = arith.constant 9 : i32
        %add3A_665 = arith.addi %mul3A_663, %add3A_664 : i32
        %slice3A_666 = vector.extract_strided_slice %get3A_410 {offsets = [9], sizes = [1], strides = [1]} : vector<16xf32> to vector<1xf32>
        %squeeze3A_667 = vector.extract %slice3A_666[0] : f32 from vector<1xf32>
        %get3A_668 = arith.index_cast %add3A_665 : i32 to index
        %get3A_669 = arith.constant 0 : index
        %get3A_670 = tpu.vector_load %arg19[%get3A_668, %get3A_669] {strides = array<i32>} : memref<256x32xf32, #tpu.memory_space<vmem>>, vector<1x16xf32>,
        %get3A_671 = vector.shape_cast %get3A_670 : vector<1x16xf32> to vector<16xf32>
        %mul3A_672 = vector.broadcast %squeeze3A_667 : f32 to vector<16xf32>
        %mul3A_673 = arith.mulf %get3A_671, %mul3A_672 : vector<16xf32>
        %swap3A_674 = arith.index_cast %add3A_665 : i32 to index
        %swap3A_675 = arith.constant 0 : index
        %swap3A_676 = tpu.vector_load %arg19[%swap3A_674, %swap3A_675] {strides = array<i32>} : memref<256x32xf32, #tpu.memory_space<vmem>>, vector<1x16xf32>,
        %swap3A_677 = vector.shape_cast %swap3A_676 : vector<1x16xf32> to vector<16xf32>
        %swap3A_678 = vector.shape_cast %mul3A_673 : vector<16xf32> to vector<1x16xf32>
        tpu.vector_store %arg19[%swap3A_674, %swap3A_675], %swap3A_678 {strides = array<i32>} : memref<256x32xf32, #tpu.memory_space<vmem>>, vector<1x16xf32>,
        %get3A_679 = arith.index_cast %add3A_665 : i32 to index
        %get3A_680 = arith.constant 16 : index
        %get3A_681 = tpu.vector_load %arg19[%get3A_679, %get3A_680] {strides = array<i32>} : memref<256x32xf32, #tpu.memory_space<vmem>>, vector<1x16xf32>,
        %get3A_682 = vector.shape_cast %get3A_681 : vector<1x16xf32> to vector<16xf32>
        %mul3A_683 = vector.broadcast %squeeze3A_667 : f32 to vector<16xf32>
        %mul3A_684 = arith.mulf %get3A_682, %mul3A_683 : vector<16xf32>
        %swap3A_685 = arith.index_cast %add3A_665 : i32 to index
        %swap3A_686 = arith.constant 16 : index
        %swap3A_687 = tpu.vector_load %arg19[%swap3A_685, %swap3A_686] {strides = array<i32>} : memref<256x32xf32, #tpu.memory_space<vmem>>, vector<1x16xf32>,
        %swap3A_688 = vector.shape_cast %swap3A_687 : vector<1x16xf32> to vector<16xf32>
        %swap3A_689 = vector.shape_cast %mul3A_684 : vector<16xf32> to vector<1x16xf32>
        tpu.vector_store %arg19[%swap3A_685, %swap3A_686], %swap3A_689 {strides = array<i32>} : memref<256x32xf32, #tpu.memory_space<vmem>>, vector<1x16xf32>,
        %mul3A_690 = arith.constant 16 : i32
        %mul3A_691 = arith.muli %mul3A_690, %scan3A_404 : i32
        %add3A_692 = arith.constant 10 : i32
        %add3A_693 = arith.addi %mul3A_691, %add3A_692 : i32
        %slice3A_694 = vector.extract_strided_slice %get3A_410 {offsets = [10], sizes = [1], strides = [1]} : vector<16xf32> to vector<1xf32>
        %squeeze3A_695 = vector.extract %slice3A_694[0] : f32 from vector<1xf32>
        %get3A_696 = arith.index_cast %add3A_693 : i32 to index
        %get3A_697 = arith.constant 0 : index
        %get3A_698 = tpu.vector_load %arg19[%get3A_696, %get3A_697] {strides = array<i32>} : memref<256x32xf32, #tpu.memory_space<vmem>>, vector<1x16xf32>,
        %get3A_699 = vector.shape_cast %get3A_698 : vector<1x16xf32> to vector<16xf32>
        %mul3A_700 = vector.broadcast %squeeze3A_695 : f32 to vector<16xf32>
        %mul3A_701 = arith.mulf %get3A_699, %mul3A_700 : vector<16xf32>
        %swap3A_702 = arith.index_cast %add3A_693 : i32 to index
        %swap3A_703 = arith.constant 0 : index
        %swap3A_704 = tpu.vector_load %arg19[%swap3A_702, %swap3A_703] {strides = array<i32>} : memref<256x32xf32, #tpu.memory_space<vmem>>, vector<1x16xf32>,
        %swap3A_705 = vector.shape_cast %swap3A_704 : vector<1x16xf32> to vector<16xf32>
        %swap3A_706 = vector.shape_cast %mul3A_701 : vector<16xf32> to vector<1x16xf32>
        tpu.vector_store %arg19[%swap3A_702, %swap3A_703], %swap3A_706 {strides = array<i32>} : memref<256x32xf32, #tpu.memory_space<vmem>>, vector<1x16xf32>,
        %get3A_707 = arith.index_cast %add3A_693 : i32 to index
        %get3A_708 = arith.constant 16 : index
        %get3A_709 = tpu.vector_load %arg19[%get3A_707, %get3A_708] {strides = array<i32>} : memref<256x32xf32, #tpu.memory_space<vmem>>, vector<1x16xf32>,
        %get3A_710 = vector.shape_cast %get3A_709 : vector<1x16xf32> to vector<16xf32>
        %mul3A_711 = vector.broadcast %squeeze3A_695 : f32 to vector<16xf32>
        %mul3A_712 = arith.mulf %get3A_710, %mul3A_711 : vector<16xf32>
        %swap3A_713 = arith.index_cast %add3A_693 : i32 to index
        %swap3A_714 = arith.constant 16 : index
        %swap3A_715 = tpu.vector_load %arg19[%swap3A_713, %swap3A_714] {strides = array<i32>} : memref<256x32xf32, #tpu.memory_space<vmem>>, vector<1x16xf32>,
        %swap3A_716 = vector.shape_cast %swap3A_715 : vector<1x16xf32> to vector<16xf32>
        %swap3A_717 = vector.shape_cast %mul3A_712 : vector<16xf32> to vector<1x16xf32>
        tpu.vector_store %arg19[%swap3A_713, %swap3A_714], %swap3A_717 {strides = array<i32>} : memref<256x32xf32, #tpu.memory_space<vmem>>, vector<1x16xf32>,
        %mul3A_718 = arith.constant 16 : i32
        %mul3A_719 = arith.muli %mul3A_718, %scan3A_404 : i32
        %add3A_720 = arith.constant 11 : i32
        %add3A_721 = arith.addi %mul3A_719, %add3A_720 : i32
        %slice3A_722 = vector.extract_strided_slice %get3A_410 {offsets = [11], sizes = [1], strides = [1]} : vector<16xf32> to vector<1xf32>
        %squeeze3A_723 = vector.extract %slice3A_722[0] : f32 from vector<1xf32>
        %get3A_724 = arith.index_cast %add3A_721 : i32 to index
        %get3A_725 = arith.constant 0 : index
        %get3A_726 = tpu.vector_load %arg19[%get3A_724, %get3A_725] {strides = array<i32>} : memref<256x32xf32, #tpu.memory_space<vmem>>, vector<1x16xf32>,
        %get3A_727 = vector.shape_cast %get3A_726 : vector<1x16xf32> to vector<16xf32>
        %mul3A_728 = vector.broadcast %squeeze3A_723 : f32 to vector<16xf32>
        %mul3A_729 = arith.mulf %get3A_727, %mul3A_728 : vector<16xf32>
        %swap3A_730 = arith.index_cast %add3A_721 : i32 to index
        %swap3A_731 = arith.constant 0 : index
        %swap3A_732 = tpu.vector_load %arg19[%swap3A_730, %swap3A_731] {strides = array<i32>} : memref<256x32xf32, #tpu.memory_space<vmem>>, vector<1x16xf32>,
        %swap3A_733 = vector.shape_cast %swap3A_732 : vector<1x16xf32> to vector<16xf32>
        %swap3A_734 = vector.shape_cast %mul3A_729 : vector<16xf32> to vector<1x16xf32>
        tpu.vector_store %arg19[%swap3A_730, %swap3A_731], %swap3A_734 {strides = array<i32>} : memref<256x32xf32, #tpu.memory_space<vmem>>, vector<1x16xf32>,
        %get3A_735 = arith.index_cast %add3A_721 : i32 to index
        %get3A_736 = arith.constant 16 : index
        %get3A_737 = tpu.vector_load %arg19[%get3A_735, %get3A_736] {strides = array<i32>} : memref<256x32xf32, #tpu.memory_space<vmem>>, vector<1x16xf32>,
        %get3A_738 = vector.shape_cast %get3A_737 : vector<1x16xf32> to vector<16xf32>
        %mul3A_739 = vector.broadcast %squeeze3A_723 : f32 to vector<16xf32>
        %mul3A_740 = arith.mulf %get3A_738, %mul3A_739 : vector<16xf32>
        %swap3A_741 = arith.index_cast %add3A_721 : i32 to index
        %swap3A_742 = arith.constant 16 : index
        %swap3A_743 = tpu.vector_load %arg19[%swap3A_741, %swap3A_742] {strides = array<i32>} : memref<256x32xf32, #tpu.memory_space<vmem>>, vector<1x16xf32>,
        %swap3A_744 = vector.shape_cast %swap3A_743 : vector<1x16xf32> to vector<16xf32>
        %swap3A_745 = vector.shape_cast %mul3A_740 : vector<16xf32> to vector<1x16xf32>
        tpu.vector_store %arg19[%swap3A_741, %swap3A_742], %swap3A_745 {strides = array<i32>} : memref<256x32xf32, #tpu.memory_space<vmem>>, vector<1x16xf32>,
        %mul3A_746 = arith.constant 16 : i32
        %mul3A_747 = arith.muli %mul3A_746, %scan3A_404 : i32
        %add3A_748 = arith.constant 12 : i32
        %add3A_749 = arith.addi %mul3A_747, %add3A_748 : i32
        %slice3A_750 = vector.extract_strided_slice %get3A_410 {offsets = [12], sizes = [1], strides = [1]} : vector<16xf32> to vector<1xf32>
        %squeeze3A_751 = vector.extract %slice3A_750[0] : f32 from vector<1xf32>
        %get3A_752 = arith.index_cast %add3A_749 : i32 to index
        %get3A_753 = arith.constant 0 : index
        %get3A_754 = tpu.vector_load %arg19[%get3A_752, %get3A_753] {strides = array<i32>} : memref<256x32xf32, #tpu.memory_space<vmem>>, vector<1x16xf32>,
        %get3A_755 = vector.shape_cast %get3A_754 : vector<1x16xf32> to vector<16xf32>
        %mul3A_756 = vector.broadcast %squeeze3A_751 : f32 to vector<16xf32>
        %mul3A_757 = arith.mulf %get3A_755, %mul3A_756 : vector<16xf32>
        %swap3A_758 = arith.index_cast %add3A_749 : i32 to index
        %swap3A_759 = arith.constant 0 : index
        %swap3A_760 = tpu.vector_load %arg19[%swap3A_758, %swap3A_759] {strides = array<i32>} : memref<256x32xf32, #tpu.memory_space<vmem>>, vector<1x16xf32>,
        %swap3A_761 = vector.shape_cast %swap3A_760 : vector<1x16xf32> to vector<16xf32>
        %swap3A_762 = vector.shape_cast %mul3A_757 : vector<16xf32> to vector<1x16xf32>
        tpu.vector_store %arg19[%swap3A_758, %swap3A_759], %swap3A_762 {strides = array<i32>} : memref<256x32xf32, #tpu.memory_space<vmem>>, vector<1x16xf32>,
        %get3A_763 = arith.index_cast %add3A_749 : i32 to index
        %get3A_764 = arith.constant 16 : index
        %get3A_765 = tpu.vector_load %arg19[%get3A_763, %get3A_764] {strides = array<i32>} : memref<256x32xf32, #tpu.memory_space<vmem>>, vector<1x16xf32>,
        %get3A_766 = vector.shape_cast %get3A_765 : vector<1x16xf32> to vector<16xf32>
        %mul3A_767 = vector.broadcast %squeeze3A_751 : f32 to vector<16xf32>
        %mul3A_768 = arith.mulf %get3A_766, %mul3A_767 : vector<16xf32>
        %swap3A_769 = arith.index_cast %add3A_749 : i32 to index
        %swap3A_770 = arith.constant 16 : index
        %swap3A_771 = tpu.vector_load %arg19[%swap3A_769, %swap3A_770] {strides = array<i32>} : memref<256x32xf32, #tpu.memory_space<vmem>>, vector<1x16xf32>,
        %swap3A_772 = vector.shape_cast %swap3A_771 : vector<1x16xf32> to vector<16xf32>
        %swap3A_773 = vector.shape_cast %mul3A_768 : vector<16xf32> to vector<1x16xf32>
        tpu.vector_store %arg19[%swap3A_769, %swap3A_770], %swap3A_773 {strides = array<i32>} : memref<256x32xf32, #tpu.memory_space<vmem>>, vector<1x16xf32>,
        %mul3A_774 = arith.constant 16 : i32
        %mul3A_775 = arith.muli %mul3A_774, %scan3A_404 : i32
        %add3A_776 = arith.constant 13 : i32
        %add3A_777 = arith.addi %mul3A_775, %add3A_776 : i32
        %slice3A_778 = vector.extract_strided_slice %get3A_410 {offsets = [13], sizes = [1], strides = [1]} : vector<16xf32> to vector<1xf32>
        %squeeze3A_779 = vector.extract %slice3A_778[0] : f32 from vector<1xf32>
        %get3A_780 = arith.index_cast %add3A_777 : i32 to index
        %get3A_781 = arith.constant 0 : index
        %get3A_782 = tpu.vector_load %arg19[%get3A_780, %get3A_781] {strides = array<i32>} : memref<256x32xf32, #tpu.memory_space<vmem>>, vector<1x16xf32>,
        %get3A_783 = vector.shape_cast %get3A_782 : vector<1x16xf32> to vector<16xf32>
        %mul3A_784 = vector.broadcast %squeeze3A_779 : f32 to vector<16xf32>
        %mul3A_785 = arith.mulf %get3A_783, %mul3A_784 : vector<16xf32>
        %swap3A_786 = arith.index_cast %add3A_777 : i32 to index
        %swap3A_787 = arith.constant 0 : index
        %swap3A_788 = tpu.vector_load %arg19[%swap3A_786, %swap3A_787] {strides = array<i32>} : memref<256x32xf32, #tpu.memory_space<vmem>>, vector<1x16xf32>,
        %swap3A_789 = vector.shape_cast %swap3A_788 : vector<1x16xf32> to vector<16xf32>
        %swap3A_790 = vector.shape_cast %mul3A_785 : vector<16xf32> to vector<1x16xf32>
        tpu.vector_store %arg19[%swap3A_786, %swap3A_787], %swap3A_790 {strides = array<i32>} : memref<256x32xf32, #tpu.memory_space<vmem>>, vector<1x16xf32>,
        %get3A_791 = arith.index_cast %add3A_777 : i32 to index
        %get3A_792 = arith.constant 16 : index
        %get3A_793 = tpu.vector_load %arg19[%get3A_791, %get3A_792] {strides = array<i32>} : memref<256x32xf32, #tpu.memory_space<vmem>>, vector<1x16xf32>,
        %get3A_794 = vector.shape_cast %get3A_793 : vector<1x16xf32> to vector<16xf32>
        %mul3A_795 = vector.broadcast %squeeze3A_779 : f32 to vector<16xf32>
        %mul3A_796 = arith.mulf %get3A_794, %mul3A_795 : vector<16xf32>
        %swap3A_797 = arith.index_cast %add3A_777 : i32 to index
        %swap3A_798 = arith.constant 16 : index
        %swap3A_799 = tpu.vector_load %arg19[%swap3A_797, %swap3A_798] {strides = array<i32>} : memref<256x32xf32, #tpu.memory_space<vmem>>, vector<1x16xf32>,
        %swap3A_800 = vector.shape_cast %swap3A_799 : vector<1x16xf32> to vector<16xf32>
        %swap3A_801 = vector.shape_cast %mul3A_796 : vector<16xf32> to vector<1x16xf32>
        tpu.vector_store %arg19[%swap3A_797, %swap3A_798], %swap3A_801 {strides = array<i32>} : memref<256x32xf32, #tpu.memory_space<vmem>>, vector<1x16xf32>,
        %mul3A_802 = arith.constant 16 : i32
        %mul3A_803 = arith.muli %mul3A_802, %scan3A_404 : i32
        %add3A_804 = arith.constant 14 : i32
        %add3A_805 = arith.addi %mul3A_803, %add3A_804 : i32
        %slice3A_806 = vector.extract_strided_slice %get3A_410 {offsets = [14], sizes = [1], strides = [1]} : vector<16xf32> to vector<1xf32>
        %squeeze3A_807 = vector.extract %slice3A_806[0] : f32 from vector<1xf32>
        %get3A_808 = arith.index_cast %add3A_805 : i32 to index
        %get3A_809 = arith.constant 0 : index
        %get3A_810 = tpu.vector_load %arg19[%get3A_808, %get3A_809] {strides = array<i32>} : memref<256x32xf32, #tpu.memory_space<vmem>>, vector<1x16xf32>,
        %get3A_811 = vector.shape_cast %get3A_810 : vector<1x16xf32> to vector<16xf32>
        %mul3A_812 = vector.broadcast %squeeze3A_807 : f32 to vector<16xf32>
        %mul3A_813 = arith.mulf %get3A_811, %mul3A_812 : vector<16xf32>
        %swap3A_814 = arith.index_cast %add3A_805 : i32 to index
        %swap3A_815 = arith.constant 0 : index
        %swap3A_816 = tpu.vector_load %arg19[%swap3A_814, %swap3A_815] {strides = array<i32>} : memref<256x32xf32, #tpu.memory_space<vmem>>, vector<1x16xf32>,
        %swap3A_817 = vector.shape_cast %swap3A_816 : vector<1x16xf32> to vector<16xf32>
        %swap3A_818 = vector.shape_cast %mul3A_813 : vector<16xf32> to vector<1x16xf32>
        tpu.vector_store %arg19[%swap3A_814, %swap3A_815], %swap3A_818 {strides = array<i32>} : memref<256x32xf32, #tpu.memory_space<vmem>>, vector<1x16xf32>,
        %get3A_819 = arith.index_cast %add3A_805 : i32 to index
        %get3A_820 = arith.constant 16 : index
        %get3A_821 = tpu.vector_load %arg19[%get3A_819, %get3A_820] {strides = array<i32>} : memref<256x32xf32, #tpu.memory_space<vmem>>, vector<1x16xf32>,
        %get3A_822 = vector.shape_cast %get3A_821 : vector<1x16xf32> to vector<16xf32>
        %mul3A_823 = vector.broadcast %squeeze3A_807 : f32 to vector<16xf32>
        %mul3A_824 = arith.mulf %get3A_822, %mul3A_823 : vector<16xf32>
        %swap3A_825 = arith.index_cast %add3A_805 : i32 to index
        %swap3A_826 = arith.constant 16 : index
        %swap3A_827 = tpu.vector_load %arg19[%swap3A_825, %swap3A_826] {strides = array<i32>} : memref<256x32xf32, #tpu.memory_space<vmem>>, vector<1x16xf32>,
        %swap3A_828 = vector.shape_cast %swap3A_827 : vector<1x16xf32> to vector<16xf32>
        %swap3A_829 = vector.shape_cast %mul3A_824 : vector<16xf32> to vector<1x16xf32>
        tpu.vector_store %arg19[%swap3A_825, %swap3A_826], %swap3A_829 {strides = array<i32>} : memref<256x32xf32, #tpu.memory_space<vmem>>, vector<1x16xf32>,
        %mul3A_830 = arith.constant 16 : i32
        %mul3A_831 = arith.muli %mul3A_830, %scan3A_404 : i32
        %add3A_832 = arith.constant 15 : i32
        %add3A_833 = arith.addi %mul3A_831, %add3A_832 : i32
        %slice3A_834 = vector.extract_strided_slice %get3A_410 {offsets = [15], sizes = [1], strides = [1]} : vector<16xf32> to vector<1xf32>
        %squeeze3A_835 = vector.extract %slice3A_834[0] : f32 from vector<1xf32>
        %get3A_836 = arith.index_cast %add3A_833 : i32 to index
        %get3A_837 = arith.constant 0 : index
        %get3A_838 = tpu.vector_load %arg19[%get3A_836, %get3A_837] {strides = array<i32>} : memref<256x32xf32, #tpu.memory_space<vmem>>, vector<1x16xf32>,
        %get3A_839 = vector.shape_cast %get3A_838 : vector<1x16xf32> to vector<16xf32>
        %mul3A_840 = vector.broadcast %squeeze3A_835 : f32 to vector<16xf32>
        %mul3A_841 = arith.mulf %get3A_839, %mul3A_840 : vector<16xf32>
        %swap3A_842 = arith.index_cast %add3A_833 : i32 to index
        %swap3A_843 = arith.constant 0 : index
        %swap3A_844 = tpu.vector_load %arg19[%swap3A_842, %swap3A_843] {strides = array<i32>} : memref<256x32xf32, #tpu.memory_space<vmem>>, vector<1x16xf32>,
        %swap3A_845 = vector.shape_cast %swap3A_844 : vector<1x16xf32> to vector<16xf32>
        %swap3A_846 = vector.shape_cast %mul3A_841 : vector<16xf32> to vector<1x16xf32>
        tpu.vector_store %arg19[%swap3A_842, %swap3A_843], %swap3A_846 {strides = array<i32>} : memref<256x32xf32, #tpu.memory_space<vmem>>, vector<1x16xf32>,
        %get3A_847 = arith.index_cast %add3A_833 : i32 to index
        %get3A_848 = arith.constant 16 : index
        %get3A_849 = tpu.vector_load %arg19[%get3A_847, %get3A_848] {strides = array<i32>} : memref<256x32xf32, #tpu.memory_space<vmem>>, vector<1x16xf32>,
        %get3A_850 = vector.shape_cast %get3A_849 : vector<1x16xf32> to vector<16xf32>
        %mul3A_851 = vector.broadcast %squeeze3A_835 : f32 to vector<16xf32>
        %mul3A_852 = arith.mulf %get3A_850, %mul3A_851 : vector<16xf32>
        %swap3A_853 = arith.index_cast %add3A_833 : i32 to index
        %swap3A_854 = arith.constant 16 : index
        %swap3A_855 = tpu.vector_load %arg19[%swap3A_853, %swap3A_854] {strides = array<i32>} : memref<256x32xf32, #tpu.memory_space<vmem>>, vector<1x16xf32>,
        %swap3A_856 = vector.shape_cast %swap3A_855 : vector<1x16xf32> to vector<16xf32>
        %swap3A_857 = vector.shape_cast %mul3A_852 : vector<16xf32> to vector<1x16xf32>
        tpu.vector_store %arg19[%swap3A_853, %swap3A_854], %swap3A_857 {strides = array<i32>} : memref<256x32xf32, #tpu.memory_space<vmem>>, vector<1x16xf32>,
        %scan3A_858 = arith.constant 0 : i32
        scf.yield %scan3A_858 : i32
      }
      %scan3A_342 = arith.constant 16 : i32
      %dma_start3A_343 = arith.constant 0 : i32
      %dma_start3A_344 = arith.constant 0 : i32
      %dma_start3A_345 = arith.constant 0 : i32
      %dma_start3A_346 = tpu.memref_slice %arg19[%dma_start3A_344, %dma_start3A_345] : memref<256x32xf32, #tpu.memory_space<vmem>> -> memref<128x32xf32, #tpu.memory_space<vmem>>
      %dma_start3A_347 = arith.constant 0 : i32
      %dma_start3A_348 = tpu.memref_slice %arg11[%dma_start3A_343, %dma_start3A_347] : memref<2x128xi32, #tpu.memory_space<vmem>> -> memref<1x128xi32, #tpu.memory_space<vmem>>
      %dma_start3A_349 = tpu.memref_squeeze %dma_start3A_348 : memref<1x128xi32, #tpu.memory_space<vmem>> -> memref<128xi32, #tpu.memory_space<vmem>>
      %dma_start3A_350 = arith.constant 0 : i32
      %dma_start3A_351 = arith.constant 0 : i32
      %dma_start3A_352 = tpu.memref_slice %arg9[%dma_start3A_350, %dma_start3A_351] : memref<50008x32xf32, #tpu.memory_space<vmem_shared>> -> memref<50008x32xf32, #tpu.memory_space<vmem_shared>>
      tpu.enqueue_indirect_dma source(%dma_start3A_346 : memref<128x32xf32, #tpu.memory_space<vmem>>) target(%dma_start3A_352 : memref<50008x32xf32, #tpu.memory_space<vmem_shared>>) offsets(%dma_start3A_349 : memref<128xi32, #tpu.memory_space<vmem>>) semaphore(%arg26 : memref<!tpu.dma_semaphore, #tpu.memory_space<semaphore_mem>>) {add = true}
      %dma_start3A_353 = arith.constant 1 : i32
      %dma_start3A_354 = arith.constant 128 : i32
      %dma_start3A_355 = arith.constant 0 : i32
      %dma_start3A_356 = tpu.memref_slice %arg19[%dma_start3A_354, %dma_start3A_355] : memref<256x32xf32, #tpu.memory_space<vmem>> -> memref<128x32xf32, #tpu.memory_space<vmem>>
      %dma_start3A_357 = arith.constant 0 : i32
      %dma_start3A_358 = tpu.memref_slice %arg11[%dma_start3A_353, %dma_start3A_357] : memref<2x128xi32, #tpu.memory_space<vmem>> -> memref<1x128xi32, #tpu.memory_space<vmem>>
      %dma_start3A_359 = tpu.memref_squeeze %dma_start3A_358 : memref<1x128xi32, #tpu.memory_space<vmem>> -> memref<128xi32, #tpu.memory_space<vmem>>
      %dma_start3A_360 = arith.constant 0 : i32
      %dma_start3A_361 = arith.constant 0 : i32
      %dma_start3A_362 = tpu.memref_slice %arg9[%dma_start3A_360, %dma_start3A_361] : memref<50008x32xf32, #tpu.memory_space<vmem_shared>> -> memref<50008x32xf32, #tpu.memory_space<vmem_shared>>
      tpu.enqueue_indirect_dma source(%dma_start3A_356 : memref<128x32xf32, #tpu.memory_space<vmem>>) target(%dma_start3A_362 : memref<50008x32xf32, #tpu.memory_space<vmem_shared>>) offsets(%dma_start3A_359 : memref<128xi32, #tpu.memory_space<vmem>>) semaphore(%arg26 : memref<!tpu.dma_semaphore, #tpu.memory_space<semaphore_mem>>) {add = true}
      %dma_wait3A_363 = arith.constant 0 : i32
      %dma_wait3A_364 = arith.constant 0 : i32
      %dma_wait3A_365 = arith.constant 0 : i32
      %dma_wait3A_366 = tpu.memref_slice %arg18[%dma_wait3A_364, %dma_wait3A_365] : memref<256x32xf32, #tpu.memory_space<vmem>> -> memref<128x32xf32, #tpu.memory_space<vmem>>
      %dma_wait3A_367 = arith.constant 0 : i32
      %dma_wait3A_368 = tpu.memref_slice %arg10[%dma_wait3A_363, %dma_wait3A_367] : memref<2x128xi32, #tpu.memory_space<vmem>> -> memref<1x128xi32, #tpu.memory_space<vmem>>
      %dma_wait3A_369 = tpu.memref_squeeze %dma_wait3A_368 : memref<1x128xi32, #tpu.memory_space<vmem>> -> memref<128xi32, #tpu.memory_space<vmem>>
      %dma_wait3A_370 = arith.constant 0 : i32
      %dma_wait3A_371 = arith.constant 0 : i32
      %dma_wait3A_372 = tpu.memref_slice %arg9[%dma_wait3A_370, %dma_wait3A_371] : memref<50008x32xf32, #tpu.memory_space<vmem_shared>> -> memref<50008x32xf32, #tpu.memory_space<vmem_shared>>
      tpu.wait_indirect_dma semaphore(%arg25 : memref<!tpu.dma_semaphore, #tpu.memory_space<semaphore_mem>>) src(%dma_wait3A_366 : memref<128x32xf32, #tpu.memory_space<vmem>>) dst(%dma_wait3A_372 : memref<50008x32xf32, #tpu.memory_space<vmem_shared>>)
      %dma_wait3A_373 = arith.constant 1 : i32
      %dma_wait3A_374 = arith.constant 128 : i32
      %dma_wait3A_375 = arith.constant 0 : i32
      %dma_wait3A_376 = tpu.memref_slice %arg18[%dma_wait3A_374, %dma_wait3A_375] : memref<256x32xf32, #tpu.memory_space<vmem>> -> memref<128x32xf32, #tpu.memory_space<vmem>>
      %dma_wait3A_377 = arith.constant 0 : i32
      %dma_wait3A_378 = tpu.memref_slice %arg10[%dma_wait3A_373, %dma_wait3A_377] : memref<2x128xi32, #tpu.memory_space<vmem>> -> memref<1x128xi32, #tpu.memory_space<vmem>>
      %dma_wait3A_379 = tpu.memref_squeeze %dma_wait3A_378 : memref<1x128xi32, #tpu.memory_space<vmem>> -> memref<128xi32, #tpu.memory_space<vmem>>
      %dma_wait3A_380 = arith.constant 0 : i32
      %dma_wait3A_381 = arith.constant 0 : i32
      %dma_wait3A_382 = tpu.memref_slice %arg9[%dma_wait3A_380, %dma_wait3A_381] : memref<50008x32xf32, #tpu.memory_space<vmem_shared>> -> memref<50008x32xf32, #tpu.memory_space<vmem_shared>>
      tpu.wait_indirect_dma semaphore(%arg25 : memref<!tpu.dma_semaphore, #tpu.memory_space<semaphore_mem>>) src(%dma_wait3A_376 : memref<128x32xf32, #tpu.memory_space<vmem>>) dst(%dma_wait3A_382 : memref<50008x32xf32, #tpu.memory_space<vmem_shared>>)
      %dma_wait3A_383 = arith.constant 0 : i32
      %dma_wait3A_384 = arith.constant 0 : i32
      %dma_wait3A_385 = arith.constant 0 : i32
      %dma_wait3A_386 = tpu.memref_slice %arg19[%dma_wait3A_384, %dma_wait3A_385] : memref<256x32xf32, #tpu.memory_space<vmem>> -> memref<128x32xf32, #tpu.memory_space<vmem>>
      %dma_wait3A_387 = arith.constant 0 : i32
      %dma_wait3A_388 = tpu.memref_slice %arg11[%dma_wait3A_383, %dma_wait3A_387] : memref<2x128xi32, #tpu.memory_space<vmem>> -> memref<1x128xi32, #tpu.memory_space<vmem>>
      %dma_wait3A_389 = tpu.memref_squeeze %dma_wait3A_388 : memref<1x128xi32, #tpu.memory_space<vmem>> -> memref<128xi32, #tpu.memory_space<vmem>>
      %dma_wait3A_390 = arith.constant 0 : i32
      %dma_wait3A_391 = arith.constant 0 : i32
      %dma_wait3A_392 = tpu.memref_slice %arg9[%dma_wait3A_390, %dma_wait3A_391] : memref<50008x32xf32, #tpu.memory_space<vmem_shared>> -> memref<50008x32xf32, #tpu.memory_space<vmem_shared>>
      tpu.wait_indirect_dma semaphore(%arg26 : memref<!tpu.dma_semaphore, #tpu.memory_space<semaphore_mem>>) src(%dma_wait3A_386 : memref<128x32xf32, #tpu.memory_space<vmem>>) dst(%dma_wait3A_392 : memref<50008x32xf32, #tpu.memory_space<vmem_shared>>)
      %dma_wait3A_393 = arith.constant 1 : i32
      %dma_wait3A_394 = arith.constant 128 : i32
      %dma_wait3A_395 = arith.constant 0 : i32
      %dma_wait3A_396 = tpu.memref_slice %arg19[%dma_wait3A_394, %dma_wait3A_395] : memref<256x32xf32, #tpu.memory_space<vmem>> -> memref<128x32xf32, #tpu.memory_space<vmem>>
      %dma_wait3A_397 = arith.constant 0 : i32
      %dma_wait3A_398 = tpu.memref_slice %arg11[%dma_wait3A_393, %dma_wait3A_397] : memref<2x128xi32, #tpu.memory_space<vmem>> -> memref<1x128xi32, #tpu.memory_space<vmem>>
      %dma_wait3A_399 = tpu.memref_squeeze %dma_wait3A_398 : memref<1x128xi32, #tpu.memory_space<vmem>> -> memref<128xi32, #tpu.memory_space<vmem>>
      %dma_wait3A_400 = arith.constant 0 : i32
      %dma_wait3A_401 = arith.constant 0 : i32
      %dma_wait3A_402 = tpu.memref_slice %arg9[%dma_wait3A_400, %dma_wait3A_401] : memref<50008x32xf32, #tpu.memory_space<vmem_shared>> -> memref<50008x32xf32, #tpu.memory_space<vmem_shared>>
      tpu.wait_indirect_dma semaphore(%arg26 : memref<!tpu.dma_semaphore, #tpu.memory_space<semaphore_mem>>) src(%dma_wait3A_396 : memref<128x32xf32, #tpu.memory_space<vmem>>) dst(%dma_wait3A_402 : memref<50008x32xf32, #tpu.memory_space<vmem_shared>>)
      %scan3A_403 = arith.constant 0 : i32
      scf.yield %scan3A_403 : i32
    }
    %scan3A_33 = arith.constant 98 : i32
    %barrier3A_34 = arith.constant 0 : index
    tpu.barrier barrier_id(%barrier3A_34)
    %lt3A_35 = arith.constant 6 : i32
    %lt3A_36 = arith.cmpi slt, %arg1, %lt3A_35 : i32
    %jit3A_37 = arith.constant 25 : i32
    %jit3A_38 = arith.constant 24 : i32
    %select_n3A_39 = arith.select %lt3A_36, %jit3A_37, %jit3A_38 : i32
    %eq3A_40 = arith.constant 0 : i32
    %eq3A_41 = arith.cmpi eq, %arg0, %eq3A_40 : i32
    %convert_element_type3A_42 = arith.extui %eq3A_41 : i1 to i32
    %cond3A_43 = arith.constant 0 : i32
    %cond3A_44 = arith.cmpi ne, %convert_element_type3A_42, %cond3A_43 : i32
    scf.if %cond3A_44 {
      %while3A_50 = arith.constant 0 : i32
      %while3A_51 = arith.constant 0 : i32
      %while3A_52 = arith.subi %select_n3A_39, %while3A_50 : i32
      %while3A_53 = arith.addi %while3A_50, %while3A_52 : i32
      %while3A_54 = arith.constant 1 : i32
      %while3A_55 = arith.divsi %while3A_52, %while3A_54 : i32
      %while3A_56 = arith.muli %while3A_55, %while3A_54 : i32
      %while3A_57 = arith.addi %while3A_50, %while3A_56 : i32
      %while3A_58 = arith.constant 1 : i32
      %while3A_59 = scf.for %while3A_67 = %while3A_50 to %while3A_57 step %while3A_58 iter_args(%while3A_68 = %while3A_51) -> (i32)  : i32 {
        %mul3A_69 = arith.constant 16 : i32
        %mul3A_70 = arith.muli %while3A_67, %mul3A_69 : i32
        %add3A = arith.addi %mul3A_70, %arg1 : i32
        %mul3A_71 = arith.constant 128 : i32
        %mul3A_72 = arith.muli %add3A, %mul3A_71 : i32
        %mul3A_73 = arith.constant 128 : i32
        %mul3A_74 = arith.muli %add3A, %mul3A_73 : i32
        "tpu.region"() ({
          %run_scoped3A = tpu.sem_alloc : memref<!tpu.dma_semaphore, #tpu.memory_space<semaphore_mem>>
          %dma_start3A = arith.constant 0 : i32
          %dma_start3A_76 = tpu.memref_slice %arg7[%mul3A_74, %dma_start3A] : memref<50176x32xf32, #tpu.memory_space<hbm>> -> memref<128x32xf32, #tpu.memory_space<hbm>>
          %dma_start3A_77 = arith.constant 0 : i32
          %dma_start3A_78 = tpu.memref_slice %arg9[%mul3A_72, %dma_start3A_77] : memref<50008x32xf32, #tpu.memory_space<vmem_shared>> -> memref<128x32xf32, #tpu.memory_space<vmem_shared>>
          tpu.enqueue_dma source(%dma_start3A_78 : memref<128x32xf32, #tpu.memory_space<vmem_shared>>) target(%dma_start3A_76 : memref<128x32xf32, #tpu.memory_space<hbm>>) target_semaphore(%run_scoped3A : memref<!tpu.dma_semaphore, #tpu.memory_space<semaphore_mem>>)
          %dma_wait3A = arith.constant 0 : i32
          %dma_wait3A_79 = tpu.memref_slice %arg7[%mul3A_74, %dma_wait3A] : memref<50176x32xf32, #tpu.memory_space<hbm>> -> memref<128x32xf32, #tpu.memory_space<hbm>>
          %dma_wait3A_80 = arith.constant 0 : i32
          %dma_wait3A_81 = tpu.memref_slice %arg9[%mul3A_72, %dma_wait3A_80] : memref<50008x32xf32, #tpu.memory_space<vmem_shared>> -> memref<128x32xf32, #tpu.memory_space<vmem_shared>>
          tpu.wait_dma2 semaphore(%run_scoped3A : memref<!tpu.dma_semaphore, #tpu.memory_space<semaphore_mem>>) src(%dma_wait3A_81 : memref<128x32xf32, #tpu.memory_space<vmem_shared>>) dst(%dma_wait3A_79 : memref<128x32xf32, #tpu.memory_space<hbm>>)
          tpu.yield
        }) : () -> ()
        %while3A_75 = arith.constant 0 : i32
        scf.yield %while3A_75 : i32
      }
      %while3A_60 = arith.constant 1 : i32
      %while3A_61 = scf.for %while3A_67 = %while3A_57 to %while3A_53 step %while3A_60 iter_args(%while3A_68 = %while3A_59) -> (i32)  : i32 {
        %mul3A_69 = arith.constant 16 : i32
        %mul3A_70 = arith.muli %while3A_67, %mul3A_69 : i32
        %add3A = arith.addi %mul3A_70, %arg1 : i32
        %mul3A_71 = arith.constant 128 : i32
        %mul3A_72 = arith.muli %add3A, %mul3A_71 : i32
        %mul3A_73 = arith.constant 128 : i32
        %mul3A_74 = arith.muli %add3A, %mul3A_73 : i32
        "tpu.region"() ({
          %run_scoped3A = tpu.sem_alloc : memref<!tpu.dma_semaphore, #tpu.memory_space<semaphore_mem>>
          %dma_start3A = arith.constant 0 : i32
          %dma_start3A_76 = tpu.memref_slice %arg7[%mul3A_74, %dma_start3A] : memref<50176x32xf32, #tpu.memory_space<hbm>> -> memref<128x32xf32, #tpu.memory_space<hbm>>
          %dma_start3A_77 = arith.constant 0 : i32
          %dma_start3A_78 = tpu.memref_slice %arg9[%mul3A_72, %dma_start3A_77] : memref<50008x32xf32, #tpu.memory_space<vmem_shared>> -> memref<128x32xf32, #tpu.memory_space<vmem_shared>>
          tpu.enqueue_dma source(%dma_start3A_78 : memref<128x32xf32, #tpu.memory_space<vmem_shared>>) target(%dma_start3A_76 : memref<128x32xf32, #tpu.memory_space<hbm>>) target_semaphore(%run_scoped3A : memref<!tpu.dma_semaphore, #tpu.memory_space<semaphore_mem>>)
          %dma_wait3A = arith.constant 0 : i32
          %dma_wait3A_79 = tpu.memref_slice %arg7[%mul3A_74, %dma_wait3A] : memref<50176x32xf32, #tpu.memory_space<hbm>> -> memref<128x32xf32, #tpu.memory_space<hbm>>
          %dma_wait3A_80 = arith.constant 0 : i32
          %dma_wait3A_81 = tpu.memref_slice %arg9[%mul3A_72, %dma_wait3A_80] : memref<50008x32xf32, #tpu.memory_space<vmem_shared>> -> memref<128x32xf32, #tpu.memory_space<vmem_shared>>
          tpu.wait_dma2 semaphore(%run_scoped3A : memref<!tpu.dma_semaphore, #tpu.memory_space<semaphore_mem>>) src(%dma_wait3A_81 : memref<128x32xf32, #tpu.memory_space<vmem_shared>>) dst(%dma_wait3A_79 : memref<128x32xf32, #tpu.memory_space<hbm>>)
          tpu.yield
        }) : () -> ()
        %while3A_75 = arith.constant 0 : i32
        scf.yield %while3A_75 : i32
      }
      %eq3A_62 = arith.constant 6 : i32
      %eq3A_63 = arith.cmpi eq, %arg1, %eq3A_62 : i32
      %convert_element_type3A_64 = arith.extui %eq3A_63 : i1 to i32
      %cond3A_65 = arith.constant 0 : i32
      %cond3A_66 = arith.cmpi ne, %convert_element_type3A_64, %cond3A_65 : i32
      scf.if %cond3A_66 {
        "tpu.region"() ({
          %run_scoped3A = tpu.sem_alloc : memref<!tpu.dma_semaphore, #tpu.memory_space<semaphore_mem>>
          %dma_start3A = arith.constant 49920 : i32
          %dma_start3A_67 = arith.constant 0 : i32
          %dma_start3A_68 = tpu.memref_slice %arg7[%dma_start3A, %dma_start3A_67] : memref<50176x32xf32, #tpu.memory_space<hbm>> -> memref<80x32xf32, #tpu.memory_space<hbm>>
          %dma_start3A_69 = arith.constant 49920 : i32
          %dma_start3A_70 = arith.constant 0 : i32
          %dma_start3A_71 = tpu.memref_slice %arg9[%dma_start3A_69, %dma_start3A_70] : memref<50008x32xf32, #tpu.memory_space<vmem_shared>> -> memref<80x32xf32, #tpu.memory_space<vmem_shared>>
          tpu.enqueue_dma source(%dma_start3A_71 : memref<80x32xf32, #tpu.memory_space<vmem_shared>>) target(%dma_start3A_68 : memref<80x32xf32, #tpu.memory_space<hbm>>) target_semaphore(%run_scoped3A : memref<!tpu.dma_semaphore, #tpu.memory_space<semaphore_mem>>)
          %dma_wait3A = arith.constant 49920 : i32
          %dma_wait3A_72 = arith.constant 0 : i32
          %dma_wait3A_73 = tpu.memref_slice %arg7[%dma_wait3A, %dma_wait3A_72] : memref<50176x32xf32, #tpu.memory_space<hbm>> -> memref<80x32xf32, #tpu.memory_space<hbm>>
          %dma_wait3A_74 = arith.constant 49920 : i32
          %dma_wait3A_75 = arith.constant 0 : i32
          %dma_wait3A_76 = tpu.memref_slice %arg9[%dma_wait3A_74, %dma_wait3A_75] : memref<50008x32xf32, #tpu.memory_space<vmem_shared>> -> memref<80x32xf32, #tpu.memory_space<vmem_shared>>
          tpu.wait_dma2 semaphore(%run_scoped3A : memref<!tpu.dma_semaphore, #tpu.memory_space<semaphore_mem>>) src(%dma_wait3A_76 : memref<80x32xf32, #tpu.memory_space<vmem_shared>>) dst(%dma_wait3A_73 : memref<80x32xf32, #tpu.memory_space<hbm>>)
          tpu.yield
        }) : () -> ()
      } else {
      }
    } else {
    }
    %eq3A_45 = arith.constant 1 : i32
    %eq3A_46 = arith.cmpi eq, %arg0, %eq3A_45 : i32
    %convert_element_type3A_47 = arith.extui %eq3A_46 : i1 to i32
    %cond3A_48 = arith.constant 0 : i32
    %cond3A_49 = arith.cmpi ne, %convert_element_type3A_47, %cond3A_48 : i32
    scf.if %cond3A_49 {
      %while3A_50 = arith.constant 0 : i32
      %while3A_51 = arith.constant 0 : i32
      %while3A_52 = arith.subi %select_n3A_39, %while3A_50 : i32
      %while3A_53 = arith.addi %while3A_50, %while3A_52 : i32
      %while3A_54 = arith.constant 1 : i32
      %while3A_55 = arith.divsi %while3A_52, %while3A_54 : i32
      %while3A_56 = arith.muli %while3A_55, %while3A_54 : i32
      %while3A_57 = arith.addi %while3A_50, %while3A_56 : i32
      %while3A_58 = arith.constant 1 : i32
      %while3A_59 = scf.for %while3A_67 = %while3A_50 to %while3A_57 step %while3A_58 iter_args(%while3A_68 = %while3A_51) -> (i32)  : i32 {
        %mul3A_69 = arith.constant 16 : i32
        %mul3A_70 = arith.muli %while3A_67, %mul3A_69 : i32
        %add3A = arith.addi %mul3A_70, %arg1 : i32
        %mul3A_71 = arith.constant 128 : i32
        %mul3A_72 = arith.muli %add3A, %mul3A_71 : i32
        %mul3A_73 = arith.constant 128 : i32
        %mul3A_74 = arith.muli %add3A, %mul3A_73 : i32
        "tpu.region"() ({
          %run_scoped3A = tpu.sem_alloc : memref<!tpu.dma_semaphore, #tpu.memory_space<semaphore_mem>>
          %dma_start3A = arith.constant 0 : i32
          %dma_start3A_76 = tpu.memref_slice %arg8[%mul3A_74, %dma_start3A] : memref<50176x32xf32, #tpu.memory_space<hbm>> -> memref<128x32xf32, #tpu.memory_space<hbm>>
          %dma_start3A_77 = arith.constant 0 : i32
          %dma_start3A_78 = tpu.memref_slice %arg9[%mul3A_72, %dma_start3A_77] : memref<50008x32xf32, #tpu.memory_space<vmem_shared>> -> memref<128x32xf32, #tpu.memory_space<vmem_shared>>
          tpu.enqueue_dma source(%dma_start3A_78 : memref<128x32xf32, #tpu.memory_space<vmem_shared>>) target(%dma_start3A_76 : memref<128x32xf32, #tpu.memory_space<hbm>>) target_semaphore(%run_scoped3A : memref<!tpu.dma_semaphore, #tpu.memory_space<semaphore_mem>>)
          %dma_wait3A = arith.constant 0 : i32
          %dma_wait3A_79 = tpu.memref_slice %arg8[%mul3A_74, %dma_wait3A] : memref<50176x32xf32, #tpu.memory_space<hbm>> -> memref<128x32xf32, #tpu.memory_space<hbm>>
          %dma_wait3A_80 = arith.constant 0 : i32
          %dma_wait3A_81 = tpu.memref_slice %arg9[%mul3A_72, %dma_wait3A_80] : memref<50008x32xf32, #tpu.memory_space<vmem_shared>> -> memref<128x32xf32, #tpu.memory_space<vmem_shared>>
          tpu.wait_dma2 semaphore(%run_scoped3A : memref<!tpu.dma_semaphore, #tpu.memory_space<semaphore_mem>>) src(%dma_wait3A_81 : memref<128x32xf32, #tpu.memory_space<vmem_shared>>) dst(%dma_wait3A_79 : memref<128x32xf32, #tpu.memory_space<hbm>>)
          tpu.yield
        }) : () -> ()
        %while3A_75 = arith.constant 0 : i32
        scf.yield %while3A_75 : i32
      }
      %while3A_60 = arith.constant 1 : i32
      %while3A_61 = scf.for %while3A_67 = %while3A_57 to %while3A_53 step %while3A_60 iter_args(%while3A_68 = %while3A_59) -> (i32)  : i32 {
        %mul3A_69 = arith.constant 16 : i32
        %mul3A_70 = arith.muli %while3A_67, %mul3A_69 : i32
        %add3A = arith.addi %mul3A_70, %arg1 : i32
        %mul3A_71 = arith.constant 128 : i32
        %mul3A_72 = arith.muli %add3A, %mul3A_71 : i32
        %mul3A_73 = arith.constant 128 : i32
        %mul3A_74 = arith.muli %add3A, %mul3A_73 : i32
        "tpu.region"() ({
          %run_scoped3A = tpu.sem_alloc : memref<!tpu.dma_semaphore, #tpu.memory_space<semaphore_mem>>
          %dma_start3A = arith.constant 0 : i32
          %dma_start3A_76 = tpu.memref_slice %arg8[%mul3A_74, %dma_start3A] : memref<50176x32xf32, #tpu.memory_space<hbm>> -> memref<128x32xf32, #tpu.memory_space<hbm>>
          %dma_start3A_77 = arith.constant 0 : i32
          %dma_start3A_78 = tpu.memref_slice %arg9[%mul3A_72, %dma_start3A_77] : memref<50008x32xf32, #tpu.memory_space<vmem_shared>> -> memref<128x32xf32, #tpu.memory_space<vmem_shared>>
          tpu.enqueue_dma source(%dma_start3A_78 : memref<128x32xf32, #tpu.memory_space<vmem_shared>>) target(%dma_start3A_76 : memref<128x32xf32, #tpu.memory_space<hbm>>) target_semaphore(%run_scoped3A : memref<!tpu.dma_semaphore, #tpu.memory_space<semaphore_mem>>)
          %dma_wait3A = arith.constant 0 : i32
          %dma_wait3A_79 = tpu.memref_slice %arg8[%mul3A_74, %dma_wait3A] : memref<50176x32xf32, #tpu.memory_space<hbm>> -> memref<128x32xf32, #tpu.memory_space<hbm>>
          %dma_wait3A_80 = arith.constant 0 : i32
          %dma_wait3A_81 = tpu.memref_slice %arg9[%mul3A_72, %dma_wait3A_80] : memref<50008x32xf32, #tpu.memory_space<vmem_shared>> -> memref<128x32xf32, #tpu.memory_space<vmem_shared>>
          tpu.wait_dma2 semaphore(%run_scoped3A : memref<!tpu.dma_semaphore, #tpu.memory_space<semaphore_mem>>) src(%dma_wait3A_81 : memref<128x32xf32, #tpu.memory_space<vmem_shared>>) dst(%dma_wait3A_79 : memref<128x32xf32, #tpu.memory_space<hbm>>)
          tpu.yield
        }) : () -> ()
        %while3A_75 = arith.constant 0 : i32
        scf.yield %while3A_75 : i32
      }
      %eq3A_62 = arith.constant 6 : i32
      %eq3A_63 = arith.cmpi eq, %arg1, %eq3A_62 : i32
      %convert_element_type3A_64 = arith.extui %eq3A_63 : i1 to i32
      %cond3A_65 = arith.constant 0 : i32
      %cond3A_66 = arith.cmpi ne, %convert_element_type3A_64, %cond3A_65 : i32
      scf.if %cond3A_66 {
        "tpu.region"() ({
          %run_scoped3A = tpu.sem_alloc : memref<!tpu.dma_semaphore, #tpu.memory_space<semaphore_mem>>
          %dma_start3A = arith.constant 49920 : i32
          %dma_start3A_67 = arith.constant 0 : i32
          %dma_start3A_68 = tpu.memref_slice %arg8[%dma_start3A, %dma_start3A_67] : memref<50176x32xf32, #tpu.memory_space<hbm>> -> memref<80x32xf32, #tpu.memory_space<hbm>>
          %dma_start3A_69 = arith.constant 49920 : i32
          %dma_start3A_70 = arith.constant 0 : i32
          %dma_start3A_71 = tpu.memref_slice %arg9[%dma_start3A_69, %dma_start3A_70] : memref<50008x32xf32, #tpu.memory_space<vmem_shared>> -> memref<80x32xf32, #tpu.memory_space<vmem_shared>>
          tpu.enqueue_dma source(%dma_start3A_71 : memref<80x32xf32, #tpu.memory_space<vmem_shared>>) target(%dma_start3A_68 : memref<80x32xf32, #tpu.memory_space<hbm>>) target_semaphore(%run_scoped3A : memref<!tpu.dma_semaphore, #tpu.memory_space<semaphore_mem>>)
          %dma_wait3A = arith.constant 49920 : i32
          %dma_wait3A_72 = arith.constant 0 : i32
          %dma_wait3A_73 = tpu.memref_slice %arg8[%dma_wait3A, %dma_wait3A_72] : memref<50176x32xf32, #tpu.memory_space<hbm>> -> memref<80x32xf32, #tpu.memory_space<hbm>>
          %dma_wait3A_74 = arith.constant 49920 : i32
          %dma_wait3A_75 = arith.constant 0 : i32
          %dma_wait3A_76 = tpu.memref_slice %arg9[%dma_wait3A_74, %dma_wait3A_75] : memref<50008x32xf32, #tpu.memory_space<vmem_shared>> -> memref<80x32xf32, #tpu.memory_space<vmem_shared>>
          tpu.wait_dma2 semaphore(%run_scoped3A : memref<!tpu.dma_semaphore, #tpu.memory_space<semaphore_mem>>) src(%dma_wait3A_76 : memref<80x32xf32, #tpu.memory_space<vmem_shared>>) dst(%dma_wait3A_73 : memref<80x32xf32, #tpu.memory_space<hbm>>)
          tpu.yield
        }) : () -> ()
      } else {
      }
    } else {
    }
    return
  }
}

module attributes {stable_mosaic.version = 14 : i64} {
  func.func @_shead_body(%arg0: i32, %arg1: memref<7168x64xf32, #tpu.memory_space<vmem>>, %arg2: memref<2x64xf32, #tpu.memory_space<vmem>>, %arg3: memref<1x64xf32, #tpu.memory_space<vmem>>, %arg4: memref<64x1xf32, #tpu.memory_space<vmem>>, %arg5: memref<1x1xf32, #tpu.memory_space<vmem>>, %arg6: memref<56x128xf32, #tpu.memory_space<vmem>>, %arg7: memref<2x1xf32, #tpu.memory_space<vmem>>) attributes {dimension_semantics = [#tpu.dimension_semantics<arbitrary>], iteration_bounds = array<i64: 7>, scalar_prefetch = 0 : i64, scratch_operands = 0 : i64, tpu.core_type = #tpu.core_type<tc>, window_params = [{transform_indices = @transform_0, window_bounds = array<i64: 7168, 64>}, {pipeline_mode = #tpu.pipeline_mode<synchronous>, transform_indices = @transform_1, window_bounds = array<i64: 2, 64>}, {pipeline_mode = #tpu.pipeline_mode<synchronous>, transform_indices = @transform_2, window_bounds = array<i64: 1, 64>}, {pipeline_mode = #tpu.pipeline_mode<synchronous>, transform_indices = @transform_3, window_bounds = array<i64: 64, 1>}, {pipeline_mode = #tpu.pipeline_mode<synchronous>, transform_indices = @transform_4, window_bounds = array<i64: 1, 1>}, {transform_indices = @transform_5, window_bounds = array<i64: 56, 128>}, {pipeline_mode = #tpu.pipeline_mode<synchronous>, transform_indices = @transform_6, window_bounds = array<i64: 2, 1>}]} {
    %get3A = arith.constant 0 : index
    %get3A_0 = arith.constant 0 : index
    %get3A_1 = vector.load %arg3[%get3A, %get3A_0] : memref<1x64xf32, #tpu.memory_space<vmem>>, vector<1x64xf32>
    %get3A_2 = arith.constant 0 : index
    %get3A_3 = arith.constant 0 : index
    %get3A_4 = vector.load %arg1[%get3A_2, %get3A_3] : memref<7168x64xf32, #tpu.memory_space<vmem>>, vector<128x64xf32>
    %dot_general3A = arith.constant dense<0.000000e+00> : vector<1x128xf32>
    %dot_general3A_5 = tpu.matmul %get3A_1, %get3A_4, %dot_general3A {dimension_numbers = #tpu.dot_dimension_numbers<[1], [1], [0], [0], [0, 0, 1, 0], [], []>, transpose_lhs_hint = false} : vector<1x64xf32>, vector<128x64xf32>, vector<1x128xf32> -> vector<1x128xf32>
    %swap3A = arith.constant 0 : index
    %swap3A_6 = arith.constant 0 : index
    %swap3A_7 = vector.load %arg6[%swap3A, %swap3A_6] : memref<56x128xf32, #tpu.memory_space<vmem>>, vector<1x128xf32>
    tpu.vector_store %arg6[%swap3A, %swap3A_6], %dot_general3A_5 {strides = array<i32>} : memref<56x128xf32, #tpu.memory_space<vmem>>, vector<1x128xf32>,
    %get3A_8 = arith.constant 128 : index
    %get3A_9 = arith.constant 0 : index
    %get3A_10 = vector.load %arg1[%get3A_8, %get3A_9] : memref<7168x64xf32, #tpu.memory_space<vmem>>, vector<128x64xf32>
    %dot_general3A_11 = arith.constant dense<0.000000e+00> : vector<1x128xf32>
    %dot_general3A_12 = tpu.matmul %get3A_1, %get3A_10, %dot_general3A_11 {dimension_numbers = #tpu.dot_dimension_numbers<[1], [1], [0], [0], [0, 0, 1, 0], [], []>, transpose_lhs_hint = false} : vector<1x64xf32>, vector<128x64xf32>, vector<1x128xf32> -> vector<1x128xf32>
    %swap3A_13 = arith.constant 1 : index
    %swap3A_14 = arith.constant 0 : index
    %swap3A_15 = vector.load %arg6[%swap3A_13, %swap3A_14] : memref<56x128xf32, #tpu.memory_space<vmem>>, vector<1x128xf32>
    tpu.vector_store %arg6[%swap3A_13, %swap3A_14], %dot_general3A_12 {strides = array<i32>} : memref<56x128xf32, #tpu.memory_space<vmem>>, vector<1x128xf32>,
    %get3A_16 = arith.constant 256 : index
    %get3A_17 = arith.constant 0 : index
    %get3A_18 = vector.load %arg1[%get3A_16, %get3A_17] : memref<7168x64xf32, #tpu.memory_space<vmem>>, vector<128x64xf32>
    %dot_general3A_19 = arith.constant dense<0.000000e+00> : vector<1x128xf32>
    %dot_general3A_20 = tpu.matmul %get3A_1, %get3A_18, %dot_general3A_19 {dimension_numbers = #tpu.dot_dimension_numbers<[1], [1], [0], [0], [0, 0, 1, 0], [], []>, transpose_lhs_hint = false} : vector<1x64xf32>, vector<128x64xf32>, vector<1x128xf32> -> vector<1x128xf32>
    %swap3A_21 = arith.constant 2 : index
    %swap3A_22 = arith.constant 0 : index
    %swap3A_23 = vector.load %arg6[%swap3A_21, %swap3A_22] : memref<56x128xf32, #tpu.memory_space<vmem>>, vector<1x128xf32>
    tpu.vector_store %arg6[%swap3A_21, %swap3A_22], %dot_general3A_20 {strides = array<i32>} : memref<56x128xf32, #tpu.memory_space<vmem>>, vector<1x128xf32>,
    %get3A_24 = arith.constant 384 : index
    %get3A_25 = arith.constant 0 : index
    %get3A_26 = vector.load %arg1[%get3A_24, %get3A_25] : memref<7168x64xf32, #tpu.memory_space<vmem>>, vector<128x64xf32>
    %dot_general3A_27 = arith.constant dense<0.000000e+00> : vector<1x128xf32>
    %dot_general3A_28 = tpu.matmul %get3A_1, %get3A_26, %dot_general3A_27 {dimension_numbers = #tpu.dot_dimension_numbers<[1], [1], [0], [0], [0, 0, 1, 0], [], []>, transpose_lhs_hint = false} : vector<1x64xf32>, vector<128x64xf32>, vector<1x128xf32> -> vector<1x128xf32>
    %swap3A_29 = arith.constant 3 : index
    %swap3A_30 = arith.constant 0 : index
    %swap3A_31 = vector.load %arg6[%swap3A_29, %swap3A_30] : memref<56x128xf32, #tpu.memory_space<vmem>>, vector<1x128xf32>
    tpu.vector_store %arg6[%swap3A_29, %swap3A_30], %dot_general3A_28 {strides = array<i32>} : memref<56x128xf32, #tpu.memory_space<vmem>>, vector<1x128xf32>,
    %get3A_32 = arith.constant 512 : index
    %get3A_33 = arith.constant 0 : index
    %get3A_34 = vector.load %arg1[%get3A_32, %get3A_33] : memref<7168x64xf32, #tpu.memory_space<vmem>>, vector<128x64xf32>
    %dot_general3A_35 = arith.constant dense<0.000000e+00> : vector<1x128xf32>
    %dot_general3A_36 = tpu.matmul %get3A_1, %get3A_34, %dot_general3A_35 {dimension_numbers = #tpu.dot_dimension_numbers<[1], [1], [0], [0], [0, 0, 1, 0], [], []>, transpose_lhs_hint = false} : vector<1x64xf32>, vector<128x64xf32>, vector<1x128xf32> -> vector<1x128xf32>
    %swap3A_37 = arith.constant 4 : index
    %swap3A_38 = arith.constant 0 : index
    %swap3A_39 = vector.load %arg6[%swap3A_37, %swap3A_38] : memref<56x128xf32, #tpu.memory_space<vmem>>, vector<1x128xf32>
    tpu.vector_store %arg6[%swap3A_37, %swap3A_38], %dot_general3A_36 {strides = array<i32>} : memref<56x128xf32, #tpu.memory_space<vmem>>, vector<1x128xf32>,
    %get3A_40 = arith.constant 640 : index
    %get3A_41 = arith.constant 0 : index
    %get3A_42 = vector.load %arg1[%get3A_40, %get3A_41] : memref<7168x64xf32, #tpu.memory_space<vmem>>, vector<128x64xf32>
    %dot_general3A_43 = arith.constant dense<0.000000e+00> : vector<1x128xf32>
    %dot_general3A_44 = tpu.matmul %get3A_1, %get3A_42, %dot_general3A_43 {dimension_numbers = #tpu.dot_dimension_numbers<[1], [1], [0], [0], [0, 0, 1, 0], [], []>, transpose_lhs_hint = false} : vector<1x64xf32>, vector<128x64xf32>, vector<1x128xf32> -> vector<1x128xf32>
    %swap3A_45 = arith.constant 5 : index
    %swap3A_46 = arith.constant 0 : index
    %swap3A_47 = vector.load %arg6[%swap3A_45, %swap3A_46] : memref<56x128xf32, #tpu.memory_space<vmem>>, vector<1x128xf32>
    tpu.vector_store %arg6[%swap3A_45, %swap3A_46], %dot_general3A_44 {strides = array<i32>} : memref<56x128xf32, #tpu.memory_space<vmem>>, vector<1x128xf32>,
    %get3A_48 = arith.constant 768 : index
    %get3A_49 = arith.constant 0 : index
    %get3A_50 = vector.load %arg1[%get3A_48, %get3A_49] : memref<7168x64xf32, #tpu.memory_space<vmem>>, vector<128x64xf32>
    %dot_general3A_51 = arith.constant dense<0.000000e+00> : vector<1x128xf32>
    %dot_general3A_52 = tpu.matmul %get3A_1, %get3A_50, %dot_general3A_51 {dimension_numbers = #tpu.dot_dimension_numbers<[1], [1], [0], [0], [0, 0, 1, 0], [], []>, transpose_lhs_hint = false} : vector<1x64xf32>, vector<128x64xf32>, vector<1x128xf32> -> vector<1x128xf32>
    %swap3A_53 = arith.constant 6 : index
    %swap3A_54 = arith.constant 0 : index
    %swap3A_55 = vector.load %arg6[%swap3A_53, %swap3A_54] : memref<56x128xf32, #tpu.memory_space<vmem>>, vector<1x128xf32>
    tpu.vector_store %arg6[%swap3A_53, %swap3A_54], %dot_general3A_52 {strides = array<i32>} : memref<56x128xf32, #tpu.memory_space<vmem>>, vector<1x128xf32>,
    %get3A_56 = arith.constant 896 : index
    %get3A_57 = arith.constant 0 : index
    %get3A_58 = vector.load %arg1[%get3A_56, %get3A_57] : memref<7168x64xf32, #tpu.memory_space<vmem>>, vector<128x64xf32>
    %dot_general3A_59 = arith.constant dense<0.000000e+00> : vector<1x128xf32>
    %dot_general3A_60 = tpu.matmul %get3A_1, %get3A_58, %dot_general3A_59 {dimension_numbers = #tpu.dot_dimension_numbers<[1], [1], [0], [0], [0, 0, 1, 0], [], []>, transpose_lhs_hint = false} : vector<1x64xf32>, vector<128x64xf32>, vector<1x128xf32> -> vector<1x128xf32>
    %swap3A_61 = arith.constant 7 : index
    %swap3A_62 = arith.constant 0 : index
    %swap3A_63 = vector.load %arg6[%swap3A_61, %swap3A_62] : memref<56x128xf32, #tpu.memory_space<vmem>>, vector<1x128xf32>
    tpu.vector_store %arg6[%swap3A_61, %swap3A_62], %dot_general3A_60 {strides = array<i32>} : memref<56x128xf32, #tpu.memory_space<vmem>>, vector<1x128xf32>,
    %get3A_64 = arith.constant 1024 : index
    %get3A_65 = arith.constant 0 : index
    %get3A_66 = vector.load %arg1[%get3A_64, %get3A_65] : memref<7168x64xf32, #tpu.memory_space<vmem>>, vector<128x64xf32>
    %dot_general3A_67 = arith.constant dense<0.000000e+00> : vector<1x128xf32>
    %dot_general3A_68 = tpu.matmul %get3A_1, %get3A_66, %dot_general3A_67 {dimension_numbers = #tpu.dot_dimension_numbers<[1], [1], [0], [0], [0, 0, 1, 0], [], []>, transpose_lhs_hint = false} : vector<1x64xf32>, vector<128x64xf32>, vector<1x128xf32> -> vector<1x128xf32>
    %swap3A_69 = arith.constant 8 : index
    %swap3A_70 = arith.constant 0 : index
    %swap3A_71 = vector.load %arg6[%swap3A_69, %swap3A_70] : memref<56x128xf32, #tpu.memory_space<vmem>>, vector<1x128xf32>
    tpu.vector_store %arg6[%swap3A_69, %swap3A_70], %dot_general3A_68 {strides = array<i32>} : memref<56x128xf32, #tpu.memory_space<vmem>>, vector<1x128xf32>,
    %get3A_72 = arith.constant 1152 : index
    %get3A_73 = arith.constant 0 : index
    %get3A_74 = vector.load %arg1[%get3A_72, %get3A_73] : memref<7168x64xf32, #tpu.memory_space<vmem>>, vector<128x64xf32>
    %dot_general3A_75 = arith.constant dense<0.000000e+00> : vector<1x128xf32>
    %dot_general3A_76 = tpu.matmul %get3A_1, %get3A_74, %dot_general3A_75 {dimension_numbers = #tpu.dot_dimension_numbers<[1], [1], [0], [0], [0, 0, 1, 0], [], []>, transpose_lhs_hint = false} : vector<1x64xf32>, vector<128x64xf32>, vector<1x128xf32> -> vector<1x128xf32>
    %swap3A_77 = arith.constant 9 : index
    %swap3A_78 = arith.constant 0 : index
    %swap3A_79 = vector.load %arg6[%swap3A_77, %swap3A_78] : memref<56x128xf32, #tpu.memory_space<vmem>>, vector<1x128xf32>
    tpu.vector_store %arg6[%swap3A_77, %swap3A_78], %dot_general3A_76 {strides = array<i32>} : memref<56x128xf32, #tpu.memory_space<vmem>>, vector<1x128xf32>,
    %get3A_80 = arith.constant 1280 : index
    %get3A_81 = arith.constant 0 : index
    %get3A_82 = vector.load %arg1[%get3A_80, %get3A_81] : memref<7168x64xf32, #tpu.memory_space<vmem>>, vector<128x64xf32>
    %dot_general3A_83 = arith.constant dense<0.000000e+00> : vector<1x128xf32>
    %dot_general3A_84 = tpu.matmul %get3A_1, %get3A_82, %dot_general3A_83 {dimension_numbers = #tpu.dot_dimension_numbers<[1], [1], [0], [0], [0, 0, 1, 0], [], []>, transpose_lhs_hint = false} : vector<1x64xf32>, vector<128x64xf32>, vector<1x128xf32> -> vector<1x128xf32>
    %swap3A_85 = arith.constant 10 : index
    %swap3A_86 = arith.constant 0 : index
    %swap3A_87 = vector.load %arg6[%swap3A_85, %swap3A_86] : memref<56x128xf32, #tpu.memory_space<vmem>>, vector<1x128xf32>
    tpu.vector_store %arg6[%swap3A_85, %swap3A_86], %dot_general3A_84 {strides = array<i32>} : memref<56x128xf32, #tpu.memory_space<vmem>>, vector<1x128xf32>,
    %get3A_88 = arith.constant 1408 : index
    %get3A_89 = arith.constant 0 : index
    %get3A_90 = vector.load %arg1[%get3A_88, %get3A_89] : memref<7168x64xf32, #tpu.memory_space<vmem>>, vector<128x64xf32>
    %dot_general3A_91 = arith.constant dense<0.000000e+00> : vector<1x128xf32>
    %dot_general3A_92 = tpu.matmul %get3A_1, %get3A_90, %dot_general3A_91 {dimension_numbers = #tpu.dot_dimension_numbers<[1], [1], [0], [0], [0, 0, 1, 0], [], []>, transpose_lhs_hint = false} : vector<1x64xf32>, vector<128x64xf32>, vector<1x128xf32> -> vector<1x128xf32>
    %swap3A_93 = arith.constant 11 : index
    %swap3A_94 = arith.constant 0 : index
    %swap3A_95 = vector.load %arg6[%swap3A_93, %swap3A_94] : memref<56x128xf32, #tpu.memory_space<vmem>>, vector<1x128xf32>
    tpu.vector_store %arg6[%swap3A_93, %swap3A_94], %dot_general3A_92 {strides = array<i32>} : memref<56x128xf32, #tpu.memory_space<vmem>>, vector<1x128xf32>,
    %get3A_96 = arith.constant 1536 : index
    %get3A_97 = arith.constant 0 : index
    %get3A_98 = vector.load %arg1[%get3A_96, %get3A_97] : memref<7168x64xf32, #tpu.memory_space<vmem>>, vector<128x64xf32>
    %dot_general3A_99 = arith.constant dense<0.000000e+00> : vector<1x128xf32>
    %dot_general3A_100 = tpu.matmul %get3A_1, %get3A_98, %dot_general3A_99 {dimension_numbers = #tpu.dot_dimension_numbers<[1], [1], [0], [0], [0, 0, 1, 0], [], []>, transpose_lhs_hint = false} : vector<1x64xf32>, vector<128x64xf32>, vector<1x128xf32> -> vector<1x128xf32>
    %swap3A_101 = arith.constant 12 : index
    %swap3A_102 = arith.constant 0 : index
    %swap3A_103 = vector.load %arg6[%swap3A_101, %swap3A_102] : memref<56x128xf32, #tpu.memory_space<vmem>>, vector<1x128xf32>
    tpu.vector_store %arg6[%swap3A_101, %swap3A_102], %dot_general3A_100 {strides = array<i32>} : memref<56x128xf32, #tpu.memory_space<vmem>>, vector<1x128xf32>,
    %get3A_104 = arith.constant 1664 : index
    %get3A_105 = arith.constant 0 : index
    %get3A_106 = vector.load %arg1[%get3A_104, %get3A_105] : memref<7168x64xf32, #tpu.memory_space<vmem>>, vector<128x64xf32>
    %dot_general3A_107 = arith.constant dense<0.000000e+00> : vector<1x128xf32>
    %dot_general3A_108 = tpu.matmul %get3A_1, %get3A_106, %dot_general3A_107 {dimension_numbers = #tpu.dot_dimension_numbers<[1], [1], [0], [0], [0, 0, 1, 0], [], []>, transpose_lhs_hint = false} : vector<1x64xf32>, vector<128x64xf32>, vector<1x128xf32> -> vector<1x128xf32>
    %swap3A_109 = arith.constant 13 : index
    %swap3A_110 = arith.constant 0 : index
    %swap3A_111 = vector.load %arg6[%swap3A_109, %swap3A_110] : memref<56x128xf32, #tpu.memory_space<vmem>>, vector<1x128xf32>
    tpu.vector_store %arg6[%swap3A_109, %swap3A_110], %dot_general3A_108 {strides = array<i32>} : memref<56x128xf32, #tpu.memory_space<vmem>>, vector<1x128xf32>,
    %get3A_112 = arith.constant 1792 : index
    %get3A_113 = arith.constant 0 : index
    %get3A_114 = vector.load %arg1[%get3A_112, %get3A_113] : memref<7168x64xf32, #tpu.memory_space<vmem>>, vector<128x64xf32>
    %dot_general3A_115 = arith.constant dense<0.000000e+00> : vector<1x128xf32>
    %dot_general3A_116 = tpu.matmul %get3A_1, %get3A_114, %dot_general3A_115 {dimension_numbers = #tpu.dot_dimension_numbers<[1], [1], [0], [0], [0, 0, 1, 0], [], []>, transpose_lhs_hint = false} : vector<1x64xf32>, vector<128x64xf32>, vector<1x128xf32> -> vector<1x128xf32>
    %swap3A_117 = arith.constant 14 : index
    %swap3A_118 = arith.constant 0 : index
    %swap3A_119 = vector.load %arg6[%swap3A_117, %swap3A_118] : memref<56x128xf32, #tpu.memory_space<vmem>>, vector<1x128xf32>
    tpu.vector_store %arg6[%swap3A_117, %swap3A_118], %dot_general3A_116 {strides = array<i32>} : memref<56x128xf32, #tpu.memory_space<vmem>>, vector<1x128xf32>,
    %get3A_120 = arith.constant 1920 : index
    %get3A_121 = arith.constant 0 : index
    %get3A_122 = vector.load %arg1[%get3A_120, %get3A_121] : memref<7168x64xf32, #tpu.memory_space<vmem>>, vector<128x64xf32>
    %dot_general3A_123 = arith.constant dense<0.000000e+00> : vector<1x128xf32>
    %dot_general3A_124 = tpu.matmul %get3A_1, %get3A_122, %dot_general3A_123 {dimension_numbers = #tpu.dot_dimension_numbers<[1], [1], [0], [0], [0, 0, 1, 0], [], []>, transpose_lhs_hint = false} : vector<1x64xf32>, vector<128x64xf32>, vector<1x128xf32> -> vector<1x128xf32>
    %swap3A_125 = arith.constant 15 : index
    %swap3A_126 = arith.constant 0 : index
    %swap3A_127 = vector.load %arg6[%swap3A_125, %swap3A_126] : memref<56x128xf32, #tpu.memory_space<vmem>>, vector<1x128xf32>
    tpu.vector_store %arg6[%swap3A_125, %swap3A_126], %dot_general3A_124 {strides = array<i32>} : memref<56x128xf32, #tpu.memory_space<vmem>>, vector<1x128xf32>,
    %get3A_128 = arith.constant 2048 : index
    %get3A_129 = arith.constant 0 : index
    %get3A_130 = vector.load %arg1[%get3A_128, %get3A_129] : memref<7168x64xf32, #tpu.memory_space<vmem>>, vector<128x64xf32>
    %dot_general3A_131 = arith.constant dense<0.000000e+00> : vector<1x128xf32>
    %dot_general3A_132 = tpu.matmul %get3A_1, %get3A_130, %dot_general3A_131 {dimension_numbers = #tpu.dot_dimension_numbers<[1], [1], [0], [0], [0, 0, 1, 0], [], []>, transpose_lhs_hint = false} : vector<1x64xf32>, vector<128x64xf32>, vector<1x128xf32> -> vector<1x128xf32>
    %swap3A_133 = arith.constant 16 : index
    %swap3A_134 = arith.constant 0 : index
    %swap3A_135 = vector.load %arg6[%swap3A_133, %swap3A_134] : memref<56x128xf32, #tpu.memory_space<vmem>>, vector<1x128xf32>
    tpu.vector_store %arg6[%swap3A_133, %swap3A_134], %dot_general3A_132 {strides = array<i32>} : memref<56x128xf32, #tpu.memory_space<vmem>>, vector<1x128xf32>,
    %get3A_136 = arith.constant 2176 : index
    %get3A_137 = arith.constant 0 : index
    %get3A_138 = vector.load %arg1[%get3A_136, %get3A_137] : memref<7168x64xf32, #tpu.memory_space<vmem>>, vector<128x64xf32>
    %dot_general3A_139 = arith.constant dense<0.000000e+00> : vector<1x128xf32>
    %dot_general3A_140 = tpu.matmul %get3A_1, %get3A_138, %dot_general3A_139 {dimension_numbers = #tpu.dot_dimension_numbers<[1], [1], [0], [0], [0, 0, 1, 0], [], []>, transpose_lhs_hint = false} : vector<1x64xf32>, vector<128x64xf32>, vector<1x128xf32> -> vector<1x128xf32>
    %swap3A_141 = arith.constant 17 : index
    %swap3A_142 = arith.constant 0 : index
    %swap3A_143 = vector.load %arg6[%swap3A_141, %swap3A_142] : memref<56x128xf32, #tpu.memory_space<vmem>>, vector<1x128xf32>
    tpu.vector_store %arg6[%swap3A_141, %swap3A_142], %dot_general3A_140 {strides = array<i32>} : memref<56x128xf32, #tpu.memory_space<vmem>>, vector<1x128xf32>,
    %get3A_144 = arith.constant 2304 : index
    %get3A_145 = arith.constant 0 : index
    %get3A_146 = vector.load %arg1[%get3A_144, %get3A_145] : memref<7168x64xf32, #tpu.memory_space<vmem>>, vector<128x64xf32>
    %dot_general3A_147 = arith.constant dense<0.000000e+00> : vector<1x128xf32>
    %dot_general3A_148 = tpu.matmul %get3A_1, %get3A_146, %dot_general3A_147 {dimension_numbers = #tpu.dot_dimension_numbers<[1], [1], [0], [0], [0, 0, 1, 0], [], []>, transpose_lhs_hint = false} : vector<1x64xf32>, vector<128x64xf32>, vector<1x128xf32> -> vector<1x128xf32>
    %swap3A_149 = arith.constant 18 : index
    %swap3A_150 = arith.constant 0 : index
    %swap3A_151 = vector.load %arg6[%swap3A_149, %swap3A_150] : memref<56x128xf32, #tpu.memory_space<vmem>>, vector<1x128xf32>
    tpu.vector_store %arg6[%swap3A_149, %swap3A_150], %dot_general3A_148 {strides = array<i32>} : memref<56x128xf32, #tpu.memory_space<vmem>>, vector<1x128xf32>,
    %get3A_152 = arith.constant 2432 : index
    %get3A_153 = arith.constant 0 : index
    %get3A_154 = vector.load %arg1[%get3A_152, %get3A_153] : memref<7168x64xf32, #tpu.memory_space<vmem>>, vector<128x64xf32>
    %dot_general3A_155 = arith.constant dense<0.000000e+00> : vector<1x128xf32>
    %dot_general3A_156 = tpu.matmul %get3A_1, %get3A_154, %dot_general3A_155 {dimension_numbers = #tpu.dot_dimension_numbers<[1], [1], [0], [0], [0, 0, 1, 0], [], []>, transpose_lhs_hint = false} : vector<1x64xf32>, vector<128x64xf32>, vector<1x128xf32> -> vector<1x128xf32>
    %swap3A_157 = arith.constant 19 : index
    %swap3A_158 = arith.constant 0 : index
    %swap3A_159 = vector.load %arg6[%swap3A_157, %swap3A_158] : memref<56x128xf32, #tpu.memory_space<vmem>>, vector<1x128xf32>
    tpu.vector_store %arg6[%swap3A_157, %swap3A_158], %dot_general3A_156 {strides = array<i32>} : memref<56x128xf32, #tpu.memory_space<vmem>>, vector<1x128xf32>,
    %get3A_160 = arith.constant 2560 : index
    %get3A_161 = arith.constant 0 : index
    %get3A_162 = vector.load %arg1[%get3A_160, %get3A_161] : memref<7168x64xf32, #tpu.memory_space<vmem>>, vector<128x64xf32>
    %dot_general3A_163 = arith.constant dense<0.000000e+00> : vector<1x128xf32>
    %dot_general3A_164 = tpu.matmul %get3A_1, %get3A_162, %dot_general3A_163 {dimension_numbers = #tpu.dot_dimension_numbers<[1], [1], [0], [0], [0, 0, 1, 0], [], []>, transpose_lhs_hint = false} : vector<1x64xf32>, vector<128x64xf32>, vector<1x128xf32> -> vector<1x128xf32>
    %swap3A_165 = arith.constant 20 : index
    %swap3A_166 = arith.constant 0 : index
    %swap3A_167 = vector.load %arg6[%swap3A_165, %swap3A_166] : memref<56x128xf32, #tpu.memory_space<vmem>>, vector<1x128xf32>
    tpu.vector_store %arg6[%swap3A_165, %swap3A_166], %dot_general3A_164 {strides = array<i32>} : memref<56x128xf32, #tpu.memory_space<vmem>>, vector<1x128xf32>,
    %get3A_168 = arith.constant 2688 : index
    %get3A_169 = arith.constant 0 : index
    %get3A_170 = vector.load %arg1[%get3A_168, %get3A_169] : memref<7168x64xf32, #tpu.memory_space<vmem>>, vector<128x64xf32>
    %dot_general3A_171 = arith.constant dense<0.000000e+00> : vector<1x128xf32>
    %dot_general3A_172 = tpu.matmul %get3A_1, %get3A_170, %dot_general3A_171 {dimension_numbers = #tpu.dot_dimension_numbers<[1], [1], [0], [0], [0, 0, 1, 0], [], []>, transpose_lhs_hint = false} : vector<1x64xf32>, vector<128x64xf32>, vector<1x128xf32> -> vector<1x128xf32>
    %swap3A_173 = arith.constant 21 : index
    %swap3A_174 = arith.constant 0 : index
    %swap3A_175 = vector.load %arg6[%swap3A_173, %swap3A_174] : memref<56x128xf32, #tpu.memory_space<vmem>>, vector<1x128xf32>
    tpu.vector_store %arg6[%swap3A_173, %swap3A_174], %dot_general3A_172 {strides = array<i32>} : memref<56x128xf32, #tpu.memory_space<vmem>>, vector<1x128xf32>,
    %get3A_176 = arith.constant 2816 : index
    %get3A_177 = arith.constant 0 : index
    %get3A_178 = vector.load %arg1[%get3A_176, %get3A_177] : memref<7168x64xf32, #tpu.memory_space<vmem>>, vector<128x64xf32>
    %dot_general3A_179 = arith.constant dense<0.000000e+00> : vector<1x128xf32>
    %dot_general3A_180 = tpu.matmul %get3A_1, %get3A_178, %dot_general3A_179 {dimension_numbers = #tpu.dot_dimension_numbers<[1], [1], [0], [0], [0, 0, 1, 0], [], []>, transpose_lhs_hint = false} : vector<1x64xf32>, vector<128x64xf32>, vector<1x128xf32> -> vector<1x128xf32>
    %swap3A_181 = arith.constant 22 : index
    %swap3A_182 = arith.constant 0 : index
    %swap3A_183 = vector.load %arg6[%swap3A_181, %swap3A_182] : memref<56x128xf32, #tpu.memory_space<vmem>>, vector<1x128xf32>
    tpu.vector_store %arg6[%swap3A_181, %swap3A_182], %dot_general3A_180 {strides = array<i32>} : memref<56x128xf32, #tpu.memory_space<vmem>>, vector<1x128xf32>,
    %get3A_184 = arith.constant 2944 : index
    %get3A_185 = arith.constant 0 : index
    %get3A_186 = vector.load %arg1[%get3A_184, %get3A_185] : memref<7168x64xf32, #tpu.memory_space<vmem>>, vector<128x64xf32>
    %dot_general3A_187 = arith.constant dense<0.000000e+00> : vector<1x128xf32>
    %dot_general3A_188 = tpu.matmul %get3A_1, %get3A_186, %dot_general3A_187 {dimension_numbers = #tpu.dot_dimension_numbers<[1], [1], [0], [0], [0, 0, 1, 0], [], []>, transpose_lhs_hint = false} : vector<1x64xf32>, vector<128x64xf32>, vector<1x128xf32> -> vector<1x128xf32>
    %swap3A_189 = arith.constant 23 : index
    %swap3A_190 = arith.constant 0 : index
    %swap3A_191 = vector.load %arg6[%swap3A_189, %swap3A_190] : memref<56x128xf32, #tpu.memory_space<vmem>>, vector<1x128xf32>
    tpu.vector_store %arg6[%swap3A_189, %swap3A_190], %dot_general3A_188 {strides = array<i32>} : memref<56x128xf32, #tpu.memory_space<vmem>>, vector<1x128xf32>,
    %get3A_192 = arith.constant 3072 : index
    %get3A_193 = arith.constant 0 : index
    %get3A_194 = vector.load %arg1[%get3A_192, %get3A_193] : memref<7168x64xf32, #tpu.memory_space<vmem>>, vector<128x64xf32>
    %dot_general3A_195 = arith.constant dense<0.000000e+00> : vector<1x128xf32>
    %dot_general3A_196 = tpu.matmul %get3A_1, %get3A_194, %dot_general3A_195 {dimension_numbers = #tpu.dot_dimension_numbers<[1], [1], [0], [0], [0, 0, 1, 0], [], []>, transpose_lhs_hint = false} : vector<1x64xf32>, vector<128x64xf32>, vector<1x128xf32> -> vector<1x128xf32>
    %swap3A_197 = arith.constant 24 : index
    %swap3A_198 = arith.constant 0 : index
    %swap3A_199 = vector.load %arg6[%swap3A_197, %swap3A_198] : memref<56x128xf32, #tpu.memory_space<vmem>>, vector<1x128xf32>
    tpu.vector_store %arg6[%swap3A_197, %swap3A_198], %dot_general3A_196 {strides = array<i32>} : memref<56x128xf32, #tpu.memory_space<vmem>>, vector<1x128xf32>,
    %get3A_200 = arith.constant 3200 : index
    %get3A_201 = arith.constant 0 : index
    %get3A_202 = vector.load %arg1[%get3A_200, %get3A_201] : memref<7168x64xf32, #tpu.memory_space<vmem>>, vector<128x64xf32>
    %dot_general3A_203 = arith.constant dense<0.000000e+00> : vector<1x128xf32>
    %dot_general3A_204 = tpu.matmul %get3A_1, %get3A_202, %dot_general3A_203 {dimension_numbers = #tpu.dot_dimension_numbers<[1], [1], [0], [0], [0, 0, 1, 0], [], []>, transpose_lhs_hint = false} : vector<1x64xf32>, vector<128x64xf32>, vector<1x128xf32> -> vector<1x128xf32>
    %swap3A_205 = arith.constant 25 : index
    %swap3A_206 = arith.constant 0 : index
    %swap3A_207 = vector.load %arg6[%swap3A_205, %swap3A_206] : memref<56x128xf32, #tpu.memory_space<vmem>>, vector<1x128xf32>
    tpu.vector_store %arg6[%swap3A_205, %swap3A_206], %dot_general3A_204 {strides = array<i32>} : memref<56x128xf32, #tpu.memory_space<vmem>>, vector<1x128xf32>,
    %get3A_208 = arith.constant 3328 : index
    %get3A_209 = arith.constant 0 : index
    %get3A_210 = vector.load %arg1[%get3A_208, %get3A_209] : memref<7168x64xf32, #tpu.memory_space<vmem>>, vector<128x64xf32>
    %dot_general3A_211 = arith.constant dense<0.000000e+00> : vector<1x128xf32>
    %dot_general3A_212 = tpu.matmul %get3A_1, %get3A_210, %dot_general3A_211 {dimension_numbers = #tpu.dot_dimension_numbers<[1], [1], [0], [0], [0, 0, 1, 0], [], []>, transpose_lhs_hint = false} : vector<1x64xf32>, vector<128x64xf32>, vector<1x128xf32> -> vector<1x128xf32>
    %swap3A_213 = arith.constant 26 : index
    %swap3A_214 = arith.constant 0 : index
    %swap3A_215 = vector.load %arg6[%swap3A_213, %swap3A_214] : memref<56x128xf32, #tpu.memory_space<vmem>>, vector<1x128xf32>
    tpu.vector_store %arg6[%swap3A_213, %swap3A_214], %dot_general3A_212 {strides = array<i32>} : memref<56x128xf32, #tpu.memory_space<vmem>>, vector<1x128xf32>,
    %get3A_216 = arith.constant 3456 : index
    %get3A_217 = arith.constant 0 : index
    %get3A_218 = vector.load %arg1[%get3A_216, %get3A_217] : memref<7168x64xf32, #tpu.memory_space<vmem>>, vector<128x64xf32>
    %dot_general3A_219 = arith.constant dense<0.000000e+00> : vector<1x128xf32>
    %dot_general3A_220 = tpu.matmul %get3A_1, %get3A_218, %dot_general3A_219 {dimension_numbers = #tpu.dot_dimension_numbers<[1], [1], [0], [0], [0, 0, 1, 0], [], []>, transpose_lhs_hint = false} : vector<1x64xf32>, vector<128x64xf32>, vector<1x128xf32> -> vector<1x128xf32>
    %swap3A_221 = arith.constant 27 : index
    %swap3A_222 = arith.constant 0 : index
    %swap3A_223 = vector.load %arg6[%swap3A_221, %swap3A_222] : memref<56x128xf32, #tpu.memory_space<vmem>>, vector<1x128xf32>
    tpu.vector_store %arg6[%swap3A_221, %swap3A_222], %dot_general3A_220 {strides = array<i32>} : memref<56x128xf32, #tpu.memory_space<vmem>>, vector<1x128xf32>,
    %get3A_224 = arith.constant 3584 : index
    %get3A_225 = arith.constant 0 : index
    %get3A_226 = vector.load %arg1[%get3A_224, %get3A_225] : memref<7168x64xf32, #tpu.memory_space<vmem>>, vector<128x64xf32>
    %dot_general3A_227 = arith.constant dense<0.000000e+00> : vector<1x128xf32>
    %dot_general3A_228 = tpu.matmul %get3A_1, %get3A_226, %dot_general3A_227 {dimension_numbers = #tpu.dot_dimension_numbers<[1], [1], [0], [0], [0, 0, 1, 0], [], []>, transpose_lhs_hint = false} : vector<1x64xf32>, vector<128x64xf32>, vector<1x128xf32> -> vector<1x128xf32>
    %swap3A_229 = arith.constant 28 : index
    %swap3A_230 = arith.constant 0 : index
    %swap3A_231 = vector.load %arg6[%swap3A_229, %swap3A_230] : memref<56x128xf32, #tpu.memory_space<vmem>>, vector<1x128xf32>
    tpu.vector_store %arg6[%swap3A_229, %swap3A_230], %dot_general3A_228 {strides = array<i32>} : memref<56x128xf32, #tpu.memory_space<vmem>>, vector<1x128xf32>,
    %get3A_232 = arith.constant 3712 : index
    %get3A_233 = arith.constant 0 : index
    %get3A_234 = vector.load %arg1[%get3A_232, %get3A_233] : memref<7168x64xf32, #tpu.memory_space<vmem>>, vector<128x64xf32>
    %dot_general3A_235 = arith.constant dense<0.000000e+00> : vector<1x128xf32>
    %dot_general3A_236 = tpu.matmul %get3A_1, %get3A_234, %dot_general3A_235 {dimension_numbers = #tpu.dot_dimension_numbers<[1], [1], [0], [0], [0, 0, 1, 0], [], []>, transpose_lhs_hint = false} : vector<1x64xf32>, vector<128x64xf32>, vector<1x128xf32> -> vector<1x128xf32>
    %swap3A_237 = arith.constant 29 : index
    %swap3A_238 = arith.constant 0 : index
    %swap3A_239 = vector.load %arg6[%swap3A_237, %swap3A_238] : memref<56x128xf32, #tpu.memory_space<vmem>>, vector<1x128xf32>
    tpu.vector_store %arg6[%swap3A_237, %swap3A_238], %dot_general3A_236 {strides = array<i32>} : memref<56x128xf32, #tpu.memory_space<vmem>>, vector<1x128xf32>,
    %get3A_240 = arith.constant 3840 : index
    %get3A_241 = arith.constant 0 : index
    %get3A_242 = vector.load %arg1[%get3A_240, %get3A_241] : memref<7168x64xf32, #tpu.memory_space<vmem>>, vector<128x64xf32>
    %dot_general3A_243 = arith.constant dense<0.000000e+00> : vector<1x128xf32>
    %dot_general3A_244 = tpu.matmul %get3A_1, %get3A_242, %dot_general3A_243 {dimension_numbers = #tpu.dot_dimension_numbers<[1], [1], [0], [0], [0, 0, 1, 0], [], []>, transpose_lhs_hint = false} : vector<1x64xf32>, vector<128x64xf32>, vector<1x128xf32> -> vector<1x128xf32>
    %swap3A_245 = arith.constant 30 : index
    %swap3A_246 = arith.constant 0 : index
    %swap3A_247 = vector.load %arg6[%swap3A_245, %swap3A_246] : memref<56x128xf32, #tpu.memory_space<vmem>>, vector<1x128xf32>
    tpu.vector_store %arg6[%swap3A_245, %swap3A_246], %dot_general3A_244 {strides = array<i32>} : memref<56x128xf32, #tpu.memory_space<vmem>>, vector<1x128xf32>,
    %get3A_248 = arith.constant 3968 : index
    %get3A_249 = arith.constant 0 : index
    %get3A_250 = vector.load %arg1[%get3A_248, %get3A_249] : memref<7168x64xf32, #tpu.memory_space<vmem>>, vector<128x64xf32>
    %dot_general3A_251 = arith.constant dense<0.000000e+00> : vector<1x128xf32>
    %dot_general3A_252 = tpu.matmul %get3A_1, %get3A_250, %dot_general3A_251 {dimension_numbers = #tpu.dot_dimension_numbers<[1], [1], [0], [0], [0, 0, 1, 0], [], []>, transpose_lhs_hint = false} : vector<1x64xf32>, vector<128x64xf32>, vector<1x128xf32> -> vector<1x128xf32>
    %swap3A_253 = arith.constant 31 : index
    %swap3A_254 = arith.constant 0 : index
    %swap3A_255 = vector.load %arg6[%swap3A_253, %swap3A_254] : memref<56x128xf32, #tpu.memory_space<vmem>>, vector<1x128xf32>
    tpu.vector_store %arg6[%swap3A_253, %swap3A_254], %dot_general3A_252 {strides = array<i32>} : memref<56x128xf32, #tpu.memory_space<vmem>>, vector<1x128xf32>,
    %get3A_256 = arith.constant 4096 : index
    %get3A_257 = arith.constant 0 : index
    %get3A_258 = vector.load %arg1[%get3A_256, %get3A_257] : memref<7168x64xf32, #tpu.memory_space<vmem>>, vector<128x64xf32>
    %dot_general3A_259 = arith.constant dense<0.000000e+00> : vector<1x128xf32>
    %dot_general3A_260 = tpu.matmul %get3A_1, %get3A_258, %dot_general3A_259 {dimension_numbers = #tpu.dot_dimension_numbers<[1], [1], [0], [0], [0, 0, 1, 0], [], []>, transpose_lhs_hint = false} : vector<1x64xf32>, vector<128x64xf32>, vector<1x128xf32> -> vector<1x128xf32>
    %swap3A_261 = arith.constant 32 : index
    %swap3A_262 = arith.constant 0 : index
    %swap3A_263 = vector.load %arg6[%swap3A_261, %swap3A_262] : memref<56x128xf32, #tpu.memory_space<vmem>>, vector<1x128xf32>
    tpu.vector_store %arg6[%swap3A_261, %swap3A_262], %dot_general3A_260 {strides = array<i32>} : memref<56x128xf32, #tpu.memory_space<vmem>>, vector<1x128xf32>,
    %get3A_264 = arith.constant 4224 : index
    %get3A_265 = arith.constant 0 : index
    %get3A_266 = vector.load %arg1[%get3A_264, %get3A_265] : memref<7168x64xf32, #tpu.memory_space<vmem>>, vector<128x64xf32>
    %dot_general3A_267 = arith.constant dense<0.000000e+00> : vector<1x128xf32>
    %dot_general3A_268 = tpu.matmul %get3A_1, %get3A_266, %dot_general3A_267 {dimension_numbers = #tpu.dot_dimension_numbers<[1], [1], [0], [0], [0, 0, 1, 0], [], []>, transpose_lhs_hint = false} : vector<1x64xf32>, vector<128x64xf32>, vector<1x128xf32> -> vector<1x128xf32>
    %swap3A_269 = arith.constant 33 : index
    %swap3A_270 = arith.constant 0 : index
    %swap3A_271 = vector.load %arg6[%swap3A_269, %swap3A_270] : memref<56x128xf32, #tpu.memory_space<vmem>>, vector<1x128xf32>
    tpu.vector_store %arg6[%swap3A_269, %swap3A_270], %dot_general3A_268 {strides = array<i32>} : memref<56x128xf32, #tpu.memory_space<vmem>>, vector<1x128xf32>,
    %get3A_272 = arith.constant 4352 : index
    %get3A_273 = arith.constant 0 : index
    %get3A_274 = vector.load %arg1[%get3A_272, %get3A_273] : memref<7168x64xf32, #tpu.memory_space<vmem>>, vector<128x64xf32>
    %dot_general3A_275 = arith.constant dense<0.000000e+00> : vector<1x128xf32>
    %dot_general3A_276 = tpu.matmul %get3A_1, %get3A_274, %dot_general3A_275 {dimension_numbers = #tpu.dot_dimension_numbers<[1], [1], [0], [0], [0, 0, 1, 0], [], []>, transpose_lhs_hint = false} : vector<1x64xf32>, vector<128x64xf32>, vector<1x128xf32> -> vector<1x128xf32>
    %swap3A_277 = arith.constant 34 : index
    %swap3A_278 = arith.constant 0 : index
    %swap3A_279 = vector.load %arg6[%swap3A_277, %swap3A_278] : memref<56x128xf32, #tpu.memory_space<vmem>>, vector<1x128xf32>
    tpu.vector_store %arg6[%swap3A_277, %swap3A_278], %dot_general3A_276 {strides = array<i32>} : memref<56x128xf32, #tpu.memory_space<vmem>>, vector<1x128xf32>,
    %get3A_280 = arith.constant 4480 : index
    %get3A_281 = arith.constant 0 : index
    %get3A_282 = vector.load %arg1[%get3A_280, %get3A_281] : memref<7168x64xf32, #tpu.memory_space<vmem>>, vector<128x64xf32>
    %dot_general3A_283 = arith.constant dense<0.000000e+00> : vector<1x128xf32>
    %dot_general3A_284 = tpu.matmul %get3A_1, %get3A_282, %dot_general3A_283 {dimension_numbers = #tpu.dot_dimension_numbers<[1], [1], [0], [0], [0, 0, 1, 0], [], []>, transpose_lhs_hint = false} : vector<1x64xf32>, vector<128x64xf32>, vector<1x128xf32> -> vector<1x128xf32>
    %swap3A_285 = arith.constant 35 : index
    %swap3A_286 = arith.constant 0 : index
    %swap3A_287 = vector.load %arg6[%swap3A_285, %swap3A_286] : memref<56x128xf32, #tpu.memory_space<vmem>>, vector<1x128xf32>
    tpu.vector_store %arg6[%swap3A_285, %swap3A_286], %dot_general3A_284 {strides = array<i32>} : memref<56x128xf32, #tpu.memory_space<vmem>>, vector<1x128xf32>,
    %get3A_288 = arith.constant 4608 : index
    %get3A_289 = arith.constant 0 : index
    %get3A_290 = vector.load %arg1[%get3A_288, %get3A_289] : memref<7168x64xf32, #tpu.memory_space<vmem>>, vector<128x64xf32>
    %dot_general3A_291 = arith.constant dense<0.000000e+00> : vector<1x128xf32>
    %dot_general3A_292 = tpu.matmul %get3A_1, %get3A_290, %dot_general3A_291 {dimension_numbers = #tpu.dot_dimension_numbers<[1], [1], [0], [0], [0, 0, 1, 0], [], []>, transpose_lhs_hint = false} : vector<1x64xf32>, vector<128x64xf32>, vector<1x128xf32> -> vector<1x128xf32>
    %swap3A_293 = arith.constant 36 : index
    %swap3A_294 = arith.constant 0 : index
    %swap3A_295 = vector.load %arg6[%swap3A_293, %swap3A_294] : memref<56x128xf32, #tpu.memory_space<vmem>>, vector<1x128xf32>
    tpu.vector_store %arg6[%swap3A_293, %swap3A_294], %dot_general3A_292 {strides = array<i32>} : memref<56x128xf32, #tpu.memory_space<vmem>>, vector<1x128xf32>,
    %get3A_296 = arith.constant 4736 : index
    %get3A_297 = arith.constant 0 : index
    %get3A_298 = vector.load %arg1[%get3A_296, %get3A_297] : memref<7168x64xf32, #tpu.memory_space<vmem>>, vector<128x64xf32>
    %dot_general3A_299 = arith.constant dense<0.000000e+00> : vector<1x128xf32>
    %dot_general3A_300 = tpu.matmul %get3A_1, %get3A_298, %dot_general3A_299 {dimension_numbers = #tpu.dot_dimension_numbers<[1], [1], [0], [0], [0, 0, 1, 0], [], []>, transpose_lhs_hint = false} : vector<1x64xf32>, vector<128x64xf32>, vector<1x128xf32> -> vector<1x128xf32>
    %swap3A_301 = arith.constant 37 : index
    %swap3A_302 = arith.constant 0 : index
    %swap3A_303 = vector.load %arg6[%swap3A_301, %swap3A_302] : memref<56x128xf32, #tpu.memory_space<vmem>>, vector<1x128xf32>
    tpu.vector_store %arg6[%swap3A_301, %swap3A_302], %dot_general3A_300 {strides = array<i32>} : memref<56x128xf32, #tpu.memory_space<vmem>>, vector<1x128xf32>,
    %get3A_304 = arith.constant 4864 : index
    %get3A_305 = arith.constant 0 : index
    %get3A_306 = vector.load %arg1[%get3A_304, %get3A_305] : memref<7168x64xf32, #tpu.memory_space<vmem>>, vector<128x64xf32>
    %dot_general3A_307 = arith.constant dense<0.000000e+00> : vector<1x128xf32>
    %dot_general3A_308 = tpu.matmul %get3A_1, %get3A_306, %dot_general3A_307 {dimension_numbers = #tpu.dot_dimension_numbers<[1], [1], [0], [0], [0, 0, 1, 0], [], []>, transpose_lhs_hint = false} : vector<1x64xf32>, vector<128x64xf32>, vector<1x128xf32> -> vector<1x128xf32>
    %swap3A_309 = arith.constant 38 : index
    %swap3A_310 = arith.constant 0 : index
    %swap3A_311 = vector.load %arg6[%swap3A_309, %swap3A_310] : memref<56x128xf32, #tpu.memory_space<vmem>>, vector<1x128xf32>
    tpu.vector_store %arg6[%swap3A_309, %swap3A_310], %dot_general3A_308 {strides = array<i32>} : memref<56x128xf32, #tpu.memory_space<vmem>>, vector<1x128xf32>,
    %get3A_312 = arith.constant 4992 : index
    %get3A_313 = arith.constant 0 : index
    %get3A_314 = vector.load %arg1[%get3A_312, %get3A_313] : memref<7168x64xf32, #tpu.memory_space<vmem>>, vector<128x64xf32>
    %dot_general3A_315 = arith.constant dense<0.000000e+00> : vector<1x128xf32>
    %dot_general3A_316 = tpu.matmul %get3A_1, %get3A_314, %dot_general3A_315 {dimension_numbers = #tpu.dot_dimension_numbers<[1], [1], [0], [0], [0, 0, 1, 0], [], []>, transpose_lhs_hint = false} : vector<1x64xf32>, vector<128x64xf32>, vector<1x128xf32> -> vector<1x128xf32>
    %swap3A_317 = arith.constant 39 : index
    %swap3A_318 = arith.constant 0 : index
    %swap3A_319 = vector.load %arg6[%swap3A_317, %swap3A_318] : memref<56x128xf32, #tpu.memory_space<vmem>>, vector<1x128xf32>
    tpu.vector_store %arg6[%swap3A_317, %swap3A_318], %dot_general3A_316 {strides = array<i32>} : memref<56x128xf32, #tpu.memory_space<vmem>>, vector<1x128xf32>,
    %get3A_320 = arith.constant 5120 : index
    %get3A_321 = arith.constant 0 : index
    %get3A_322 = vector.load %arg1[%get3A_320, %get3A_321] : memref<7168x64xf32, #tpu.memory_space<vmem>>, vector<128x64xf32>
    %dot_general3A_323 = arith.constant dense<0.000000e+00> : vector<1x128xf32>
    %dot_general3A_324 = tpu.matmul %get3A_1, %get3A_322, %dot_general3A_323 {dimension_numbers = #tpu.dot_dimension_numbers<[1], [1], [0], [0], [0, 0, 1, 0], [], []>, transpose_lhs_hint = false} : vector<1x64xf32>, vector<128x64xf32>, vector<1x128xf32> -> vector<1x128xf32>
    %swap3A_325 = arith.constant 40 : index
    %swap3A_326 = arith.constant 0 : index
    %swap3A_327 = vector.load %arg6[%swap3A_325, %swap3A_326] : memref<56x128xf32, #tpu.memory_space<vmem>>, vector<1x128xf32>
    tpu.vector_store %arg6[%swap3A_325, %swap3A_326], %dot_general3A_324 {strides = array<i32>} : memref<56x128xf32, #tpu.memory_space<vmem>>, vector<1x128xf32>,
    %get3A_328 = arith.constant 5248 : index
    %get3A_329 = arith.constant 0 : index
    %get3A_330 = vector.load %arg1[%get3A_328, %get3A_329] : memref<7168x64xf32, #tpu.memory_space<vmem>>, vector<128x64xf32>
    %dot_general3A_331 = arith.constant dense<0.000000e+00> : vector<1x128xf32>
    %dot_general3A_332 = tpu.matmul %get3A_1, %get3A_330, %dot_general3A_331 {dimension_numbers = #tpu.dot_dimension_numbers<[1], [1], [0], [0], [0, 0, 1, 0], [], []>, transpose_lhs_hint = false} : vector<1x64xf32>, vector<128x64xf32>, vector<1x128xf32> -> vector<1x128xf32>
    %swap3A_333 = arith.constant 41 : index
    %swap3A_334 = arith.constant 0 : index
    %swap3A_335 = vector.load %arg6[%swap3A_333, %swap3A_334] : memref<56x128xf32, #tpu.memory_space<vmem>>, vector<1x128xf32>
    tpu.vector_store %arg6[%swap3A_333, %swap3A_334], %dot_general3A_332 {strides = array<i32>} : memref<56x128xf32, #tpu.memory_space<vmem>>, vector<1x128xf32>,
    %get3A_336 = arith.constant 5376 : index
    %get3A_337 = arith.constant 0 : index
    %get3A_338 = vector.load %arg1[%get3A_336, %get3A_337] : memref<7168x64xf32, #tpu.memory_space<vmem>>, vector<128x64xf32>
    %dot_general3A_339 = arith.constant dense<0.000000e+00> : vector<1x128xf32>
    %dot_general3A_340 = tpu.matmul %get3A_1, %get3A_338, %dot_general3A_339 {dimension_numbers = #tpu.dot_dimension_numbers<[1], [1], [0], [0], [0, 0, 1, 0], [], []>, transpose_lhs_hint = false} : vector<1x64xf32>, vector<128x64xf32>, vector<1x128xf32> -> vector<1x128xf32>
    %swap3A_341 = arith.constant 42 : index
    %swap3A_342 = arith.constant 0 : index
    %swap3A_343 = vector.load %arg6[%swap3A_341, %swap3A_342] : memref<56x128xf32, #tpu.memory_space<vmem>>, vector<1x128xf32>
    tpu.vector_store %arg6[%swap3A_341, %swap3A_342], %dot_general3A_340 {strides = array<i32>} : memref<56x128xf32, #tpu.memory_space<vmem>>, vector<1x128xf32>,
    %get3A_344 = arith.constant 5504 : index
    %get3A_345 = arith.constant 0 : index
    %get3A_346 = vector.load %arg1[%get3A_344, %get3A_345] : memref<7168x64xf32, #tpu.memory_space<vmem>>, vector<128x64xf32>
    %dot_general3A_347 = arith.constant dense<0.000000e+00> : vector<1x128xf32>
    %dot_general3A_348 = tpu.matmul %get3A_1, %get3A_346, %dot_general3A_347 {dimension_numbers = #tpu.dot_dimension_numbers<[1], [1], [0], [0], [0, 0, 1, 0], [], []>, transpose_lhs_hint = false} : vector<1x64xf32>, vector<128x64xf32>, vector<1x128xf32> -> vector<1x128xf32>
    %swap3A_349 = arith.constant 43 : index
    %swap3A_350 = arith.constant 0 : index
    %swap3A_351 = vector.load %arg6[%swap3A_349, %swap3A_350] : memref<56x128xf32, #tpu.memory_space<vmem>>, vector<1x128xf32>
    tpu.vector_store %arg6[%swap3A_349, %swap3A_350], %dot_general3A_348 {strides = array<i32>} : memref<56x128xf32, #tpu.memory_space<vmem>>, vector<1x128xf32>,
    %get3A_352 = arith.constant 5632 : index
    %get3A_353 = arith.constant 0 : index
    %get3A_354 = vector.load %arg1[%get3A_352, %get3A_353] : memref<7168x64xf32, #tpu.memory_space<vmem>>, vector<128x64xf32>
    %dot_general3A_355 = arith.constant dense<0.000000e+00> : vector<1x128xf32>
    %dot_general3A_356 = tpu.matmul %get3A_1, %get3A_354, %dot_general3A_355 {dimension_numbers = #tpu.dot_dimension_numbers<[1], [1], [0], [0], [0, 0, 1, 0], [], []>, transpose_lhs_hint = false} : vector<1x64xf32>, vector<128x64xf32>, vector<1x128xf32> -> vector<1x128xf32>
    %swap3A_357 = arith.constant 44 : index
    %swap3A_358 = arith.constant 0 : index
    %swap3A_359 = vector.load %arg6[%swap3A_357, %swap3A_358] : memref<56x128xf32, #tpu.memory_space<vmem>>, vector<1x128xf32>
    tpu.vector_store %arg6[%swap3A_357, %swap3A_358], %dot_general3A_356 {strides = array<i32>} : memref<56x128xf32, #tpu.memory_space<vmem>>, vector<1x128xf32>,
    %get3A_360 = arith.constant 5760 : index
    %get3A_361 = arith.constant 0 : index
    %get3A_362 = vector.load %arg1[%get3A_360, %get3A_361] : memref<7168x64xf32, #tpu.memory_space<vmem>>, vector<128x64xf32>
    %dot_general3A_363 = arith.constant dense<0.000000e+00> : vector<1x128xf32>
    %dot_general3A_364 = tpu.matmul %get3A_1, %get3A_362, %dot_general3A_363 {dimension_numbers = #tpu.dot_dimension_numbers<[1], [1], [0], [0], [0, 0, 1, 0], [], []>, transpose_lhs_hint = false} : vector<1x64xf32>, vector<128x64xf32>, vector<1x128xf32> -> vector<1x128xf32>
    %swap3A_365 = arith.constant 45 : index
    %swap3A_366 = arith.constant 0 : index
    %swap3A_367 = vector.load %arg6[%swap3A_365, %swap3A_366] : memref<56x128xf32, #tpu.memory_space<vmem>>, vector<1x128xf32>
    tpu.vector_store %arg6[%swap3A_365, %swap3A_366], %dot_general3A_364 {strides = array<i32>} : memref<56x128xf32, #tpu.memory_space<vmem>>, vector<1x128xf32>,
    %get3A_368 = arith.constant 5888 : index
    %get3A_369 = arith.constant 0 : index
    %get3A_370 = vector.load %arg1[%get3A_368, %get3A_369] : memref<7168x64xf32, #tpu.memory_space<vmem>>, vector<128x64xf32>
    %dot_general3A_371 = arith.constant dense<0.000000e+00> : vector<1x128xf32>
    %dot_general3A_372 = tpu.matmul %get3A_1, %get3A_370, %dot_general3A_371 {dimension_numbers = #tpu.dot_dimension_numbers<[1], [1], [0], [0], [0, 0, 1, 0], [], []>, transpose_lhs_hint = false} : vector<1x64xf32>, vector<128x64xf32>, vector<1x128xf32> -> vector<1x128xf32>
    %swap3A_373 = arith.constant 46 : index
    %swap3A_374 = arith.constant 0 : index
    %swap3A_375 = vector.load %arg6[%swap3A_373, %swap3A_374] : memref<56x128xf32, #tpu.memory_space<vmem>>, vector<1x128xf32>
    tpu.vector_store %arg6[%swap3A_373, %swap3A_374], %dot_general3A_372 {strides = array<i32>} : memref<56x128xf32, #tpu.memory_space<vmem>>, vector<1x128xf32>,
    %get3A_376 = arith.constant 6016 : index
    %get3A_377 = arith.constant 0 : index
    %get3A_378 = vector.load %arg1[%get3A_376, %get3A_377] : memref<7168x64xf32, #tpu.memory_space<vmem>>, vector<128x64xf32>
    %dot_general3A_379 = arith.constant dense<0.000000e+00> : vector<1x128xf32>
    %dot_general3A_380 = tpu.matmul %get3A_1, %get3A_378, %dot_general3A_379 {dimension_numbers = #tpu.dot_dimension_numbers<[1], [1], [0], [0], [0, 0, 1, 0], [], []>, transpose_lhs_hint = false} : vector<1x64xf32>, vector<128x64xf32>, vector<1x128xf32> -> vector<1x128xf32>
    %swap3A_381 = arith.constant 47 : index
    %swap3A_382 = arith.constant 0 : index
    %swap3A_383 = vector.load %arg6[%swap3A_381, %swap3A_382] : memref<56x128xf32, #tpu.memory_space<vmem>>, vector<1x128xf32>
    tpu.vector_store %arg6[%swap3A_381, %swap3A_382], %dot_general3A_380 {strides = array<i32>} : memref<56x128xf32, #tpu.memory_space<vmem>>, vector<1x128xf32>,
    %get3A_384 = arith.constant 6144 : index
    %get3A_385 = arith.constant 0 : index
    %get3A_386 = vector.load %arg1[%get3A_384, %get3A_385] : memref<7168x64xf32, #tpu.memory_space<vmem>>, vector<128x64xf32>
    %dot_general3A_387 = arith.constant dense<0.000000e+00> : vector<1x128xf32>
    %dot_general3A_388 = tpu.matmul %get3A_1, %get3A_386, %dot_general3A_387 {dimension_numbers = #tpu.dot_dimension_numbers<[1], [1], [0], [0], [0, 0, 1, 0], [], []>, transpose_lhs_hint = false} : vector<1x64xf32>, vector<128x64xf32>, vector<1x128xf32> -> vector<1x128xf32>
    %swap3A_389 = arith.constant 48 : index
    %swap3A_390 = arith.constant 0 : index
    %swap3A_391 = vector.load %arg6[%swap3A_389, %swap3A_390] : memref<56x128xf32, #tpu.memory_space<vmem>>, vector<1x128xf32>
    tpu.vector_store %arg6[%swap3A_389, %swap3A_390], %dot_general3A_388 {strides = array<i32>} : memref<56x128xf32, #tpu.memory_space<vmem>>, vector<1x128xf32>,
    %get3A_392 = arith.constant 6272 : index
    %get3A_393 = arith.constant 0 : index
    %get3A_394 = vector.load %arg1[%get3A_392, %get3A_393] : memref<7168x64xf32, #tpu.memory_space<vmem>>, vector<128x64xf32>
    %dot_general3A_395 = arith.constant dense<0.000000e+00> : vector<1x128xf32>
    %dot_general3A_396 = tpu.matmul %get3A_1, %get3A_394, %dot_general3A_395 {dimension_numbers = #tpu.dot_dimension_numbers<[1], [1], [0], [0], [0, 0, 1, 0], [], []>, transpose_lhs_hint = false} : vector<1x64xf32>, vector<128x64xf32>, vector<1x128xf32> -> vector<1x128xf32>
    %swap3A_397 = arith.constant 49 : index
    %swap3A_398 = arith.constant 0 : index
    %swap3A_399 = vector.load %arg6[%swap3A_397, %swap3A_398] : memref<56x128xf32, #tpu.memory_space<vmem>>, vector<1x128xf32>
    tpu.vector_store %arg6[%swap3A_397, %swap3A_398], %dot_general3A_396 {strides = array<i32>} : memref<56x128xf32, #tpu.memory_space<vmem>>, vector<1x128xf32>,
    %get3A_400 = arith.constant 6400 : index
    %get3A_401 = arith.constant 0 : index
    %get3A_402 = vector.load %arg1[%get3A_400, %get3A_401] : memref<7168x64xf32, #tpu.memory_space<vmem>>, vector<128x64xf32>
    %dot_general3A_403 = arith.constant dense<0.000000e+00> : vector<1x128xf32>
    %dot_general3A_404 = tpu.matmul %get3A_1, %get3A_402, %dot_general3A_403 {dimension_numbers = #tpu.dot_dimension_numbers<[1], [1], [0], [0], [0, 0, 1, 0], [], []>, transpose_lhs_hint = false} : vector<1x64xf32>, vector<128x64xf32>, vector<1x128xf32> -> vector<1x128xf32>
    %swap3A_405 = arith.constant 50 : index
    %swap3A_406 = arith.constant 0 : index
    %swap3A_407 = vector.load %arg6[%swap3A_405, %swap3A_406] : memref<56x128xf32, #tpu.memory_space<vmem>>, vector<1x128xf32>
    tpu.vector_store %arg6[%swap3A_405, %swap3A_406], %dot_general3A_404 {strides = array<i32>} : memref<56x128xf32, #tpu.memory_space<vmem>>, vector<1x128xf32>,
    %get3A_408 = arith.constant 6528 : index
    %get3A_409 = arith.constant 0 : index
    %get3A_410 = vector.load %arg1[%get3A_408, %get3A_409] : memref<7168x64xf32, #tpu.memory_space<vmem>>, vector<128x64xf32>
    %dot_general3A_411 = arith.constant dense<0.000000e+00> : vector<1x128xf32>
    %dot_general3A_412 = tpu.matmul %get3A_1, %get3A_410, %dot_general3A_411 {dimension_numbers = #tpu.dot_dimension_numbers<[1], [1], [0], [0], [0, 0, 1, 0], [], []>, transpose_lhs_hint = false} : vector<1x64xf32>, vector<128x64xf32>, vector<1x128xf32> -> vector<1x128xf32>
    %swap3A_413 = arith.constant 51 : index
    %swap3A_414 = arith.constant 0 : index
    %swap3A_415 = vector.load %arg6[%swap3A_413, %swap3A_414] : memref<56x128xf32, #tpu.memory_space<vmem>>, vector<1x128xf32>
    tpu.vector_store %arg6[%swap3A_413, %swap3A_414], %dot_general3A_412 {strides = array<i32>} : memref<56x128xf32, #tpu.memory_space<vmem>>, vector<1x128xf32>,
    %get3A_416 = arith.constant 6656 : index
    %get3A_417 = arith.constant 0 : index
    %get3A_418 = vector.load %arg1[%get3A_416, %get3A_417] : memref<7168x64xf32, #tpu.memory_space<vmem>>, vector<128x64xf32>
    %dot_general3A_419 = arith.constant dense<0.000000e+00> : vector<1x128xf32>
    %dot_general3A_420 = tpu.matmul %get3A_1, %get3A_418, %dot_general3A_419 {dimension_numbers = #tpu.dot_dimension_numbers<[1], [1], [0], [0], [0, 0, 1, 0], [], []>, transpose_lhs_hint = false} : vector<1x64xf32>, vector<128x64xf32>, vector<1x128xf32> -> vector<1x128xf32>
    %swap3A_421 = arith.constant 52 : index
    %swap3A_422 = arith.constant 0 : index
    %swap3A_423 = vector.load %arg6[%swap3A_421, %swap3A_422] : memref<56x128xf32, #tpu.memory_space<vmem>>, vector<1x128xf32>
    tpu.vector_store %arg6[%swap3A_421, %swap3A_422], %dot_general3A_420 {strides = array<i32>} : memref<56x128xf32, #tpu.memory_space<vmem>>, vector<1x128xf32>,
    %get3A_424 = arith.constant 6784 : index
    %get3A_425 = arith.constant 0 : index
    %get3A_426 = vector.load %arg1[%get3A_424, %get3A_425] : memref<7168x64xf32, #tpu.memory_space<vmem>>, vector<128x64xf32>
    %dot_general3A_427 = arith.constant dense<0.000000e+00> : vector<1x128xf32>
    %dot_general3A_428 = tpu.matmul %get3A_1, %get3A_426, %dot_general3A_427 {dimension_numbers = #tpu.dot_dimension_numbers<[1], [1], [0], [0], [0, 0, 1, 0], [], []>, transpose_lhs_hint = false} : vector<1x64xf32>, vector<128x64xf32>, vector<1x128xf32> -> vector<1x128xf32>
    %swap3A_429 = arith.constant 53 : index
    %swap3A_430 = arith.constant 0 : index
    %swap3A_431 = vector.load %arg6[%swap3A_429, %swap3A_430] : memref<56x128xf32, #tpu.memory_space<vmem>>, vector<1x128xf32>
    tpu.vector_store %arg6[%swap3A_429, %swap3A_430], %dot_general3A_428 {strides = array<i32>} : memref<56x128xf32, #tpu.memory_space<vmem>>, vector<1x128xf32>,
    %get3A_432 = arith.constant 6912 : index
    %get3A_433 = arith.constant 0 : index
    %get3A_434 = vector.load %arg1[%get3A_432, %get3A_433] : memref<7168x64xf32, #tpu.memory_space<vmem>>, vector<128x64xf32>
    %dot_general3A_435 = arith.constant dense<0.000000e+00> : vector<1x128xf32>
    %dot_general3A_436 = tpu.matmul %get3A_1, %get3A_434, %dot_general3A_435 {dimension_numbers = #tpu.dot_dimension_numbers<[1], [1], [0], [0], [0, 0, 1, 0], [], []>, transpose_lhs_hint = false} : vector<1x64xf32>, vector<128x64xf32>, vector<1x128xf32> -> vector<1x128xf32>
    %swap3A_437 = arith.constant 54 : index
    %swap3A_438 = arith.constant 0 : index
    %swap3A_439 = vector.load %arg6[%swap3A_437, %swap3A_438] : memref<56x128xf32, #tpu.memory_space<vmem>>, vector<1x128xf32>
    tpu.vector_store %arg6[%swap3A_437, %swap3A_438], %dot_general3A_436 {strides = array<i32>} : memref<56x128xf32, #tpu.memory_space<vmem>>, vector<1x128xf32>,
    %get3A_440 = arith.constant 7040 : index
    %get3A_441 = arith.constant 0 : index
    %get3A_442 = vector.load %arg1[%get3A_440, %get3A_441] : memref<7168x64xf32, #tpu.memory_space<vmem>>, vector<128x64xf32>
    %dot_general3A_443 = arith.constant dense<0.000000e+00> : vector<1x128xf32>
    %dot_general3A_444 = tpu.matmul %get3A_1, %get3A_442, %dot_general3A_443 {dimension_numbers = #tpu.dot_dimension_numbers<[1], [1], [0], [0], [0, 0, 1, 0], [], []>, transpose_lhs_hint = false} : vector<1x64xf32>, vector<128x64xf32>, vector<1x128xf32> -> vector<1x128xf32>
    %swap3A_445 = arith.constant 55 : index
    %swap3A_446 = arith.constant 0 : index
    %swap3A_447 = vector.load %arg6[%swap3A_445, %swap3A_446] : memref<56x128xf32, #tpu.memory_space<vmem>>, vector<1x128xf32>
    tpu.vector_store %arg6[%swap3A_445, %swap3A_446], %dot_general3A_444 {strides = array<i32>} : memref<56x128xf32, #tpu.memory_space<vmem>>, vector<1x128xf32>,
    %get3A_448 = arith.constant 0 : index
    %get3A_449 = arith.constant 0 : index
    %get3A_450 = vector.load %arg2[%get3A_448, %get3A_449] : memref<2x64xf32, #tpu.memory_space<vmem>>, vector<2x64xf32>
    %get3A_451 = arith.constant 0 : index
    %get3A_452 = arith.constant 0 : index
    %get3A_453 = vector.load %arg4[%get3A_451, %get3A_452] : memref<64x1xf32, #tpu.memory_space<vmem>>, vector<64x1xf32>
    %dot_general3A_454 = arith.constant dense<0.000000e+00> : vector<2x1xf32>
    %dot_general3A_455 = tpu.matmul %get3A_450, %get3A_453, %dot_general3A_454 {dimension_numbers = #tpu.dot_dimension_numbers<[1], [0], [0], [1], [0, 0, 1, 1], [], []>, transpose_lhs_hint = false} : vector<2x64xf32>, vector<64x1xf32>, vector<2x1xf32> -> vector<2x1xf32>
    %get3A_456 = arith.constant 0 : index
    %get3A_457 = arith.constant 0 : index
    %get3A_458 = vector.load %arg5[%get3A_456, %get3A_457] : memref<1x1xf32, #tpu.memory_space<vmem>>, vector<1x1xf32>
    %add3A = vector.broadcast %get3A_458 : vector<1x1xf32> to vector<2x1xf32>
    %add3A_459 = arith.addf %dot_general3A_455, %add3A : vector<2x1xf32>
    %swap3A_460 = arith.constant 0 : index
    %swap3A_461 = arith.constant 0 : index
    %swap3A_462 = vector.load %arg7[%swap3A_460, %swap3A_461] : memref<2x1xf32, #tpu.memory_space<vmem>>, vector<2x1xf32>
    tpu.vector_store %arg7[%swap3A_460, %swap3A_461], %add3A_459 {strides = array<i32>} : memref<2x1xf32, #tpu.memory_space<vmem>>, vector<2x1xf32>,
    return
  }
  func.func @transform_0(%arg0: i32) -> (i32, i32) {
    %c0_i32 = arith.constant 0 : i32
    %c0_i32_0 = arith.constant 0 : i32
    return %arg0, %c0_i32 : i32, i32
  }
  func.func @transform_1(%arg0: i32) -> (i32, i32) {
    %c0_i32 = arith.constant 0 : i32
    %c0_i32_0 = arith.constant 0 : i32
    %c0_i32_1 = arith.constant 0 : i32
    return %c0_i32, %c0_i32_0 : i32, i32
  }
  func.func @transform_2(%arg0: i32) -> (i32, i32) {
    %c0_i32 = arith.constant 0 : i32
    %c0_i32_0 = arith.constant 0 : i32
    %c0_i32_1 = arith.constant 0 : i32
    return %c0_i32, %c0_i32_0 : i32, i32
  }
  func.func @transform_3(%arg0: i32) -> (i32, i32) {
    %c0_i32 = arith.constant 0 : i32
    %c0_i32_0 = arith.constant 0 : i32
    %c0_i32_1 = arith.constant 0 : i32
    return %c0_i32, %c0_i32_0 : i32, i32
  }
  func.func @transform_4(%arg0: i32) -> (i32, i32) {
    %c0_i32 = arith.constant 0 : i32
    %c0_i32_0 = arith.constant 0 : i32
    %c0_i32_1 = arith.constant 0 : i32
    return %c0_i32, %c0_i32_0 : i32, i32
  }
  func.func @transform_5(%arg0: i32) -> (i32, i32) {
    %c0_i32 = arith.constant 0 : i32
    %c0_i32_0 = arith.constant 0 : i32
    return %arg0, %c0_i32 : i32, i32
  }
  func.func @transform_6(%arg0: i32) -> (i32, i32) {
    %c0_i32 = arith.constant 0 : i32
    %c0_i32_0 = arith.constant 0 : i32
    %c0_i32_1 = arith.constant 0 : i32
    return %c0_i32, %c0_i32_0 : i32, i32
  }
}

module attributes {stable_mosaic.version = 14 : i64} {
  func.func @_final_body(%arg0: i32, %arg1: memref<896x128xf32, #tpu.memory_space<vmem>>, %arg2: memref<896x128xf32, #tpu.memory_space<vmem>>, %arg3: memref<128x256xf32, #tpu.memory_space<vmem>>, %arg4: memref<128x256xf32, #tpu.memory_space<vmem>>, %arg5: memref<1x256xf32, #tpu.memory_space<vmem>>, %arg6: memref<896x256xf32, #tpu.memory_space<vmem>>) attributes {dimension_semantics = [#tpu.dimension_semantics<arbitrary>], iteration_bounds = array<i64: 14>, scalar_prefetch = 0 : i64, scratch_operands = 0 : i64, tpu.core_type = #tpu.core_type<tc>, window_params = [{transform_indices = @transform_0, window_bounds = array<i64: 896, 128>}, {transform_indices = @transform_1, window_bounds = array<i64: 896, 128>}, {pipeline_mode = #tpu.pipeline_mode<synchronous>, transform_indices = @transform_2, window_bounds = array<i64: 128, 256>}, {pipeline_mode = #tpu.pipeline_mode<synchronous>, transform_indices = @transform_3, window_bounds = array<i64: 128, 256>}, {pipeline_mode = #tpu.pipeline_mode<synchronous>, transform_indices = @transform_4, window_bounds = array<i64: 1, 256>}, {transform_indices = @transform_5, window_bounds = array<i64: 896, 256>}]} {
    %get3A = arith.constant 0 : index
    %get3A_0 = arith.constant 0 : index
    %get3A_1 = vector.load %arg1[%get3A, %get3A_0] : memref<896x128xf32, #tpu.memory_space<vmem>>, vector<896x128xf32>
    %get3A_2 = arith.constant 0 : index
    %get3A_3 = arith.constant 0 : index
    %get3A_4 = vector.load %arg3[%get3A_2, %get3A_3] : memref<128x256xf32, #tpu.memory_space<vmem>>, vector<128x256xf32>
    %dot_general3A = arith.constant dense<0.000000e+00> : vector<896x256xf32>
    %dot_general3A_5 = tpu.matmul %get3A_1, %get3A_4, %dot_general3A {dimension_numbers = #tpu.dot_dimension_numbers<[1], [0], [0], [1], [0, 0, 1, 1], [], []>, transpose_lhs_hint = false} : vector<896x128xf32>, vector<128x256xf32>, vector<896x256xf32> -> vector<896x256xf32>
    %get3A_6 = arith.constant 0 : index
    %get3A_7 = arith.constant 0 : index
    %get3A_8 = vector.load %arg2[%get3A_6, %get3A_7] : memref<896x128xf32, #tpu.memory_space<vmem>>, vector<896x128xf32>
    %get3A_9 = arith.constant 0 : index
    %get3A_10 = arith.constant 0 : index
    %get3A_11 = vector.load %arg4[%get3A_9, %get3A_10] : memref<128x256xf32, #tpu.memory_space<vmem>>, vector<128x256xf32>
    %dot_general3A_12 = arith.constant dense<0.000000e+00> : vector<896x256xf32>
    %dot_general3A_13 = tpu.matmul %get3A_8, %get3A_11, %dot_general3A_12 {dimension_numbers = #tpu.dot_dimension_numbers<[1], [0], [0], [1], [0, 0, 1, 1], [], []>, transpose_lhs_hint = false} : vector<896x128xf32>, vector<128x256xf32>, vector<896x256xf32> -> vector<896x256xf32>
    %add3A = arith.addf %dot_general3A_5, %dot_general3A_13 : vector<896x256xf32>
    %get3A_14 = arith.constant 0 : index
    %get3A_15 = arith.constant 0 : index
    %get3A_16 = vector.load %arg5[%get3A_14, %get3A_15] : memref<1x256xf32, #tpu.memory_space<vmem>>, vector<1x256xf32>
    %add3A_17 = vector.broadcast %get3A_16 : vector<1x256xf32> to vector<896x256xf32>
    %add3A_18 = arith.addf %add3A, %add3A_17 : vector<896x256xf32>
    %tanh3A = math.tanh %add3A_18 : vector<896x256xf32>
    %swap3A = arith.constant 0 : index
    %swap3A_19 = arith.constant 0 : index
    %swap3A_20 = vector.load %arg6[%swap3A, %swap3A_19] : memref<896x256xf32, #tpu.memory_space<vmem>>, vector<896x256xf32>
    tpu.vector_store %arg6[%swap3A, %swap3A_19], %tanh3A {strides = array<i32>} : memref<896x256xf32, #tpu.memory_space<vmem>>, vector<896x256xf32>,
    return
  }
  func.func @transform_0(%arg0: i32) -> (i32, i32) {
    %c0_i32 = arith.constant 0 : i32
    %c0_i32_0 = arith.constant 0 : i32
    return %arg0, %c0_i32 : i32, i32
  }
  func.func @transform_1(%arg0: i32) -> (i32, i32) {
    %c0_i32 = arith.constant 0 : i32
    %c0_i32_0 = arith.constant 0 : i32
    return %arg0, %c0_i32 : i32, i32
  }
  func.func @transform_2(%arg0: i32) -> (i32, i32) {
    %c0_i32 = arith.constant 0 : i32
    %c0_i32_0 = arith.constant 0 : i32
    %c0_i32_1 = arith.constant 0 : i32
    return %c0_i32, %c0_i32_0 : i32, i32
  }
  func.func @transform_3(%arg0: i32) -> (i32, i32) {
    %c0_i32 = arith.constant 0 : i32
    %c0_i32_0 = arith.constant 0 : i32
    %c0_i32_1 = arith.constant 0 : i32
    return %c0_i32, %c0_i32_0 : i32, i32
  }
  func.func @transform_4(%arg0: i32) -> (i32, i32) {
    %c0_i32 = arith.constant 0 : i32
    %c0_i32_0 = arith.constant 0 : i32
    %c0_i32_1 = arith.constant 0 : i32
    return %c0_i32, %c0_i32_0 : i32, i32
  }
  func.func @transform_5(%arg0: i32) -> (i32, i32) {
    %c0_i32 = arith.constant 0 : i32
    %c0_i32_0 = arith.constant 0 : i32
    return %arg0, %c0_i32 : i32, i32
  }
}

</mosaic_0001>

<sc_bundles>
// kernel: kernel.5.cloned.1.call-start
scs
__scs_entry_jumppad:
0x0: {  	(pc) =	sbr.rel $0x88, $3  }
0x1: {  	(tag) =	ssettag $0x0;
	lr =	simm.s32 $0x1  }
0x2: {  	[smem:$0x3F99] =	sst lr;
	_ =	strace $0xD0000000  }
0x3: {  	_ = 	snop  }
0x4: {  	_ = 	snop  }
0x5: {  	_ = 	snop  }
0x6: {  	_ = 	snop  }
0x7: {  	_ = 	snop  }
__scs_overlays_trampoline_lowered:
0x8: {  	[smem:$0x3FA8] =	sst s0  }
0x9: {  	[smem:$0x3FA9] =	sst s1  }
0xa: {  	[smem:$0x3FAA] =	sst s2  }
0xb: {  	[smem:$0x3FAB] =	sst s3  }
0xc: {  	[smem:$0x3FAC] =	sst s4  }
0xd: {  	[smem:$0x3FAD] =	sst s5  }
0xe: {  	[smem:$0x3FAE] =	sst s6  }
0xf: {  	[smem:$0x3FAF] =	sst s7  }
0x10: {  	[smem:$0x3FB0] =	sst s8  }
0x11: {  	[smem:$0x3FB1] =	sst s9;
	s0 =	simm.s32 @!p0 $0x0  }
0x12: {  	s1 =	sld [smem:$0x3F97];
	s0 =	simm.s32 @p0 $0x1  }
0x13: {  	[smem:$0x3FB2] =	sst s0;
	s0 =	simm.s32 @!p1 $0x0  }
0x14: {  	s2 =	sld [smem:$0x3F96];
	s0 =	simm.s32 @p1 $0x1  }
0x15: {  	[smem:$0x3FB3] =	sst s0;
	s0 =	simm.s32 @!p2 $0x0  }
0x16: {  	s3 =	sld [smem:$0x3FDB];
	s0 =	simm.s32 @p2 $0x1  }
0x17: {  	s4 =	simm.s32 $0x1BF5;
	[smem:$0x3FB5] =	sst s0  }
0x18: {  	s0 =	sld [smem:$0x3F98];
	_ =	swait.ge [sflag:s4], $0x0  }
0x19: {  	s7 =	sld [smem:$0x3F99]  }
0x1a: {  	s8 =	sadd.s32 $0xFFFFE003, lr  }
0x1b: {  	s9 =	sadd.s32 $0xFFFFFEF7, lr;
	s5 =	simm.s32 $0xFFFFFFFF;
	p2 =	slt.u32 s8, $0xFFFFF086  }
0x1c: {  	p1 =	slt.u32 s9, $0xF7A;
	s5 =	simm.s32 @!p2 $0x0  }
0x1d: {  	s5 =	simm.s32 @p1 $0x1;
	p0 =	seq.s32 s7, s2  }
0x1e: {  	s7 =	smul.u32 @!p0 $0xF7A, s2;
	p2 =	seq.s32 @!p0 s5, $0x0  }
0x1f: {  	s9 =	smul.u32 $0xF7A, s1;
	s8 =	simm.s32 @!p0 $0x1BF5;
	p2 =	por !p2, p0  }
0x20: {  	[sflag:s8] =	ssyncset.s32 @!p0 $0xFFFFF086;
	s6 =	sadd.s32 @!p0 s3, s7;
	s7 =	simm.s32 @!p0 $0x108  }
0x21: {  	s3 =	sadd.s32 s3, s9;
	s6 =	sadd.s32 @!p0 $0x88, s6;
	s7 =	simm.s32 @p2 $0x1082  }
0x22: {  	[simem:s7], [sflag:s8] =	dma.local @!p0 [hbm:s6], $0xF7A  }
0x23: {  	s9 =	sor.u32 $0xD0000000, s2;
	s6 =	simm.s32 $0x108;
	_ =	swait.ge @!p0 [sflag:s8], $0x0  }
0x24: {  	s3 =	sadd.s32 $0x88, s3;
	s6 =	simm.s32 @!p1 $0x1082;
	[sflag:s4] =	ssyncset.s32 $0xFFFFF086  }
0x25: {  	[simem:s6], [sflag:s4] =	dma.local [hbm:s3], $0xF7A  }
0x26: {  	[smem:$0x3F99] =	sst s1;
	(tag) =	ssettag s2;
	_ =	strace s9  }
0x27: {  	s1 =	sld [smem:$0x3FA9]  }
0x28: {  	s2 =	sld [smem:$0x3FAA]  }
0x29: {  	s4 =	sld [smem:$0x3FAC]  }
0x2a: {  	p0 =	seq.s32 s5, $0x0;
	s5 =	sld [smem:$0x3FAD]  }
0x2b: {  	s6 =	sld [smem:$0x3FAE]  }
0x2c: {  	s7 =	sld [smem:$0x3FAF]  }
0x2d: {  	s3 =	simm.s32 $0x108;
	s8 =	sld [smem:$0x3FB0]  }
0x2e: {  	s3 =	simm.s32 @!p0 $0x1082;
	s9 =	sld [smem:$0x3FB1]  }
0x2f: {  	lr =	sadd.s32 s0, s3;
	s0 =	sld [smem:$0x3FA8]  }
0x30: {  	s3 =	sld [smem:$0x3FAB]  }
0x31: {  	[smem:$0x3FB4] =	sst s10  }
0x32: {  	s10 =	sld [smem:$0x3FB2];
	_ =	sdelay $0x3  }
0x33: {  	p0 =	seq.s32 s10, $0x1;
	s10 =	sld [smem:$0x3FB4];
	_ =	sdelay $0x3  }
0x34: {  	[smem:$0x3FB4] =	sst s10  }
0x35: {  	s10 =	sld [smem:$0x3FB3];
	_ =	sdelay $0x3  }
0x36: {  	p1 =	seq.s32 s10, $0x1;
	s10 =	sld [smem:$0x3FB4];
	_ =	sdelay $0x3  }
0x37: {  	[smem:$0x3FB4] =	sst s10  }
0x38: {  	s10 =	sld [smem:$0x3FB5]  }
0x39: {  	_ = 	snop;
	(pc) =	sbr.ind lr, $3  }
0x3a: {  	_ = 	snop  }
0x3b: {  	_ = 	snop  }
0x3c: {  	p2 =	seq.s32 s10, $0x1;
	s10 =	sld [smem:$0x3FB4]  }
0x3d: {  	_ =	shalt  }
0x3e: {  	_ =	shalt  }
0x3f: {  	_ =	shalt  }
0x40: {  	_ =	shalt  }
0x41: {  	_ =	shalt  }
0x42: {  	_ =	shalt  }
0x43: {  	_ =	shalt  }
0x44: {  	_ =	shalt  }
0x45: {  	_ =	shalt  }
0x46: {  	_ =	shalt  }
0x47: {  	_ =	shalt  }
0x48: {  	_ =	shalt  }
0x49: {  	_ =	shalt  }
0x4a: {  	_ =	shalt  }
0x4b: {  	_ =	shalt  }
0x4c: {  	_ =	shalt  }
0x4d: {  	_ =	shalt  }
0x4e: {  	_ =	shalt  }
0x4f: {  	_ =	shalt  }
0x50: {  	_ =	shalt  }
0x51: {  	_ =	shalt  }
0x52: {  	_ =	shalt  }
0x53: {  	_ =	shalt  }
0x54: {  	_ =	shalt  }
0x55: {  	_ =	shalt  }
0x56: {  	_ =	shalt  }
0x57: {  	_ =	shalt  }
0x58: {  	_ =	shalt  }
0x59: {  	_ =	shalt  }
0x5a: {  	_ =	shalt  }
0x5b: {  	_ =	shalt  }
0x5c: {  	_ =	shalt  }
0x5d: {  	_ =	shalt  }
0x5e: {  	_ =	shalt  }
0x5f: {  	_ =	shalt  }
0x60: {  	_ =	shalt  }
0x61: {  	_ =	shalt  }
0x62: {  	_ =	shalt  }
0x63: {  	_ =	shalt  }
0x64: {  	_ =	shalt  }
0x65: {  	_ =	shalt  }
0x66: {  	_ =	shalt  }
0x67: {  	_ =	shalt  }
0x68: {  	_ =	shalt  }
0x69: {  	_ =	shalt  }
0x6a: {  	_ =	shalt  }
0x6b: {  	_ =	shalt  }
0x6c: {  	_ =	shalt  }
0x6d: {  	_ =	shalt  }
0x6e: {  	_ =	shalt  }
0x6f: {  	_ =	shalt  }
0x70: {  	_ =	shalt  }
0x71: {  	_ =	shalt  }
0x72: {  	_ =	shalt  }
0x73: {  	_ =	shalt  }
0x74: {  	_ =	shalt  }
0x75: {  	_ =	shalt  }
0x76: {  	_ =	shalt  }
0x77: {  	_ =	shalt  }
0x78: {  	_ =	shalt  }
0x79: {  	_ =	shalt  }
0x7a: {  	_ =	shalt  }
0x7b: {  	_ =	shalt  }
0x7c: {  	_ =	shalt  }
0x7d: {  	_ =	shalt  }
0x7e: {  	_ =	shalt  }
0x7f: {  	_ =	shalt  }
0x80: {  	_ =	shalt  }
0x81: {  	_ =	shalt  }
0x82: {  	_ =	shalt  }
0x83: {  	_ =	shalt  }
0x84: {  	_ =	shalt  }
0x85: {  	_ =	shalt  }
0x86: {  	_ =	shalt  }
0x87: {  	_ =	shalt  }
.Lfunc_end0:
.L_simem_size_0:
called_computation_lowered:
.L_overlay_start_0:
0x88: {  	s2 =	sld [smem:$0x3FD9]  }
0x89: {  	s3 =	sld [smem:$0x3FFE];
	_ =	sdelay $0x1  }
0x8a: {  	s1 =	srdreg.scid  }
0x8b: {  	s0 =	sand.u32 $0x1, s1  }
0x8c: {  	s17 =	sshll.u32 s0, $0xA;
	s2 =	sadd.s32 s3, s2  }
0x8d: {  	s2 =	sadd.s32 s2, s17  }
0x8e: {  	[smem:$0x3FC0] =	sst s2  }
0x8f: {  	_ = 	snop  }
0x90: {  	s2 =	sld [smem:$0x3FD0];
	(tm) =	ssettm $0x1  }
0x91: {  	s18 =	sld [smem:$0x3FFB];
	_ =	sdelay $0x3  }
0x92: {  	_ =	strace s18  }
0x93: {  	s3 =	sld [smem:$0x3FFC];
	_ =	sdelay $0x3  }
0x94: {  	_ =	strace s3  }
0x95: {  	s3 =	sld [smem:$0x3FFD];
	_ =	sdelay $0x3  }
0x96: {  	_ =	strace s3  }
0x97: {  	_ =	strace $0x8FFFFFFF  }
0x98: {  	s19 =	sld [smem:$0x3FDB];
	_ =	sdelay $0x1  }
0x99: {  	s4 =	simm.s32 $_scs_section_size  }
0x9a: {  	s5 =	simm.s32 $_size__tile_overlayer_lowered;
	s6 =	simm.s32 $_tile_overlayer_lowered  }
0x9b: {  	s22 =	simm.s32 $0x1BFF;
	s21 =	sshll.u32 s6, $0x1;
	s3 =	sadd.s32 s4, s19  }
0x9c: {  	s7 =	simm.s32 $0x0;
	s20 =	sshll.u32 s5, $0x1;
	s5 =	sadd.s32 s21, s3  }
0x9d: {  	[timem:s7], [sflag:s22] =	dma.local [hbm:s5], s20  }
0x9e: {  	_ =	swait.ge [sflag:s22], s20  }
0x9f: {  	s4 =	ssub.s32 $0x0, s20;
	[sflag:s22] =	ssyncset.done $0x0  }
0xa0: {  	[sflag:s22] =	ssyncadd.s32 s4;
	_ =	sdelay $0x1  }
0xa1: {  	s23 =	simm.s32 $0x1B8B  }
0xa2: {  	_ =	swait.ge [sflag:s23], $0x1  }
0xa3: {  	[sflag:s23] =	ssyncset.done $0x0  }
0xa4: {  	s25 =	simm.s32 $0x1B8E;
	s24 =	sld [smem:$0x3FFE];
	[sflag:s23] =	ssyncadd.s32 $0xFFFFFFFF  }
0xa5: {  	s26 =	simm.s32 $execute0_lowered;
	[smem:$0x3FD2] =	sst s25  }
0xa6: {  	s5 =	sshll.u32 s26, $0x1;
	_ =	strace $0x80000046;
	[dreg:$0x1] =	wrdreg $0xFFFFFFFF  }
0xa7: {  	s28 =	simm.s32 $_size_execute0_lowered;
	s3 =	sadd.s32 s3, s5;
	[dreg:$0x0] =	wrdreg $0x0  }
0xa8: {  	s5 =	sshll.u32 s28, $0x1;
	[dreg:$0x2] =	wrdreg s3  }
0xa9: {  	[dreg:$0x3] =	wrdreg s5  }
0xaa: {  	[dreg:$0x4] =	wrdreg $0xC0  }
0xab: {  	_ =	task [dreg:s7], $0x5FFFF  }
0xac: {  	[dreg:$0x1] =	wrdreg $0xFFFFFFFF  }
0xad: {  	[dreg:$0x0] =	wrdreg $0x60  }
0xae: {  	[dreg:$0x2] =	wrdreg s24  }
0xaf: {  	[dreg:$0x3] =	wrdreg s2  }
0xb0: {  	[dreg:$0x4] =	wrdreg $0x0  }
0xb1: {  	[dreg:$0x5] =	wrdreg $0x9  }
0xb2: {  	_ =	task.clear_ibuf [dreg:s7], $0x6FFFF;
	_ =	strace $0x90000046  }
0xb3: {  	s29 =	simm.s32 $0x9;
	_ =	strace $0x80000048  }
0xb4: {  	_ =	swait.ge [sflag:s29], $0x1  }
0xb5: {  	[sflag:s29] =	ssyncadd.s32 $0xFFFFFFFF  }
0xb6: {  	_ =	strace $0x90000048  }
0xb7: {  	_ =	sfence  }
0xb8: {  	s30 =	sld [smem:$0x0];
	_ =	sdelay $0x2  }
0xb9: {  	s31 =	sshll.u32 s1, $0xD;
	s1 =	sshrl.u32 s1, $0x2  }
0xba: {  	s3 =	sand.u32 $0x4000, s31;
	s1 =	sadd.s32 s1, s30  }
0xbb: {  	s0 =	sor.u32 s3, s0;
	s1 =	sshll.u32 s1, $0x11  }
0xbc: {  	s0 =	sor.u32 s1, s0  }
0xbd: {  	s0 =	sadd.s32 $0x8F2B, s0  }
0xbe: {  	[sflag:s0] =	ssyncadd.remote.s32 $0x1  }
0xbf: {  	_ =	sfence.sel $0xFFFF  }
0xc0: {  	[dreg:$0x0] =	wrdreg $0xFFFFFFFF;
	(pc) =	sbr.abs _section_cstart, $3  }
0xc1: {  	[dreg:$0x1] =	wrdreg $0xFFFFFFFF  }
0xc2: {  	_ =	task.clear_ibuf [dreg:s7], $0x2FFFF;
	_ =	strace $0x9FFFFFFF  }
0xc3: {  	(tm) =	ssettm $0x7FFFFFFF  }
tec
execute0_lowered:
.L_overlay_start_1:
0x0: {  	(tag) =	ssettag $0x1  }
0x1: {  	s0 =	rddreg [dreg:$0x0]  }
0x2: {  	s1 =	rddreg [dreg:$0x1]  }
0x3: {  	s2 =	rddreg [dreg:$0x2];
	s9 =	simm.s32 $0x0  }
0x4: {  	s3 =	srdreg.scid;
	s10 =	stileid.u32;
	s22 =	simm.s32 $0x19  }
0x5: {  	s20 =	simm.s32 $0x18EB0;
	s21 =	simm.s32 $0x7;
	s23 =	simm.s32 $0x186B0  }
0x6: {  	s28 =	simm.s32 $0x18830;
	s29 =	simm.s32 $0x189B0;
	s30 =	simm.s32 $0x1  }
0x7: {  	s31 =	simm.s32 $0x80;
	[smem:$0x7FF] =	sst s9;
	s4 =	sadd.s32 $0x1C200, s0  }
0x8: {  	s5 =	sadd.s32 $0x3A00, s0;
	s6 =	sadd.s32 $0x1E00, s0;
	s7 =	sadd.s32 $0x3800, s0  }
0x9: {  	s11 =	sadd.s32 $0x34A00, s0;
	s3 =	sand.u32 $0x1, s3;
	s12 =	sadd.s32 $0x65A00, s0  }
0xa: {  	p0 =	slt.u32 s10, $0x6;
	s17 =	sshll.u32 s10, $0xC;
	s18 =	sadd.s32 $0x186000, s2  }
0xb: {  	s13 =	sshll.u32 s10, $0x8;
	s15 =	sadd.s32 $0x1C210, s0;
	s25 =	sshll.u32 s10, $0x9  }
0xc: {  	p1 =	sne.s32 s10, $0x6;
	_ =	strace $0x80000047;
	[dreg:$0x5] =	wrdreg s7  }
0xd: {  	p2 =	seq.s32 s10, $0x6;
	s10 =	simm.s32 $0x19EB0;
	[dreg:$0xa] =	wrdreg s18  }
0xe: {  	s16 =	ssub.s32 $0x2, s3;
	s22 =	simm.s32 @!p0 $0x18;
	[dreg:$0xb] =	wrdreg s13  }
0xf: {  	s19 =	smul.u32 $0xC350, s3;
	p0 =	seq.s32 s3, $0x1;
	[dreg:$0x6] =	wrdreg s11  }
0x10: {  	s26 =	sadd.s32 s25, s11;
	[dreg:$0x7] =	wrdreg s12;
	s13 =	simm.s32 $0x1BEB0  }
0x11: {  	s11 =	simm.s32 $0x4;
	s3 =	simm.s32 $0x5;
	[dreg:$0xd] =	wrdreg s26  }
0x12: {  	s8 =	sshrl.u32 s16, $0x1;
	s26 =	simm.s32 $0x187B0;
	[dreg:$0x8] =	wrdreg s22  }
.Ltmp0:
0x13: {  	s7 =	ssub.s32 s16, s8;
	s8 =	sadd.s32 s17, s2;
	(pc) =	sbr.rel .LBB2_1-.Ltmp0, $4  }
0x14: {  	s16 =	sadd.s32 $0x1C410, s0;
	s0 =	sadd.s32 s25, s12;
	s25 =	simm.s32 $0x188B0  }
0x15: {  	s17 =	simm.s32 $0x1AEB0;
	s12 =	simm.s32 $0x3;
	[dreg:$0x9] =	wrdreg s8  }
0x16: {  	s24 =	smax.u32 s7, $0x1;
	[dreg:$0xe] =	wrdreg s0;
	s7 =	simm.s32 $0x2  }
0x17: {  	v1 =	vimm.f32 $0.0e+00;
	v0 =	vmov s19;
	s0 =	simm.s32 $0x6;
	[dreg:$0xc] =	wrdreg s24;
	s24 =	simm.s32 $0x18730  }
.LBB2_18:
0x18: {  	s9 =	rddreg [dreg:$0xa]  }
0x19: {  	s8 =	sadd.s32 $0x30C00, s8;
	s18 =	simm.s32 $0x1D87;
	s9 =	sshrl.u32 s9, $0x3  }
0x1a: {  	[hbm:s8], [sflag:s18] =	dma.local [spmem:s9], $0x140  }
0x1b: {  	_ =	swait.ge [sflag:s21], $0x140  }
0x1c: {  	[sflag:s21] =	ssyncset.done $0x0  }
0x1d: {  	[sflag:s21] =	ssyncadd.s32 $0xFFFFFEC0  }
.LBB2_19:
0x1e: {  	s9 =	sadd.s32 $0x1, s14;
	s8 =	rddreg [dreg:$0xc]  }
0x1f: {  	p3 =	sne.s32 s9, s8  }
.Ltmp1:
0x20: {  	_ = 	snop;
	(pc) =	sbr.rel @!p3 .LBB2_20-.Ltmp1, $1  }
0x21: {  	_ =	sdelay $0x3  }
.LBB2_1:
0x22: {  	s8 =	simm.s32 $0x18EF0  }
0x23: {  	[tilespmem:s8+$0xFFFFFFC0] =	vst v1  }
0x24: {  	[tilespmem:s8+$0x30] =	vst v1  }
0x25: {  	[tilespmem:s8+$0x20] =	vst v1  }
0x26: {  	[tilespmem:s8+$0x10] =	vst v1  }
0x27: {  	[tilespmem:s8+$0x0] =	vst v1  }
0x28: {  	[tilespmem:s8+$0xFFFFFFF0] =	vst v1  }
0x29: {  	[dreg:$0x4] =	wrdreg s9;
	s9 =	simm.s32 $0x0;
	[tilespmem:s8+$0xFFFFFFE0] =	vst v1  }
.LBB2_2:
0x2a: {  	s9 =	sadd.s32 $0x4, s9;
	[tilespmem:s8+$0xFFFFFFD0] =	vst v1;
	s8 =	sadd.s32 $0x80, s8  }
0x2b: {  	[tilespmem:s8+$0xFFFFFFC0] =	vst v1;
	p3 =	slt.u32 s9, $0x7C  }
0x2c: {  	[tilespmem:s8+$0x30] =	vst v1  }
.Ltmp2:
0x2d: {  	[tilespmem:s8+$0x20] =	vst v1;
	(pc) =	sbr.rel @p3 .LBB2_2-.Ltmp2, $4  }
0x2e: {  	[tilespmem:s8+$0x10] =	vst v1  }
0x2f: {  	[tilespmem:s8+$0x0] =	vst v1  }
0x30: {  	[tilespmem:s8+$0xFFFFFFF0] =	vst v1  }
0x31: {  	[tilespmem:s8+$0xFFFFFFE0] =	vst v1  }
0x32: {  	p3 =	sne.s32 s22, $0x1  }
.Ltmp3:
0x33: {  	_ = 	snop;
	(pc) =	sbr.rel @!p3 .LBB2_5-.Ltmp3, $4  }
0x34: {  	[tilespmem:s8+$0xFFFFFFD0] =	vst v1;
	s9 =	rddreg [dreg:$0x9]  }
0x35: {  	[spmem:s9] =	stream.linear.scatter [tilespmem:s20], [sflag:$0x7], $0x1000, $0x38;
	[tilespmem:$0x1CEC0] =	vst v63  }
0x36: {  	_ =	swait.ge [sflag:s21], $0x1000  }
0x37: {  	s8 =	sadd.s32 $0xFFFFFFFF, s22;
	[sflag:s21] =	ssyncset.done $0x0  }
.LBB2_4:
0x38: {  	p3 =	sne.s32 s8, $0x1;
	[sflag:s21] =	ssyncadd.s32 $0xFFFFF000;
	s9 =	sadd.s32 $0x10000, s9  }
.Ltmp4:
0x39: {  	s8 =	sadd.s32 $0xFFFFFFFF, s8;
	(pc) =	sbr.rel @p3 .LBB2_4-.Ltmp4, $4  }
0x3a: {  	_ = 	snop  }
0x3b: {  	[spmem:s9] =	stream.linear.scatter [tilespmem:s20], [sflag:$0x7], $0x1000, $0x38;
	[tilespmem:$0x1CEC0] =	vst v63  }
0x3c: {  	_ =	swait.ge [sflag:s21], $0x1000  }
0x3d: {  	[sflag:s21] =	ssyncset.done $0x0  }
.LBB2_5:
0x3e: {  	[sflag:s21] =	ssyncadd.s32 $0xFFFFF000;
	s8 =	simm.s32 @!p1 $0x18EB0;
	s9 =	rddreg [dreg:$0xa]  }
0x3f: {  	[spmem:s9] =	stream.linear.scatter @!p1 [tilespmem:s8], [sflag:$0x7], $0xB00, $0x38;
	[tilespmem:$0x1CEC0] =	vst v63  }
0x40: {  	s8 =	simm.s32 @!p1 $0x7  }
0x41: {  	_ =	swait.ge @!p1 [sflag:s8], $0xB00  }
0x42: {  	s22 =	simm.s32 $0x0;
	[sflag:s8] =	ssyncset.done @!p1 $0x0  }
0x43: {  	s19 =	simm.s32 $0x1CEB0;
	s18 =	rddreg [dreg:$0x5];
	[sflag:s8] =	ssyncadd.s32 @!p1 $0xFFFFF500  }
0x44: {  	[tilespmem:s19], [sflag:$0x7] =	stream.linear.gather [hbm4b:s18+s22], $0x10, $0x38;
	[tilespmem:$0x1CEC0] =	vst v63  }
0x45: {  	_ =	swait.ge [sflag:s21], $0x10  }
0x46: {  	[sflag:s21] =	ssyncset.done $0x0  }
0x47: {  	[sflag:s21] =	ssyncadd.s32 $0xFFFFFFF0  }
0x48: {  	v3 =	vld [tilespmem:$0x1CEB0];
	_ =	sdelay $0x4  }
0x49: {  	s9 =	simm.s32 $0x0;
	[bflag:$0x0] =	sbarrier.arrive $0xFFFF;
	v2 =	vbroadcast v3, $0x0;
	v3 =	vbroadcast v3, $0x1  }
.LBB2_6:
0x4a: {  	s8 =	sshll.u32 s9, $0xD;
	s14 =	rddreg [dreg:$0xb]  }
0x4b: {  	s8 =	sor.u32 s14, s8  }
0x4c: {  	s8 =	sshrl.u32 s8, $0x3  }
0x4d: {  	s18 =	sadd.s32 s4, s8  }
0x4e: {  	[tilespmem:s23], [sflag:$0x1] =	stream.linear.gather [hbm4b:s18+s22], $0x80, $0x38;
	[tilespmem:$0x1CEC0] =	vst v63  }
0x4f: {  	s19 =	sadd.s32 s8, s15  }
0x50: {  	[tilespmem:s24], [sflag:$0x1] =	stream.linear.gather [hbm4b:s19+s22], $0x80, $0x38;
	[tilespmem:$0x1CEC0] =	vst v63  }
0x51: {  	s18 =	sadd.s32 s5, s8;
	s19 =	sor.u32 $0x200, s8  }
0x52: {  	[tilespmem:s25], [sflag:$0x1] =	stream.linear.gather [hbm4b:s18+s22], $0x100, $0x38;
	[tilespmem:$0x1CEC0] =	vst v63  }
0x53: {  	s18 =	sadd.s32 s4, s19  }
0x54: {  	[tilespmem:s26], [sflag:$0x2] =	stream.linear.gather [hbm4b:s18+s22], $0x80, $0x38;
	[tilespmem:$0x1CEC0] =	vst v63  }
0x55: {  	s8 =	sadd.s32 s8, s16  }
0x56: {  	[tilespmem:s28], [sflag:$0x2] =	stream.linear.gather [hbm4b:s8+s22], $0x80, $0x38;
	[tilespmem:$0x1CEC0] =	vst v63  }
0x57: {  	s18 =	sadd.s32 s5, s19  }
0x58: {  	[tilespmem:s29], [sflag:$0x2] =	stream.linear.gather [hbm4b:s18+s22], $0x100, $0x38;
	[tilespmem:$0x1CEC0] =	vst v63  }
0x59: {  	_ =	swait.ge [sflag:s30], $0x80  }
0x5a: {  	[sflag:s30] =	ssyncset.done $0x0  }
0x5b: {  	[sflag:s30] =	ssyncadd.s32 $0xFFFFFF80  }
0x5c: {  	_ =	swait.ge [sflag:s30], $0x80  }
0x5d: {  	[sflag:s30] =	ssyncset.done $0x0  }
0x5e: {  	[sflag:s30] =	ssyncadd.s32 $0xFFFFFF80  }
0x5f: {  	_ =	swait.ge [sflag:s30], $0x100  }
0x60: {  	[sflag:s30] =	ssyncset.done $0x0  }
0x61: {  	[sflag:s30] =	ssyncadd.s32 $0xFFFFFF00  }
0x62: {  	v4 =	vld [tilespmem:$0x188B0];
	_ =	sdelay $0x1  }
0x63: {  	v5 =	vld [tilespmem:$0x188C0];
	_ =	sdelay $0x1  }
0x64: {  	v6 =	vld [tilespmem:$0x188D0]  }
0x65: {  	v7 =	vshra.s32 v4, $0x1E;
	v4 =	vand.u32 $0x3FFFFFFF, v4  }
0x66: {  	[tilespmem:$0x18AB0] =	vst v7;
	v4 =	vadd.s32 v0, v4;
	v7 =	vld [tilespmem:$0x188E0]  }
0x67: {  	[tilespmem:$0x188B0] =	vst v4;
	v4 =	vshra.s32 v5, $0x1E;
	v5 =	vand.u32 $0x3FFFFFFF, v5  }
0x68: {  	[tilespmem:$0x18AC0] =	vst v4;
	v4 =	vadd.s32 v0, v5;
	v5 =	vld [tilespmem:$0x188F0]  }
0x69: {  	[tilespmem:$0x188C0] =	vst v4;
	v4 =	vshra.s32 v6, $0x1E;
	v6 =	vand.u32 $0x3FFFFFFF, v6  }
0x6a: {  	[tilespmem:$0x18AD0] =	vst v4;
	v4 =	vadd.s32 v0, v6;
	v6 =	vld [tilespmem:$0x18900]  }
0x6b: {  	[tilespmem:$0x188D0] =	vst v4;
	v4 =	vshra.s32 v7, $0x1E;
	v7 =	vand.u32 $0x3FFFFFFF, v7  }
0x6c: {  	[tilespmem:$0x18AE0] =	vst v4;
	v4 =	vadd.s32 v0, v7;
	v7 =	vld [tilespmem:$0x18910]  }
0x6d: {  	[tilespmem:$0x188E0] =	vst v4;
	v4 =	vshra.s32 v5, $0x1E;
	v5 =	vand.u32 $0x3FFFFFFF, v5  }
0x6e: {  	[tilespmem:$0x18AF0] =	vst v4;
	v4 =	vadd.s32 v0, v5;
	v5 =	vld [tilespmem:$0x18920]  }
0x6f: {  	[tilespmem:$0x188F0] =	vst v4;
	v4 =	vshra.s32 v6, $0x1E;
	v6 =	vand.u32 $0x3FFFFFFF, v6  }
0x70: {  	[tilespmem:$0x18B00] =	vst v4;
	v4 =	vadd.s32 v0, v6;
	v6 =	vld [tilespmem:$0x18930]  }
0x71: {  	[tilespmem:$0x18900] =	vst v4;
	v4 =	vshra.s32 v7, $0x1E;
	v7 =	vand.u32 $0x3FFFFFFF, v7  }
0x72: {  	[tilespmem:$0x18B10] =	vst v4;
	v4 =	vadd.s32 v0, v7;
	v7 =	vld [tilespmem:$0x18940]  }
0x73: {  	[tilespmem:$0x18910] =	vst v4;
	v4 =	vshra.s32 v5, $0x1E;
	v5 =	vand.u32 $0x3FFFFFFF, v5  }
0x74: {  	[tilespmem:$0x18B20] =	vst v4;
	v4 =	vadd.s32 v0, v5;
	v5 =	vld [tilespmem:$0x18950]  }
0x75: {  	[tilespmem:$0x18920] =	vst v4;
	v4 =	vshra.s32 v6, $0x1E;
	v6 =	vand.u32 $0x3FFFFFFF, v6  }
0x76: {  	[tilespmem:$0x18B30] =	vst v4;
	v4 =	vadd.s32 v0, v6;
	v6 =	vld [tilespmem:$0x18960]  }
0x77: {  	[tilespmem:$0x18930] =	vst v4;
	v4 =	vshra.s32 v7, $0x1E;
	v7 =	vand.u32 $0x3FFFFFFF, v7  }
0x78: {  	[tilespmem:$0x18B40] =	vst v4;
	v4 =	vadd.s32 v0, v7;
	v7 =	vld [tilespmem:$0x18970]  }
0x79: {  	[tilespmem:$0x18940] =	vst v4;
	v4 =	vshra.s32 v5, $0x1E;
	v5 =	vand.u32 $0x3FFFFFFF, v5  }
0x7a: {  	[tilespmem:$0x18B50] =	vst v4;
	v4 =	vadd.s32 v0, v5;
	v5 =	vld [tilespmem:$0x18980]  }
0x7b: {  	[tilespmem:$0x18950] =	vst v4;
	v4 =	vshra.s32 v6, $0x1E;
	v6 =	vand.u32 $0x3FFFFFFF, v6  }
0x7c: {  	[tilespmem:$0x18B60] =	vst v4;
	v4 =	vadd.s32 v0, v6;
	v6 =	vld [tilespmem:$0x18990]  }
0x7d: {  	[tilespmem:$0x18960] =	vst v4;
	v4 =	vshra.s32 v7, $0x1E;
	v7 =	vand.u32 $0x3FFFFFFF, v7  }
0x7e: {  	[tilespmem:$0x18B70] =	vst v4;
	v4 =	vadd.s32 v0, v7;
	v7 =	vld [tilespmem:$0x189A0]  }
0x7f: {  	[tilespmem:$0x18970] =	vst v4;
	v4 =	vshra.s32 v5, $0x1E;
	v5 =	vand.u32 $0x3FFFFFFF, v5  }
0x80: {  	[tilespmem:$0x18B80] =	vst v4;
	v4 =	vadd.s32 v0, v5  }
0x81: {  	[tilespmem:$0x18980] =	vst v4;
	v4 =	vshra.s32 v6, $0x1E;
	v5 =	vand.u32 $0x3FFFFFFF, v6  }
0x82: {  	[tilespmem:$0x18B90] =	vst v4;
	v4 =	vadd.s32 v0, v5  }
0x83: {  	[tilespmem:$0x18990] =	vst v4;
	v4 =	vshra.s32 v7, $0x1E;
	v5 =	vand.u32 $0x3FFFFFFF, v7  }
0x84: {  	[tilespmem:$0x18BA0] =	vst v4;
	v4 =	vadd.s32 v0, v5  }
0x85: {  	s19 =	simm.s32 $0x18CB0;
	[tilespmem:$0x189A0] =	vst v4  }
0x86: {  	[tilespmem:s19], [sflag:$0x3] =	stream.indirect.gather [hbm4b:s6+s31], $0x1, s23, s31, $0xb8;
	[tilespmem:$0x1CEC0] =	vst v63  }
0x87: {  	_ = 	snop  }
0x88: {  	[tilespmem:s20], [sflag:$0x3] =	stream.indirect.gather [hbm4b:s1+s31], $0x20, s25, s31, $0xb8;
	[tilespmem:$0x1CEC0] =	vst v63  }
0x89: {  	s14 =	simm.s32 $0x18D30  }
0x8a: {  	[tilespmem:s14], [sflag:$0x3] =	stream.indirect.gather [hbm4b:s6+s31], $0x1, s24, s31, $0xb8;
	[tilespmem:$0x1CEC0] =	vst v63  }
0x8b: {  	s18 =	simm.s32 $0x18930  }
0x8c: {  	[tilespmem:s10], [sflag:$0x3] =	stream.indirect.gather [hbm4b:s1+s31], $0x20, s18, s31, $0xb8;
	[tilespmem:$0x1CEC0] =	vst v63  }
0x8d: {  	_ =	swait.ge [sflag:s7], $0x80  }
0x8e: {  	[sflag:s7] =	ssyncset.done $0x0  }
0x8f: {  	[sflag:s7] =	ssyncadd.s32 $0xFFFFFF80  }
0x90: {  	_ =	swait.ge [sflag:s7], $0x80  }
0x91: {  	[sflag:s7] =	ssyncset.done $0x0  }
0x92: {  	[sflag:s7] =	ssyncadd.s32 $0xFFFFFF80  }
0x93: {  	_ =	swait.ge [sflag:s7], $0x100  }
0x94: {  	[sflag:s7] =	ssyncset.done $0x0  }
0x95: {  	[sflag:s7] =	ssyncadd.s32 $0xFFFFFF00  }
0x96: {  	v4 =	vld [tilespmem:$0x189B0];
	_ =	sdelay $0x1  }
0x97: {  	v5 =	vld [tilespmem:$0x189C0];
	_ =	sdelay $0x1  }
0x98: {  	v6 =	vld [tilespmem:$0x189D0]  }
0x99: {  	v7 =	vshra.s32 v4, $0x1E;
	v4 =	vand.u32 $0x3FFFFFFF, v4  }
0x9a: {  	[tilespmem:$0x18BB0] =	vst v7;
	v4 =	vadd.s32 v0, v4;
	v7 =	vld [tilespmem:$0x189E0]  }
0x9b: {  	[tilespmem:$0x189B0] =	vst v4;
	v4 =	vshra.s32 v5, $0x1E;
	v5 =	vand.u32 $0x3FFFFFFF, v5  }
0x9c: {  	[tilespmem:$0x18BC0] =	vst v4;
	v4 =	vadd.s32 v0, v5;
	v5 =	vld [tilespmem:$0x189F0]  }
0x9d: {  	[tilespmem:$0x189C0] =	vst v4;
	v4 =	vshra.s32 v6, $0x1E;
	v6 =	vand.u32 $0x3FFFFFFF, v6  }
0x9e: {  	[tilespmem:$0x18BD0] =	vst v4;
	v4 =	vadd.s32 v0, v6;
	v6 =	vld [tilespmem:$0x18A00]  }
0x9f: {  	[tilespmem:$0x189D0] =	vst v4;
	v4 =	vshra.s32 v7, $0x1E;
	v7 =	vand.u32 $0x3FFFFFFF, v7  }
0xa0: {  	[tilespmem:$0x18BE0] =	vst v4;
	v4 =	vadd.s32 v0, v7;
	v7 =	vld [tilespmem:$0x18A10]  }
0xa1: {  	[tilespmem:$0x189E0] =	vst v4;
	v4 =	vshra.s32 v5, $0x1E;
	v5 =	vand.u32 $0x3FFFFFFF, v5  }
0xa2: {  	[tilespmem:$0x18BF0] =	vst v4;
	v4 =	vadd.s32 v0, v5;
	v5 =	vld [tilespmem:$0x18A20]  }
0xa3: {  	[tilespmem:$0x189F0] =	vst v4;
	v4 =	vshra.s32 v6, $0x1E;
	v6 =	vand.u32 $0x3FFFFFFF, v6  }
0xa4: {  	[tilespmem:$0x18C00] =	vst v4;
	v4 =	vadd.s32 v0, v6;
	v6 =	vld [tilespmem:$0x18A30]  }
0xa5: {  	[tilespmem:$0x18A00] =	vst v4;
	v4 =	vshra.s32 v7, $0x1E;
	v7 =	vand.u32 $0x3FFFFFFF, v7  }
0xa6: {  	[tilespmem:$0x18C10] =	vst v4;
	v4 =	vadd.s32 v0, v7;
	v7 =	vld [tilespmem:$0x18A40]  }
0xa7: {  	[tilespmem:$0x18A10] =	vst v4;
	v4 =	vshra.s32 v5, $0x1E;
	v5 =	vand.u32 $0x3FFFFFFF, v5  }
0xa8: {  	[tilespmem:$0x18C20] =	vst v4;
	v4 =	vadd.s32 v0, v5;
	v5 =	vld [tilespmem:$0x18A50]  }
0xa9: {  	[tilespmem:$0x18A20] =	vst v4;
	v4 =	vshra.s32 v6, $0x1E;
	v6 =	vand.u32 $0x3FFFFFFF, v6  }
0xaa: {  	[tilespmem:$0x18C30] =	vst v4;
	v4 =	vadd.s32 v0, v6;
	v6 =	vld [tilespmem:$0x18A60]  }
0xab: {  	[tilespmem:$0x18A30] =	vst v4;
	v4 =	vshra.s32 v7, $0x1E;
	v7 =	vand.u32 $0x3FFFFFFF, v7  }
0xac: {  	[tilespmem:$0x18C40] =	vst v4;
	v4 =	vadd.s32 v0, v7;
	v7 =	vld [tilespmem:$0x18A70]  }
0xad: {  	[tilespmem:$0x18A40] =	vst v4;
	v4 =	vshra.s32 v5, $0x1E;
	v5 =	vand.u32 $0x3FFFFFFF, v5  }
0xae: {  	[tilespmem:$0x18C50] =	vst v4;
	v4 =	vadd.s32 v0, v5;
	v5 =	vld [tilespmem:$0x18A80]  }
0xaf: {  	[tilespmem:$0x18A50] =	vst v4;
	v4 =	vshra.s32 v6, $0x1E;
	v6 =	vand.u32 $0x3FFFFFFF, v6  }
0xb0: {  	[tilespmem:$0x18C60] =	vst v4;
	v4 =	vadd.s32 v0, v6;
	v6 =	vld [tilespmem:$0x18A90]  }
0xb1: {  	[tilespmem:$0x18A60] =	vst v4;
	v4 =	vshra.s32 v7, $0x1E;
	v7 =	vand.u32 $0x3FFFFFFF, v7  }
0xb2: {  	[tilespmem:$0x18C70] =	vst v4;
	v4 =	vadd.s32 v0, v7;
	v7 =	vld [tilespmem:$0x18AA0]  }
0xb3: {  	[tilespmem:$0x18A70] =	vst v4;
	v4 =	vshra.s32 v5, $0x1E;
	v5 =	vand.u32 $0x3FFFFFFF, v5  }
0xb4: {  	[tilespmem:$0x18C80] =	vst v4;
	v4 =	vadd.s32 v0, v5  }
0xb5: {  	[tilespmem:$0x18A80] =	vst v4;
	v4 =	vshra.s32 v6, $0x1E;
	v5 =	vand.u32 $0x3FFFFFFF, v6  }
0xb6: {  	[tilespmem:$0x18C90] =	vst v4;
	v4 =	vadd.s32 v0, v5  }
0xb7: {  	[tilespmem:$0x18A90] =	vst v4;
	v4 =	vshra.s32 v7, $0x1E;
	v5 =	vand.u32 $0x3FFFFFFF, v7  }
0xb8: {  	[tilespmem:$0x18CA0] =	vst v4;
	v4 =	vadd.s32 v0, v5  }
0xb9: {  	s19 =	simm.s32 $0x18DB0;
	[tilespmem:$0x18AA0] =	vst v4  }
0xba: {  	[tilespmem:s19], [sflag:$0x4] =	stream.indirect.gather [hbm4b:s6+s31], $0x1, s26, s31, $0xb8;
	[tilespmem:$0x1CEC0] =	vst v63  }
0xbb: {  	_ = 	snop  }
0xbc: {  	[tilespmem:s17], [sflag:$0x4] =	stream.indirect.gather [hbm4b:s1+s31], $0x20, s29, s31, $0xb8;
	[tilespmem:$0x1CEC0] =	vst v63  }
0xbd: {  	s14 =	simm.s32 $0x18E30  }
0xbe: {  	[tilespmem:s14], [sflag:$0x4] =	stream.indirect.gather [hbm4b:s6+s31], $0x1, s28, s31, $0xb8;
	[tilespmem:$0x1CEC0] =	vst v63  }
0xbf: {  	s18 =	simm.s32 $0x18A30  }
0xc0: {  	[tilespmem:s13], [sflag:$0x4] =	stream.indirect.gather [hbm4b:s1+s31], $0x20, s18, s31, $0xb8;
	[tilespmem:$0x1CEC0] =	vst v63  }
0xc1: {  	_ =	swait.ge [sflag:s12], $0x80  }
0xc2: {  	[sflag:s12] =	ssyncset.done $0x0  }
0xc3: {  	[sflag:s12] =	ssyncadd.s32 $0xFFFFFF80  }
0xc4: {  	_ =	swait.ge [sflag:s12], $0x1000  }
0xc5: {  	[sflag:s12] =	ssyncset.done $0x0  }
0xc6: {  	[sflag:s12] =	ssyncadd.s32 $0xFFFFF000  }
0xc7: {  	_ =	swait.ge [sflag:s12], $0x80  }
0xc8: {  	[sflag:s12] =	ssyncset.done $0x0  }
0xc9: {  	[sflag:s12] =	ssyncadd.s32 $0xFFFFFF80  }
0xca: {  	_ =	swait.ge [sflag:s12], $0x1000  }
0xcb: {  	[sflag:s12] =	ssyncset.done $0x0  }
0xcc: {  	[sflag:s12] =	ssyncadd.s32 $0xFFFFF000  }
0xcd: {  	v4 =	vld [tilespmem:$0x18AB0];
	_ =	sdelay $0x1  }
0xce: {  	v5 =	vld [tilespmem:$0x18CB0];
	_ =	sdelay $0x2  }
0xcf: {  	vm0 =	veq.s32 v4, $0x0  }
0xd0: {  	v4 =	vsel vm0, v2, v3  }
0xd1: {  	v4 =	vadd.f32 v4, v5;
	_ =	sdelay $0x1  }
0xd2: {  	v4 =	vsub.f32 $0.0e+00, v4;
	_ =	sdelay $0x1  }
0xd3: {  	v4 =	vmul.f32 $1.442695020e+00, v4;
	_ =	sdelay $0x1  }
0xd4: {  	(erf) = vpow2.f32 v4;
	v4 =	vld [tilespmem:$0x18AC0];
	_ =	sdelay $0x1  }
0xd5: {  	v5 =	vld [tilespmem:$0x18CC0];
	_ =	sdelay $0x2  }
0xd6: {  	vm13 =	veq.s32 v4, $0x0  }
0xd7: {  	v4 =	vsel vm13, v2, v3  }
0xd8: {  	v4 =	vadd.f32 v4, v5;
	_ =	sdelay $0x1  }
0xd9: {  	v5 =	vpop (erf);
	v4 =	vsub.f32 $0.0e+00, v4  }
0xda: {  	v5 =	vadd.f32 $1.000000000e+00, v5  }
0xdb: {  	v4 =	vmul.f32 $1.442695020e+00, v4  }
0xdc: {  	(erf) = vrcp.f32 v5  }
0xdd: {  	(erf) = vpow2.f32 v4;
	v4 =	vld [tilespmem:$0x18AD0];
	_ =	sdelay $0x2  }
0xde: {  	v5 =	vld [tilespmem:$0x18CD0];
	_ =	sdelay $0x1  }
0xdf: {  	vm14 =	veq.s32 v4, $0x0  }
0xe0: {  	v4 =	vsel vm14, v2, v3;
	_ =	sdelay $0x1  }
0xe1: {  	v5 =	vadd.f32 v4, v5  }
0xe2: {  	v4 =	vpop (erf)  }
0xe3: {  	v5 =	vsub.f32 $0.0e+00, v5;
	v6 =	vpop (erf)  }
0xe4: {  	v6 =	vadd.f32 $1.000000000e+00, v6  }
0xe5: {  	v5 =	vmul.f32 $1.442695020e+00, v5  }
0xe6: {  	(erf) = vrcp.f32 v6  }
0xe7: {  	(erf) = vpow2.f32 v5;
	v5 =	vld [tilespmem:$0x18AE0];
	_ =	sdelay $0x2  }
0xe8: {  	v6 =	vld [tilespmem:$0x18CE0];
	_ =	sdelay $0x1  }
0xe9: {  	vm15 =	veq.s32 v5, $0x0  }
0xea: {  	v5 =	vsel vm15, v2, v3;
	_ =	sdelay $0x1  }
0xeb: {  	v6 =	vadd.f32 v5, v6  }
0xec: {  	v5 =	vpop (erf)  }
0xed: {  	v6 =	vsub.f32 $0.0e+00, v6;
	v7 =	vpop (erf)  }
0xee: {  	v7 =	vadd.f32 $1.000000000e+00, v7  }
0xef: {  	v6 =	vmul.f32 $1.442695020e+00, v6  }
0xf0: {  	(erf) = vrcp.f32 v7  }
0xf1: {  	(erf) = vpow2.f32 v6;
	v6 =	vld [tilespmem:$0x18AF0];
	_ =	sdelay $0x2  }
0xf2: {  	v7 =	vld [tilespmem:$0x18CF0];
	_ =	sdelay $0x1  }
0xf3: {  	vm4 =	veq.s32 v6, $0x0  }
0xf4: {  	v6 =	vsel vm4, v2, v3;
	_ =	sdelay $0x1  }
0xf5: {  	v7 =	vadd.f32 v6, v7  }
0xf6: {  	v6 =	vpop (erf)  }
0xf7: {  	v7 =	vsub.f32 $0.0e+00, v7;
	v8 =	vpop (erf)  }
0xf8: {  	v8 =	vadd.f32 $1.000000000e+00, v8  }
0xf9: {  	v7 =	vmul.f32 $1.442695020e+00, v7  }
0xfa: {  	(erf) = vrcp.f32 v8  }
0xfb: {  	(erf) = vpow2.f32 v7;
	v7 =	vld [tilespmem:$0x18B00];
	_ =	sdelay $0x2  }
0xfc: {  	v8 =	vld [tilespmem:$0x18D00];
	_ =	sdelay $0x1  }
0xfd: {  	vm5 =	veq.s32 v7, $0x0  }
0xfe: {  	v7 =	vsel vm5, v2, v3;
	_ =	sdelay $0x1  }
0xff: {  	v8 =	vadd.f32 v7, v8  }
0x100: {  	v7 =	vpop (erf)  }
0x101: {  	v8 =	vsub.f32 $0.0e+00, v8;
	v9 =	vpop (erf)  }
0x102: {  	v9 =	vadd.f32 $1.000000000e+00, v9  }
0x103: {  	v8 =	vmul.f32 $1.442695020e+00, v8  }
0x104: {  	(erf) = vrcp.f32 v9  }
0x105: {  	(erf) = vpow2.f32 v8;
	v8 =	vld [tilespmem:$0x18B10];
	_ =	sdelay $0x1  }
0x106: {  	v9 =	vld [tilespmem:$0x18D10];
	_ =	sdelay $0x2  }
0x107: {  	vm6 =	veq.s32 v8, $0x0  }
0x108: {  	v8 =	vsel vm6, v2, v3  }
0x109: {  	v8 =	vadd.f32 v8, v9  }
0x10a: {  	v9 =	vpop (erf)  }
0x10b: {  	v10 =	vpop (erf);
	v8 =	vsub.f32 $0.0e+00, v8  }
0x10c: {  	v10 =	vadd.f32 $1.000000000e+00, v10  }
0x10d: {  	v8 =	vmul.f32 $1.442695020e+00, v8  }
0x10e: {  	(erf) = vrcp.f32 v10  }
0x10f: {  	(erf) = vpow2.f32 v8;
	v8 =	vld [tilespmem:$0x18B20];
	_ =	sdelay $0x1  }
0x110: {  	v10 =	vld [tilespmem:$0x18D20];
	_ =	sdelay $0x2  }
0x111: {  	vm7 =	veq.s32 v8, $0x0  }
0x112: {  	v8 =	vsel vm7, v2, v3  }
0x113: {  	v8 =	vadd.f32 v8, v10  }
0x114: {  	v10 =	vpop (erf)  }
0x115: {  	v11 =	vpop (erf);
	v8 =	vsub.f32 $0.0e+00, v8  }
0x116: {  	v11 =	vadd.f32 $1.000000000e+00, v11  }
0x117: {  	v8 =	vmul.f32 $1.442695020e+00, v8  }
0x118: {  	(erf) = vrcp.f32 v11  }
0x119: {  	(erf) = vpow2.f32 v8;
	v8 =	vld [tilespmem:$0x18B30];
	_ =	sdelay $0x1  }
0x11a: {  	v11 =	vld [tilespmem:$0x18D30];
	_ =	sdelay $0x2  }
0x11b: {  	vm8 =	veq.s32 v8, $0x0  }
0x11c: {  	v8 =	vsel vm8, v2, v3  }
0x11d: {  	v8 =	vadd.f32 v8, v11  }
0x11e: {  	v11 =	vpop (erf)  }
0x11f: {  	v12 =	vpop (erf);
	v8 =	vsub.f32 $0.0e+00, v8  }
0x120: {  	v12 =	vadd.f32 $1.000000000e+00, v12  }
0x121: {  	v8 =	vmul.f32 $1.442695020e+00, v8  }
0x122: {  	(erf) = vrcp.f32 v12  }
0x123: {  	(erf) = vpow2.f32 v8;
	v8 =	vld [tilespmem:$0x18B40];
	_ =	sdelay $0x1  }
0x124: {  	v12 =	vld [tilespmem:$0x18D40];
	_ =	sdelay $0x2  }
0x125: {  	vm9 =	veq.s32 v8, $0x0  }
0x126: {  	v8 =	vsel vm9, v2, v3  }
0x127: {  	v8 =	vadd.f32 v8, v12  }
0x128: {  	v12 =	vpop (erf)  }
0x129: {  	v13 =	vpop (erf);
	v8 =	vsub.f32 $0.0e+00, v8  }
0x12a: {  	v13 =	vadd.f32 $1.000000000e+00, v13  }
0x12b: {  	v8 =	vmul.f32 $1.442695020e+00, v8  }
0x12c: {  	(erf) = vrcp.f32 v13  }
0x12d: {  	(erf) = vpow2.f32 v8;
	v8 =	vld [tilespmem:$0x18B50];
	_ =	sdelay $0x1  }
0x12e: {  	v13 =	vld [tilespmem:$0x18D50];
	_ =	sdelay $0x2  }
0x12f: {  	vm10 =	veq.s32 v8, $0x0  }
0x130: {  	v8 =	vsel vm10, v2, v3  }
0x131: {  	v8 =	vadd.f32 v8, v13  }
0x132: {  	v13 =	vpop (erf)  }
0x133: {  	v14 =	vpop (erf);
	v8 =	vsub.f32 $0.0e+00, v8  }
0x134: {  	v14 =	vadd.f32 $1.000000000e+00, v14  }
0x135: {  	v8 =	vmul.f32 $1.442695020e+00, v8  }
0x136: {  	(erf) = vrcp.f32 v14  }
0x137: {  	(erf) = vpow2.f32 v8;
	v8 =	vld [tilespmem:$0x18B60];
	_ =	sdelay $0x1  }
0x138: {  	v14 =	vld [tilespmem:$0x18D60];
	_ =	sdelay $0x2  }
0x139: {  	vm11 =	veq.s32 v8, $0x0  }
0x13a: {  	v8 =	vsel vm11, v2, v3  }
0x13b: {  	v8 =	vadd.f32 v8, v14  }
0x13c: {  	v14 =	vpop (erf)  }
0x13d: {  	v15 =	vpop (erf);
	v8 =	vsub.f32 $0.0e+00, v8  }
0x13e: {  	v15 =	vadd.f32 $1.000000000e+00, v15  }
0x13f: {  	v8 =	vmul.f32 $1.442695020e+00, v8  }
0x140: {  	(erf) = vrcp.f32 v15  }
0x141: {  	(erf) = vpow2.f32 v8;
	v8 =	vld [tilespmem:$0x18B70];
	_ =	sdelay $0x1  }
0x142: {  	v15 =	vld [tilespmem:$0x18D70];
	_ =	sdelay $0x2  }
0x143: {  	vm12 =	veq.s32 v8, $0x0  }
0x144: {  	v8 =	vsel vm12, v2, v3  }
0x145: {  	v8 =	vadd.f32 v8, v15  }
0x146: {  	v15 =	vpop (erf)  }
0x147: {  	v16 =	vpop (erf);
	v8 =	vsub.f32 $0.0e+00, v8  }
0x148: {  	v16 =	vadd.f32 $1.000000000e+00, v16  }
0x149: {  	v8 =	vmul.f32 $1.442695020e+00, v8  }
0x14a: {  	(erf) = vrcp.f32 v16  }
0x14b: {  	(erf) = vpow2.f32 v8;
	v8 =	vld [tilespmem:$0x18B80];
	_ =	sdelay $0x1  }
0x14c: {  	v16 =	vld [tilespmem:$0x18D80];
	_ =	sdelay $0x2  }
0x14d: {  	vm13 =	veq.s32 v8, $0x0  }
0x14e: {  	v8 =	vsel vm13, v2, v3  }
0x14f: {  	v8 =	vadd.f32 v8, v16  }
0x150: {  	v16 =	vpop (erf)  }
0x151: {  	v17 =	vpop (erf);
	v8 =	vsub.f32 $0.0e+00, v8  }
0x152: {  	v17 =	vadd.f32 $1.000000000e+00, v17  }
0x153: {  	v8 =	vmul.f32 $1.442695020e+00, v8  }
0x154: {  	(erf) = vrcp.f32 v17  }
0x155: {  	(erf) = vpow2.f32 v8;
	v8 =	vld [tilespmem:$0x18B90];
	_ =	sdelay $0x1  }
0x156: {  	v17 =	vld [tilespmem:$0x18D90];
	_ =	sdelay $0x2  }
0x157: {  	vm14 =	veq.s32 v8, $0x0  }
0x158: {  	v8 =	vsel vm14, v2, v3  }
0x159: {  	v8 =	vadd.f32 v8, v17  }
0x15a: {  	v17 =	vpop (erf)  }
0x15b: {  	v18 =	vpop (erf);
	v8 =	vsub.f32 $0.0e+00, v8  }
0x15c: {  	v18 =	vadd.f32 $1.000000000e+00, v18  }
0x15d: {  	v8 =	vmul.f32 $1.442695020e+00, v8  }
0x15e: {  	(erf) = vrcp.f32 v18  }
0x15f: {  	(erf) = vpow2.f32 v8;
	v8 =	vld [tilespmem:$0x18BA0];
	_ =	sdelay $0x1  }
0x160: {  	v18 =	vld [tilespmem:$0x18DA0];
	_ =	sdelay $0x2  }
0x161: {  	vm15 =	veq.s32 v8, $0x0  }
0x162: {  	v8 =	vsel vm15, v2, v3  }
0x163: {  	v8 =	vadd.f32 v8, v18  }
0x164: {  	v18 =	vpop (erf)  }
0x165: {  	v19 =	vpop (erf);
	v8 =	vsub.f32 $0.0e+00, v8  }
0x166: {  	v19 =	vadd.f32 $1.000000000e+00, v19  }
0x167: {  	v8 =	vmul.f32 $1.442695020e+00, v8  }
0x168: {  	(erf) = vrcp.f32 v19  }
0x169: {  	(erf) = vpow2.f32 v8;
	_ =	sdelay $0x6  }
0x16a: {  	[tilespmem:$0x18CB0] =	vst v4  }
0x16b: {  	[tilespmem:$0x18CC0] =	vst v5;
	v4 =	vpop (erf)  }
0x16c: {  	[tilespmem:$0x18CD0] =	vst v6;
	v5 =	vpop (erf)  }
0x16d: {  	[tilespmem:$0x18CE0] =	vst v7;
	v5 =	vadd.f32 $1.000000000e+00, v5  }
0x16e: {  	[tilespmem:$0x18CF0] =	vst v9  }
0x16f: {  	[tilespmem:$0x18D00] =	vst v10;
	(erf) = vrcp.f32 v5  }
0x170: {  	[tilespmem:$0x18D10] =	vst v11  }
0x171: {  	[tilespmem:$0x18D20] =	vst v12  }
0x172: {  	[tilespmem:$0x18D30] =	vst v13  }
0x173: {  	[tilespmem:$0x18D40] =	vst v14  }
0x174: {  	[tilespmem:$0x18D50] =	vst v15  }
0x175: {  	[tilespmem:$0x18D60] =	vst v16  }
0x176: {  	[tilespmem:$0x18D70] =	vst v17  }
0x177: {  	[tilespmem:$0x18D80] =	vst v18  }
0x178: {  	[tilespmem:$0x18D90] =	vst v4;
	v4 =	vpop (erf)  }
0x179: {  	s8 =	simm.s32 $0x18FB0;
	[tilespmem:$0x18DA0] =	vst v4  }
0x17a: {  	v9 =	vld [tilespmem:s8+$0xFFFFFFA0]  }
0x17b: {  	v7 =	vld [tilespmem:s8+$0xFFFFFFF0]  }
0x17c: {  	v4 =	vld [tilespmem:s8+$0xFFFFFF60]  }
0x17d: {  	v10 =	vld [tilespmem:s8+$0xFFFFFFD0]  }
0x17e: {  	v11 =	vld [tilespmem:s8+$0x80]  }
0x17f: {  	v14 =	vld [tilespmem:s8+$0xFFFFFF10]  }
0x180: {  	v18 =	vld [tilespmem:s8+$0xE0]  }
0x181: {  	v13 =	vld [tilespmem:s8+$0xFFFFFF40]  }
0x182: {  	s19 =	simm.s32 $0x0;
	v5 =	vld [tilespmem:s8+$0xFFFFFF90]  }
0x183: {  	v6 =	vld [tilespmem:s19+$0x18CB0]  }
0x184: {  	v12 =	vld [tilespmem:s8+$0xFFFFFFC0]  }
0x185: {  	v15 =	vld [tilespmem:s8+$0xFFFFFF00]  }
0x186: {  	v16 =	vld [tilespmem:s8+$0xD0]  }
0x187: {  	v25 =	vld [tilespmem:s8+$0xC0]  }
0x188: {  	v23 =	vld [tilespmem:s8+$0x90];
	v21 =	vbroadcast v6, $0x0;
	v8 =	vbroadcast v6, $0xF  }
0x189: {  	v24 =	vld [tilespmem:s8+$0xFFFFFF50];
	v22 =	vbroadcast v6, $0x2;
	v20 =	vbroadcast v6, $0xE  }
0x18a: {  	v19 =	vld [tilespmem:s8+$0xB0];
	v17 =	vbroadcast v6, $0xC;
	v27 =	vmul.f32 v21, v15  }
0x18b: {  	s18 =	simm.s32 $0x40;
	s19 =	simm.s32 $0x18FB0;
	v15 =	vbroadcast v6, $0xD;
	v26 =	vmul.f32 v13, v22;
	v13 =	vld [tilespmem:s8+$0x60]  }
.LBB2_7:
0x18c: {  	p3 =	sne.s32 s18, $0x3C0  }
0x18d: {  	[tilespmem:s8+$0xFFFFFF00] =	vst v27;
	v27 =	vld [tilespmem:s8+$0xFFFFFFB0];
	v25 =	vmul.f32 v25, v20;
	v18 =	vmul.f32 v18, v8;
	s19 =	sadd.s32 $0x200, s19;
	s14 =	smov.u32 s18;
	s18 =	sadd.s32 $0x40, s18  }
0x18e: {  	[tilespmem:s8+$0xFFFFFF40] =	vst v26;
	v26 =	vbroadcast v6, $0xA;
	v23 =	vmul.f32 v23, v17;
	v28 =	vld [tilespmem:s8+$0xA0]  }
0x18f: {  	v14 =	vmul.f32 v14, v21;
	v21 =	vmul.f32 v24, v22;
	v22 =	vld [tilespmem:s8+$0x70];
	[tilespmem:s8+$0xE0] =	vst v18  }
0x190: {  	v18 =	vbroadcast v6, $0x5;
	v24 =	vld [tilespmem:s8+$0xFFFFFFE0];
	v19 =	vmul.f32 v19, v15;
	[tilespmem:s8+$0xC0] =	vst v25  }
0x191: {  	v16 =	vmul.f32 v16, v20;
	[tilespmem:s8+$0xFFFFFF10] =	vst v14;
	v14 =	vbroadcast v6, $0x6;
	v25 =	vld [tilespmem:s8+$0x40]  }
0x192: {  	v29 =	vbroadcast v6, $0xB;
	v9 =	vmul.f32 v9, v18;
	v20 =	vld [tilespmem:s8+$0xFFFFFF20];
	[tilespmem:s8+$0x90] =	vst v23  }
0x193: {  	v23 =	vbroadcast v6, $0x9;
	[tilespmem:s8+$0xFFFFFF50] =	vst v21;
	v21 =	vld [tilespmem:s8+$0x20];
	v15 =	vmul.f32 v28, v15  }
0x194: {  	v18 =	vmul.f32 v27, v18;
	v27 =	vld [tilespmem:s8+$0x50];
	v22 =	vmul.f32 v22, v29;
	[tilespmem:s8+$0xD0] =	vst v16  }
0x195: {  	v11 =	vmul.f32 v11, v17;
	v16 =	vbroadcast v6, $0x7;
	v28 =	vld [tilespmem:s8+$0x30];
	[tilespmem:s8+$0xA0] =	vst v15  }
0x196: {  	v12 =	vmul.f32 v12, v14;
	v15 =	vbroadcast v6, $0x3;
	v17 =	vld [tilespmem:s8+$0x0];
	[tilespmem:s8+$0x70] =	vst v22  }
0x197: {  	v13 =	vmul.f32 v13, v29;
	v10 =	vmul.f32 v10, v14;
	v14 =	vld [tilespmem:s8+$0x10];
	[tilespmem:s8+$0x80] =	vst v11  }
0x198: {  	v22 =	vbroadcast v6, $0x8;
	v25 =	vmul.f32 v25, v26;
	v11 =	vld [tilespmem:s8+$0xFFFFFF30];
	[tilespmem:s8+$0xB0] =	vst v19  }
0x199: {  	v19 =	vbroadcast v6, $0x1;
	v29 =	vld [tilespmem:s8+$0xFFFFFF70];
	[tilespmem:s8+$0xFFFFFFD0] =	vst v10;
	v26 =	vmul.f32 v27, v26  }
0x19a: {  	v7 =	vmul.f32 v7, v16;
	v10 =	vmul.f32 v24, v16;
	[tilespmem:s8+$0xFFFFFFC0] =	vst v12;
	v12 =	vld [tilespmem:s8+$0xF0]  }
0x19b: {  	v24 =	vmul.f32 v28, v23;
	v16 =	vld [tilespmem:s8+$0xFFFFFF80];
	[tilespmem:s8+$0xFFFFFFA0] =	vst v9;
	v17 =	vmul.f32 v17, v22  }
0x19c: {  	v9 =	vld [tilespmem:s19+$0xFFFFFFA0];
	[tilespmem:s8+$0xFFFFFFF0] =	vst v7;
	v22 =	vmul.f32 v14, v22;
	v14 =	vmul.f32 v21, v23  }
0x19d: {  	v7 =	vmul.f32 v20, v19;
	v19 =	vmul.f32 v11, v19;
	[tilespmem:s8+$0x60] =	vst v13  }
0x19e: {  	v4 =	vmul.f32 v4, v15;
	v11 =	vmul.f32 v29, v15;
	[tilespmem:s8+$0xFFFFFFB0] =	vst v18  }
0x19f: {  	v6 =	vbroadcast v6, $0x4;
	[tilespmem:s8+$0xFFFFFF20] =	vst v7;
	v7 =	vmul.f32 v12, v8  }
0x1a0: {  	[tilespmem:s8+$0xFFFFFF60] =	vst v4  }
0x1a1: {  	v8 =	vmul.f32 v16, v6;
	v4 =	vmul.f32 v5, v6;
	[tilespmem:s8+$0x40] =	vst v25  }
0x1a2: {  	[tilespmem:s8+$0xFFFFFFE0] =	vst v10  }
0x1a3: {  	[tilespmem:s8+$0xF0] =	vst v7  }
0x1a4: {  	[tilespmem:s8+$0xFFFFFF90] =	vst v4  }
0x1a5: {  	v7 =	vld [tilespmem:s19+$0xFFFFFFF0];
	[tilespmem:s8+$0xFFFFFF70] =	vst v11  }
0x1a6: {  	v4 =	vld [tilespmem:s19+$0xFFFFFF60];
	[tilespmem:s8+$0x20] =	vst v14  }
0x1a7: {  	v10 =	vld [tilespmem:s19+$0xFFFFFFD0];
	[tilespmem:s8+$0x30] =	vst v24  }
0x1a8: {  	v11 =	vld [tilespmem:s19+$0x80];
	[tilespmem:s8+$0xFFFFFF80] =	vst v8  }
0x1a9: {  	v14 =	vld [tilespmem:s19+$0xFFFFFF10];
	[tilespmem:s8+$0x50] =	vst v26  }
0x1aa: {  	v18 =	vld [tilespmem:s19+$0xE0];
	[tilespmem:s8+$0x0] =	vst v17  }
0x1ab: {  	v13 =	vld [tilespmem:s19+$0xFFFFFF40];
	[tilespmem:s8+$0xFFFFFF30] =	vst v19  }
0x1ac: {  	s14 =	sshra.s32 s14, $0x2;
	v5 =	vld [tilespmem:s19+$0xFFFFFF90];
	[tilespmem:s8+$0x10] =	vst v22;
	s8 =	smov.u32 s19  }
0x1ad: {  	v6 =	vld [tilespmem:s14+$0x18CB0]  }
0x1ae: {  	v12 =	vld [tilespmem:s19+$0xFFFFFFC0]  }
0x1af: {  	v15 =	vld [tilespmem:s19+$0xFFFFFF00]  }
0x1b0: {  	v16 =	vld [tilespmem:s19+$0xD0]  }
.Ltmp5:
0x1b1: {  	v25 =	vld [tilespmem:s19+$0xC0];
	(pc) =	sbr.rel @p3 .LBB2_7-.Ltmp5, $4  }
0x1b2: {  	v21 =	vbroadcast v6, $0x0;
	v23 =	vld [tilespmem:s19+$0x90];
	v8 =	vbroadcast v6, $0xF  }
0x1b3: {  	v22 =	vbroadcast v6, $0x2;
	v20 =	vbroadcast v6, $0xE;
	v24 =	vld [tilespmem:s19+$0xFFFFFF50]  }
0x1b4: {  	v27 =	vmul.f32 v21, v15;
	v15 =	vbroadcast v6, $0xD;
	v19 =	vld [tilespmem:s19+$0xB0]  }
0x1b5: {  	v17 =	vbroadcast v6, $0xC;
	v26 =	vmul.f32 v13, v22;
	v13 =	vld [tilespmem:s19+$0x60]  }
0x1b6: {  	[tilespmem:s8+$0xFFFFFF00] =	vst v27;
	v18 =	vmul.f32 v18, v8  }
0x1b7: {  	v25 =	vmul.f32 v25, v20;
	[tilespmem:s8+$0xFFFFFF40] =	vst v26  }
0x1b8: {  	v14 =	vmul.f32 v14, v21;
	[tilespmem:s8+$0xE0] =	vst v18  }
0x1b9: {  	v21 =	vld [tilespmem:s8+$0x70];
	v11 =	vmul.f32 v11, v17;
	[tilespmem:s8+$0xC0] =	vst v25  }
0x1ba: {  	v18 =	vmul.f32 v23, v17;
	v22 =	vmul.f32 v24, v22;
	[tilespmem:s8+$0xFFFFFF10] =	vst v14  }
0x1bb: {  	v26 =	vld [tilespmem:s8+$0xA0];
	v14 =	vmul.f32 v16, v20;
	v20 =	vbroadcast v6, $0xB;
	[tilespmem:s8+$0x80] =	vst v11  }
0x1bc: {  	[tilespmem:s8+$0x90] =	vst v18  }
0x1bd: {  	v11 =	vbroadcast v6, $0x7;
	[tilespmem:s8+$0xFFFFFF50] =	vst v22;
	v13 =	vmul.f32 v13, v20  }
0x1be: {  	[tilespmem:s8+$0xD0] =	vst v14;
	v21 =	vmul.f32 v21, v20  }
0x1bf: {  	v16 =	vld [tilespmem:s8+$0xFFFFFF20];
	v7 =	vmul.f32 v7, v11;
	[tilespmem:s8+$0x60] =	vst v13  }
0x1c0: {  	v14 =	vbroadcast v6, $0x6;
	v22 =	vmul.f32 v26, v15;
	[tilespmem:s8+$0x70] =	vst v21  }
0x1c1: {  	v18 =	vld [tilespmem:s8+$0xFFFFFFE0];
	v15 =	vmul.f32 v19, v15;
	[tilespmem:s8+$0xFFFFFFF0] =	vst v7  }
0x1c2: {  	v23 =	vld [tilespmem:s8+$0xFFFFFFB0];
	v20 =	vbroadcast v6, $0x1;
	v10 =	vmul.f32 v10, v14;
	[tilespmem:s8+$0xA0] =	vst v22  }
0x1c3: {  	v19 =	vbroadcast v6, $0x5;
	v12 =	vmul.f32 v12, v14;
	[tilespmem:s8+$0xB0] =	vst v15  }
0x1c4: {  	v16 =	vmul.f32 v16, v20;
	[tilespmem:s8+$0xFFFFFFD0] =	vst v10  }
0x1c5: {  	v24 =	vld [tilespmem:s8+$0x40];
	v9 =	vmul.f32 v9, v19;
	[tilespmem:s8+$0xFFFFFFC0] =	vst v12  }
0x1c6: {  	v22 =	vld [tilespmem:s8+$0xF0];
	[tilespmem:s8+$0xFFFFFF20] =	vst v16;
	v11 =	vmul.f32 v18, v11;
	v16 =	vbroadcast v6, $0x4  }
0x1c7: {  	v15 =	vld [tilespmem:s8+$0xFFFFFF70];
	[tilespmem:s8+$0xFFFFFFA0] =	vst v9;
	v9 =	vmul.f32 v23, v19;
	v19 =	vbroadcast v6, $0x3  }
0x1c8: {  	v17 =	vld [tilespmem:s8+$0x20];
	v7 =	vbroadcast v6, $0xA;
	v5 =	vmul.f32 v5, v16;
	[tilespmem:s8+$0xFFFFFFE0] =	vst v11  }
0x1c9: {  	v21 =	vld [tilespmem:s8+$0x30];
	v4 =	vmul.f32 v4, v19;
	[tilespmem:s8+$0xFFFFFFB0] =	vst v9  }
0x1ca: {  	v10 =	vld [tilespmem:s8+$0xFFFFFF80];
	v9 =	vmul.f32 v24, v7;
	[tilespmem:s8+$0xFFFFFF90] =	vst v5  }
0x1cb: {  	v25 =	vld [tilespmem:s8+$0x50];
	[tilespmem:s8+$0xFFFFFF60] =	vst v4;
	v4 =	vmul.f32 v22, v8;
	v8 =	vbroadcast v6, $0x9  }
0x1cc: {  	v14 =	vld [tilespmem:s8+$0x0];
	[tilespmem:s8+$0x40] =	vst v9;
	v9 =	vmul.f32 v15, v19  }
0x1cd: {  	v13 =	vld [tilespmem:s8+$0xFFFFFF30];
	[tilespmem:s8+$0xF0] =	vst v4;
	v4 =	vmul.f32 v17, v8  }
0x1ce: {  	v12 =	vld [tilespmem:s8+$0x10];
	v5 =	vmul.f32 v21, v8;
	[tilespmem:s8+$0xFFFFFF70] =	vst v9  }
0x1cf: {  	v6 =	vbroadcast v6, $0x8;
	v8 =	vmul.f32 v10, v16;
	[tilespmem:s8+$0x20] =	vst v4  }
0x1d0: {  	v4 =	vmul.f32 v25, v7;
	[tilespmem:s8+$0x30] =	vst v5  }
0x1d1: {  	v5 =	vmul.f32 v14, v6;
	[tilespmem:s8+$0xFFFFFF80] =	vst v8  }
0x1d2: {  	v7 =	vmul.f32 v13, v20;
	[tilespmem:s8+$0x50] =	vst v4  }
0x1d3: {  	v4 =	vmul.f32 v12, v6;
	[tilespmem:s8+$0x0] =	vst v5  }
0x1d4: {  	[tilespmem:s8+$0xFFFFFF30] =	vst v7  }
0x1d5: {  	[tilespmem:s8+$0x10] =	vst v4  }
0x1d6: {  	[spmem:s2] =	stream.indirect.scatter.add.f32 [tilespmem:s20], [sflag:$0x5], $0x20, s23, s31, $0xb8;
	[tilespmem:$0x1CEC0] =	vst v63  }
0x1d7: {  	_ = 	snop  }
0x1d8: {  	[spmem:s2] =	stream.indirect.scatter.add.f32 [tilespmem:s10], [sflag:$0x5], $0x20, s24, s31, $0xb8;
	[tilespmem:$0x1CEC0] =	vst v63  }
0x1d9: {  	_ =	swait.ge [sflag:s11], $0x80  }
0x1da: {  	[sflag:s11] =	ssyncset.done $0x0  }
0x1db: {  	[sflag:s11] =	ssyncadd.s32 $0xFFFFFF80  }
0x1dc: {  	_ =	swait.ge [sflag:s11], $0x1000  }
0x1dd: {  	[sflag:s11] =	ssyncset.done $0x0  }
0x1de: {  	[sflag:s11] =	ssyncadd.s32 $0xFFFFF000  }
0x1df: {  	_ =	swait.ge [sflag:s11], $0x80  }
0x1e0: {  	[sflag:s11] =	ssyncset.done $0x0  }
0x1e1: {  	[sflag:s11] =	ssyncadd.s32 $0xFFFFFF80  }
0x1e2: {  	_ =	swait.ge [sflag:s11], $0x1000  }
0x1e3: {  	[sflag:s11] =	ssyncset.done $0x0  }
0x1e4: {  	[sflag:s11] =	ssyncadd.s32 $0xFFFFF000  }
0x1e5: {  	v4 =	vld [tilespmem:$0x18BB0];
	_ =	sdelay $0x1  }
0x1e6: {  	v5 =	vld [tilespmem:$0x18DB0];
	_ =	sdelay $0x2  }
0x1e7: {  	vm0 =	veq.s32 v4, $0x0  }
0x1e8: {  	v4 =	vsel vm0, v2, v3  }
0x1e9: {  	v4 =	vadd.f32 v4, v5;
	_ =	sdelay $0x1  }
0x1ea: {  	v4 =	vsub.f32 $0.0e+00, v4;
	_ =	sdelay $0x1  }
0x1eb: {  	v4 =	vmul.f32 $1.442695020e+00, v4;
	_ =	sdelay $0x1  }
0x1ec: {  	(erf) = vpow2.f32 v4;
	v4 =	vld [tilespmem:$0x18BC0];
	_ =	sdelay $0x1  }
0x1ed: {  	v5 =	vld [tilespmem:$0x18DC0];
	_ =	sdelay $0x2  }
0x1ee: {  	vm13 =	veq.s32 v4, $0x0  }
0x1ef: {  	v4 =	vsel vm13, v2, v3  }
0x1f0: {  	v4 =	vadd.f32 v4, v5;
	_ =	sdelay $0x1  }
0x1f1: {  	v5 =	vpop (erf);
	v4 =	vsub.f32 $0.0e+00, v4  }
0x1f2: {  	v5 =	vadd.f32 $1.000000000e+00, v5  }
0x1f3: {  	v4 =	vmul.f32 $1.442695020e+00, v4  }
0x1f4: {  	(erf) = vrcp.f32 v5  }
0x1f5: {  	(erf) = vpow2.f32 v4;
	v4 =	vld [tilespmem:$0x18BD0];
	_ =	sdelay $0x2  }
0x1f6: {  	v5 =	vld [tilespmem:$0x18DD0];
	_ =	sdelay $0x1  }
0x1f7: {  	vm14 =	veq.s32 v4, $0x0  }
0x1f8: {  	v4 =	vsel vm14, v2, v3;
	_ =	sdelay $0x1  }
0x1f9: {  	v5 =	vadd.f32 v4, v5  }
0x1fa: {  	v4 =	vpop (erf)  }
0x1fb: {  	v5 =	vsub.f32 $0.0e+00, v5;
	v6 =	vpop (erf)  }
0x1fc: {  	v6 =	vadd.f32 $1.000000000e+00, v6  }
0x1fd: {  	v5 =	vmul.f32 $1.442695020e+00, v5  }
0x1fe: {  	(erf) = vrcp.f32 v6  }
0x1ff: {  	(erf) = vpow2.f32 v5;
	v5 =	vld [tilespmem:$0x18BE0];
	_ =	sdelay $0x2  }
0x200: {  	v6 =	vld [tilespmem:$0x18DE0];
	_ =	sdelay $0x1  }
0x201: {  	vm15 =	veq.s32 v5, $0x0  }
0x202: {  	v5 =	vsel vm15, v2, v3;
	_ =	sdelay $0x1  }
0x203: {  	v6 =	vadd.f32 v5, v6  }
0x204: {  	v5 =	vpop (erf)  }
0x205: {  	v6 =	vsub.f32 $0.0e+00, v6;
	v7 =	vpop (erf)  }
0x206: {  	v7 =	vadd.f32 $1.000000000e+00, v7  }
0x207: {  	v6 =	vmul.f32 $1.442695020e+00, v6  }
0x208: {  	(erf) = vrcp.f32 v7  }
0x209: {  	(erf) = vpow2.f32 v6;
	v6 =	vld [tilespmem:$0x18BF0];
	_ =	sdelay $0x2  }
0x20a: {  	v7 =	vld [tilespmem:$0x18DF0];
	_ =	sdelay $0x1  }
0x20b: {  	vm4 =	veq.s32 v6, $0x0  }
0x20c: {  	v6 =	vsel vm4, v2, v3;
	_ =	sdelay $0x1  }
0x20d: {  	v7 =	vadd.f32 v6, v7  }
0x20e: {  	v6 =	vpop (erf)  }
0x20f: {  	v7 =	vsub.f32 $0.0e+00, v7;
	v8 =	vpop (erf)  }
0x210: {  	v8 =	vadd.f32 $1.000000000e+00, v8  }
0x211: {  	v7 =	vmul.f32 $1.442695020e+00, v7  }
0x212: {  	(erf) = vrcp.f32 v8  }
0x213: {  	(erf) = vpow2.f32 v7;
	v7 =	vld [tilespmem:$0x18C00];
	_ =	sdelay $0x2  }
0x214: {  	v8 =	vld [tilespmem:$0x18E00];
	_ =	sdelay $0x1  }
0x215: {  	vm5 =	veq.s32 v7, $0x0  }
0x216: {  	v7 =	vsel vm5, v2, v3;
	_ =	sdelay $0x1  }
0x217: {  	v8 =	vadd.f32 v7, v8  }
0x218: {  	v7 =	vpop (erf)  }
0x219: {  	v8 =	vsub.f32 $0.0e+00, v8;
	v9 =	vpop (erf)  }
0x21a: {  	v9 =	vadd.f32 $1.000000000e+00, v9  }
0x21b: {  	v8 =	vmul.f32 $1.442695020e+00, v8  }
0x21c: {  	(erf) = vrcp.f32 v9  }
0x21d: {  	(erf) = vpow2.f32 v8;
	v8 =	vld [tilespmem:$0x18C10];
	_ =	sdelay $0x1  }
0x21e: {  	v9 =	vld [tilespmem:$0x18E10];
	_ =	sdelay $0x2  }
0x21f: {  	vm6 =	veq.s32 v8, $0x0  }
0x220: {  	v8 =	vsel vm6, v2, v3  }
0x221: {  	v8 =	vadd.f32 v8, v9  }
0x222: {  	v9 =	vpop (erf)  }
0x223: {  	v10 =	vpop (erf);
	v8 =	vsub.f32 $0.0e+00, v8  }
0x224: {  	v10 =	vadd.f32 $1.000000000e+00, v10  }
0x225: {  	v8 =	vmul.f32 $1.442695020e+00, v8  }
0x226: {  	(erf) = vrcp.f32 v10  }
0x227: {  	(erf) = vpow2.f32 v8;
	v8 =	vld [tilespmem:$0x18C20];
	_ =	sdelay $0x1  }
0x228: {  	v10 =	vld [tilespmem:$0x18E20];
	_ =	sdelay $0x2  }
0x229: {  	vm7 =	veq.s32 v8, $0x0  }
0x22a: {  	v8 =	vsel vm7, v2, v3  }
0x22b: {  	v8 =	vadd.f32 v8, v10  }
0x22c: {  	v10 =	vpop (erf)  }
0x22d: {  	v11 =	vpop (erf);
	v8 =	vsub.f32 $0.0e+00, v8  }
0x22e: {  	v11 =	vadd.f32 $1.000000000e+00, v11  }
0x22f: {  	v8 =	vmul.f32 $1.442695020e+00, v8  }
0x230: {  	(erf) = vrcp.f32 v11  }
0x231: {  	(erf) = vpow2.f32 v8;
	v8 =	vld [tilespmem:$0x18C30];
	_ =	sdelay $0x1  }
0x232: {  	v11 =	vld [tilespmem:$0x18E30];
	_ =	sdelay $0x2  }
0x233: {  	vm8 =	veq.s32 v8, $0x0  }
0x234: {  	v8 =	vsel vm8, v2, v3  }
0x235: {  	v8 =	vadd.f32 v8, v11  }
0x236: {  	v11 =	vpop (erf)  }
0x237: {  	v12 =	vpop (erf);
	v8 =	vsub.f32 $0.0e+00, v8  }
0x238: {  	v12 =	vadd.f32 $1.000000000e+00, v12  }
0x239: {  	v8 =	vmul.f32 $1.442695020e+00, v8  }
0x23a: {  	(erf) = vrcp.f32 v12  }
0x23b: {  	(erf) = vpow2.f32 v8;
	v8 =	vld [tilespmem:$0x18C40];
	_ =	sdelay $0x1  }
0x23c: {  	v12 =	vld [tilespmem:$0x18E40];
	_ =	sdelay $0x2  }
0x23d: {  	vm9 =	veq.s32 v8, $0x0  }
0x23e: {  	v8 =	vsel vm9, v2, v3  }
0x23f: {  	v8 =	vadd.f32 v8, v12  }
0x240: {  	v12 =	vpop (erf)  }
0x241: {  	v13 =	vpop (erf);
	v8 =	vsub.f32 $0.0e+00, v8  }
0x242: {  	v13 =	vadd.f32 $1.000000000e+00, v13  }
0x243: {  	v8 =	vmul.f32 $1.442695020e+00, v8  }
0x244: {  	(erf) = vrcp.f32 v13  }
0x245: {  	(erf) = vpow2.f32 v8;
	v8 =	vld [tilespmem:$0x18C50];
	_ =	sdelay $0x1  }
0x246: {  	v13 =	vld [tilespmem:$0x18E50];
	_ =	sdelay $0x2  }
0x247: {  	vm10 =	veq.s32 v8, $0x0  }
0x248: {  	v8 =	vsel vm10, v2, v3  }
0x249: {  	v8 =	vadd.f32 v8, v13  }
0x24a: {  	v13 =	vpop (erf)  }
0x24b: {  	v14 =	vpop (erf);
	v8 =	vsub.f32 $0.0e+00, v8  }
0x24c: {  	v14 =	vadd.f32 $1.000000000e+00, v14  }
0x24d: {  	v8 =	vmul.f32 $1.442695020e+00, v8  }
0x24e: {  	(erf) = vrcp.f32 v14  }
0x24f: {  	(erf) = vpow2.f32 v8;
	v8 =	vld [tilespmem:$0x18C60];
	_ =	sdelay $0x1  }
0x250: {  	v14 =	vld [tilespmem:$0x18E60];
	_ =	sdelay $0x2  }
0x251: {  	vm11 =	veq.s32 v8, $0x0  }
0x252: {  	v8 =	vsel vm11, v2, v3  }
0x253: {  	v8 =	vadd.f32 v8, v14  }
0x254: {  	v14 =	vpop (erf)  }
0x255: {  	v15 =	vpop (erf);
	v8 =	vsub.f32 $0.0e+00, v8  }
0x256: {  	v15 =	vadd.f32 $1.000000000e+00, v15  }
0x257: {  	v8 =	vmul.f32 $1.442695020e+00, v8  }
0x258: {  	(erf) = vrcp.f32 v15  }
0x259: {  	(erf) = vpow2.f32 v8;
	v8 =	vld [tilespmem:$0x18C70];
	_ =	sdelay $0x1  }
0x25a: {  	v15 =	vld [tilespmem:$0x18E70];
	_ =	sdelay $0x2  }
0x25b: {  	vm12 =	veq.s32 v8, $0x0  }
0x25c: {  	v8 =	vsel vm12, v2, v3  }
0x25d: {  	v8 =	vadd.f32 v8, v15  }
0x25e: {  	v15 =	vpop (erf)  }
0x25f: {  	v16 =	vpop (erf);
	v8 =	vsub.f32 $0.0e+00, v8  }
0x260: {  	v16 =	vadd.f32 $1.000000000e+00, v16  }
0x261: {  	v8 =	vmul.f32 $1.442695020e+00, v8  }
0x262: {  	(erf) = vrcp.f32 v16  }
0x263: {  	(erf) = vpow2.f32 v8;
	v8 =	vld [tilespmem:$0x18C80];
	_ =	sdelay $0x1  }
0x264: {  	v16 =	vld [tilespmem:$0x18E80];
	_ =	sdelay $0x2  }
0x265: {  	vm13 =	veq.s32 v8, $0x0  }
0x266: {  	v8 =	vsel vm13, v2, v3  }
0x267: {  	v8 =	vadd.f32 v8, v16  }
0x268: {  	v16 =	vpop (erf)  }
0x269: {  	v17 =	vpop (erf);
	v8 =	vsub.f32 $0.0e+00, v8  }
0x26a: {  	v17 =	vadd.f32 $1.000000000e+00, v17  }
0x26b: {  	v8 =	vmul.f32 $1.442695020e+00, v8  }
0x26c: {  	(erf) = vrcp.f32 v17  }
0x26d: {  	(erf) = vpow2.f32 v8;
	v8 =	vld [tilespmem:$0x18C90];
	_ =	sdelay $0x1  }
0x26e: {  	v17 =	vld [tilespmem:$0x18E90];
	_ =	sdelay $0x2  }
0x26f: {  	vm14 =	veq.s32 v8, $0x0  }
0x270: {  	v8 =	vsel vm14, v2, v3  }
0x271: {  	v8 =	vadd.f32 v8, v17  }
0x272: {  	v17 =	vpop (erf)  }
0x273: {  	v18 =	vpop (erf);
	v8 =	vsub.f32 $0.0e+00, v8  }
0x274: {  	v18 =	vadd.f32 $1.000000000e+00, v18  }
0x275: {  	v8 =	vmul.f32 $1.442695020e+00, v8  }
0x276: {  	(erf) = vrcp.f32 v18  }
0x277: {  	(erf) = vpow2.f32 v8;
	v8 =	vld [tilespmem:$0x18CA0];
	_ =	sdelay $0x1  }
0x278: {  	v18 =	vld [tilespmem:$0x18EA0];
	_ =	sdelay $0x2  }
0x279: {  	vm15 =	veq.s32 v8, $0x0  }
0x27a: {  	v8 =	vsel vm15, v2, v3  }
0x27b: {  	v8 =	vadd.f32 v8, v18  }
0x27c: {  	v18 =	vpop (erf)  }
0x27d: {  	v19 =	vpop (erf);
	v8 =	vsub.f32 $0.0e+00, v8  }
0x27e: {  	v19 =	vadd.f32 $1.000000000e+00, v19  }
0x27f: {  	v8 =	vmul.f32 $1.442695020e+00, v8  }
0x280: {  	(erf) = vrcp.f32 v19  }
0x281: {  	(erf) = vpow2.f32 v8;
	_ =	sdelay $0x6  }
0x282: {  	[tilespmem:$0x18DB0] =	vst v4  }
0x283: {  	[tilespmem:$0x18DC0] =	vst v5;
	v4 =	vpop (erf)  }
0x284: {  	[tilespmem:$0x18DD0] =	vst v6;
	v5 =	vpop (erf)  }
0x285: {  	[tilespmem:$0x18DE0] =	vst v7;
	v5 =	vadd.f32 $1.000000000e+00, v5  }
0x286: {  	[tilespmem:$0x18DF0] =	vst v9  }
0x287: {  	[tilespmem:$0x18E00] =	vst v10;
	(erf) = vrcp.f32 v5  }
0x288: {  	[tilespmem:$0x18E10] =	vst v11  }
0x289: {  	[tilespmem:$0x18E20] =	vst v12  }
0x28a: {  	[tilespmem:$0x18E30] =	vst v13  }
0x28b: {  	[tilespmem:$0x18E40] =	vst v14  }
0x28c: {  	[tilespmem:$0x18E50] =	vst v15  }
0x28d: {  	[tilespmem:$0x18E60] =	vst v16  }
0x28e: {  	[tilespmem:$0x18E70] =	vst v17  }
0x28f: {  	[tilespmem:$0x18E80] =	vst v18  }
0x290: {  	[tilespmem:$0x18E90] =	vst v4;
	v4 =	vpop (erf)  }
0x291: {  	s8 =	simm.s32 $0x1AFB0;
	[tilespmem:$0x18EA0] =	vst v4  }
0x292: {  	v9 =	vld [tilespmem:s8+$0xFFFFFFA0]  }
0x293: {  	v7 =	vld [tilespmem:s8+$0xFFFFFFF0]  }
0x294: {  	v4 =	vld [tilespmem:s8+$0xFFFFFF60]  }
0x295: {  	v10 =	vld [tilespmem:s8+$0xFFFFFFD0]  }
0x296: {  	v11 =	vld [tilespmem:s8+$0x80]  }
0x297: {  	v14 =	vld [tilespmem:s8+$0xFFFFFF10]  }
0x298: {  	v18 =	vld [tilespmem:s8+$0xE0]  }
0x299: {  	v13 =	vld [tilespmem:s8+$0xFFFFFF40]  }
0x29a: {  	s14 =	simm.s32 $0x0;
	v5 =	vld [tilespmem:s8+$0xFFFFFF90]  }
0x29b: {  	v6 =	vld [tilespmem:s14+$0x18DB0]  }
0x29c: {  	v12 =	vld [tilespmem:s8+$0xFFFFFFC0]  }
0x29d: {  	v15 =	vld [tilespmem:s8+$0xFFFFFF00]  }
0x29e: {  	v16 =	vld [tilespmem:s8+$0xD0]  }
0x29f: {  	v25 =	vld [tilespmem:s8+$0xC0]  }
0x2a0: {  	v23 =	vld [tilespmem:s8+$0x90];
	v21 =	vbroadcast v6, $0x0;
	v8 =	vbroadcast v6, $0xF  }
0x2a1: {  	v24 =	vld [tilespmem:s8+$0xFFFFFF50];
	v22 =	vbroadcast v6, $0x2;
	v20 =	vbroadcast v6, $0xE  }
0x2a2: {  	v19 =	vld [tilespmem:s8+$0xB0];
	v17 =	vbroadcast v6, $0xC;
	v27 =	vmul.f32 v21, v15  }
0x2a3: {  	s18 =	simm.s32 $0x40;
	s19 =	simm.s32 $0x1AFB0;
	v15 =	vbroadcast v6, $0xD;
	v26 =	vmul.f32 v13, v22;
	v13 =	vld [tilespmem:s8+$0x60]  }
.LBB2_9:
0x2a4: {  	p3 =	sne.s32 s18, $0x3C0  }
0x2a5: {  	[tilespmem:s8+$0xFFFFFF00] =	vst v27;
	v27 =	vld [tilespmem:s8+$0xFFFFFFB0];
	v25 =	vmul.f32 v25, v20;
	v18 =	vmul.f32 v18, v8;
	s19 =	sadd.s32 $0x200, s19;
	s14 =	smov.u32 s18;
	s18 =	sadd.s32 $0x40, s18  }
0x2a6: {  	[tilespmem:s8+$0xFFFFFF40] =	vst v26;
	v26 =	vbroadcast v6, $0xA;
	v23 =	vmul.f32 v23, v17;
	v28 =	vld [tilespmem:s8+$0xA0]  }
0x2a7: {  	v14 =	vmul.f32 v14, v21;
	v21 =	vmul.f32 v24, v22;
	v22 =	vld [tilespmem:s8+$0x70];
	[tilespmem:s8+$0xE0] =	vst v18  }
0x2a8: {  	v18 =	vbroadcast v6, $0x5;
	v24 =	vld [tilespmem:s8+$0xFFFFFFE0];
	v19 =	vmul.f32 v19, v15;
	[tilespmem:s8+$0xC0] =	vst v25  }
0x2a9: {  	v16 =	vmul.f32 v16, v20;
	[tilespmem:s8+$0xFFFFFF10] =	vst v14;
	v14 =	vbroadcast v6, $0x6;
	v25 =	vld [tilespmem:s8+$0x40]  }
0x2aa: {  	v29 =	vbroadcast v6, $0xB;
	v9 =	vmul.f32 v9, v18;
	v20 =	vld [tilespmem:s8+$0xFFFFFF20];
	[tilespmem:s8+$0x90] =	vst v23  }
0x2ab: {  	v23 =	vbroadcast v6, $0x9;
	[tilespmem:s8+$0xFFFFFF50] =	vst v21;
	v21 =	vld [tilespmem:s8+$0x20];
	v15 =	vmul.f32 v28, v15  }
0x2ac: {  	v18 =	vmul.f32 v27, v18;
	v27 =	vld [tilespmem:s8+$0x50];
	v22 =	vmul.f32 v22, v29;
	[tilespmem:s8+$0xD0] =	vst v16  }
0x2ad: {  	v11 =	vmul.f32 v11, v17;
	v16 =	vbroadcast v6, $0x7;
	v28 =	vld [tilespmem:s8+$0x30];
	[tilespmem:s8+$0xA0] =	vst v15  }
0x2ae: {  	v12 =	vmul.f32 v12, v14;
	v15 =	vbroadcast v6, $0x3;
	v17 =	vld [tilespmem:s8+$0x0];
	[tilespmem:s8+$0x70] =	vst v22  }
0x2af: {  	v13 =	vmul.f32 v13, v29;
	v10 =	vmul.f32 v10, v14;
	v14 =	vld [tilespmem:s8+$0x10];
	[tilespmem:s8+$0x80] =	vst v11  }
0x2b0: {  	v22 =	vbroadcast v6, $0x8;
	v25 =	vmul.f32 v25, v26;
	v11 =	vld [tilespmem:s8+$0xFFFFFF30];
	[tilespmem:s8+$0xB0] =	vst v19  }
0x2b1: {  	v19 =	vbroadcast v6, $0x1;
	v29 =	vld [tilespmem:s8+$0xFFFFFF70];
	[tilespmem:s8+$0xFFFFFFD0] =	vst v10;
	v26 =	vmul.f32 v27, v26  }
0x2b2: {  	v7 =	vmul.f32 v7, v16;
	v10 =	vmul.f32 v24, v16;
	[tilespmem:s8+$0xFFFFFFC0] =	vst v12;
	v12 =	vld [tilespmem:s8+$0xF0]  }
0x2b3: {  	v24 =	vmul.f32 v28, v23;
	v16 =	vld [tilespmem:s8+$0xFFFFFF80];
	[tilespmem:s8+$0xFFFFFFA0] =	vst v9;
	v17 =	vmul.f32 v17, v22  }
0x2b4: {  	v9 =	vld [tilespmem:s19+$0xFFFFFFA0];
	[tilespmem:s8+$0xFFFFFFF0] =	vst v7;
	v22 =	vmul.f32 v14, v22;
	v14 =	vmul.f32 v21, v23  }
0x2b5: {  	v7 =	vmul.f32 v20, v19;
	v19 =	vmul.f32 v11, v19;
	[tilespmem:s8+$0x60] =	vst v13  }
0x2b6: {  	v4 =	vmul.f32 v4, v15;
	v11 =	vmul.f32 v29, v15;
	[tilespmem:s8+$0xFFFFFFB0] =	vst v18  }
0x2b7: {  	v6 =	vbroadcast v6, $0x4;
	[tilespmem:s8+$0xFFFFFF20] =	vst v7;
	v7 =	vmul.f32 v12, v8  }
0x2b8: {  	[tilespmem:s8+$0xFFFFFF60] =	vst v4  }
0x2b9: {  	v8 =	vmul.f32 v16, v6;
	v4 =	vmul.f32 v5, v6;
	[tilespmem:s8+$0x40] =	vst v25  }
0x2ba: {  	[tilespmem:s8+$0xFFFFFFE0] =	vst v10  }
0x2bb: {  	[tilespmem:s8+$0xF0] =	vst v7  }
0x2bc: {  	[tilespmem:s8+$0xFFFFFF90] =	vst v4  }
0x2bd: {  	v7 =	vld [tilespmem:s19+$0xFFFFFFF0];
	[tilespmem:s8+$0xFFFFFF70] =	vst v11  }
0x2be: {  	v4 =	vld [tilespmem:s19+$0xFFFFFF60];
	[tilespmem:s8+$0x20] =	vst v14  }
0x2bf: {  	v10 =	vld [tilespmem:s19+$0xFFFFFFD0];
	[tilespmem:s8+$0x30] =	vst v24  }
0x2c0: {  	v11 =	vld [tilespmem:s19+$0x80];
	[tilespmem:s8+$0xFFFFFF80] =	vst v8  }
0x2c1: {  	v14 =	vld [tilespmem:s19+$0xFFFFFF10];
	[tilespmem:s8+$0x50] =	vst v26  }
0x2c2: {  	v18 =	vld [tilespmem:s19+$0xE0];
	[tilespmem:s8+$0x0] =	vst v17  }
0x2c3: {  	v13 =	vld [tilespmem:s19+$0xFFFFFF40];
	[tilespmem:s8+$0xFFFFFF30] =	vst v19  }
0x2c4: {  	s14 =	sshra.s32 s14, $0x2;
	v5 =	vld [tilespmem:s19+$0xFFFFFF90];
	[tilespmem:s8+$0x10] =	vst v22;
	s8 =	smov.u32 s19  }
0x2c5: {  	v6 =	vld [tilespmem:s14+$0x18DB0]  }
0x2c6: {  	v12 =	vld [tilespmem:s19+$0xFFFFFFC0]  }
0x2c7: {  	v15 =	vld [tilespmem:s19+$0xFFFFFF00]  }
0x2c8: {  	v16 =	vld [tilespmem:s19+$0xD0]  }
.Ltmp6:
0x2c9: {  	v25 =	vld [tilespmem:s19+$0xC0];
	(pc) =	sbr.rel @p3 .LBB2_9-.Ltmp6, $4  }
0x2ca: {  	v21 =	vbroadcast v6, $0x0;
	v23 =	vld [tilespmem:s19+$0x90];
	v8 =	vbroadcast v6, $0xF  }
0x2cb: {  	v22 =	vbroadcast v6, $0x2;
	v20 =	vbroadcast v6, $0xE;
	v24 =	vld [tilespmem:s19+$0xFFFFFF50]  }
0x2cc: {  	v27 =	vmul.f32 v21, v15;
	v15 =	vbroadcast v6, $0xD;
	v19 =	vld [tilespmem:s19+$0xB0]  }
0x2cd: {  	v17 =	vbroadcast v6, $0xC;
	v26 =	vmul.f32 v13, v22;
	v13 =	vld [tilespmem:s19+$0x60]  }
0x2ce: {  	[tilespmem:s8+$0xFFFFFF00] =	vst v27;
	v18 =	vmul.f32 v18, v8  }
0x2cf: {  	v25 =	vmul.f32 v25, v20;
	[tilespmem:s8+$0xFFFFFF40] =	vst v26  }
0x2d0: {  	v14 =	vmul.f32 v14, v21;
	[tilespmem:s8+$0xE0] =	vst v18  }
0x2d1: {  	v34 =	vmul.f32 v16, v20;
	[tilespmem:s8+$0xC0] =	vst v25  }
0x2d2: {  	v32 =	vmul.f32 v23, v17;
	[tilespmem:s8+$0xFFFFFF10] =	vst v14  }
0x2d3: {  	v40 =	vbroadcast v6, $0x6;
	v11 =	vmul.f32 v11, v17;
	[tilespmem:s8+$0xD0] =	vst v34  }
0x2d4: {  	v22 =	vmul.f32 v24, v22;
	[tilespmem:s8+$0x90] =	vst v32  }
0x2d5: {  	v44 =	vbroadcast v6, $0x5;
	v10 =	vmul.f32 v10, v40;
	[tilespmem:s8+$0x80] =	vst v11  }
0x2d6: {  	v46 =	vbroadcast v6, $0x7;
	v12 =	vmul.f32 v12, v40;
	[tilespmem:s8+$0xFFFFFF50] =	vst v22  }
0x2d7: {  	v53 =	vbroadcast v6, $0x3;
	v9 =	vmul.f32 v9, v44;
	[tilespmem:s8+$0xFFFFFFD0] =	vst v10  }
0x2d8: {  	v30 =	vld [tilespmem:s8+$0xA0];
	v58 =	vbroadcast v6, $0x4;
	v7 =	vmul.f32 v7, v46;
	[tilespmem:s8+$0xFFFFFFC0] =	vst v12  }
0x2d9: {  	v31 =	vld [tilespmem:s8+$0x70];
	v4 =	vmul.f32 v4, v53;
	[tilespmem:s8+$0xFFFFFFA0] =	vst v9  }
0x2da: {  	v33 =	vld [tilespmem:s8+$0xFFFFFFB0];
	v36 =	vbroadcast v6, $0xB;
	v5 =	vmul.f32 v5, v58;
	[tilespmem:s8+$0xFFFFFFF0] =	vst v7  }
0x2db: {  	v35 =	vld [tilespmem:s8+$0xFFFFFF20];
	v42 =	vmul.f32 v19, v15;
	[tilespmem:s8+$0xFFFFFF60] =	vst v4  }
0x2dc: {  	v39 =	vld [tilespmem:s8+$0x40];
	v13 =	vmul.f32 v13, v36;
	[tilespmem:s8+$0xFFFFFF90] =	vst v5  }
0x2dd: {  	v37 =	vld [tilespmem:s8+$0xFFFFFFE0];
	v38 =	vmul.f32 v30, v15;
	[tilespmem:s8+$0xB0] =	vst v42  }
0x2de: {  	v51 =	vbroadcast v6, $0x1;
	v54 =	vld [tilespmem:s8+$0xF0];
	v21 =	vmul.f32 v31, v36;
	[tilespmem:s8+$0x60] =	vst v13  }
0x2df: {  	v48 =	vld [tilespmem:s8+$0xFFFFFF70];
	v55 =	vbroadcast v6, $0xA;
	v52 =	vmul.f32 v33, v44;
	[tilespmem:s8+$0xA0] =	vst v38  }
0x2e0: {  	v45 =	vld [tilespmem:s8+$0x30];
	v16 =	vmul.f32 v35, v51;
	[tilespmem:s8+$0x70] =	vst v21  }
0x2e1: {  	v49 =	vld [tilespmem:s8+$0xFFFFFF80];
	v57 =	vmul.f32 v39, v55;
	[tilespmem:s8+$0xFFFFFFB0] =	vst v52  }
0x2e2: {  	v43 =	vld [tilespmem:s8+$0x20];
	v11 =	vmul.f32 v37, v46;
	[tilespmem:s8+$0xFFFFFF20] =	vst v16  }
0x2e3: {  	v56 =	vld [tilespmem:s8+$0xFFFFFF30];
	v59 =	vbroadcast v6, $0x9;
	v4 =	vmul.f32 v54, v8;
	[tilespmem:s8+$0x40] =	vst v57  }
0x2e4: {  	v41 =	vld [tilespmem:s8+$0x50];
	v60 =	vmul.f32 v48, v53;
	[tilespmem:s8+$0xFFFFFFE0] =	vst v11  }
0x2e5: {  	v47 =	vld [tilespmem:s8+$0x0];
	v5 =	vmul.f32 v45, v59;
	[tilespmem:s8+$0xF0] =	vst v4  }
0x2e6: {  	v50 =	vld [tilespmem:s8+$0x10];
	v62 =	vmul.f32 v49, v58;
	[tilespmem:s8+$0xFFFFFF70] =	vst v60  }
0x2e7: {  	v4 =	vmul.f32 v43, v59;
	[tilespmem:s8+$0x30] =	vst v5  }
0x2e8: {  	v61 =	vbroadcast v6, $0x8;
	v63 =	vmul.f32 v56, v51;
	[tilespmem:s8+$0xFFFFFF80] =	vst v62  }
0x2e9: {  	[tilespmem:s8+$0x20] =	vst v4;
	v4 =	vmul.f32 v41, v55  }
0x2ea: {  	v5 =	vmul.f32 v47, v61;
	[tilespmem:s8+$0xFFFFFF30] =	vst v63  }
0x2eb: {  	[tilespmem:s8+$0x50] =	vst v4;
	v4 =	vmul.f32 v50, v61  }
0x2ec: {  	[tilespmem:s8+$0x0] =	vst v5  }
0x2ed: {  	[tilespmem:s8+$0x10] =	vst v4  }
0x2ee: {  	[spmem:s2] =	stream.indirect.scatter.add.f32 [tilespmem:s17], [sflag:$0x6], $0x20, s26, s31, $0xb8;
	[tilespmem:$0x1CEC0] =	vst v63  }
0x2ef: {  	_ = 	snop  }
0x2f0: {  	[spmem:s2] =	stream.indirect.scatter.add.f32 [tilespmem:s13], [sflag:$0x6], $0x20, s28, s31, $0xb8;
	[tilespmem:$0x1CEC0] =	vst v63  }
0x2f1: {  	_ =	swait.ge [sflag:s3], $0x1000  }
0x2f2: {  	[sflag:s3] =	ssyncset.done $0x0  }
0x2f3: {  	[sflag:s3] =	ssyncadd.s32 $0xFFFFF000  }
0x2f4: {  	_ =	swait.ge [sflag:s3], $0x1000  }
0x2f5: {  	[sflag:s3] =	ssyncset.done $0x0  }
0x2f6: {  	s9 =	sadd.s32 $0x1, s9;
	[sflag:s3] =	ssyncadd.s32 $0xFFFFF000  }
0x2f7: {  	p3 =	sne.s32 s9, $0x62;
	_ =	swait.ge [sflag:s0], $0x1000  }
.Ltmp7:
0x2f8: {  	[sflag:s0] =	ssyncset.done $0x0;
	(pc) =	sbr.rel @p3 .LBB2_6-.Ltmp7, $4  }
0x2f9: {  	[sflag:s0] =	ssyncadd.s32 $0xFFFFF000  }
0x2fa: {  	_ =	swait.ge [sflag:s0], $0x1000  }
0x2fb: {  	[sflag:s0] =	ssyncset.done $0x0  }
0x2fc: {  	[sflag:s0] =	ssyncadd.s32 $0xFFFFF000  }
.Ltmp8:
0x2fd: {  	(pc) =	sbr.rel @!p0 .LBB2_12-.Ltmp8, $4  }
0x2fe: {  	_ = 	snop  }
0x2ff: {  	s8 =	stileid.u32  }
0x300: {  	[bflag:$0x0] =	sbarrier.arrive $0xFFFF;
	s8 =	sshll.u32 s8, $0x6  }
0x301: {  	s8 =	sor.u32 $0x1C07, s8  }
0x302: {  	s18 =	rddreg [dreg:$0x9]  }
0x303: {  	s14 =	rddreg [dreg:$0xe];
	s9 =	sshrl.u32 s18, $0x3  }
0x304: {  	[hbm:s14], [sflag:s8] =	dma.local [spmem:s9], $0x200  }
0x305: {  	s22 =	rddreg [dreg:$0x8]  }
0x306: {  	p3 =	sne.s32 s22, $0x1  }
.Ltmp9:
0x307: {  	_ = 	snop;
	(pc) =	sbr.rel @!p3 .LBB2_17-.Ltmp9, $2  }
0x308: {  	_ =	sdelay $0x2  }
0x309: {  	s14 =	sadd.s32 $0x2000, s14;
	_ =	swait.ge [sflag:s21], $0x200;
	s9 =	sadd.s32 $0xFFFFFFFF, s22  }
.LBB2_16:
0x30a: {  	[sflag:s21] =	ssyncset.done $0x0;
	s18 =	sadd.s32 $0x10000, s18;
	p3 =	sne.s32 s9, $0x1  }
.Ltmp10:
0x30b: {  	s19 =	sshrl.u32 s18, $0x3;
	[sflag:s21] =	ssyncadd.s32 $0xFFFFFE00;
	(pc) =	sbr.rel @p3 .LBB2_16-.Ltmp10, $3  }
0x30c: {  	[hbm:s14], [sflag:s8] =	dma.local [spmem:s19], $0x200  }
0x30d: {  	s9 =	sadd.s32 $0xFFFFFFFF, s9;
	_ =	sdelay $0x1  }
0x30e: {  	s14 =	sadd.s32 $0x2000, s14;
	_ =	swait.ge [sflag:s21], $0x200  }
.LBB2_17:
.Ltmp11:
0x30f: {  	(pc) =	sbr.rel @p1 .LBB2_19-.Ltmp11, $4  }
.Ltmp12:
0x310: {  	(pc) =	sbr.rel @!p1 .LBB2_18-.Ltmp12, $4  }
0x311: {  	_ = 	snop  }
0x312: {  	[sflag:s21] =	ssyncset.done $0x0;
	s8 =	rddreg [dreg:$0x7]  }
0x313: {  	s14 =	rddreg [dreg:$0x4];
	[sflag:s21] =	ssyncadd.s32 $0xFFFFFE00  }
0x314: {  	_ = 	snop  }
.LBB2_12:
0x315: {  	s18 =	rddreg [dreg:$0x9]  }
0x316: {  	s14 =	rddreg [dreg:$0xd];
	s9 =	sshrl.u32 s18, $0x3  }
0x317: {  	[hbm:s14], [sflag:s8] =	dma.local [spmem:s9], $0x200  }
0x318: {  	s22 =	rddreg [dreg:$0x8]  }
0x319: {  	p3 =	sne.s32 s22, $0x1  }
.Ltmp13:
0x31a: {  	_ = 	snop;
	(pc) =	sbr.rel @!p3 .LBB2_14-.Ltmp13, $2  }
0x31b: {  	_ =	sdelay $0x2  }
0x31c: {  	s14 =	sadd.s32 $0x2000, s14;
	_ =	swait.ge [sflag:s21], $0x200;
	s9 =	sadd.s32 $0xFFFFFFFF, s22  }
.LBB2_13:
0x31d: {  	[sflag:s21] =	ssyncset.done $0x0;
	s18 =	sadd.s32 $0x10000, s18;
	p3 =	sne.s32 s9, $0x1  }
.Ltmp14:
0x31e: {  	s19 =	sshrl.u32 s18, $0x3;
	[sflag:s21] =	ssyncadd.s32 $0xFFFFFE00;
	(pc) =	sbr.rel @p3 .LBB2_13-.Ltmp14, $3  }
0x31f: {  	[hbm:s14], [sflag:s8] =	dma.local [spmem:s19], $0x200  }
0x320: {  	s9 =	sadd.s32 $0xFFFFFFFF, s9;
	_ =	sdelay $0x1  }
0x321: {  	s14 =	sadd.s32 $0x2000, s14;
	_ =	swait.ge [sflag:s21], $0x200  }
.LBB2_14:
.Ltmp15:
0x322: {  	(pc) =	sbr.rel @p2 .LBB2_18-.Ltmp15, $4  }
.Ltmp16:
0x323: {  	(pc) =	sbr.rel @!p2 .LBB2_19-.Ltmp16, $4  }
0x324: {  	_ = 	snop  }
0x325: {  	[sflag:s21] =	ssyncset.done $0x0;
	s8 =	rddreg [dreg:$0x6]  }
0x326: {  	s14 =	rddreg [dreg:$0x4];
	[sflag:s21] =	ssyncadd.s32 $0xFFFFFE00  }
0x327: {  	_ = 	snop  }
.LBB2_20:
0x328: {  	_ =	sfence.sel $0x180000  }
0x329: {  	[bflag:$0x0] =	sbarrier.arrive $0xFFFF  }
0x32a: {  	_ =	strace $0x90000047  }
0x32b: {  	s0 =	stileid.u32;
	[bflag:$0x2] =	sbarrier.arrive $0xFFFF  }
0x32c: {  	p0 =	sne.s32 s0, $0x0;
	s0 =	rddreg [dreg:$0x3]  }
0x32d: {  	s0 =	sadd.s32 @!p0 $0x100000, s0  }
0x32e: {  	[sflag:s0] =	ssyncadd.tile.s32 @!p0 $0x1;
	_ =	shalt  }
.Lfunc_end2:
_tile_overlayer_lowered:
.L_overlay_start_2:
0x32f: {  	(tag) =	ssettag $0x2  }
0x330: {  	s0 =	rddreg [dreg:$0x0];
	s2 =	stileid.u32  }
0x331: {  	s1 =	rddreg [dreg:$0x1];
	p0 =	sne.s32 s2, $0x0  }
0x332: {  	s3 =	rddreg [dreg:$0x2];
	[bflag:$0x3] =	sbarrier.arrive $0xFFFF;
	s2 =	simm.s32 @!p0 $0x1C07  }
0x333: {  	[timem:s3], [sflag:s2] =	dma.local @!p0 [hbm:s0], s1  }
0x334: {  	s0 =	simm.s32 @!p0 $0x7  }
0x335: {  	_ =	swait.ge @!p0 [sflag:s0], s1  }
0x336: {  	s1 =	ssub.s32 @!p0 $0x0, s1;
	[sflag:s0] =	ssyncset.done @!p0 $0x0  }
0x337: {  	[sflag:s0] =	ssyncadd.s32 @!p0 s1  }
0x338: {  	[bflag:$0x3] =	sbarrier.arrive $0xFFFF  }
0x339: {  	_ =	shalt  }

</sc_bundles>
